<compile_context>
chip_gen: v7x
topology: tpu7x:2x2x1
jax: 0.10.2.dev20260603
libtpu: 0.0.44.dev20260713+nightly
codegen_flags: <defaults>
</compile_context>

<pallas_src>
import functools

import jax
import jax.numpy as jnp
from jax import lax
from jax.experimental import pallas as pl
from jax.experimental.pallas import tpu as pltpu
from jax.experimental.pallas import tpu_sc as plsc

VOCAB = 100000
N_WORD = 64
B = 4096
L = 50

_INFO = plsc.get_sparse_core_info()
_NC = _INFO.num_cores
_NS = _INFO.num_subcores
_NW = _NC * _NS
_PER_W = (B // _NW) * L
_BB = 128
_DT = N_WORD // 8


@functools.partial(
    pl.kernel,
    mesh=plsc.VectorSubcoreMesh(core_axis_name="c", subcore_axis_name="s"),
    out_type=jax.ShapeDtypeStruct((L, _DT, _NW, 8, _BB), jnp.float32),
    scratch_types=[
        pltpu.VMEM((_PER_W,), jnp.int32),
        [pltpu.VMEM((_BB,), jnp.int32) for _ in range(4)],
        [pltpu.VMEM((_BB, N_WORD), jnp.float32) for _ in range(4)],
        [pltpu.VMEM((_DT, 8, _BB + 1), jnp.float32) for _ in range(2)],
        [pltpu.SemaphoreType.DMA for _ in range(4)],
        [pltpu.SemaphoreType.DMA for _ in range(2)],
    ],
    compiler_params=pltpu.CompilerParams(
        use_tc_tiling_on_sc=False, needs_layout_passes=False),
)
def _gather_kernel(idx_hbm, table_hbm, out_hbm, idx_v, tidx, rows, tiles,
                   gsem, ssem):
    wid = lax.axis_index("s") * _NC + lax.axis_index("c")
    pltpu.sync_copy(idx_hbm.at[pl.ds(wid * _PER_W, _PER_W)], idx_v)
    lanes = lax.iota(jnp.int32, 16)
    lanes50 = lanes * L

    def build_tidx(b, l):
        for j in range(8):
            sel = plsc.load_gather(idx_v, [lanes50 + (j * 16 * L + l)])
            tidx[b][pl.ds(j * 16, 16)] = sel

    def fire_gather(b):
        return pltpu.async_copy(table_hbm.at[tidx[b]], rows[b], gsem[b])

    dvecs = [lanes // 8 + 2 * q for q in range(4)]
    drvec = lanes % 8

    def transpose(bg, bt):
        rb = rows[bg]
        tb = tiles[bt]

        @plsc.parallel_loop(0, _BB, 1, unroll=16)
        def _(bc):
            bcvec = jnp.zeros((16,), jnp.int32) + bc
            for q in range(4):
                v = rb[bc, pl.ds(q * 16, 16)]
                plsc.store_scatter(tb, [dvecs[q], drvec, bcvec], v)

    def fire_store(b, l):
        return pltpu.async_copy(
            tiles[b].at[:, :, pl.ds(0, _BB)], out_hbm.at[l, :, wid], ssem[b])

    def wait_gather(b):
        pltpu.make_async_copy(table_hbm.at[tidx[b]], rows[b], gsem[b]).wait()

    def wait_store(b, l):
        pltpu.make_async_copy(
            tiles[b].at[:, :, pl.ds(0, _BB)], out_hbm.at[l, :, wid],
            ssem[b]).wait()

    def substep(l, g4, t2, fire):
        if fire:
            build_tidx((g4 + 2) % 4, l + 2)
            fire_gather((g4 + 2) % 4)
        wait_gather(g4)

        @pl.when(l >= 2)
        def _():
            wait_store(t2, l)

        transpose(g4, t2)
        fire_store(t2, l)

    build_tidx(0, 0)
    fire_gather(0)
    build_tidx(1, 1)
    fire_gather(1)

    def step(i, _):
        for j in range(4):
            substep(i * 4 + j, j, j % 2, True)
        return 0

    lax.fori_loop(0, (L - 2) // 4, step, 0)
    substep(L - 2, (L - 2) % 4, 0, False)
    substep(L - 1, (L - 1) % 4, 1, False)
    wait_store(0, L - 2)
    wait_store(1, L - 1)


def kernel(val_tok, embedding_weight):
    flat_idx = val_tok.reshape(B * L).astype(jnp.int32)
    z = _gather_kernel(flat_idx, embedding_weight)
    return z.transpose(2, 4, 0, 1, 3).reshape(B, L, N_WORD)

# --- scband reference (transcript-rebuilt; emitter-appended) ---
"""Pipeline reference for scband-word-embedding-82703890252285 (READ-ONLY COPY).

The authoritative reference and input builder live on the scoring server;
editing this copy changes nothing except your own understanding.
"""

import jax, jax.numpy as jnp
import numpy as np

VOCAB = 100000
N_WORD = 64
B = 4096
L = 50

def setup_inputs(seed: int = 0) -> dict:
    key = jax.random.key(seed)
    k1, k2 = jax.random.split(key)
    val_tok = jax.random.randint(k1, (B, L), 0, VOCAB, dtype=jnp.int64 if jax.config.jax_enable_x64 else jnp.int32)
    embedding_weight = jax.random.normal(k2, (VOCAB, N_WORD), dtype=jnp.float32)
    return {"val_tok": val_tok, "embedding_weight": embedding_weight}

def reference(val_tok, embedding_weight):
    # Faithful core of WordEmbedding.gen_x_batch (trainable=True branch):
    # padded token id batch [B, max_len] -> nn.Embedding lookup -> [B, max_len, N_word]
    val_inp = jnp.take(embedding_weight, val_tok, axis=0)
    return val_inp

if __name__ == "__main__":
    import jax
    _d = setup_inputs()
    print(jax.jit(kernel)(*tuple(_d.values())))

</pallas_src>

<mosaic_0001>
#map = affine_map<(d0, d1) -> (0)>
#map1 = affine_map<(d0, d1) -> (0, 0)>
#map2 = affine_map<(d0, d1) -> (0, 0, 0, 0, 0)>
module attributes {stable_mosaic.version = 14 : i64} {
  func.func @_gather_kernel(%arg0: i32, %arg1: i32, %arg2: memref<204800xi32, #tpu.memory_space<hbm>>, %arg3: memref<100000x64xf32, #tpu.memory_space<hbm>>, %arg4: memref<50x8x32x8x128xf32, #tpu.memory_space<hbm>>, %arg5: memref<6400xi32, #tpu.memory_space<vmem>>, %arg6: memref<128xi32, #tpu.memory_space<vmem>>, %arg7: memref<128xi32, #tpu.memory_space<vmem>>, %arg8: memref<128xi32, #tpu.memory_space<vmem>>, %arg9: memref<128xi32, #tpu.memory_space<vmem>>, %arg10: memref<128x64xf32, #tpu.memory_space<vmem>>, %arg11: memref<128x64xf32, #tpu.memory_space<vmem>>, %arg12: memref<128x64xf32, #tpu.memory_space<vmem>>, %arg13: memref<128x64xf32, #tpu.memory_space<vmem>>, %arg14: memref<8x8x129xf32, #tpu.memory_space<vmem>>, %arg15: memref<8x8x129xf32, #tpu.memory_space<vmem>>, %arg16: memref<!tpu.dma_semaphore, #tpu.memory_space<semaphore_mem>>, %arg17: memref<!tpu.dma_semaphore, #tpu.memory_space<semaphore_mem>>, %arg18: memref<!tpu.dma_semaphore, #tpu.memory_space<semaphore_mem>>, %arg19: memref<!tpu.dma_semaphore, #tpu.memory_space<semaphore_mem>>, %arg20: memref<!tpu.dma_semaphore, #tpu.memory_space<semaphore_mem>>, %arg21: memref<!tpu.dma_semaphore, #tpu.memory_space<semaphore_mem>>) attributes {dimension_semantics = [#tpu.dimension_semantics<core_parallel>, #tpu.dimension_semantics<subcore_parallel>], iteration_bounds = array<i64: 2, 16>, scalar_prefetch = 0 : i64, scratch_operands = 17 : i64, tpu.core_type = #tpu.core_type<sc_vector_subcore>, window_params = [{transform_indices = #map}, {transform_indices = #map1}, {transform_indices = #map2}]} {
    %mul3A = arith.constant 2 : i32
    %mul3A_0 = arith.muli %arg1, %mul3A : i32
    %add3A = arith.addi %mul3A_0, %arg0 : i32
    %mul3A_1 = arith.constant 6400 : i32
    %mul3A_2 = arith.muli %add3A, %mul3A_1 : i32
    "tpu.region"() ({
      %run_scoped3A = tpu.sem_alloc : memref<!tpu.dma_semaphore, #tpu.memory_space<semaphore_mem>>
      %dma_start3A_383 = tpu.memref_slice %arg2[%mul3A_2] : memref<204800xi32, #tpu.memory_space<hbm>> -> memref<6400xi32, #tpu.memory_space<hbm>>
      %dma_start3A_384 = tpu.memref_slice %arg2[%mul3A_2] : memref<204800xi32, #tpu.memory_space<hbm>> -> memref<6400xi32, #tpu.memory_space<hbm>>
      tpu.enqueue_dma source(%dma_start3A_384 : memref<6400xi32, #tpu.memory_space<hbm>>) target(%arg5 : memref<6400xi32, #tpu.memory_space<vmem>>) target_semaphore(%run_scoped3A : memref<!tpu.dma_semaphore, #tpu.memory_space<semaphore_mem>>)
      %dma_wait3A_385 = tpu.memref_slice %arg2[%mul3A_2] : memref<204800xi32, #tpu.memory_space<hbm>> -> memref<6400xi32, #tpu.memory_space<hbm>>
      %dma_wait3A_386 = tpu.memref_slice %arg2[%mul3A_2] : memref<204800xi32, #tpu.memory_space<hbm>> -> memref<6400xi32, #tpu.memory_space<hbm>>
      tpu.wait_dma2 semaphore(%run_scoped3A : memref<!tpu.dma_semaphore, #tpu.memory_space<semaphore_mem>>) src(%dma_wait3A_386 : memref<6400xi32, #tpu.memory_space<hbm>>) dst(%arg5 : memref<6400xi32, #tpu.memory_space<vmem>>)
      tpu.yield
    }) : () -> ()
    %iota3A = tpu.iota {dimensions = array<i32: 0>} : vector<16xi32>
    %mul3A_3 = arith.constant 50 : i32
    %mul3A_4 = vector.broadcast %mul3A_3 : i32 to vector<16xi32>
    %mul3A_5 = arith.muli %iota3A, %mul3A_4 : vector<16xi32>
    %jit3A = arith.constant 8 : i32
    %div3A = vector.broadcast %jit3A : i32 to vector<16xi32>
    %div3A_6 = arith.divsi %iota3A, %div3A : vector<16xi32>
    %sign3A = arith.constant 0 : i32
    %sign3A_7 = vector.broadcast %sign3A : i32 to vector<16xi32>
    %sign3A_8 = arith.cmpi sgt, %iota3A, %sign3A_7 : vector<16xi32>
    %sign3A_9 = arith.extui %sign3A_8 : vector<16xi1> to vector<16xi32>
    %sign3A_10 = arith.constant 0 : i32
    %sign3A_11 = vector.broadcast %sign3A_10 : i32 to vector<16xi32>
    %sign3A_12 = arith.cmpi slt, %iota3A, %sign3A_11 : vector<16xi32>
    %sign3A_13 = arith.extui %sign3A_12 : vector<16xi1> to vector<16xi32>
    %sign3A_14 = arith.subi %sign3A_9, %sign3A_13 : vector<16xi32>
    %sign3A_15 = arith.constant 0 : i32
    %sign3A_16 = arith.cmpi sgt, %jit3A, %sign3A_15 : i32
    %sign3A_17 = arith.extui %sign3A_16 : i1 to i32
    %sign3A_18 = arith.constant 0 : i32
    %sign3A_19 = arith.cmpi slt, %jit3A, %sign3A_18 : i32
    %sign3A_20 = arith.extui %sign3A_19 : i1 to i32
    %sign3A_21 = arith.subi %sign3A_17, %sign3A_20 : i32
    %ne3A = vector.broadcast %sign3A_21 : i32 to vector<16xi32>
    %ne3A_22 = arith.cmpi ne, %sign3A_14, %ne3A : vector<16xi32>
    %rem3A = vector.broadcast %jit3A : i32 to vector<16xi32>
    %rem3A_23 = arith.remsi %iota3A, %rem3A : vector<16xi32>
    %ne3A_24 = arith.constant 0 : i32
    %ne3A_25 = vector.broadcast %ne3A_24 : i32 to vector<16xi32>
    %ne3A_26 = arith.cmpi ne, %rem3A_23, %ne3A_25 : vector<16xi32>
    %and3A = arith.andi %ne3A_22, %ne3A_26 : vector<16xi1>
    %sub3A = arith.constant 1 : i32
    %sub3A_27 = vector.broadcast %sub3A : i32 to vector<16xi32>
    %sub3A_28 = arith.subi %div3A_6, %sub3A_27 : vector<16xi32>
    %select_n3A = arith.select %and3A, %sub3A_28, %div3A_6 : vector<16xi1>, vector<16xi32>
    %add3A_29 = arith.constant 0 : i32
    %add3A_30 = vector.broadcast %add3A_29 : i32 to vector<16xi32>
    %add3A_31 = arith.addi %select_n3A, %add3A_30 : vector<16xi32>
    %jit3A_32 = arith.constant 8 : i32
    %div3A_33 = vector.broadcast %jit3A_32 : i32 to vector<16xi32>
    %div3A_34 = arith.divsi %iota3A, %div3A_33 : vector<16xi32>
    %sign3A_35 = arith.constant 0 : i32
    %sign3A_36 = vector.broadcast %sign3A_35 : i32 to vector<16xi32>
    %sign3A_37 = arith.cmpi sgt, %iota3A, %sign3A_36 : vector<16xi32>
    %sign3A_38 = arith.extui %sign3A_37 : vector<16xi1> to vector<16xi32>
    %sign3A_39 = arith.constant 0 : i32
    %sign3A_40 = vector.broadcast %sign3A_39 : i32 to vector<16xi32>
    %sign3A_41 = arith.cmpi slt, %iota3A, %sign3A_40 : vector<16xi32>
    %sign3A_42 = arith.extui %sign3A_41 : vector<16xi1> to vector<16xi32>
    %sign3A_43 = arith.subi %sign3A_38, %sign3A_42 : vector<16xi32>
    %sign3A_44 = arith.constant 0 : i32
    %sign3A_45 = arith.cmpi sgt, %jit3A_32, %sign3A_44 : i32
    %sign3A_46 = arith.extui %sign3A_45 : i1 to i32
    %sign3A_47 = arith.constant 0 : i32
    %sign3A_48 = arith.cmpi slt, %jit3A_32, %sign3A_47 : i32
    %sign3A_49 = arith.extui %sign3A_48 : i1 to i32
    %sign3A_50 = arith.subi %sign3A_46, %sign3A_49 : i32
    %ne3A_51 = vector.broadcast %sign3A_50 : i32 to vector<16xi32>
    %ne3A_52 = arith.cmpi ne, %sign3A_43, %ne3A_51 : vector<16xi32>
    %rem3A_53 = vector.broadcast %jit3A_32 : i32 to vector<16xi32>
    %rem3A_54 = arith.remsi %iota3A, %rem3A_53 : vector<16xi32>
    %ne3A_55 = arith.constant 0 : i32
    %ne3A_56 = vector.broadcast %ne3A_55 : i32 to vector<16xi32>
    %ne3A_57 = arith.cmpi ne, %rem3A_54, %ne3A_56 : vector<16xi32>
    %and3A_58 = arith.andi %ne3A_52, %ne3A_57 : vector<16xi1>
    %sub3A_59 = arith.constant 1 : i32
    %sub3A_60 = vector.broadcast %sub3A_59 : i32 to vector<16xi32>
    %sub3A_61 = arith.subi %div3A_34, %sub3A_60 : vector<16xi32>
    %select_n3A_62 = arith.select %and3A_58, %sub3A_61, %div3A_34 : vector<16xi1>, vector<16xi32>
    %add3A_63 = arith.constant 2 : i32
    %add3A_64 = vector.broadcast %add3A_63 : i32 to vector<16xi32>
    %add3A_65 = arith.addi %select_n3A_62, %add3A_64 : vector<16xi32>
    %jit3A_66 = arith.constant 8 : i32
    %div3A_67 = vector.broadcast %jit3A_66 : i32 to vector<16xi32>
    %div3A_68 = arith.divsi %iota3A, %div3A_67 : vector<16xi32>
    %sign3A_69 = arith.constant 0 : i32
    %sign3A_70 = vector.broadcast %sign3A_69 : i32 to vector<16xi32>
    %sign3A_71 = arith.cmpi sgt, %iota3A, %sign3A_70 : vector<16xi32>
    %sign3A_72 = arith.extui %sign3A_71 : vector<16xi1> to vector<16xi32>
    %sign3A_73 = arith.constant 0 : i32
    %sign3A_74 = vector.broadcast %sign3A_73 : i32 to vector<16xi32>
    %sign3A_75 = arith.cmpi slt, %iota3A, %sign3A_74 : vector<16xi32>
    %sign3A_76 = arith.extui %sign3A_75 : vector<16xi1> to vector<16xi32>
    %sign3A_77 = arith.subi %sign3A_72, %sign3A_76 : vector<16xi32>
    %sign3A_78 = arith.constant 0 : i32
    %sign3A_79 = arith.cmpi sgt, %jit3A_66, %sign3A_78 : i32
    %sign3A_80 = arith.extui %sign3A_79 : i1 to i32
    %sign3A_81 = arith.constant 0 : i32
    %sign3A_82 = arith.cmpi slt, %jit3A_66, %sign3A_81 : i32
    %sign3A_83 = arith.extui %sign3A_82 : i1 to i32
    %sign3A_84 = arith.subi %sign3A_80, %sign3A_83 : i32
    %ne3A_85 = vector.broadcast %sign3A_84 : i32 to vector<16xi32>
    %ne3A_86 = arith.cmpi ne, %sign3A_77, %ne3A_85 : vector<16xi32>
    %rem3A_87 = vector.broadcast %jit3A_66 : i32 to vector<16xi32>
    %rem3A_88 = arith.remsi %iota3A, %rem3A_87 : vector<16xi32>
    %ne3A_89 = arith.constant 0 : i32
    %ne3A_90 = vector.broadcast %ne3A_89 : i32 to vector<16xi32>
    %ne3A_91 = arith.cmpi ne, %rem3A_88, %ne3A_90 : vector<16xi32>
    %and3A_92 = arith.andi %ne3A_86, %ne3A_91 : vector<16xi1>
    %sub3A_93 = arith.constant 1 : i32
    %sub3A_94 = vector.broadcast %sub3A_93 : i32 to vector<16xi32>
    %sub3A_95 = arith.subi %div3A_68, %sub3A_94 : vector<16xi32>
    %select_n3A_96 = arith.select %and3A_92, %sub3A_95, %div3A_68 : vector<16xi1>, vector<16xi32>
    %add3A_97 = arith.constant 4 : i32
    %add3A_98 = vector.broadcast %add3A_97 : i32 to vector<16xi32>
    %add3A_99 = arith.addi %select_n3A_96, %add3A_98 : vector<16xi32>
    %jit3A_100 = arith.constant 8 : i32
    %div3A_101 = vector.broadcast %jit3A_100 : i32 to vector<16xi32>
    %div3A_102 = arith.divsi %iota3A, %div3A_101 : vector<16xi32>
    %sign3A_103 = arith.constant 0 : i32
    %sign3A_104 = vector.broadcast %sign3A_103 : i32 to vector<16xi32>
    %sign3A_105 = arith.cmpi sgt, %iota3A, %sign3A_104 : vector<16xi32>
    %sign3A_106 = arith.extui %sign3A_105 : vector<16xi1> to vector<16xi32>
    %sign3A_107 = arith.constant 0 : i32
    %sign3A_108 = vector.broadcast %sign3A_107 : i32 to vector<16xi32>
    %sign3A_109 = arith.cmpi slt, %iota3A, %sign3A_108 : vector<16xi32>
    %sign3A_110 = arith.extui %sign3A_109 : vector<16xi1> to vector<16xi32>
    %sign3A_111 = arith.subi %sign3A_106, %sign3A_110 : vector<16xi32>
    %sign3A_112 = arith.constant 0 : i32
    %sign3A_113 = arith.cmpi sgt, %jit3A_100, %sign3A_112 : i32
    %sign3A_114 = arith.extui %sign3A_113 : i1 to i32
    %sign3A_115 = arith.constant 0 : i32
    %sign3A_116 = arith.cmpi slt, %jit3A_100, %sign3A_115 : i32
    %sign3A_117 = arith.extui %sign3A_116 : i1 to i32
    %sign3A_118 = arith.subi %sign3A_114, %sign3A_117 : i32
    %ne3A_119 = vector.broadcast %sign3A_118 : i32 to vector<16xi32>
    %ne3A_120 = arith.cmpi ne, %sign3A_111, %ne3A_119 : vector<16xi32>
    %rem3A_121 = vector.broadcast %jit3A_100 : i32 to vector<16xi32>
    %rem3A_122 = arith.remsi %iota3A, %rem3A_121 : vector<16xi32>
    %ne3A_123 = arith.constant 0 : i32
    %ne3A_124 = vector.broadcast %ne3A_123 : i32 to vector<16xi32>
    %ne3A_125 = arith.cmpi ne, %rem3A_122, %ne3A_124 : vector<16xi32>
    %and3A_126 = arith.andi %ne3A_120, %ne3A_125 : vector<16xi1>
    %sub3A_127 = arith.constant 1 : i32
    %sub3A_128 = vector.broadcast %sub3A_127 : i32 to vector<16xi32>
    %sub3A_129 = arith.subi %div3A_102, %sub3A_128 : vector<16xi32>
    %select_n3A_130 = arith.select %and3A_126, %sub3A_129, %div3A_102 : vector<16xi1>, vector<16xi32>
    %add3A_131 = arith.constant 6 : i32
    %add3A_132 = vector.broadcast %add3A_131 : i32 to vector<16xi32>
    %add3A_133 = arith.addi %select_n3A_130, %add3A_132 : vector<16xi32>
    %jit3A_134 = arith.constant 8 : i32
    %eq3A = arith.constant 0 : i32
    %eq3A_135 = arith.cmpi eq, %jit3A_134, %eq3A : i32
    %jit3A_136 = arith.constant 1 : i32
    %select_n3A_137 = arith.select %eq3A_135, %jit3A_136, %jit3A_134 : i32
    %rem3A_138 = vector.broadcast %select_n3A_137 : i32 to vector<16xi32>
    %rem3A_139 = arith.remsi %iota3A, %rem3A_138 : vector<16xi32>
    %ne3A_140 = arith.constant 0 : i32
    %ne3A_141 = vector.broadcast %ne3A_140 : i32 to vector<16xi32>
    %ne3A_142 = arith.cmpi ne, %rem3A_139, %ne3A_141 : vector<16xi32>
    %lt3A = arith.constant 0 : i32
    %lt3A_143 = vector.broadcast %lt3A : i32 to vector<16xi32>
    %lt3A_144 = arith.cmpi slt, %rem3A_139, %lt3A_143 : vector<16xi32>
    %lt3A_145 = arith.constant 0 : i32
    %lt3A_146 = arith.cmpi slt, %select_n3A_137, %lt3A_145 : i32
    %ne3A_147 = vector.broadcast %lt3A_146 : i1 to vector<16xi1>
    %ne3A_148 = vector.broadcast %ne3A_147 : vector<16xi1> to vector<16xi1>
    %ne3A_149 = arith.xori %lt3A_144, %ne3A_148 : vector<16xi1>
    %and3A_150 = arith.andi %ne3A_149, %ne3A_142 : vector<16xi1>
    %add3A_151 = vector.broadcast %select_n3A_137 : i32 to vector<16xi32>
    %add3A_152 = arith.addi %rem3A_139, %add3A_151 : vector<16xi32>
    %select_n3A_153 = arith.select %and3A_150, %add3A_152, %rem3A_139 : vector<16xi1>, vector<16xi32>
    %add3A_154 = arith.constant 0 : i32
    %add3A_155 = vector.broadcast %add3A_154 : i32 to vector<16xi32>
    %add3A_156 = arith.addi %mul3A_5, %add3A_155 : vector<16xi32>
    %gather3A = tpu.vector_load_idx %arg5[%add3A_156] : memref<6400xi32, #tpu.memory_space<vmem>>[vector<16xi32>], vector<16xi32>,
    %swap3A = arith.constant 0 : index
    %swap3A_157 = tpu.vector_load %arg6[%swap3A] {strides = array<i32>} : memref<128xi32, #tpu.memory_space<vmem>>, vector<16xi32>,
    tpu.vector_store %arg6[%swap3A], %gather3A {strides = array<i32>} : memref<128xi32, #tpu.memory_space<vmem>>, vector<16xi32>,
    %add3A_158 = arith.constant 800 : i32
    %add3A_159 = vector.broadcast %add3A_158 : i32 to vector<16xi32>
    %add3A_160 = arith.addi %mul3A_5, %add3A_159 : vector<16xi32>
    %gather3A_161 = tpu.vector_load_idx %arg5[%add3A_160] : memref<6400xi32, #tpu.memory_space<vmem>>[vector<16xi32>], vector<16xi32>,
    %swap3A_162 = arith.constant 16 : index
    %swap3A_163 = tpu.vector_load %arg6[%swap3A_162] {strides = array<i32>} : memref<128xi32, #tpu.memory_space<vmem>>, vector<16xi32>,
    tpu.vector_store %arg6[%swap3A_162], %gather3A_161 {strides = array<i32>} : memref<128xi32, #tpu.memory_space<vmem>>, vector<16xi32>,
    %add3A_164 = arith.constant 1600 : i32
    %add3A_165 = vector.broadcast %add3A_164 : i32 to vector<16xi32>
    %add3A_166 = arith.addi %mul3A_5, %add3A_165 : vector<16xi32>
    %gather3A_167 = tpu.vector_load_idx %arg5[%add3A_166] : memref<6400xi32, #tpu.memory_space<vmem>>[vector<16xi32>], vector<16xi32>,
    %swap3A_168 = arith.constant 32 : index
    %swap3A_169 = tpu.vector_load %arg6[%swap3A_168] {strides = array<i32>} : memref<128xi32, #tpu.memory_space<vmem>>, vector<16xi32>,
    tpu.vector_store %arg6[%swap3A_168], %gather3A_167 {strides = array<i32>} : memref<128xi32, #tpu.memory_space<vmem>>, vector<16xi32>,
    %add3A_170 = arith.constant 2400 : i32
    %add3A_171 = vector.broadcast %add3A_170 : i32 to vector<16xi32>
    %add3A_172 = arith.addi %mul3A_5, %add3A_171 : vector<16xi32>
    %gather3A_173 = tpu.vector_load_idx %arg5[%add3A_172] : memref<6400xi32, #tpu.memory_space<vmem>>[vector<16xi32>], vector<16xi32>,
    %swap3A_174 = arith.constant 48 : index
    %swap3A_175 = tpu.vector_load %arg6[%swap3A_174] {strides = array<i32>} : memref<128xi32, #tpu.memory_space<vmem>>, vector<16xi32>,
    tpu.vector_store %arg6[%swap3A_174], %gather3A_173 {strides = array<i32>} : memref<128xi32, #tpu.memory_space<vmem>>, vector<16xi32>,
    %add3A_176 = arith.constant 3200 : i32
    %add3A_177 = vector.broadcast %add3A_176 : i32 to vector<16xi32>
    %add3A_178 = arith.addi %mul3A_5, %add3A_177 : vector<16xi32>
    %gather3A_179 = tpu.vector_load_idx %arg5[%add3A_178] : memref<6400xi32, #tpu.memory_space<vmem>>[vector<16xi32>], vector<16xi32>,
    %swap3A_180 = arith.constant 64 : index
    %swap3A_181 = tpu.vector_load %arg6[%swap3A_180] {strides = array<i32>} : memref<128xi32, #tpu.memory_space<vmem>>, vector<16xi32>,
    tpu.vector_store %arg6[%swap3A_180], %gather3A_179 {strides = array<i32>} : memref<128xi32, #tpu.memory_space<vmem>>, vector<16xi32>,
    %add3A_182 = arith.constant 4000 : i32
    %add3A_183 = vector.broadcast %add3A_182 : i32 to vector<16xi32>
    %add3A_184 = arith.addi %mul3A_5, %add3A_183 : vector<16xi32>
    %gather3A_185 = tpu.vector_load_idx %arg5[%add3A_184] : memref<6400xi32, #tpu.memory_space<vmem>>[vector<16xi32>], vector<16xi32>,
    %swap3A_186 = arith.constant 80 : index
    %swap3A_187 = tpu.vector_load %arg6[%swap3A_186] {strides = array<i32>} : memref<128xi32, #tpu.memory_space<vmem>>, vector<16xi32>,
    tpu.vector_store %arg6[%swap3A_186], %gather3A_185 {strides = array<i32>} : memref<128xi32, #tpu.memory_space<vmem>>, vector<16xi32>,
    %add3A_188 = arith.constant 4800 : i32
    %add3A_189 = vector.broadcast %add3A_188 : i32 to vector<16xi32>
    %add3A_190 = arith.addi %mul3A_5, %add3A_189 : vector<16xi32>
    %gather3A_191 = tpu.vector_load_idx %arg5[%add3A_190] : memref<6400xi32, #tpu.memory_space<vmem>>[vector<16xi32>], vector<16xi32>,
    %swap3A_192 = arith.constant 96 : index
    %swap3A_193 = tpu.vector_load %arg6[%swap3A_192] {strides = array<i32>} : memref<128xi32, #tpu.memory_space<vmem>>, vector<16xi32>,
    tpu.vector_store %arg6[%swap3A_192], %gather3A_191 {strides = array<i32>} : memref<128xi32, #tpu.memory_space<vmem>>, vector<16xi32>,
    %add3A_194 = arith.constant 5600 : i32
    %add3A_195 = vector.broadcast %add3A_194 : i32 to vector<16xi32>
    %add3A_196 = arith.addi %mul3A_5, %add3A_195 : vector<16xi32>
    %gather3A_197 = tpu.vector_load_idx %arg5[%add3A_196] : memref<6400xi32, #tpu.memory_space<vmem>>[vector<16xi32>], vector<16xi32>,
    %swap3A_198 = arith.constant 112 : index
    %swap3A_199 = tpu.vector_load %arg6[%swap3A_198] {strides = array<i32>} : memref<128xi32, #tpu.memory_space<vmem>>, vector<16xi32>,
    tpu.vector_store %arg6[%swap3A_198], %gather3A_197 {strides = array<i32>} : memref<128xi32, #tpu.memory_space<vmem>>, vector<16xi32>,
    %dma_start3A = arith.constant 0 : i32
    %dma_start3A_200 = arith.constant 0 : i32
    %dma_start3A_201 = tpu.memref_slice %arg3[%dma_start3A, %dma_start3A_200] : memref<100000x64xf32, #tpu.memory_space<hbm>> -> memref<100000x64xf32, #tpu.memory_space<hbm>>
    tpu.enqueue_indirect_dma source(%dma_start3A_201 : memref<100000x64xf32, #tpu.memory_space<hbm>>) target(%arg10 : memref<128x64xf32, #tpu.memory_space<vmem>>) offsets(%arg6 : memref<128xi32, #tpu.memory_space<vmem>>) semaphore(%arg16 : memref<!tpu.dma_semaphore, #tpu.memory_space<semaphore_mem>>)
    %add3A_202 = arith.constant 1 : i32
    %add3A_203 = vector.broadcast %add3A_202 : i32 to vector<16xi32>
    %add3A_204 = arith.addi %mul3A_5, %add3A_203 : vector<16xi32>
    %gather3A_205 = tpu.vector_load_idx %arg5[%add3A_204] : memref<6400xi32, #tpu.memory_space<vmem>>[vector<16xi32>], vector<16xi32>,
    %swap3A_206 = arith.constant 0 : index
    %swap3A_207 = tpu.vector_load %arg7[%swap3A_206] {strides = array<i32>} : memref<128xi32, #tpu.memory_space<vmem>>, vector<16xi32>,
    tpu.vector_store %arg7[%swap3A_206], %gather3A_205 {strides = array<i32>} : memref<128xi32, #tpu.memory_space<vmem>>, vector<16xi32>,
    %add3A_208 = arith.constant 801 : i32
    %add3A_209 = vector.broadcast %add3A_208 : i32 to vector<16xi32>
    %add3A_210 = arith.addi %mul3A_5, %add3A_209 : vector<16xi32>
    %gather3A_211 = tpu.vector_load_idx %arg5[%add3A_210] : memref<6400xi32, #tpu.memory_space<vmem>>[vector<16xi32>], vector<16xi32>,
    %swap3A_212 = arith.constant 16 : index
    %swap3A_213 = tpu.vector_load %arg7[%swap3A_212] {strides = array<i32>} : memref<128xi32, #tpu.memory_space<vmem>>, vector<16xi32>,
    tpu.vector_store %arg7[%swap3A_212], %gather3A_211 {strides = array<i32>} : memref<128xi32, #tpu.memory_space<vmem>>, vector<16xi32>,
    %add3A_214 = arith.constant 1601 : i32
    %add3A_215 = vector.broadcast %add3A_214 : i32 to vector<16xi32>
    %add3A_216 = arith.addi %mul3A_5, %add3A_215 : vector<16xi32>
    %gather3A_217 = tpu.vector_load_idx %arg5[%add3A_216] : memref<6400xi32, #tpu.memory_space<vmem>>[vector<16xi32>], vector<16xi32>,
    %swap3A_218 = arith.constant 32 : index
    %swap3A_219 = tpu.vector_load %arg7[%swap3A_218] {strides = array<i32>} : memref<128xi32, #tpu.memory_space<vmem>>, vector<16xi32>,
    tpu.vector_store %arg7[%swap3A_218], %gather3A_217 {strides = array<i32>} : memref<128xi32, #tpu.memory_space<vmem>>, vector<16xi32>,
    %add3A_220 = arith.constant 2401 : i32
    %add3A_221 = vector.broadcast %add3A_220 : i32 to vector<16xi32>
    %add3A_222 = arith.addi %mul3A_5, %add3A_221 : vector<16xi32>
    %gather3A_223 = tpu.vector_load_idx %arg5[%add3A_222] : memref<6400xi32, #tpu.memory_space<vmem>>[vector<16xi32>], vector<16xi32>,
    %swap3A_224 = arith.constant 48 : index
    %swap3A_225 = tpu.vector_load %arg7[%swap3A_224] {strides = array<i32>} : memref<128xi32, #tpu.memory_space<vmem>>, vector<16xi32>,
    tpu.vector_store %arg7[%swap3A_224], %gather3A_223 {strides = array<i32>} : memref<128xi32, #tpu.memory_space<vmem>>, vector<16xi32>,
    %add3A_226 = arith.constant 3201 : i32
    %add3A_227 = vector.broadcast %add3A_226 : i32 to vector<16xi32>
    %add3A_228 = arith.addi %mul3A_5, %add3A_227 : vector<16xi32>
    %gather3A_229 = tpu.vector_load_idx %arg5[%add3A_228] : memref<6400xi32, #tpu.memory_space<vmem>>[vector<16xi32>], vector<16xi32>,
    %swap3A_230 = arith.constant 64 : index
    %swap3A_231 = tpu.vector_load %arg7[%swap3A_230] {strides = array<i32>} : memref<128xi32, #tpu.memory_space<vmem>>, vector<16xi32>,
    tpu.vector_store %arg7[%swap3A_230], %gather3A_229 {strides = array<i32>} : memref<128xi32, #tpu.memory_space<vmem>>, vector<16xi32>,
    %add3A_232 = arith.constant 4001 : i32
    %add3A_233 = vector.broadcast %add3A_232 : i32 to vector<16xi32>
    %add3A_234 = arith.addi %mul3A_5, %add3A_233 : vector<16xi32>
    %gather3A_235 = tpu.vector_load_idx %arg5[%add3A_234] : memref<6400xi32, #tpu.memory_space<vmem>>[vector<16xi32>], vector<16xi32>,
    %swap3A_236 = arith.constant 80 : index
    %swap3A_237 = tpu.vector_load %arg7[%swap3A_236] {strides = array<i32>} : memref<128xi32, #tpu.memory_space<vmem>>, vector<16xi32>,
    tpu.vector_store %arg7[%swap3A_236], %gather3A_235 {strides = array<i32>} : memref<128xi32, #tpu.memory_space<vmem>>, vector<16xi32>,
    %add3A_238 = arith.constant 4801 : i32
    %add3A_239 = vector.broadcast %add3A_238 : i32 to vector<16xi32>
    %add3A_240 = arith.addi %mul3A_5, %add3A_239 : vector<16xi32>
    %gather3A_241 = tpu.vector_load_idx %arg5[%add3A_240] : memref<6400xi32, #tpu.memory_space<vmem>>[vector<16xi32>], vector<16xi32>,
    %swap3A_242 = arith.constant 96 : index
    %swap3A_243 = tpu.vector_load %arg7[%swap3A_242] {strides = array<i32>} : memref<128xi32, #tpu.memory_space<vmem>>, vector<16xi32>,
    tpu.vector_store %arg7[%swap3A_242], %gather3A_241 {strides = array<i32>} : memref<128xi32, #tpu.memory_space<vmem>>, vector<16xi32>,
    %add3A_244 = arith.constant 5601 : i32
    %add3A_245 = vector.broadcast %add3A_244 : i32 to vector<16xi32>
    %add3A_246 = arith.addi %mul3A_5, %add3A_245 : vector<16xi32>
    %gather3A_247 = tpu.vector_load_idx %arg5[%add3A_246] : memref<6400xi32, #tpu.memory_space<vmem>>[vector<16xi32>], vector<16xi32>,
    %swap3A_248 = arith.constant 112 : index
    %swap3A_249 = tpu.vector_load %arg7[%swap3A_248] {strides = array<i32>} : memref<128xi32, #tpu.memory_space<vmem>>, vector<16xi32>,
    tpu.vector_store %arg7[%swap3A_248], %gather3A_247 {strides = array<i32>} : memref<128xi32, #tpu.memory_space<vmem>>, vector<16xi32>,
    %dma_start3A_250 = arith.constant 0 : i32
    %dma_start3A_251 = arith.constant 0 : i32
    %dma_start3A_252 = tpu.memref_slice %arg3[%dma_start3A_250, %dma_start3A_251] : memref<100000x64xf32, #tpu.memory_space<hbm>> -> memref<100000x64xf32, #tpu.memory_space<hbm>>
    tpu.enqueue_indirect_dma source(%dma_start3A_252 : memref<100000x64xf32, #tpu.memory_space<hbm>>) target(%arg11 : memref<128x64xf32, #tpu.memory_space<vmem>>) offsets(%arg7 : memref<128xi32, #tpu.memory_space<vmem>>) semaphore(%arg17 : memref<!tpu.dma_semaphore, #tpu.memory_space<semaphore_mem>>)
    %scan3A = arith.constant 0 : i32
    %scan3A_253 = arith.constant 0 : i32
    %scan3A_254 = arith.constant 12 : i32
    %scan3A_255 = arith.addi %scan3A_253, %scan3A_254 : i32
    %scan3A_256 = arith.constant 1 : i32
    %scan3A_257 = scf.for %scan3A_383 = %scan3A_253 to %scan3A_255 step %scan3A_256 iter_args(%scan3A_384 = %scan3A) -> (i32)  : i32 {
      %mul3A_385 = arith.constant 4 : i32
      %mul3A_386 = arith.muli %scan3A_383, %mul3A_385 : i32
      %add3A_387 = arith.constant 0 : i32
      %add3A_388 = arith.addi %mul3A_386, %add3A_387 : i32
      %add3A_389 = arith.constant 2 : i32
      %add3A_390 = arith.addi %add3A_388, %add3A_389 : i32
      %add3A_391 = arith.constant 0 : i32
      %add3A_392 = arith.addi %add3A_391, %add3A_390 : i32
      %add3A_393 = vector.broadcast %add3A_392 : i32 to vector<16xi32>
      %add3A_394 = arith.addi %mul3A_5, %add3A_393 : vector<16xi32>
      %gather3A_395 = tpu.vector_load_idx %arg5[%add3A_394] : memref<6400xi32, #tpu.memory_space<vmem>>[vector<16xi32>], vector<16xi32>,
      %swap3A_396 = arith.constant 0 : index
      %swap3A_397 = tpu.vector_load %arg8[%swap3A_396] {strides = array<i32>} : memref<128xi32, #tpu.memory_space<vmem>>, vector<16xi32>,
      tpu.vector_store %arg8[%swap3A_396], %gather3A_395 {strides = array<i32>} : memref<128xi32, #tpu.memory_space<vmem>>, vector<16xi32>,
      %add3A_398 = arith.constant 800 : i32
      %add3A_399 = arith.addi %add3A_398, %add3A_390 : i32
      %add3A_400 = vector.broadcast %add3A_399 : i32 to vector<16xi32>
      %add3A_401 = arith.addi %mul3A_5, %add3A_400 : vector<16xi32>
      %gather3A_402 = tpu.vector_load_idx %arg5[%add3A_401] : memref<6400xi32, #tpu.memory_space<vmem>>[vector<16xi32>], vector<16xi32>,
      %swap3A_403 = arith.constant 16 : index
      %swap3A_404 = tpu.vector_load %arg8[%swap3A_403] {strides = array<i32>} : memref<128xi32, #tpu.memory_space<vmem>>, vector<16xi32>,
      tpu.vector_store %arg8[%swap3A_403], %gather3A_402 {strides = array<i32>} : memref<128xi32, #tpu.memory_space<vmem>>, vector<16xi32>,
      %add3A_405 = arith.constant 1600 : i32
      %add3A_406 = arith.addi %add3A_405, %add3A_390 : i32
      %add3A_407 = vector.broadcast %add3A_406 : i32 to vector<16xi32>
      %add3A_408 = arith.addi %mul3A_5, %add3A_407 : vector<16xi32>
      %gather3A_409 = tpu.vector_load_idx %arg5[%add3A_408] : memref<6400xi32, #tpu.memory_space<vmem>>[vector<16xi32>], vector<16xi32>,
      %swap3A_410 = arith.constant 32 : index
      %swap3A_411 = tpu.vector_load %arg8[%swap3A_410] {strides = array<i32>} : memref<128xi32, #tpu.memory_space<vmem>>, vector<16xi32>,
      tpu.vector_store %arg8[%swap3A_410], %gather3A_409 {strides = array<i32>} : memref<128xi32, #tpu.memory_space<vmem>>, vector<16xi32>,
      %add3A_412 = arith.constant 2400 : i32
      %add3A_413 = arith.addi %add3A_412, %add3A_390 : i32
      %add3A_414 = vector.broadcast %add3A_413 : i32 to vector<16xi32>
      %add3A_415 = arith.addi %mul3A_5, %add3A_414 : vector<16xi32>
      %gather3A_416 = tpu.vector_load_idx %arg5[%add3A_415] : memref<6400xi32, #tpu.memory_space<vmem>>[vector<16xi32>], vector<16xi32>,
      %swap3A_417 = arith.constant 48 : index
      %swap3A_418 = tpu.vector_load %arg8[%swap3A_417] {strides = array<i32>} : memref<128xi32, #tpu.memory_space<vmem>>, vector<16xi32>,
      tpu.vector_store %arg8[%swap3A_417], %gather3A_416 {strides = array<i32>} : memref<128xi32, #tpu.memory_space<vmem>>, vector<16xi32>,
      %add3A_419 = arith.constant 3200 : i32
      %add3A_420 = arith.addi %add3A_419, %add3A_390 : i32
      %add3A_421 = vector.broadcast %add3A_420 : i32 to vector<16xi32>
      %add3A_422 = arith.addi %mul3A_5, %add3A_421 : vector<16xi32>
      %gather3A_423 = tpu.vector_load_idx %arg5[%add3A_422] : memref<6400xi32, #tpu.memory_space<vmem>>[vector<16xi32>], vector<16xi32>,
      %swap3A_424 = arith.constant 64 : index
      %swap3A_425 = tpu.vector_load %arg8[%swap3A_424] {strides = array<i32>} : memref<128xi32, #tpu.memory_space<vmem>>, vector<16xi32>,
      tpu.vector_store %arg8[%swap3A_424], %gather3A_423 {strides = array<i32>} : memref<128xi32, #tpu.memory_space<vmem>>, vector<16xi32>,
      %add3A_426 = arith.constant 4000 : i32
      %add3A_427 = arith.addi %add3A_426, %add3A_390 : i32
      %add3A_428 = vector.broadcast %add3A_427 : i32 to vector<16xi32>
      %add3A_429 = arith.addi %mul3A_5, %add3A_428 : vector<16xi32>
      %gather3A_430 = tpu.vector_load_idx %arg5[%add3A_429] : memref<6400xi32, #tpu.memory_space<vmem>>[vector<16xi32>], vector<16xi32>,
      %swap3A_431 = arith.constant 80 : index
      %swap3A_432 = tpu.vector_load %arg8[%swap3A_431] {strides = array<i32>} : memref<128xi32, #tpu.memory_space<vmem>>, vector<16xi32>,
      tpu.vector_store %arg8[%swap3A_431], %gather3A_430 {strides = array<i32>} : memref<128xi32, #tpu.memory_space<vmem>>, vector<16xi32>,
      %add3A_433 = arith.constant 4800 : i32
      %add3A_434 = arith.addi %add3A_433, %add3A_390 : i32
      %add3A_435 = vector.broadcast %add3A_434 : i32 to vector<16xi32>
      %add3A_436 = arith.addi %mul3A_5, %add3A_435 : vector<16xi32>
      %gather3A_437 = tpu.vector_load_idx %arg5[%add3A_436] : memref<6400xi32, #tpu.memory_space<vmem>>[vector<16xi32>], vector<16xi32>,
      %swap3A_438 = arith.constant 96 : index
      %swap3A_439 = tpu.vector_load %arg8[%swap3A_438] {strides = array<i32>} : memref<128xi32, #tpu.memory_space<vmem>>, vector<16xi32>,
      tpu.vector_store %arg8[%swap3A_438], %gather3A_437 {strides = array<i32>} : memref<128xi32, #tpu.memory_space<vmem>>, vector<16xi32>,
      %add3A_440 = arith.constant 5600 : i32
      %add3A_441 = arith.addi %add3A_440, %add3A_390 : i32
      %add3A_442 = vector.broadcast %add3A_441 : i32 to vector<16xi32>
      %add3A_443 = arith.addi %mul3A_5, %add3A_442 : vector<16xi32>
      %gather3A_444 = tpu.vector_load_idx %arg5[%add3A_443] : memref<6400xi32, #tpu.memory_space<vmem>>[vector<16xi32>], vector<16xi32>,
      %swap3A_445 = arith.constant 112 : index
      %swap3A_446 = tpu.vector_load %arg8[%swap3A_445] {strides = array<i32>} : memref<128xi32, #tpu.memory_space<vmem>>, vector<16xi32>,
      tpu.vector_store %arg8[%swap3A_445], %gather3A_444 {strides = array<i32>} : memref<128xi32, #tpu.memory_space<vmem>>, vector<16xi32>,
      %dma_start3A_447 = arith.constant 0 : i32
      %dma_start3A_448 = arith.constant 0 : i32
      %dma_start3A_449 = tpu.memref_slice %arg3[%dma_start3A_447, %dma_start3A_448] : memref<100000x64xf32, #tpu.memory_space<hbm>> -> memref<100000x64xf32, #tpu.memory_space<hbm>>
      tpu.enqueue_indirect_dma source(%dma_start3A_449 : memref<100000x64xf32, #tpu.memory_space<hbm>>) target(%arg12 : memref<128x64xf32, #tpu.memory_space<vmem>>) offsets(%arg8 : memref<128xi32, #tpu.memory_space<vmem>>) semaphore(%arg18 : memref<!tpu.dma_semaphore, #tpu.memory_space<semaphore_mem>>)
      %dma_wait3A_450 = arith.constant 0 : i32
      %dma_wait3A_451 = arith.constant 0 : i32
      %dma_wait3A_452 = tpu.memref_slice %arg3[%dma_wait3A_450, %dma_wait3A_451] : memref<100000x64xf32, #tpu.memory_space<hbm>> -> memref<100000x64xf32, #tpu.memory_space<hbm>>
      tpu.wait_indirect_dma semaphore(%arg16 : memref<!tpu.dma_semaphore, #tpu.memory_space<semaphore_mem>>) src(%dma_wait3A_452 : memref<100000x64xf32, #tpu.memory_space<hbm>>) dst(%arg10 : memref<128x64xf32, #tpu.memory_space<vmem>>)
      %ge3A = arith.constant 2 : i32
      %ge3A_453 = arith.cmpi sge, %add3A_388, %ge3A : i32
      %convert_element_type3A = arith.extui %ge3A_453 : i1 to i32
      %cond3A = arith.constant 0 : i32
      %cond3A_454 = arith.cmpi ne, %convert_element_type3A, %cond3A : i32
      scf.if %cond3A_454 {
        %dma_wait3A_759 = arith.constant 0 : i32
        %dma_wait3A_760 = arith.constant 0 : i32
        %dma_wait3A_761 = arith.constant 0 : i32
        %dma_wait3A_762 = tpu.memref_slice %arg14[%dma_wait3A_759, %dma_wait3A_760, %dma_wait3A_761] : memref<8x8x129xf32, #tpu.memory_space<vmem>> -> memref<8x8x128xf32, #tpu.memory_space<vmem>>
        %dma_wait3A_763 = arith.constant 0 : i32
        %dma_wait3A_764 = arith.constant 0 : i32
        %dma_wait3A_765 = arith.constant 0 : i32
        %dma_wait3A_766 = tpu.memref_slice %arg4[%add3A_388, %dma_wait3A_763, %add3A, %dma_wait3A_764, %dma_wait3A_765] : memref<50x8x32x8x128xf32, #tpu.memory_space<hbm>> -> memref<1x8x1x8x128xf32, #tpu.memory_space<hbm>>
        %dma_wait3A_767 = tpu.memref_squeeze %dma_wait3A_766 : memref<1x8x1x8x128xf32, #tpu.memory_space<hbm>> -> memref<8x8x128xf32, #tpu.memory_space<hbm>>
        %dma_wait3A_768 = arith.constant 0 : i32
        %dma_wait3A_769 = arith.constant 0 : i32
        %dma_wait3A_770 = arith.constant 0 : i32
        %dma_wait3A_771 = tpu.memref_slice %arg4[%add3A_388, %dma_wait3A_768, %add3A, %dma_wait3A_769, %dma_wait3A_770] : memref<50x8x32x8x128xf32, #tpu.memory_space<hbm>> -> memref<1x8x1x8x128xf32, #tpu.memory_space<hbm>>
        %dma_wait3A_772 = tpu.memref_squeeze %dma_wait3A_771 : memref<1x8x1x8x128xf32, #tpu.memory_space<hbm>> -> memref<8x8x128xf32, #tpu.memory_space<hbm>>
        %dma_wait3A_773 = arith.constant 0 : i32
        %dma_wait3A_774 = arith.constant 0 : i32
        %dma_wait3A_775 = arith.constant 0 : i32
        %dma_wait3A_776 = tpu.memref_slice %arg14[%dma_wait3A_773, %dma_wait3A_774, %dma_wait3A_775] : memref<8x8x129xf32, #tpu.memory_space<vmem>> -> memref<8x8x128xf32, #tpu.memory_space<vmem>>
        tpu.wait_dma2 semaphore(%arg20 : memref<!tpu.dma_semaphore, #tpu.memory_space<semaphore_mem>>) src(%dma_wait3A_776 : memref<8x8x128xf32, #tpu.memory_space<vmem>>) dst(%dma_wait3A_772 : memref<8x8x128xf32, #tpu.memory_space<hbm>>)
      } else {
      }
      %parallel_loop3A_455 = arith.constant 0 : i32
      %parallel_loop3A_456 = arith.constant 128 : i32
      %parallel_loop3A_457 = arith.constant 1 : i32
      scf.for %parallel_loop3A_759 = %parallel_loop3A_455 to %parallel_loop3A_456 step %parallel_loop3A_457  : i32 {
        %parallel_loop3A_760 = arith.constant 0 : i32
        %parallel_loop3A_761 = vector.broadcast %parallel_loop3A_760 : i32 to vector<16xi32>
        %parallel_loop3A_762 = vector.broadcast %parallel_loop3A_759 : i32 to vector<16xi32>
        %parallel_loop3A_763 = arith.addi %parallel_loop3A_761, %parallel_loop3A_762 : vector<16xi32>
        %parallel_loop3A_764 = arith.index_cast %parallel_loop3A_759 : i32 to index
        %parallel_loop3A_765 = arith.constant 0 : index
        %parallel_loop3A_766 = tpu.vector_load %arg10[%parallel_loop3A_764, %parallel_loop3A_765] {strides = array<i32>} : memref<128x64xf32, #tpu.memory_space<vmem>>, vector<16xf32>,
        tpu.vector_store_idx %arg14[%add3A_31, %select_n3A_153, %parallel_loop3A_763], %parallel_loop3A_766 : memref<8x8x129xf32, #tpu.memory_space<vmem>>[vector<16xi32>, vector<16xi32>, vector<16xi32>], vector<16xf32>,
        %parallel_loop3A_767 = arith.index_cast %parallel_loop3A_759 : i32 to index
        %parallel_loop3A_768 = arith.constant 16 : index
        %parallel_loop3A_769 = tpu.vector_load %arg10[%parallel_loop3A_767, %parallel_loop3A_768] {strides = array<i32>} : memref<128x64xf32, #tpu.memory_space<vmem>>, vector<16xf32>,
        tpu.vector_store_idx %arg14[%add3A_65, %select_n3A_153, %parallel_loop3A_763], %parallel_loop3A_769 : memref<8x8x129xf32, #tpu.memory_space<vmem>>[vector<16xi32>, vector<16xi32>, vector<16xi32>], vector<16xf32>,
        %parallel_loop3A_770 = arith.index_cast %parallel_loop3A_759 : i32 to index
        %parallel_loop3A_771 = arith.constant 32 : index
        %parallel_loop3A_772 = tpu.vector_load %arg10[%parallel_loop3A_770, %parallel_loop3A_771] {strides = array<i32>} : memref<128x64xf32, #tpu.memory_space<vmem>>, vector<16xf32>,
        tpu.vector_store_idx %arg14[%add3A_99, %select_n3A_153, %parallel_loop3A_763], %parallel_loop3A_772 : memref<8x8x129xf32, #tpu.memory_space<vmem>>[vector<16xi32>, vector<16xi32>, vector<16xi32>], vector<16xf32>,
        %parallel_loop3A_773 = arith.index_cast %parallel_loop3A_759 : i32 to index
        %parallel_loop3A_774 = arith.constant 48 : index
        %parallel_loop3A_775 = tpu.vector_load %arg10[%parallel_loop3A_773, %parallel_loop3A_774] {strides = array<i32>} : memref<128x64xf32, #tpu.memory_space<vmem>>, vector<16xf32>,
        tpu.vector_store_idx %arg14[%add3A_133, %select_n3A_153, %parallel_loop3A_763], %parallel_loop3A_775 : memref<8x8x129xf32, #tpu.memory_space<vmem>>[vector<16xi32>, vector<16xi32>, vector<16xi32>], vector<16xf32>,
      } {sc.loop_unroll_factor = 16 : i64, sc.parallel_access}
      %dma_start3A_458 = arith.constant 0 : i32
      %dma_start3A_459 = arith.constant 0 : i32
      %dma_start3A_460 = arith.constant 0 : i32
      %dma_start3A_461 = tpu.memref_slice %arg14[%dma_start3A_458, %dma_start3A_459, %dma_start3A_460] : memref<8x8x129xf32, #tpu.memory_space<vmem>> -> memref<8x8x128xf32, #tpu.memory_space<vmem>>
      %dma_start3A_462 = arith.constant 0 : i32
      %dma_start3A_463 = arith.constant 0 : i32
      %dma_start3A_464 = arith.constant 0 : i32
      %dma_start3A_465 = tpu.memref_slice %arg4[%add3A_388, %dma_start3A_462, %add3A, %dma_start3A_463, %dma_start3A_464] : memref<50x8x32x8x128xf32, #tpu.memory_space<hbm>> -> memref<1x8x1x8x128xf32, #tpu.memory_space<hbm>>
      %dma_start3A_466 = tpu.memref_squeeze %dma_start3A_465 : memref<1x8x1x8x128xf32, #tpu.memory_space<hbm>> -> memref<8x8x128xf32, #tpu.memory_space<hbm>>
      %dma_start3A_467 = arith.constant 0 : i32
      %dma_start3A_468 = arith.constant 0 : i32
      %dma_start3A_469 = arith.constant 0 : i32
      %dma_start3A_470 = tpu.memref_slice %arg4[%add3A_388, %dma_start3A_467, %add3A, %dma_start3A_468, %dma_start3A_469] : memref<50x8x32x8x128xf32, #tpu.memory_space<hbm>> -> memref<1x8x1x8x128xf32, #tpu.memory_space<hbm>>
      %dma_start3A_471 = tpu.memref_squeeze %dma_start3A_470 : memref<1x8x1x8x128xf32, #tpu.memory_space<hbm>> -> memref<8x8x128xf32, #tpu.memory_space<hbm>>
      %dma_start3A_472 = arith.constant 0 : i32
      %dma_start3A_473 = arith.constant 0 : i32
      %dma_start3A_474 = arith.constant 0 : i32
      %dma_start3A_475 = tpu.memref_slice %arg14[%dma_start3A_472, %dma_start3A_473, %dma_start3A_474] : memref<8x8x129xf32, #tpu.memory_space<vmem>> -> memref<8x8x128xf32, #tpu.memory_space<vmem>>
      tpu.enqueue_dma source(%dma_start3A_475 : memref<8x8x128xf32, #tpu.memory_space<vmem>>) target(%dma_start3A_471 : memref<8x8x128xf32, #tpu.memory_space<hbm>>) target_semaphore(%arg20 : memref<!tpu.dma_semaphore, #tpu.memory_space<semaphore_mem>>)
      %mul3A_476 = arith.constant 4 : i32
      %mul3A_477 = arith.muli %scan3A_383, %mul3A_476 : i32
      %add3A_478 = arith.constant 1 : i32
      %add3A_479 = arith.addi %mul3A_477, %add3A_478 : i32
      %add3A_480 = arith.constant 2 : i32
      %add3A_481 = arith.addi %add3A_479, %add3A_480 : i32
      %add3A_482 = arith.constant 0 : i32
      %add3A_483 = arith.addi %add3A_482, %add3A_481 : i32
      %add3A_484 = vector.broadcast %add3A_483 : i32 to vector<16xi32>
      %add3A_485 = arith.addi %mul3A_5, %add3A_484 : vector<16xi32>
      %gather3A_486 = tpu.vector_load_idx %arg5[%add3A_485] : memref<6400xi32, #tpu.memory_space<vmem>>[vector<16xi32>], vector<16xi32>,
      %swap3A_487 = arith.constant 0 : index
      %swap3A_488 = tpu.vector_load %arg9[%swap3A_487] {strides = array<i32>} : memref<128xi32, #tpu.memory_space<vmem>>, vector<16xi32>,
      tpu.vector_store %arg9[%swap3A_487], %gather3A_486 {strides = array<i32>} : memref<128xi32, #tpu.memory_space<vmem>>, vector<16xi32>,
      %add3A_489 = arith.constant 800 : i32
      %add3A_490 = arith.addi %add3A_489, %add3A_481 : i32
      %add3A_491 = vector.broadcast %add3A_490 : i32 to vector<16xi32>
      %add3A_492 = arith.addi %mul3A_5, %add3A_491 : vector<16xi32>
      %gather3A_493 = tpu.vector_load_idx %arg5[%add3A_492] : memref<6400xi32, #tpu.memory_space<vmem>>[vector<16xi32>], vector<16xi32>,
      %swap3A_494 = arith.constant 16 : index
      %swap3A_495 = tpu.vector_load %arg9[%swap3A_494] {strides = array<i32>} : memref<128xi32, #tpu.memory_space<vmem>>, vector<16xi32>,
      tpu.vector_store %arg9[%swap3A_494], %gather3A_493 {strides = array<i32>} : memref<128xi32, #tpu.memory_space<vmem>>, vector<16xi32>,
      %add3A_496 = arith.constant 1600 : i32
      %add3A_497 = arith.addi %add3A_496, %add3A_481 : i32
      %add3A_498 = vector.broadcast %add3A_497 : i32 to vector<16xi32>
      %add3A_499 = arith.addi %mul3A_5, %add3A_498 : vector<16xi32>
      %gather3A_500 = tpu.vector_load_idx %arg5[%add3A_499] : memref<6400xi32, #tpu.memory_space<vmem>>[vector<16xi32>], vector<16xi32>,
      %swap3A_501 = arith.constant 32 : index
      %swap3A_502 = tpu.vector_load %arg9[%swap3A_501] {strides = array<i32>} : memref<128xi32, #tpu.memory_space<vmem>>, vector<16xi32>,
      tpu.vector_store %arg9[%swap3A_501], %gather3A_500 {strides = array<i32>} : memref<128xi32, #tpu.memory_space<vmem>>, vector<16xi32>,
      %add3A_503 = arith.constant 2400 : i32
      %add3A_504 = arith.addi %add3A_503, %add3A_481 : i32
      %add3A_505 = vector.broadcast %add3A_504 : i32 to vector<16xi32>
      %add3A_506 = arith.addi %mul3A_5, %add3A_505 : vector<16xi32>
      %gather3A_507 = tpu.vector_load_idx %arg5[%add3A_506] : memref<6400xi32, #tpu.memory_space<vmem>>[vector<16xi32>], vector<16xi32>,
      %swap3A_508 = arith.constant 48 : index
      %swap3A_509 = tpu.vector_load %arg9[%swap3A_508] {strides = array<i32>} : memref<128xi32, #tpu.memory_space<vmem>>, vector<16xi32>,
      tpu.vector_store %arg9[%swap3A_508], %gather3A_507 {strides = array<i32>} : memref<128xi32, #tpu.memory_space<vmem>>, vector<16xi32>,
      %add3A_510 = arith.constant 3200 : i32
      %add3A_511 = arith.addi %add3A_510, %add3A_481 : i32
      %add3A_512 = vector.broadcast %add3A_511 : i32 to vector<16xi32>
      %add3A_513 = arith.addi %mul3A_5, %add3A_512 : vector<16xi32>
      %gather3A_514 = tpu.vector_load_idx %arg5[%add3A_513] : memref<6400xi32, #tpu.memory_space<vmem>>[vector<16xi32>], vector<16xi32>,
      %swap3A_515 = arith.constant 64 : index
      %swap3A_516 = tpu.vector_load %arg9[%swap3A_515] {strides = array<i32>} : memref<128xi32, #tpu.memory_space<vmem>>, vector<16xi32>,
      tpu.vector_store %arg9[%swap3A_515], %gather3A_514 {strides = array<i32>} : memref<128xi32, #tpu.memory_space<vmem>>, vector<16xi32>,
      %add3A_517 = arith.constant 4000 : i32
      %add3A_518 = arith.addi %add3A_517, %add3A_481 : i32
      %add3A_519 = vector.broadcast %add3A_518 : i32 to vector<16xi32>
      %add3A_520 = arith.addi %mul3A_5, %add3A_519 : vector<16xi32>
      %gather3A_521 = tpu.vector_load_idx %arg5[%add3A_520] : memref<6400xi32, #tpu.memory_space<vmem>>[vector<16xi32>], vector<16xi32>,
      %swap3A_522 = arith.constant 80 : index
      %swap3A_523 = tpu.vector_load %arg9[%swap3A_522] {strides = array<i32>} : memref<128xi32, #tpu.memory_space<vmem>>, vector<16xi32>,
      tpu.vector_store %arg9[%swap3A_522], %gather3A_521 {strides = array<i32>} : memref<128xi32, #tpu.memory_space<vmem>>, vector<16xi32>,
      %add3A_524 = arith.constant 4800 : i32
      %add3A_525 = arith.addi %add3A_524, %add3A_481 : i32
      %add3A_526 = vector.broadcast %add3A_525 : i32 to vector<16xi32>
      %add3A_527 = arith.addi %mul3A_5, %add3A_526 : vector<16xi32>
      %gather3A_528 = tpu.vector_load_idx %arg5[%add3A_527] : memref<6400xi32, #tpu.memory_space<vmem>>[vector<16xi32>], vector<16xi32>,
      %swap3A_529 = arith.constant 96 : index
      %swap3A_530 = tpu.vector_load %arg9[%swap3A_529] {strides = array<i32>} : memref<128xi32, #tpu.memory_space<vmem>>, vector<16xi32>,
      tpu.vector_store %arg9[%swap3A_529], %gather3A_528 {strides = array<i32>} : memref<128xi32, #tpu.memory_space<vmem>>, vector<16xi32>,
      %add3A_531 = arith.constant 5600 : i32
      %add3A_532 = arith.addi %add3A_531, %add3A_481 : i32
      %add3A_533 = vector.broadcast %add3A_532 : i32 to vector<16xi32>
      %add3A_534 = arith.addi %mul3A_5, %add3A_533 : vector<16xi32>
      %gather3A_535 = tpu.vector_load_idx %arg5[%add3A_534] : memref<6400xi32, #tpu.memory_space<vmem>>[vector<16xi32>], vector<16xi32>,
      %swap3A_536 = arith.constant 112 : index
      %swap3A_537 = tpu.vector_load %arg9[%swap3A_536] {strides = array<i32>} : memref<128xi32, #tpu.memory_space<vmem>>, vector<16xi32>,
      tpu.vector_store %arg9[%swap3A_536], %gather3A_535 {strides = array<i32>} : memref<128xi32, #tpu.memory_space<vmem>>, vector<16xi32>,
      %dma_start3A_538 = arith.constant 0 : i32
      %dma_start3A_539 = arith.constant 0 : i32
      %dma_start3A_540 = tpu.memref_slice %arg3[%dma_start3A_538, %dma_start3A_539] : memref<100000x64xf32, #tpu.memory_space<hbm>> -> memref<100000x64xf32, #tpu.memory_space<hbm>>
      tpu.enqueue_indirect_dma source(%dma_start3A_540 : memref<100000x64xf32, #tpu.memory_space<hbm>>) target(%arg13 : memref<128x64xf32, #tpu.memory_space<vmem>>) offsets(%arg9 : memref<128xi32, #tpu.memory_space<vmem>>) semaphore(%arg19 : memref<!tpu.dma_semaphore, #tpu.memory_space<semaphore_mem>>)
      %dma_wait3A_541 = arith.constant 0 : i32
      %dma_wait3A_542 = arith.constant 0 : i32
      %dma_wait3A_543 = tpu.memref_slice %arg3[%dma_wait3A_541, %dma_wait3A_542] : memref<100000x64xf32, #tpu.memory_space<hbm>> -> memref<100000x64xf32, #tpu.memory_space<hbm>>
      tpu.wait_indirect_dma semaphore(%arg17 : memref<!tpu.dma_semaphore, #tpu.memory_space<semaphore_mem>>) src(%dma_wait3A_543 : memref<100000x64xf32, #tpu.memory_space<hbm>>) dst(%arg11 : memref<128x64xf32, #tpu.memory_space<vmem>>)
      %ge3A_544 = arith.constant 2 : i32
      %ge3A_545 = arith.cmpi sge, %add3A_479, %ge3A_544 : i32
      %convert_element_type3A_546 = arith.extui %ge3A_545 : i1 to i32
      %cond3A_547 = arith.constant 0 : i32
      %cond3A_548 = arith.cmpi ne, %convert_element_type3A_546, %cond3A_547 : i32
      scf.if %cond3A_548 {
        %dma_wait3A_759 = arith.constant 0 : i32
        %dma_wait3A_760 = arith.constant 0 : i32
        %dma_wait3A_761 = arith.constant 0 : i32
        %dma_wait3A_762 = tpu.memref_slice %arg15[%dma_wait3A_759, %dma_wait3A_760, %dma_wait3A_761] : memref<8x8x129xf32, #tpu.memory_space<vmem>> -> memref<8x8x128xf32, #tpu.memory_space<vmem>>
        %dma_wait3A_763 = arith.constant 0 : i32
        %dma_wait3A_764 = arith.constant 0 : i32
        %dma_wait3A_765 = arith.constant 0 : i32
        %dma_wait3A_766 = tpu.memref_slice %arg4[%add3A_479, %dma_wait3A_763, %add3A, %dma_wait3A_764, %dma_wait3A_765] : memref<50x8x32x8x128xf32, #tpu.memory_space<hbm>> -> memref<1x8x1x8x128xf32, #tpu.memory_space<hbm>>
        %dma_wait3A_767 = tpu.memref_squeeze %dma_wait3A_766 : memref<1x8x1x8x128xf32, #tpu.memory_space<hbm>> -> memref<8x8x128xf32, #tpu.memory_space<hbm>>
        %dma_wait3A_768 = arith.constant 0 : i32
        %dma_wait3A_769 = arith.constant 0 : i32
        %dma_wait3A_770 = arith.constant 0 : i32
        %dma_wait3A_771 = tpu.memref_slice %arg4[%add3A_479, %dma_wait3A_768, %add3A, %dma_wait3A_769, %dma_wait3A_770] : memref<50x8x32x8x128xf32, #tpu.memory_space<hbm>> -> memref<1x8x1x8x128xf32, #tpu.memory_space<hbm>>
        %dma_wait3A_772 = tpu.memref_squeeze %dma_wait3A_771 : memref<1x8x1x8x128xf32, #tpu.memory_space<hbm>> -> memref<8x8x128xf32, #tpu.memory_space<hbm>>
        %dma_wait3A_773 = arith.constant 0 : i32
        %dma_wait3A_774 = arith.constant 0 : i32
        %dma_wait3A_775 = arith.constant 0 : i32
        %dma_wait3A_776 = tpu.memref_slice %arg15[%dma_wait3A_773, %dma_wait3A_774, %dma_wait3A_775] : memref<8x8x129xf32, #tpu.memory_space<vmem>> -> memref<8x8x128xf32, #tpu.memory_space<vmem>>
        tpu.wait_dma2 semaphore(%arg21 : memref<!tpu.dma_semaphore, #tpu.memory_space<semaphore_mem>>) src(%dma_wait3A_776 : memref<8x8x128xf32, #tpu.memory_space<vmem>>) dst(%dma_wait3A_772 : memref<8x8x128xf32, #tpu.memory_space<hbm>>)
      } else {
      }
      %parallel_loop3A_549 = arith.constant 0 : i32
      %parallel_loop3A_550 = arith.constant 128 : i32
      %parallel_loop3A_551 = arith.constant 1 : i32
      scf.for %parallel_loop3A_759 = %parallel_loop3A_549 to %parallel_loop3A_550 step %parallel_loop3A_551  : i32 {
        %parallel_loop3A_760 = arith.constant 0 : i32
        %parallel_loop3A_761 = vector.broadcast %parallel_loop3A_760 : i32 to vector<16xi32>
        %parallel_loop3A_762 = vector.broadcast %parallel_loop3A_759 : i32 to vector<16xi32>
        %parallel_loop3A_763 = arith.addi %parallel_loop3A_761, %parallel_loop3A_762 : vector<16xi32>
        %parallel_loop3A_764 = arith.index_cast %parallel_loop3A_759 : i32 to index
        %parallel_loop3A_765 = arith.constant 0 : index
        %parallel_loop3A_766 = tpu.vector_load %arg11[%parallel_loop3A_764, %parallel_loop3A_765] {strides = array<i32>} : memref<128x64xf32, #tpu.memory_space<vmem>>, vector<16xf32>,
        tpu.vector_store_idx %arg15[%add3A_31, %select_n3A_153, %parallel_loop3A_763], %parallel_loop3A_766 : memref<8x8x129xf32, #tpu.memory_space<vmem>>[vector<16xi32>, vector<16xi32>, vector<16xi32>], vector<16xf32>,
        %parallel_loop3A_767 = arith.index_cast %parallel_loop3A_759 : i32 to index
        %parallel_loop3A_768 = arith.constant 16 : index
        %parallel_loop3A_769 = tpu.vector_load %arg11[%parallel_loop3A_767, %parallel_loop3A_768] {strides = array<i32>} : memref<128x64xf32, #tpu.memory_space<vmem>>, vector<16xf32>,
        tpu.vector_store_idx %arg15[%add3A_65, %select_n3A_153, %parallel_loop3A_763], %parallel_loop3A_769 : memref<8x8x129xf32, #tpu.memory_space<vmem>>[vector<16xi32>, vector<16xi32>, vector<16xi32>], vector<16xf32>,
        %parallel_loop3A_770 = arith.index_cast %parallel_loop3A_759 : i32 to index
        %parallel_loop3A_771 = arith.constant 32 : index
        %parallel_loop3A_772 = tpu.vector_load %arg11[%parallel_loop3A_770, %parallel_loop3A_771] {strides = array<i32>} : memref<128x64xf32, #tpu.memory_space<vmem>>, vector<16xf32>,
        tpu.vector_store_idx %arg15[%add3A_99, %select_n3A_153, %parallel_loop3A_763], %parallel_loop3A_772 : memref<8x8x129xf32, #tpu.memory_space<vmem>>[vector<16xi32>, vector<16xi32>, vector<16xi32>], vector<16xf32>,
        %parallel_loop3A_773 = arith.index_cast %parallel_loop3A_759 : i32 to index
        %parallel_loop3A_774 = arith.constant 48 : index
        %parallel_loop3A_775 = tpu.vector_load %arg11[%parallel_loop3A_773, %parallel_loop3A_774] {strides = array<i32>} : memref<128x64xf32, #tpu.memory_space<vmem>>, vector<16xf32>,
        tpu.vector_store_idx %arg15[%add3A_133, %select_n3A_153, %parallel_loop3A_763], %parallel_loop3A_775 : memref<8x8x129xf32, #tpu.memory_space<vmem>>[vector<16xi32>, vector<16xi32>, vector<16xi32>], vector<16xf32>,
      } {sc.loop_unroll_factor = 16 : i64, sc.parallel_access}
      %dma_start3A_552 = arith.constant 0 : i32
      %dma_start3A_553 = arith.constant 0 : i32
      %dma_start3A_554 = arith.constant 0 : i32
      %dma_start3A_555 = tpu.memref_slice %arg15[%dma_start3A_552, %dma_start3A_553, %dma_start3A_554] : memref<8x8x129xf32, #tpu.memory_space<vmem>> -> memref<8x8x128xf32, #tpu.memory_space<vmem>>
      %dma_start3A_556 = arith.constant 0 : i32
      %dma_start3A_557 = arith.constant 0 : i32
      %dma_start3A_558 = arith.constant 0 : i32
      %dma_start3A_559 = tpu.memref_slice %arg4[%add3A_479, %dma_start3A_556, %add3A, %dma_start3A_557, %dma_start3A_558] : memref<50x8x32x8x128xf32, #tpu.memory_space<hbm>> -> memref<1x8x1x8x128xf32, #tpu.memory_space<hbm>>
      %dma_start3A_560 = tpu.memref_squeeze %dma_start3A_559 : memref<1x8x1x8x128xf32, #tpu.memory_space<hbm>> -> memref<8x8x128xf32, #tpu.memory_space<hbm>>
      %dma_start3A_561 = arith.constant 0 : i32
      %dma_start3A_562 = arith.constant 0 : i32
      %dma_start3A_563 = arith.constant 0 : i32
      %dma_start3A_564 = tpu.memref_slice %arg4[%add3A_479, %dma_start3A_561, %add3A, %dma_start3A_562, %dma_start3A_563] : memref<50x8x32x8x128xf32, #tpu.memory_space<hbm>> -> memref<1x8x1x8x128xf32, #tpu.memory_space<hbm>>
      %dma_start3A_565 = tpu.memref_squeeze %dma_start3A_564 : memref<1x8x1x8x128xf32, #tpu.memory_space<hbm>> -> memref<8x8x128xf32, #tpu.memory_space<hbm>>
      %dma_start3A_566 = arith.constant 0 : i32
      %dma_start3A_567 = arith.constant 0 : i32
      %dma_start3A_568 = arith.constant 0 : i32
      %dma_start3A_569 = tpu.memref_slice %arg15[%dma_start3A_566, %dma_start3A_567, %dma_start3A_568] : memref<8x8x129xf32, #tpu.memory_space<vmem>> -> memref<8x8x128xf32, #tpu.memory_space<vmem>>
      tpu.enqueue_dma source(%dma_start3A_569 : memref<8x8x128xf32, #tpu.memory_space<vmem>>) target(%dma_start3A_565 : memref<8x8x128xf32, #tpu.memory_space<hbm>>) target_semaphore(%arg21 : memref<!tpu.dma_semaphore, #tpu.memory_space<semaphore_mem>>)
      %mul3A_570 = arith.constant 4 : i32
      %mul3A_571 = arith.muli %scan3A_383, %mul3A_570 : i32
      %add3A_572 = arith.constant 2 : i32
      %add3A_573 = arith.addi %mul3A_571, %add3A_572 : i32
      %add3A_574 = arith.constant 2 : i32
      %add3A_575 = arith.addi %add3A_573, %add3A_574 : i32
      %add3A_576 = arith.constant 0 : i32
      %add3A_577 = arith.addi %add3A_576, %add3A_575 : i32
      %add3A_578 = vector.broadcast %add3A_577 : i32 to vector<16xi32>
      %add3A_579 = arith.addi %mul3A_5, %add3A_578 : vector<16xi32>
      %gather3A_580 = tpu.vector_load_idx %arg5[%add3A_579] : memref<6400xi32, #tpu.memory_space<vmem>>[vector<16xi32>], vector<16xi32>,
      %swap3A_581 = arith.constant 0 : index
      %swap3A_582 = tpu.vector_load %arg6[%swap3A_581] {strides = array<i32>} : memref<128xi32, #tpu.memory_space<vmem>>, vector<16xi32>,
      tpu.vector_store %arg6[%swap3A_581], %gather3A_580 {strides = array<i32>} : memref<128xi32, #tpu.memory_space<vmem>>, vector<16xi32>,
      %add3A_583 = arith.constant 800 : i32
      %add3A_584 = arith.addi %add3A_583, %add3A_575 : i32
      %add3A_585 = vector.broadcast %add3A_584 : i32 to vector<16xi32>
      %add3A_586 = arith.addi %mul3A_5, %add3A_585 : vector<16xi32>
      %gather3A_587 = tpu.vector_load_idx %arg5[%add3A_586] : memref<6400xi32, #tpu.memory_space<vmem>>[vector<16xi32>], vector<16xi32>,
      %swap3A_588 = arith.constant 16 : index
      %swap3A_589 = tpu.vector_load %arg6[%swap3A_588] {strides = array<i32>} : memref<128xi32, #tpu.memory_space<vmem>>, vector<16xi32>,
      tpu.vector_store %arg6[%swap3A_588], %gather3A_587 {strides = array<i32>} : memref<128xi32, #tpu.memory_space<vmem>>, vector<16xi32>,
      %add3A_590 = arith.constant 1600 : i32
      %add3A_591 = arith.addi %add3A_590, %add3A_575 : i32
      %add3A_592 = vector.broadcast %add3A_591 : i32 to vector<16xi32>
      %add3A_593 = arith.addi %mul3A_5, %add3A_592 : vector<16xi32>
      %gather3A_594 = tpu.vector_load_idx %arg5[%add3A_593] : memref<6400xi32, #tpu.memory_space<vmem>>[vector<16xi32>], vector<16xi32>,
      %swap3A_595 = arith.constant 32 : index
      %swap3A_596 = tpu.vector_load %arg6[%swap3A_595] {strides = array<i32>} : memref<128xi32, #tpu.memory_space<vmem>>, vector<16xi32>,
      tpu.vector_store %arg6[%swap3A_595], %gather3A_594 {strides = array<i32>} : memref<128xi32, #tpu.memory_space<vmem>>, vector<16xi32>,
      %add3A_597 = arith.constant 2400 : i32
      %add3A_598 = arith.addi %add3A_597, %add3A_575 : i32
      %add3A_599 = vector.broadcast %add3A_598 : i32 to vector<16xi32>
      %add3A_600 = arith.addi %mul3A_5, %add3A_599 : vector<16xi32>
      %gather3A_601 = tpu.vector_load_idx %arg5[%add3A_600] : memref<6400xi32, #tpu.memory_space<vmem>>[vector<16xi32>], vector<16xi32>,
      %swap3A_602 = arith.constant 48 : index
      %swap3A_603 = tpu.vector_load %arg6[%swap3A_602] {strides = array<i32>} : memref<128xi32, #tpu.memory_space<vmem>>, vector<16xi32>,
      tpu.vector_store %arg6[%swap3A_602], %gather3A_601 {strides = array<i32>} : memref<128xi32, #tpu.memory_space<vmem>>, vector<16xi32>,
      %add3A_604 = arith.constant 3200 : i32
      %add3A_605 = arith.addi %add3A_604, %add3A_575 : i32
      %add3A_606 = vector.broadcast %add3A_605 : i32 to vector<16xi32>
      %add3A_607 = arith.addi %mul3A_5, %add3A_606 : vector<16xi32>
      %gather3A_608 = tpu.vector_load_idx %arg5[%add3A_607] : memref<6400xi32, #tpu.memory_space<vmem>>[vector<16xi32>], vector<16xi32>,
      %swap3A_609 = arith.constant 64 : index
      %swap3A_610 = tpu.vector_load %arg6[%swap3A_609] {strides = array<i32>} : memref<128xi32, #tpu.memory_space<vmem>>, vector<16xi32>,
      tpu.vector_store %arg6[%swap3A_609], %gather3A_608 {strides = array<i32>} : memref<128xi32, #tpu.memory_space<vmem>>, vector<16xi32>,
      %add3A_611 = arith.constant 4000 : i32
      %add3A_612 = arith.addi %add3A_611, %add3A_575 : i32
      %add3A_613 = vector.broadcast %add3A_612 : i32 to vector<16xi32>
      %add3A_614 = arith.addi %mul3A_5, %add3A_613 : vector<16xi32>
      %gather3A_615 = tpu.vector_load_idx %arg5[%add3A_614] : memref<6400xi32, #tpu.memory_space<vmem>>[vector<16xi32>], vector<16xi32>,
      %swap3A_616 = arith.constant 80 : index
      %swap3A_617 = tpu.vector_load %arg6[%swap3A_616] {strides = array<i32>} : memref<128xi32, #tpu.memory_space<vmem>>, vector<16xi32>,
      tpu.vector_store %arg6[%swap3A_616], %gather3A_615 {strides = array<i32>} : memref<128xi32, #tpu.memory_space<vmem>>, vector<16xi32>,
      %add3A_618 = arith.constant 4800 : i32
      %add3A_619 = arith.addi %add3A_618, %add3A_575 : i32
      %add3A_620 = vector.broadcast %add3A_619 : i32 to vector<16xi32>
      %add3A_621 = arith.addi %mul3A_5, %add3A_620 : vector<16xi32>
      %gather3A_622 = tpu.vector_load_idx %arg5[%add3A_621] : memref<6400xi32, #tpu.memory_space<vmem>>[vector<16xi32>], vector<16xi32>,
      %swap3A_623 = arith.constant 96 : index
      %swap3A_624 = tpu.vector_load %arg6[%swap3A_623] {strides = array<i32>} : memref<128xi32, #tpu.memory_space<vmem>>, vector<16xi32>,
      tpu.vector_store %arg6[%swap3A_623], %gather3A_622 {strides = array<i32>} : memref<128xi32, #tpu.memory_space<vmem>>, vector<16xi32>,
      %add3A_625 = arith.constant 5600 : i32
      %add3A_626 = arith.addi %add3A_625, %add3A_575 : i32
      %add3A_627 = vector.broadcast %add3A_626 : i32 to vector<16xi32>
      %add3A_628 = arith.addi %mul3A_5, %add3A_627 : vector<16xi32>
      %gather3A_629 = tpu.vector_load_idx %arg5[%add3A_628] : memref<6400xi32, #tpu.memory_space<vmem>>[vector<16xi32>], vector<16xi32>,
      %swap3A_630 = arith.constant 112 : index
      %swap3A_631 = tpu.vector_load %arg6[%swap3A_630] {strides = array<i32>} : memref<128xi32, #tpu.memory_space<vmem>>, vector<16xi32>,
      tpu.vector_store %arg6[%swap3A_630], %gather3A_629 {strides = array<i32>} : memref<128xi32, #tpu.memory_space<vmem>>, vector<16xi32>,
      %dma_start3A_632 = arith.constant 0 : i32
      %dma_start3A_633 = arith.constant 0 : i32
      %dma_start3A_634 = tpu.memref_slice %arg3[%dma_start3A_632, %dma_start3A_633] : memref<100000x64xf32, #tpu.memory_space<hbm>> -> memref<100000x64xf32, #tpu.memory_space<hbm>>
      tpu.enqueue_indirect_dma source(%dma_start3A_634 : memref<100000x64xf32, #tpu.memory_space<hbm>>) target(%arg10 : memref<128x64xf32, #tpu.memory_space<vmem>>) offsets(%arg6 : memref<128xi32, #tpu.memory_space<vmem>>) semaphore(%arg16 : memref<!tpu.dma_semaphore, #tpu.memory_space<semaphore_mem>>)
      %dma_wait3A_635 = arith.constant 0 : i32
      %dma_wait3A_636 = arith.constant 0 : i32
      %dma_wait3A_637 = tpu.memref_slice %arg3[%dma_wait3A_635, %dma_wait3A_636] : memref<100000x64xf32, #tpu.memory_space<hbm>> -> memref<100000x64xf32, #tpu.memory_space<hbm>>
      tpu.wait_indirect_dma semaphore(%arg18 : memref<!tpu.dma_semaphore, #tpu.memory_space<semaphore_mem>>) src(%dma_wait3A_637 : memref<100000x64xf32, #tpu.memory_space<hbm>>) dst(%arg12 : memref<128x64xf32, #tpu.memory_space<vmem>>)
      %ge3A_638 = arith.constant 2 : i32
      %ge3A_639 = arith.cmpi sge, %add3A_573, %ge3A_638 : i32
      %convert_element_type3A_640 = arith.extui %ge3A_639 : i1 to i32
      %cond3A_641 = arith.constant 0 : i32
      %cond3A_642 = arith.cmpi ne, %convert_element_type3A_640, %cond3A_641 : i32
      scf.if %cond3A_642 {
        %dma_wait3A_759 = arith.constant 0 : i32
        %dma_wait3A_760 = arith.constant 0 : i32
        %dma_wait3A_761 = arith.constant 0 : i32
        %dma_wait3A_762 = tpu.memref_slice %arg14[%dma_wait3A_759, %dma_wait3A_760, %dma_wait3A_761] : memref<8x8x129xf32, #tpu.memory_space<vmem>> -> memref<8x8x128xf32, #tpu.memory_space<vmem>>
        %dma_wait3A_763 = arith.constant 0 : i32
        %dma_wait3A_764 = arith.constant 0 : i32
        %dma_wait3A_765 = arith.constant 0 : i32
        %dma_wait3A_766 = tpu.memref_slice %arg4[%add3A_573, %dma_wait3A_763, %add3A, %dma_wait3A_764, %dma_wait3A_765] : memref<50x8x32x8x128xf32, #tpu.memory_space<hbm>> -> memref<1x8x1x8x128xf32, #tpu.memory_space<hbm>>
        %dma_wait3A_767 = tpu.memref_squeeze %dma_wait3A_766 : memref<1x8x1x8x128xf32, #tpu.memory_space<hbm>> -> memref<8x8x128xf32, #tpu.memory_space<hbm>>
        %dma_wait3A_768 = arith.constant 0 : i32
        %dma_wait3A_769 = arith.constant 0 : i32
        %dma_wait3A_770 = arith.constant 0 : i32
        %dma_wait3A_771 = tpu.memref_slice %arg4[%add3A_573, %dma_wait3A_768, %add3A, %dma_wait3A_769, %dma_wait3A_770] : memref<50x8x32x8x128xf32, #tpu.memory_space<hbm>> -> memref<1x8x1x8x128xf32, #tpu.memory_space<hbm>>
        %dma_wait3A_772 = tpu.memref_squeeze %dma_wait3A_771 : memref<1x8x1x8x128xf32, #tpu.memory_space<hbm>> -> memref<8x8x128xf32, #tpu.memory_space<hbm>>
        %dma_wait3A_773 = arith.constant 0 : i32
        %dma_wait3A_774 = arith.constant 0 : i32
        %dma_wait3A_775 = arith.constant 0 : i32
        %dma_wait3A_776 = tpu.memref_slice %arg14[%dma_wait3A_773, %dma_wait3A_774, %dma_wait3A_775] : memref<8x8x129xf32, #tpu.memory_space<vmem>> -> memref<8x8x128xf32, #tpu.memory_space<vmem>>
        tpu.wait_dma2 semaphore(%arg20 : memref<!tpu.dma_semaphore, #tpu.memory_space<semaphore_mem>>) src(%dma_wait3A_776 : memref<8x8x128xf32, #tpu.memory_space<vmem>>) dst(%dma_wait3A_772 : memref<8x8x128xf32, #tpu.memory_space<hbm>>)
      } else {
      }
      %parallel_loop3A_643 = arith.constant 0 : i32
      %parallel_loop3A_644 = arith.constant 128 : i32
      %parallel_loop3A_645 = arith.constant 1 : i32
      scf.for %parallel_loop3A_759 = %parallel_loop3A_643 to %parallel_loop3A_644 step %parallel_loop3A_645  : i32 {
        %parallel_loop3A_760 = arith.constant 0 : i32
        %parallel_loop3A_761 = vector.broadcast %parallel_loop3A_760 : i32 to vector<16xi32>
        %parallel_loop3A_762 = vector.broadcast %parallel_loop3A_759 : i32 to vector<16xi32>
        %parallel_loop3A_763 = arith.addi %parallel_loop3A_761, %parallel_loop3A_762 : vector<16xi32>
        %parallel_loop3A_764 = arith.index_cast %parallel_loop3A_759 : i32 to index
        %parallel_loop3A_765 = arith.constant 0 : index
        %parallel_loop3A_766 = tpu.vector_load %arg12[%parallel_loop3A_764, %parallel_loop3A_765] {strides = array<i32>} : memref<128x64xf32, #tpu.memory_space<vmem>>, vector<16xf32>,
        tpu.vector_store_idx %arg14[%add3A_31, %select_n3A_153, %parallel_loop3A_763], %parallel_loop3A_766 : memref<8x8x129xf32, #tpu.memory_space<vmem>>[vector<16xi32>, vector<16xi32>, vector<16xi32>], vector<16xf32>,
        %parallel_loop3A_767 = arith.index_cast %parallel_loop3A_759 : i32 to index
        %parallel_loop3A_768 = arith.constant 16 : index
        %parallel_loop3A_769 = tpu.vector_load %arg12[%parallel_loop3A_767, %parallel_loop3A_768] {strides = array<i32>} : memref<128x64xf32, #tpu.memory_space<vmem>>, vector<16xf32>,
        tpu.vector_store_idx %arg14[%add3A_65, %select_n3A_153, %parallel_loop3A_763], %parallel_loop3A_769 : memref<8x8x129xf32, #tpu.memory_space<vmem>>[vector<16xi32>, vector<16xi32>, vector<16xi32>], vector<16xf32>,
        %parallel_loop3A_770 = arith.index_cast %parallel_loop3A_759 : i32 to index
        %parallel_loop3A_771 = arith.constant 32 : index
        %parallel_loop3A_772 = tpu.vector_load %arg12[%parallel_loop3A_770, %parallel_loop3A_771] {strides = array<i32>} : memref<128x64xf32, #tpu.memory_space<vmem>>, vector<16xf32>,
        tpu.vector_store_idx %arg14[%add3A_99, %select_n3A_153, %parallel_loop3A_763], %parallel_loop3A_772 : memref<8x8x129xf32, #tpu.memory_space<vmem>>[vector<16xi32>, vector<16xi32>, vector<16xi32>], vector<16xf32>,
        %parallel_loop3A_773 = arith.index_cast %parallel_loop3A_759 : i32 to index
        %parallel_loop3A_774 = arith.constant 48 : index
        %parallel_loop3A_775 = tpu.vector_load %arg12[%parallel_loop3A_773, %parallel_loop3A_774] {strides = array<i32>} : memref<128x64xf32, #tpu.memory_space<vmem>>, vector<16xf32>,
        tpu.vector_store_idx %arg14[%add3A_133, %select_n3A_153, %parallel_loop3A_763], %parallel_loop3A_775 : memref<8x8x129xf32, #tpu.memory_space<vmem>>[vector<16xi32>, vector<16xi32>, vector<16xi32>], vector<16xf32>,
      } {sc.loop_unroll_factor = 16 : i64, sc.parallel_access}
      %dma_start3A_646 = arith.constant 0 : i32
      %dma_start3A_647 = arith.constant 0 : i32
      %dma_start3A_648 = arith.constant 0 : i32
      %dma_start3A_649 = tpu.memref_slice %arg14[%dma_start3A_646, %dma_start3A_647, %dma_start3A_648] : memref<8x8x129xf32, #tpu.memory_space<vmem>> -> memref<8x8x128xf32, #tpu.memory_space<vmem>>
      %dma_start3A_650 = arith.constant 0 : i32
      %dma_start3A_651 = arith.constant 0 : i32
      %dma_start3A_652 = arith.constant 0 : i32
      %dma_start3A_653 = tpu.memref_slice %arg4[%add3A_573, %dma_start3A_650, %add3A, %dma_start3A_651, %dma_start3A_652] : memref<50x8x32x8x128xf32, #tpu.memory_space<hbm>> -> memref<1x8x1x8x128xf32, #tpu.memory_space<hbm>>
      %dma_start3A_654 = tpu.memref_squeeze %dma_start3A_653 : memref<1x8x1x8x128xf32, #tpu.memory_space<hbm>> -> memref<8x8x128xf32, #tpu.memory_space<hbm>>
      %dma_start3A_655 = arith.constant 0 : i32
      %dma_start3A_656 = arith.constant 0 : i32
      %dma_start3A_657 = arith.constant 0 : i32
      %dma_start3A_658 = tpu.memref_slice %arg4[%add3A_573, %dma_start3A_655, %add3A, %dma_start3A_656, %dma_start3A_657] : memref<50x8x32x8x128xf32, #tpu.memory_space<hbm>> -> memref<1x8x1x8x128xf32, #tpu.memory_space<hbm>>
      %dma_start3A_659 = tpu.memref_squeeze %dma_start3A_658 : memref<1x8x1x8x128xf32, #tpu.memory_space<hbm>> -> memref<8x8x128xf32, #tpu.memory_space<hbm>>
      %dma_start3A_660 = arith.constant 0 : i32
      %dma_start3A_661 = arith.constant 0 : i32
      %dma_start3A_662 = arith.constant 0 : i32
      %dma_start3A_663 = tpu.memref_slice %arg14[%dma_start3A_660, %dma_start3A_661, %dma_start3A_662] : memref<8x8x129xf32, #tpu.memory_space<vmem>> -> memref<8x8x128xf32, #tpu.memory_space<vmem>>
      tpu.enqueue_dma source(%dma_start3A_663 : memref<8x8x128xf32, #tpu.memory_space<vmem>>) target(%dma_start3A_659 : memref<8x8x128xf32, #tpu.memory_space<hbm>>) target_semaphore(%arg20 : memref<!tpu.dma_semaphore, #tpu.memory_space<semaphore_mem>>)
      %mul3A_664 = arith.constant 4 : i32
      %mul3A_665 = arith.muli %scan3A_383, %mul3A_664 : i32
      %add3A_666 = arith.constant 3 : i32
      %add3A_667 = arith.addi %mul3A_665, %add3A_666 : i32
      %add3A_668 = arith.constant 2 : i32
      %add3A_669 = arith.addi %add3A_667, %add3A_668 : i32
      %add3A_670 = arith.constant 0 : i32
      %add3A_671 = arith.addi %add3A_670, %add3A_669 : i32
      %add3A_672 = vector.broadcast %add3A_671 : i32 to vector<16xi32>
      %add3A_673 = arith.addi %mul3A_5, %add3A_672 : vector<16xi32>
      %gather3A_674 = tpu.vector_load_idx %arg5[%add3A_673] : memref<6400xi32, #tpu.memory_space<vmem>>[vector<16xi32>], vector<16xi32>,
      %swap3A_675 = arith.constant 0 : index
      %swap3A_676 = tpu.vector_load %arg7[%swap3A_675] {strides = array<i32>} : memref<128xi32, #tpu.memory_space<vmem>>, vector<16xi32>,
      tpu.vector_store %arg7[%swap3A_675], %gather3A_674 {strides = array<i32>} : memref<128xi32, #tpu.memory_space<vmem>>, vector<16xi32>,
      %add3A_677 = arith.constant 800 : i32
      %add3A_678 = arith.addi %add3A_677, %add3A_669 : i32
      %add3A_679 = vector.broadcast %add3A_678 : i32 to vector<16xi32>
      %add3A_680 = arith.addi %mul3A_5, %add3A_679 : vector<16xi32>
      %gather3A_681 = tpu.vector_load_idx %arg5[%add3A_680] : memref<6400xi32, #tpu.memory_space<vmem>>[vector<16xi32>], vector<16xi32>,
      %swap3A_682 = arith.constant 16 : index
      %swap3A_683 = tpu.vector_load %arg7[%swap3A_682] {strides = array<i32>} : memref<128xi32, #tpu.memory_space<vmem>>, vector<16xi32>,
      tpu.vector_store %arg7[%swap3A_682], %gather3A_681 {strides = array<i32>} : memref<128xi32, #tpu.memory_space<vmem>>, vector<16xi32>,
      %add3A_684 = arith.constant 1600 : i32
      %add3A_685 = arith.addi %add3A_684, %add3A_669 : i32
      %add3A_686 = vector.broadcast %add3A_685 : i32 to vector<16xi32>
      %add3A_687 = arith.addi %mul3A_5, %add3A_686 : vector<16xi32>
      %gather3A_688 = tpu.vector_load_idx %arg5[%add3A_687] : memref<6400xi32, #tpu.memory_space<vmem>>[vector<16xi32>], vector<16xi32>,
      %swap3A_689 = arith.constant 32 : index
      %swap3A_690 = tpu.vector_load %arg7[%swap3A_689] {strides = array<i32>} : memref<128xi32, #tpu.memory_space<vmem>>, vector<16xi32>,
      tpu.vector_store %arg7[%swap3A_689], %gather3A_688 {strides = array<i32>} : memref<128xi32, #tpu.memory_space<vmem>>, vector<16xi32>,
      %add3A_691 = arith.constant 2400 : i32
      %add3A_692 = arith.addi %add3A_691, %add3A_669 : i32
      %add3A_693 = vector.broadcast %add3A_692 : i32 to vector<16xi32>
      %add3A_694 = arith.addi %mul3A_5, %add3A_693 : vector<16xi32>
      %gather3A_695 = tpu.vector_load_idx %arg5[%add3A_694] : memref<6400xi32, #tpu.memory_space<vmem>>[vector<16xi32>], vector<16xi32>,
      %swap3A_696 = arith.constant 48 : index
      %swap3A_697 = tpu.vector_load %arg7[%swap3A_696] {strides = array<i32>} : memref<128xi32, #tpu.memory_space<vmem>>, vector<16xi32>,
      tpu.vector_store %arg7[%swap3A_696], %gather3A_695 {strides = array<i32>} : memref<128xi32, #tpu.memory_space<vmem>>, vector<16xi32>,
      %add3A_698 = arith.constant 3200 : i32
      %add3A_699 = arith.addi %add3A_698, %add3A_669 : i32
      %add3A_700 = vector.broadcast %add3A_699 : i32 to vector<16xi32>
      %add3A_701 = arith.addi %mul3A_5, %add3A_700 : vector<16xi32>
      %gather3A_702 = tpu.vector_load_idx %arg5[%add3A_701] : memref<6400xi32, #tpu.memory_space<vmem>>[vector<16xi32>], vector<16xi32>,
      %swap3A_703 = arith.constant 64 : index
      %swap3A_704 = tpu.vector_load %arg7[%swap3A_703] {strides = array<i32>} : memref<128xi32, #tpu.memory_space<vmem>>, vector<16xi32>,
      tpu.vector_store %arg7[%swap3A_703], %gather3A_702 {strides = array<i32>} : memref<128xi32, #tpu.memory_space<vmem>>, vector<16xi32>,
      %add3A_705 = arith.constant 4000 : i32
      %add3A_706 = arith.addi %add3A_705, %add3A_669 : i32
      %add3A_707 = vector.broadcast %add3A_706 : i32 to vector<16xi32>
      %add3A_708 = arith.addi %mul3A_5, %add3A_707 : vector<16xi32>
      %gather3A_709 = tpu.vector_load_idx %arg5[%add3A_708] : memref<6400xi32, #tpu.memory_space<vmem>>[vector<16xi32>], vector<16xi32>,
      %swap3A_710 = arith.constant 80 : index
      %swap3A_711 = tpu.vector_load %arg7[%swap3A_710] {strides = array<i32>} : memref<128xi32, #tpu.memory_space<vmem>>, vector<16xi32>,
      tpu.vector_store %arg7[%swap3A_710], %gather3A_709 {strides = array<i32>} : memref<128xi32, #tpu.memory_space<vmem>>, vector<16xi32>,
      %add3A_712 = arith.constant 4800 : i32
      %add3A_713 = arith.addi %add3A_712, %add3A_669 : i32
      %add3A_714 = vector.broadcast %add3A_713 : i32 to vector<16xi32>
      %add3A_715 = arith.addi %mul3A_5, %add3A_714 : vector<16xi32>
      %gather3A_716 = tpu.vector_load_idx %arg5[%add3A_715] : memref<6400xi32, #tpu.memory_space<vmem>>[vector<16xi32>], vector<16xi32>,
      %swap3A_717 = arith.constant 96 : index
      %swap3A_718 = tpu.vector_load %arg7[%swap3A_717] {strides = array<i32>} : memref<128xi32, #tpu.memory_space<vmem>>, vector<16xi32>,
      tpu.vector_store %arg7[%swap3A_717], %gather3A_716 {strides = array<i32>} : memref<128xi32, #tpu.memory_space<vmem>>, vector<16xi32>,
      %add3A_719 = arith.constant 5600 : i32
      %add3A_720 = arith.addi %add3A_719, %add3A_669 : i32
      %add3A_721 = vector.broadcast %add3A_720 : i32 to vector<16xi32>
      %add3A_722 = arith.addi %mul3A_5, %add3A_721 : vector<16xi32>
      %gather3A_723 = tpu.vector_load_idx %arg5[%add3A_722] : memref<6400xi32, #tpu.memory_space<vmem>>[vector<16xi32>], vector<16xi32>,
      %swap3A_724 = arith.constant 112 : index
      %swap3A_725 = tpu.vector_load %arg7[%swap3A_724] {strides = array<i32>} : memref<128xi32, #tpu.memory_space<vmem>>, vector<16xi32>,
      tpu.vector_store %arg7[%swap3A_724], %gather3A_723 {strides = array<i32>} : memref<128xi32, #tpu.memory_space<vmem>>, vector<16xi32>,
      %dma_start3A_726 = arith.constant 0 : i32
      %dma_start3A_727 = arith.constant 0 : i32
      %dma_start3A_728 = tpu.memref_slice %arg3[%dma_start3A_726, %dma_start3A_727] : memref<100000x64xf32, #tpu.memory_space<hbm>> -> memref<100000x64xf32, #tpu.memory_space<hbm>>
      tpu.enqueue_indirect_dma source(%dma_start3A_728 : memref<100000x64xf32, #tpu.memory_space<hbm>>) target(%arg11 : memref<128x64xf32, #tpu.memory_space<vmem>>) offsets(%arg7 : memref<128xi32, #tpu.memory_space<vmem>>) semaphore(%arg17 : memref<!tpu.dma_semaphore, #tpu.memory_space<semaphore_mem>>)
      %dma_wait3A_729 = arith.constant 0 : i32
      %dma_wait3A_730 = arith.constant 0 : i32
      %dma_wait3A_731 = tpu.memref_slice %arg3[%dma_wait3A_729, %dma_wait3A_730] : memref<100000x64xf32, #tpu.memory_space<hbm>> -> memref<100000x64xf32, #tpu.memory_space<hbm>>
      tpu.wait_indirect_dma semaphore(%arg19 : memref<!tpu.dma_semaphore, #tpu.memory_space<semaphore_mem>>) src(%dma_wait3A_731 : memref<100000x64xf32, #tpu.memory_space<hbm>>) dst(%arg13 : memref<128x64xf32, #tpu.memory_space<vmem>>)
      %ge3A_732 = arith.constant 2 : i32
      %ge3A_733 = arith.cmpi sge, %add3A_667, %ge3A_732 : i32
      %convert_element_type3A_734 = arith.extui %ge3A_733 : i1 to i32
      %cond3A_735 = arith.constant 0 : i32
      %cond3A_736 = arith.cmpi ne, %convert_element_type3A_734, %cond3A_735 : i32
      scf.if %cond3A_736 {
        %dma_wait3A_759 = arith.constant 0 : i32
        %dma_wait3A_760 = arith.constant 0 : i32
        %dma_wait3A_761 = arith.constant 0 : i32
        %dma_wait3A_762 = tpu.memref_slice %arg15[%dma_wait3A_759, %dma_wait3A_760, %dma_wait3A_761] : memref<8x8x129xf32, #tpu.memory_space<vmem>> -> memref<8x8x128xf32, #tpu.memory_space<vmem>>
        %dma_wait3A_763 = arith.constant 0 : i32
        %dma_wait3A_764 = arith.constant 0 : i32
        %dma_wait3A_765 = arith.constant 0 : i32
        %dma_wait3A_766 = tpu.memref_slice %arg4[%add3A_667, %dma_wait3A_763, %add3A, %dma_wait3A_764, %dma_wait3A_765] : memref<50x8x32x8x128xf32, #tpu.memory_space<hbm>> -> memref<1x8x1x8x128xf32, #tpu.memory_space<hbm>>
        %dma_wait3A_767 = tpu.memref_squeeze %dma_wait3A_766 : memref<1x8x1x8x128xf32, #tpu.memory_space<hbm>> -> memref<8x8x128xf32, #tpu.memory_space<hbm>>
        %dma_wait3A_768 = arith.constant 0 : i32
        %dma_wait3A_769 = arith.constant 0 : i32
        %dma_wait3A_770 = arith.constant 0 : i32
        %dma_wait3A_771 = tpu.memref_slice %arg4[%add3A_667, %dma_wait3A_768, %add3A, %dma_wait3A_769, %dma_wait3A_770] : memref<50x8x32x8x128xf32, #tpu.memory_space<hbm>> -> memref<1x8x1x8x128xf32, #tpu.memory_space<hbm>>
        %dma_wait3A_772 = tpu.memref_squeeze %dma_wait3A_771 : memref<1x8x1x8x128xf32, #tpu.memory_space<hbm>> -> memref<8x8x128xf32, #tpu.memory_space<hbm>>
        %dma_wait3A_773 = arith.constant 0 : i32
        %dma_wait3A_774 = arith.constant 0 : i32
        %dma_wait3A_775 = arith.constant 0 : i32
        %dma_wait3A_776 = tpu.memref_slice %arg15[%dma_wait3A_773, %dma_wait3A_774, %dma_wait3A_775] : memref<8x8x129xf32, #tpu.memory_space<vmem>> -> memref<8x8x128xf32, #tpu.memory_space<vmem>>
        tpu.wait_dma2 semaphore(%arg21 : memref<!tpu.dma_semaphore, #tpu.memory_space<semaphore_mem>>) src(%dma_wait3A_776 : memref<8x8x128xf32, #tpu.memory_space<vmem>>) dst(%dma_wait3A_772 : memref<8x8x128xf32, #tpu.memory_space<hbm>>)
      } else {
      }
      %parallel_loop3A_737 = arith.constant 0 : i32
      %parallel_loop3A_738 = arith.constant 128 : i32
      %parallel_loop3A_739 = arith.constant 1 : i32
      scf.for %parallel_loop3A_759 = %parallel_loop3A_737 to %parallel_loop3A_738 step %parallel_loop3A_739  : i32 {
        %parallel_loop3A_760 = arith.constant 0 : i32
        %parallel_loop3A_761 = vector.broadcast %parallel_loop3A_760 : i32 to vector<16xi32>
        %parallel_loop3A_762 = vector.broadcast %parallel_loop3A_759 : i32 to vector<16xi32>
        %parallel_loop3A_763 = arith.addi %parallel_loop3A_761, %parallel_loop3A_762 : vector<16xi32>
        %parallel_loop3A_764 = arith.index_cast %parallel_loop3A_759 : i32 to index
        %parallel_loop3A_765 = arith.constant 0 : index
        %parallel_loop3A_766 = tpu.vector_load %arg13[%parallel_loop3A_764, %parallel_loop3A_765] {strides = array<i32>} : memref<128x64xf32, #tpu.memory_space<vmem>>, vector<16xf32>,
        tpu.vector_store_idx %arg15[%add3A_31, %select_n3A_153, %parallel_loop3A_763], %parallel_loop3A_766 : memref<8x8x129xf32, #tpu.memory_space<vmem>>[vector<16xi32>, vector<16xi32>, vector<16xi32>], vector<16xf32>,
        %parallel_loop3A_767 = arith.index_cast %parallel_loop3A_759 : i32 to index
        %parallel_loop3A_768 = arith.constant 16 : index
        %parallel_loop3A_769 = tpu.vector_load %arg13[%parallel_loop3A_767, %parallel_loop3A_768] {strides = array<i32>} : memref<128x64xf32, #tpu.memory_space<vmem>>, vector<16xf32>,
        tpu.vector_store_idx %arg15[%add3A_65, %select_n3A_153, %parallel_loop3A_763], %parallel_loop3A_769 : memref<8x8x129xf32, #tpu.memory_space<vmem>>[vector<16xi32>, vector<16xi32>, vector<16xi32>], vector<16xf32>,
        %parallel_loop3A_770 = arith.index_cast %parallel_loop3A_759 : i32 to index
        %parallel_loop3A_771 = arith.constant 32 : index
        %parallel_loop3A_772 = tpu.vector_load %arg13[%parallel_loop3A_770, %parallel_loop3A_771] {strides = array<i32>} : memref<128x64xf32, #tpu.memory_space<vmem>>, vector<16xf32>,
        tpu.vector_store_idx %arg15[%add3A_99, %select_n3A_153, %parallel_loop3A_763], %parallel_loop3A_772 : memref<8x8x129xf32, #tpu.memory_space<vmem>>[vector<16xi32>, vector<16xi32>, vector<16xi32>], vector<16xf32>,
        %parallel_loop3A_773 = arith.index_cast %parallel_loop3A_759 : i32 to index
        %parallel_loop3A_774 = arith.constant 48 : index
        %parallel_loop3A_775 = tpu.vector_load %arg13[%parallel_loop3A_773, %parallel_loop3A_774] {strides = array<i32>} : memref<128x64xf32, #tpu.memory_space<vmem>>, vector<16xf32>,
        tpu.vector_store_idx %arg15[%add3A_133, %select_n3A_153, %parallel_loop3A_763], %parallel_loop3A_775 : memref<8x8x129xf32, #tpu.memory_space<vmem>>[vector<16xi32>, vector<16xi32>, vector<16xi32>], vector<16xf32>,
      } {sc.loop_unroll_factor = 16 : i64, sc.parallel_access}
      %dma_start3A_740 = arith.constant 0 : i32
      %dma_start3A_741 = arith.constant 0 : i32
      %dma_start3A_742 = arith.constant 0 : i32
      %dma_start3A_743 = tpu.memref_slice %arg15[%dma_start3A_740, %dma_start3A_741, %dma_start3A_742] : memref<8x8x129xf32, #tpu.memory_space<vmem>> -> memref<8x8x128xf32, #tpu.memory_space<vmem>>
      %dma_start3A_744 = arith.constant 0 : i32
      %dma_start3A_745 = arith.constant 0 : i32
      %dma_start3A_746 = arith.constant 0 : i32
      %dma_start3A_747 = tpu.memref_slice %arg4[%add3A_667, %dma_start3A_744, %add3A, %dma_start3A_745, %dma_start3A_746] : memref<50x8x32x8x128xf32, #tpu.memory_space<hbm>> -> memref<1x8x1x8x128xf32, #tpu.memory_space<hbm>>
      %dma_start3A_748 = tpu.memref_squeeze %dma_start3A_747 : memref<1x8x1x8x128xf32, #tpu.memory_space<hbm>> -> memref<8x8x128xf32, #tpu.memory_space<hbm>>
      %dma_start3A_749 = arith.constant 0 : i32
      %dma_start3A_750 = arith.constant 0 : i32
      %dma_start3A_751 = arith.constant 0 : i32
      %dma_start3A_752 = tpu.memref_slice %arg4[%add3A_667, %dma_start3A_749, %add3A, %dma_start3A_750, %dma_start3A_751] : memref<50x8x32x8x128xf32, #tpu.memory_space<hbm>> -> memref<1x8x1x8x128xf32, #tpu.memory_space<hbm>>
      %dma_start3A_753 = tpu.memref_squeeze %dma_start3A_752 : memref<1x8x1x8x128xf32, #tpu.memory_space<hbm>> -> memref<8x8x128xf32, #tpu.memory_space<hbm>>
      %dma_start3A_754 = arith.constant 0 : i32
      %dma_start3A_755 = arith.constant 0 : i32
      %dma_start3A_756 = arith.constant 0 : i32
      %dma_start3A_757 = tpu.memref_slice %arg15[%dma_start3A_754, %dma_start3A_755, %dma_start3A_756] : memref<8x8x129xf32, #tpu.memory_space<vmem>> -> memref<8x8x128xf32, #tpu.memory_space<vmem>>
      tpu.enqueue_dma source(%dma_start3A_757 : memref<8x8x128xf32, #tpu.memory_space<vmem>>) target(%dma_start3A_753 : memref<8x8x128xf32, #tpu.memory_space<hbm>>) target_semaphore(%arg21 : memref<!tpu.dma_semaphore, #tpu.memory_space<semaphore_mem>>)
      %scan3A_758 = arith.constant 0 : i32
      scf.yield %scan3A_758 : i32
    }
    %scan3A_258 = arith.constant 12 : i32
    %dma_wait3A = arith.constant 0 : i32
    %dma_wait3A_259 = arith.constant 0 : i32
    %dma_wait3A_260 = tpu.memref_slice %arg3[%dma_wait3A, %dma_wait3A_259] : memref<100000x64xf32, #tpu.memory_space<hbm>> -> memref<100000x64xf32, #tpu.memory_space<hbm>>
    tpu.wait_indirect_dma semaphore(%arg16 : memref<!tpu.dma_semaphore, #tpu.memory_space<semaphore_mem>>) src(%dma_wait3A_260 : memref<100000x64xf32, #tpu.memory_space<hbm>>) dst(%arg10 : memref<128x64xf32, #tpu.memory_space<vmem>>)
    %dma_wait3A_261 = arith.constant 48 : i32
    %dma_wait3A_262 = arith.constant 0 : i32
    %dma_wait3A_263 = arith.constant 0 : i32
    %dma_wait3A_264 = arith.constant 0 : i32
    %dma_wait3A_265 = tpu.memref_slice %arg14[%dma_wait3A_262, %dma_wait3A_263, %dma_wait3A_264] : memref<8x8x129xf32, #tpu.memory_space<vmem>> -> memref<8x8x128xf32, #tpu.memory_space<vmem>>
    %dma_wait3A_266 = arith.constant 0 : i32
    %dma_wait3A_267 = arith.constant 0 : i32
    %dma_wait3A_268 = arith.constant 0 : i32
    %dma_wait3A_269 = tpu.memref_slice %arg4[%dma_wait3A_261, %dma_wait3A_266, %add3A, %dma_wait3A_267, %dma_wait3A_268] : memref<50x8x32x8x128xf32, #tpu.memory_space<hbm>> -> memref<1x8x1x8x128xf32, #tpu.memory_space<hbm>>
    %dma_wait3A_270 = tpu.memref_squeeze %dma_wait3A_269 : memref<1x8x1x8x128xf32, #tpu.memory_space<hbm>> -> memref<8x8x128xf32, #tpu.memory_space<hbm>>
    %dma_wait3A_271 = arith.constant 0 : i32
    %dma_wait3A_272 = arith.constant 0 : i32
    %dma_wait3A_273 = arith.constant 0 : i32
    %dma_wait3A_274 = tpu.memref_slice %arg4[%dma_wait3A_261, %dma_wait3A_271, %add3A, %dma_wait3A_272, %dma_wait3A_273] : memref<50x8x32x8x128xf32, #tpu.memory_space<hbm>> -> memref<1x8x1x8x128xf32, #tpu.memory_space<hbm>>
    %dma_wait3A_275 = tpu.memref_squeeze %dma_wait3A_274 : memref<1x8x1x8x128xf32, #tpu.memory_space<hbm>> -> memref<8x8x128xf32, #tpu.memory_space<hbm>>
    %dma_wait3A_276 = arith.constant 0 : i32
    %dma_wait3A_277 = arith.constant 0 : i32
    %dma_wait3A_278 = arith.constant 0 : i32
    %dma_wait3A_279 = tpu.memref_slice %arg14[%dma_wait3A_276, %dma_wait3A_277, %dma_wait3A_278] : memref<8x8x129xf32, #tpu.memory_space<vmem>> -> memref<8x8x128xf32, #tpu.memory_space<vmem>>
    tpu.wait_dma2 semaphore(%arg20 : memref<!tpu.dma_semaphore, #tpu.memory_space<semaphore_mem>>) src(%dma_wait3A_279 : memref<8x8x128xf32, #tpu.memory_space<vmem>>) dst(%dma_wait3A_275 : memref<8x8x128xf32, #tpu.memory_space<hbm>>)
    %parallel_loop3A = arith.constant 0 : i32
    %parallel_loop3A_280 = arith.constant 128 : i32
    %parallel_loop3A_281 = arith.constant 1 : i32
    scf.for %parallel_loop3A_383 = %parallel_loop3A to %parallel_loop3A_280 step %parallel_loop3A_281  : i32 {
      %parallel_loop3A_384 = arith.constant 0 : i32
      %parallel_loop3A_385 = vector.broadcast %parallel_loop3A_384 : i32 to vector<16xi32>
      %parallel_loop3A_386 = vector.broadcast %parallel_loop3A_383 : i32 to vector<16xi32>
      %parallel_loop3A_387 = arith.addi %parallel_loop3A_385, %parallel_loop3A_386 : vector<16xi32>
      %parallel_loop3A_388 = arith.index_cast %parallel_loop3A_383 : i32 to index
      %parallel_loop3A_389 = arith.constant 0 : index
      %parallel_loop3A_390 = tpu.vector_load %arg10[%parallel_loop3A_388, %parallel_loop3A_389] {strides = array<i32>} : memref<128x64xf32, #tpu.memory_space<vmem>>, vector<16xf32>,
      tpu.vector_store_idx %arg14[%add3A_31, %select_n3A_153, %parallel_loop3A_387], %parallel_loop3A_390 : memref<8x8x129xf32, #tpu.memory_space<vmem>>[vector<16xi32>, vector<16xi32>, vector<16xi32>], vector<16xf32>,
      %parallel_loop3A_391 = arith.index_cast %parallel_loop3A_383 : i32 to index
      %parallel_loop3A_392 = arith.constant 16 : index
      %parallel_loop3A_393 = tpu.vector_load %arg10[%parallel_loop3A_391, %parallel_loop3A_392] {strides = array<i32>} : memref<128x64xf32, #tpu.memory_space<vmem>>, vector<16xf32>,
      tpu.vector_store_idx %arg14[%add3A_65, %select_n3A_153, %parallel_loop3A_387], %parallel_loop3A_393 : memref<8x8x129xf32, #tpu.memory_space<vmem>>[vector<16xi32>, vector<16xi32>, vector<16xi32>], vector<16xf32>,
      %parallel_loop3A_394 = arith.index_cast %parallel_loop3A_383 : i32 to index
      %parallel_loop3A_395 = arith.constant 32 : index
      %parallel_loop3A_396 = tpu.vector_load %arg10[%parallel_loop3A_394, %parallel_loop3A_395] {strides = array<i32>} : memref<128x64xf32, #tpu.memory_space<vmem>>, vector<16xf32>,
      tpu.vector_store_idx %arg14[%add3A_99, %select_n3A_153, %parallel_loop3A_387], %parallel_loop3A_396 : memref<8x8x129xf32, #tpu.memory_space<vmem>>[vector<16xi32>, vector<16xi32>, vector<16xi32>], vector<16xf32>,
      %parallel_loop3A_397 = arith.index_cast %parallel_loop3A_383 : i32 to index
      %parallel_loop3A_398 = arith.constant 48 : index
      %parallel_loop3A_399 = tpu.vector_load %arg10[%parallel_loop3A_397, %parallel_loop3A_398] {strides = array<i32>} : memref<128x64xf32, #tpu.memory_space<vmem>>, vector<16xf32>,
      tpu.vector_store_idx %arg14[%add3A_133, %select_n3A_153, %parallel_loop3A_387], %parallel_loop3A_399 : memref<8x8x129xf32, #tpu.memory_space<vmem>>[vector<16xi32>, vector<16xi32>, vector<16xi32>], vector<16xf32>,
    } {sc.loop_unroll_factor = 16 : i64, sc.parallel_access}
    %dma_start3A_282 = arith.constant 48 : i32
    %dma_start3A_283 = arith.constant 0 : i32
    %dma_start3A_284 = arith.constant 0 : i32
    %dma_start3A_285 = arith.constant 0 : i32
    %dma_start3A_286 = tpu.memref_slice %arg14[%dma_start3A_283, %dma_start3A_284, %dma_start3A_285] : memref<8x8x129xf32, #tpu.memory_space<vmem>> -> memref<8x8x128xf32, #tpu.memory_space<vmem>>
    %dma_start3A_287 = arith.constant 0 : i32
    %dma_start3A_288 = arith.constant 0 : i32
    %dma_start3A_289 = arith.constant 0 : i32
    %dma_start3A_290 = tpu.memref_slice %arg4[%dma_start3A_282, %dma_start3A_287, %add3A, %dma_start3A_288, %dma_start3A_289] : memref<50x8x32x8x128xf32, #tpu.memory_space<hbm>> -> memref<1x8x1x8x128xf32, #tpu.memory_space<hbm>>
    %dma_start3A_291 = tpu.memref_squeeze %dma_start3A_290 : memref<1x8x1x8x128xf32, #tpu.memory_space<hbm>> -> memref<8x8x128xf32, #tpu.memory_space<hbm>>
    %dma_start3A_292 = arith.constant 0 : i32
    %dma_start3A_293 = arith.constant 0 : i32
    %dma_start3A_294 = arith.constant 0 : i32
    %dma_start3A_295 = tpu.memref_slice %arg4[%dma_start3A_282, %dma_start3A_292, %add3A, %dma_start3A_293, %dma_start3A_294] : memref<50x8x32x8x128xf32, #tpu.memory_space<hbm>> -> memref<1x8x1x8x128xf32, #tpu.memory_space<hbm>>
    %dma_start3A_296 = tpu.memref_squeeze %dma_start3A_295 : memref<1x8x1x8x128xf32, #tpu.memory_space<hbm>> -> memref<8x8x128xf32, #tpu.memory_space<hbm>>
    %dma_start3A_297 = arith.constant 0 : i32
    %dma_start3A_298 = arith.constant 0 : i32
    %dma_start3A_299 = arith.constant 0 : i32
    %dma_start3A_300 = tpu.memref_slice %arg14[%dma_start3A_297, %dma_start3A_298, %dma_start3A_299] : memref<8x8x129xf32, #tpu.memory_space<vmem>> -> memref<8x8x128xf32, #tpu.memory_space<vmem>>
    tpu.enqueue_dma source(%dma_start3A_300 : memref<8x8x128xf32, #tpu.memory_space<vmem>>) target(%dma_start3A_296 : memref<8x8x128xf32, #tpu.memory_space<hbm>>) target_semaphore(%arg20 : memref<!tpu.dma_semaphore, #tpu.memory_space<semaphore_mem>>)
    %dma_wait3A_301 = arith.constant 0 : i32
    %dma_wait3A_302 = arith.constant 0 : i32
    %dma_wait3A_303 = tpu.memref_slice %arg3[%dma_wait3A_301, %dma_wait3A_302] : memref<100000x64xf32, #tpu.memory_space<hbm>> -> memref<100000x64xf32, #tpu.memory_space<hbm>>
    tpu.wait_indirect_dma semaphore(%arg17 : memref<!tpu.dma_semaphore, #tpu.memory_space<semaphore_mem>>) src(%dma_wait3A_303 : memref<100000x64xf32, #tpu.memory_space<hbm>>) dst(%arg11 : memref<128x64xf32, #tpu.memory_space<vmem>>)
    %dma_wait3A_304 = arith.constant 49 : i32
    %dma_wait3A_305 = arith.constant 0 : i32
    %dma_wait3A_306 = arith.constant 0 : i32
    %dma_wait3A_307 = arith.constant 0 : i32
    %dma_wait3A_308 = tpu.memref_slice %arg15[%dma_wait3A_305, %dma_wait3A_306, %dma_wait3A_307] : memref<8x8x129xf32, #tpu.memory_space<vmem>> -> memref<8x8x128xf32, #tpu.memory_space<vmem>>
    %dma_wait3A_309 = arith.constant 0 : i32
    %dma_wait3A_310 = arith.constant 0 : i32
    %dma_wait3A_311 = arith.constant 0 : i32
    %dma_wait3A_312 = tpu.memref_slice %arg4[%dma_wait3A_304, %dma_wait3A_309, %add3A, %dma_wait3A_310, %dma_wait3A_311] : memref<50x8x32x8x128xf32, #tpu.memory_space<hbm>> -> memref<1x8x1x8x128xf32, #tpu.memory_space<hbm>>
    %dma_wait3A_313 = tpu.memref_squeeze %dma_wait3A_312 : memref<1x8x1x8x128xf32, #tpu.memory_space<hbm>> -> memref<8x8x128xf32, #tpu.memory_space<hbm>>
    %dma_wait3A_314 = arith.constant 0 : i32
    %dma_wait3A_315 = arith.constant 0 : i32
    %dma_wait3A_316 = arith.constant 0 : i32
    %dma_wait3A_317 = tpu.memref_slice %arg4[%dma_wait3A_304, %dma_wait3A_314, %add3A, %dma_wait3A_315, %dma_wait3A_316] : memref<50x8x32x8x128xf32, #tpu.memory_space<hbm>> -> memref<1x8x1x8x128xf32, #tpu.memory_space<hbm>>
    %dma_wait3A_318 = tpu.memref_squeeze %dma_wait3A_317 : memref<1x8x1x8x128xf32, #tpu.memory_space<hbm>> -> memref<8x8x128xf32, #tpu.memory_space<hbm>>
    %dma_wait3A_319 = arith.constant 0 : i32
    %dma_wait3A_320 = arith.constant 0 : i32
    %dma_wait3A_321 = arith.constant 0 : i32
    %dma_wait3A_322 = tpu.memref_slice %arg15[%dma_wait3A_319, %dma_wait3A_320, %dma_wait3A_321] : memref<8x8x129xf32, #tpu.memory_space<vmem>> -> memref<8x8x128xf32, #tpu.memory_space<vmem>>
    tpu.wait_dma2 semaphore(%arg21 : memref<!tpu.dma_semaphore, #tpu.memory_space<semaphore_mem>>) src(%dma_wait3A_322 : memref<8x8x128xf32, #tpu.memory_space<vmem>>) dst(%dma_wait3A_318 : memref<8x8x128xf32, #tpu.memory_space<hbm>>)
    %parallel_loop3A_323 = arith.constant 0 : i32
    %parallel_loop3A_324 = arith.constant 128 : i32
    %parallel_loop3A_325 = arith.constant 1 : i32
    scf.for %parallel_loop3A_383 = %parallel_loop3A_323 to %parallel_loop3A_324 step %parallel_loop3A_325  : i32 {
      %parallel_loop3A_384 = arith.constant 0 : i32
      %parallel_loop3A_385 = vector.broadcast %parallel_loop3A_384 : i32 to vector<16xi32>
      %parallel_loop3A_386 = vector.broadcast %parallel_loop3A_383 : i32 to vector<16xi32>
      %parallel_loop3A_387 = arith.addi %parallel_loop3A_385, %parallel_loop3A_386 : vector<16xi32>
      %parallel_loop3A_388 = arith.index_cast %parallel_loop3A_383 : i32 to index
      %parallel_loop3A_389 = arith.constant 0 : index
      %parallel_loop3A_390 = tpu.vector_load %arg11[%parallel_loop3A_388, %parallel_loop3A_389] {strides = array<i32>} : memref<128x64xf32, #tpu.memory_space<vmem>>, vector<16xf32>,
      tpu.vector_store_idx %arg15[%add3A_31, %select_n3A_153, %parallel_loop3A_387], %parallel_loop3A_390 : memref<8x8x129xf32, #tpu.memory_space<vmem>>[vector<16xi32>, vector<16xi32>, vector<16xi32>], vector<16xf32>,
      %parallel_loop3A_391 = arith.index_cast %parallel_loop3A_383 : i32 to index
      %parallel_loop3A_392 = arith.constant 16 : index
      %parallel_loop3A_393 = tpu.vector_load %arg11[%parallel_loop3A_391, %parallel_loop3A_392] {strides = array<i32>} : memref<128x64xf32, #tpu.memory_space<vmem>>, vector<16xf32>,
      tpu.vector_store_idx %arg15[%add3A_65, %select_n3A_153, %parallel_loop3A_387], %parallel_loop3A_393 : memref<8x8x129xf32, #tpu.memory_space<vmem>>[vector<16xi32>, vector<16xi32>, vector<16xi32>], vector<16xf32>,
      %parallel_loop3A_394 = arith.index_cast %parallel_loop3A_383 : i32 to index
      %parallel_loop3A_395 = arith.constant 32 : index
      %parallel_loop3A_396 = tpu.vector_load %arg11[%parallel_loop3A_394, %parallel_loop3A_395] {strides = array<i32>} : memref<128x64xf32, #tpu.memory_space<vmem>>, vector<16xf32>,
      tpu.vector_store_idx %arg15[%add3A_99, %select_n3A_153, %parallel_loop3A_387], %parallel_loop3A_396 : memref<8x8x129xf32, #tpu.memory_space<vmem>>[vector<16xi32>, vector<16xi32>, vector<16xi32>], vector<16xf32>,
      %parallel_loop3A_397 = arith.index_cast %parallel_loop3A_383 : i32 to index
      %parallel_loop3A_398 = arith.constant 48 : index
      %parallel_loop3A_399 = tpu.vector_load %arg11[%parallel_loop3A_397, %parallel_loop3A_398] {strides = array<i32>} : memref<128x64xf32, #tpu.memory_space<vmem>>, vector<16xf32>,
      tpu.vector_store_idx %arg15[%add3A_133, %select_n3A_153, %parallel_loop3A_387], %parallel_loop3A_399 : memref<8x8x129xf32, #tpu.memory_space<vmem>>[vector<16xi32>, vector<16xi32>, vector<16xi32>], vector<16xf32>,
    } {sc.loop_unroll_factor = 16 : i64, sc.parallel_access}
    %dma_start3A_326 = arith.constant 49 : i32
    %dma_start3A_327 = arith.constant 0 : i32
    %dma_start3A_328 = arith.constant 0 : i32
    %dma_start3A_329 = arith.constant 0 : i32
    %dma_start3A_330 = tpu.memref_slice %arg15[%dma_start3A_327, %dma_start3A_328, %dma_start3A_329] : memref<8x8x129xf32, #tpu.memory_space<vmem>> -> memref<8x8x128xf32, #tpu.memory_space<vmem>>
    %dma_start3A_331 = arith.constant 0 : i32
    %dma_start3A_332 = arith.constant 0 : i32
    %dma_start3A_333 = arith.constant 0 : i32
    %dma_start3A_334 = tpu.memref_slice %arg4[%dma_start3A_326, %dma_start3A_331, %add3A, %dma_start3A_332, %dma_start3A_333] : memref<50x8x32x8x128xf32, #tpu.memory_space<hbm>> -> memref<1x8x1x8x128xf32, #tpu.memory_space<hbm>>
    %dma_start3A_335 = tpu.memref_squeeze %dma_start3A_334 : memref<1x8x1x8x128xf32, #tpu.memory_space<hbm>> -> memref<8x8x128xf32, #tpu.memory_space<hbm>>
    %dma_start3A_336 = arith.constant 0 : i32
    %dma_start3A_337 = arith.constant 0 : i32
    %dma_start3A_338 = arith.constant 0 : i32
    %dma_start3A_339 = tpu.memref_slice %arg4[%dma_start3A_326, %dma_start3A_336, %add3A, %dma_start3A_337, %dma_start3A_338] : memref<50x8x32x8x128xf32, #tpu.memory_space<hbm>> -> memref<1x8x1x8x128xf32, #tpu.memory_space<hbm>>
    %dma_start3A_340 = tpu.memref_squeeze %dma_start3A_339 : memref<1x8x1x8x128xf32, #tpu.memory_space<hbm>> -> memref<8x8x128xf32, #tpu.memory_space<hbm>>
    %dma_start3A_341 = arith.constant 0 : i32
    %dma_start3A_342 = arith.constant 0 : i32
    %dma_start3A_343 = arith.constant 0 : i32
    %dma_start3A_344 = tpu.memref_slice %arg15[%dma_start3A_341, %dma_start3A_342, %dma_start3A_343] : memref<8x8x129xf32, #tpu.memory_space<vmem>> -> memref<8x8x128xf32, #tpu.memory_space<vmem>>
    tpu.enqueue_dma source(%dma_start3A_344 : memref<8x8x128xf32, #tpu.memory_space<vmem>>) target(%dma_start3A_340 : memref<8x8x128xf32, #tpu.memory_space<hbm>>) target_semaphore(%arg21 : memref<!tpu.dma_semaphore, #tpu.memory_space<semaphore_mem>>)
    %dma_wait3A_345 = arith.constant 48 : i32
    %dma_wait3A_346 = arith.constant 0 : i32
    %dma_wait3A_347 = arith.constant 0 : i32
    %dma_wait3A_348 = arith.constant 0 : i32
    %dma_wait3A_349 = tpu.memref_slice %arg14[%dma_wait3A_346, %dma_wait3A_347, %dma_wait3A_348] : memref<8x8x129xf32, #tpu.memory_space<vmem>> -> memref<8x8x128xf32, #tpu.memory_space<vmem>>
    %dma_wait3A_350 = arith.constant 0 : i32
    %dma_wait3A_351 = arith.constant 0 : i32
    %dma_wait3A_352 = arith.constant 0 : i32
    %dma_wait3A_353 = tpu.memref_slice %arg4[%dma_wait3A_345, %dma_wait3A_350, %add3A, %dma_wait3A_351, %dma_wait3A_352] : memref<50x8x32x8x128xf32, #tpu.memory_space<hbm>> -> memref<1x8x1x8x128xf32, #tpu.memory_space<hbm>>
    %dma_wait3A_354 = tpu.memref_squeeze %dma_wait3A_353 : memref<1x8x1x8x128xf32, #tpu.memory_space<hbm>> -> memref<8x8x128xf32, #tpu.memory_space<hbm>>
    %dma_wait3A_355 = arith.constant 0 : i32
    %dma_wait3A_356 = arith.constant 0 : i32
    %dma_wait3A_357 = arith.constant 0 : i32
    %dma_wait3A_358 = tpu.memref_slice %arg4[%dma_wait3A_345, %dma_wait3A_355, %add3A, %dma_wait3A_356, %dma_wait3A_357] : memref<50x8x32x8x128xf32, #tpu.memory_space<hbm>> -> memref<1x8x1x8x128xf32, #tpu.memory_space<hbm>>
    %dma_wait3A_359 = tpu.memref_squeeze %dma_wait3A_358 : memref<1x8x1x8x128xf32, #tpu.memory_space<hbm>> -> memref<8x8x128xf32, #tpu.memory_space<hbm>>
    %dma_wait3A_360 = arith.constant 0 : i32
    %dma_wait3A_361 = arith.constant 0 : i32
    %dma_wait3A_362 = arith.constant 0 : i32
    %dma_wait3A_363 = tpu.memref_slice %arg14[%dma_wait3A_360, %dma_wait3A_361, %dma_wait3A_362] : memref<8x8x129xf32, #tpu.memory_space<vmem>> -> memref<8x8x128xf32, #tpu.memory_space<vmem>>
    tpu.wait_dma2 semaphore(%arg20 : memref<!tpu.dma_semaphore, #tpu.memory_space<semaphore_mem>>) src(%dma_wait3A_363 : memref<8x8x128xf32, #tpu.memory_space<vmem>>) dst(%dma_wait3A_359 : memref<8x8x128xf32, #tpu.memory_space<hbm>>)
    %dma_wait3A_364 = arith.constant 49 : i32
    %dma_wait3A_365 = arith.constant 0 : i32
    %dma_wait3A_366 = arith.constant 0 : i32
    %dma_wait3A_367 = arith.constant 0 : i32
    %dma_wait3A_368 = tpu.memref_slice %arg15[%dma_wait3A_365, %dma_wait3A_366, %dma_wait3A_367] : memref<8x8x129xf32, #tpu.memory_space<vmem>> -> memref<8x8x128xf32, #tpu.memory_space<vmem>>
    %dma_wait3A_369 = arith.constant 0 : i32
    %dma_wait3A_370 = arith.constant 0 : i32
    %dma_wait3A_371 = arith.constant 0 : i32
    %dma_wait3A_372 = tpu.memref_slice %arg4[%dma_wait3A_364, %dma_wait3A_369, %add3A, %dma_wait3A_370, %dma_wait3A_371] : memref<50x8x32x8x128xf32, #tpu.memory_space<hbm>> -> memref<1x8x1x8x128xf32, #tpu.memory_space<hbm>>
    %dma_wait3A_373 = tpu.memref_squeeze %dma_wait3A_372 : memref<1x8x1x8x128xf32, #tpu.memory_space<hbm>> -> memref<8x8x128xf32, #tpu.memory_space<hbm>>
    %dma_wait3A_374 = arith.constant 0 : i32
    %dma_wait3A_375 = arith.constant 0 : i32
    %dma_wait3A_376 = arith.constant 0 : i32
    %dma_wait3A_377 = tpu.memref_slice %arg4[%dma_wait3A_364, %dma_wait3A_374, %add3A, %dma_wait3A_375, %dma_wait3A_376] : memref<50x8x32x8x128xf32, #tpu.memory_space<hbm>> -> memref<1x8x1x8x128xf32, #tpu.memory_space<hbm>>
    %dma_wait3A_378 = tpu.memref_squeeze %dma_wait3A_377 : memref<1x8x1x8x128xf32, #tpu.memory_space<hbm>> -> memref<8x8x128xf32, #tpu.memory_space<hbm>>
    %dma_wait3A_379 = arith.constant 0 : i32
    %dma_wait3A_380 = arith.constant 0 : i32
    %dma_wait3A_381 = arith.constant 0 : i32
    %dma_wait3A_382 = tpu.memref_slice %arg15[%dma_wait3A_379, %dma_wait3A_380, %dma_wait3A_381] : memref<8x8x129xf32, #tpu.memory_space<vmem>> -> memref<8x8x128xf32, #tpu.memory_space<vmem>>
    tpu.wait_dma2 semaphore(%arg21 : memref<!tpu.dma_semaphore, #tpu.memory_space<semaphore_mem>>) src(%dma_wait3A_382 : memref<8x8x128xf32, #tpu.memory_space<vmem>>) dst(%dma_wait3A_378 : memref<8x8x128xf32, #tpu.memory_space<hbm>>)
    return
  }
}

</mosaic_0001>

<sc_bundles>
// kernel: kernel.3.cloned.1.call-start
scs
__scs_entry_jumppad:
0x0: {  	(pc) =	sbr.rel $0x88, $3  }
0x1: {  	(tag) =	ssettag $0x0;
	lr =	simm.s32 $0x1  }
0x2: {  	[smem:$0x3F9F] =	sst lr;
	_ =	strace $0xD0000000  }
0x3: {  	_ = 	snop  }
0x4: {  	_ = 	snop  }
0x5: {  	_ = 	snop  }
0x6: {  	_ = 	snop  }
0x7: {  	_ = 	snop  }
__scs_overlays_trampoline_lowered:
0x8: {  	[smem:$0x3FAE] =	sst s0  }
0x9: {  	[smem:$0x3FAF] =	sst s1  }
0xa: {  	[smem:$0x3FB0] =	sst s2  }
0xb: {  	[smem:$0x3FB1] =	sst s3  }
0xc: {  	[smem:$0x3FB2] =	sst s4  }
0xd: {  	[smem:$0x3FB3] =	sst s5  }
0xe: {  	[smem:$0x3FB4] =	sst s6  }
0xf: {  	[smem:$0x3FB5] =	sst s7  }
0x10: {  	[smem:$0x3FB6] =	sst s8  }
0x11: {  	[smem:$0x3FB7] =	sst s9;
	s0 =	simm.s32 @!p0 $0x0  }
0x12: {  	s1 =	sld [smem:$0x3F9D];
	s0 =	simm.s32 @p0 $0x1  }
0x13: {  	[smem:$0x3FB8] =	sst s0;
	s0 =	simm.s32 @!p1 $0x0  }
0x14: {  	s2 =	sld [smem:$0x3F9C];
	s0 =	simm.s32 @p1 $0x1  }
0x15: {  	[smem:$0x3FB9] =	sst s0;
	s0 =	simm.s32 @!p2 $0x0  }
0x16: {  	s3 =	sld [smem:$0x3FDB];
	s0 =	simm.s32 @p2 $0x1  }
0x17: {  	s4 =	simm.s32 $0x1BF5;
	[smem:$0x3FBB] =	sst s0  }
0x18: {  	s0 =	sld [smem:$0x3F9E];
	_ =	swait.ge [sflag:s4], $0x0  }
0x19: {  	s7 =	sld [smem:$0x3F9F]  }
0x1a: {  	s8 =	sadd.s32 $0xFFFFE003, lr  }
0x1b: {  	s9 =	sadd.s32 $0xFFFFFEF7, lr;
	s5 =	simm.s32 $0xFFFFFFFF;
	p2 =	slt.u32 s8, $0xFFFFF086  }
0x1c: {  	p1 =	slt.u32 s9, $0xF7A;
	s5 =	simm.s32 @!p2 $0x0  }
0x1d: {  	s5 =	simm.s32 @p1 $0x1;
	p0 =	seq.s32 s7, s2  }
0x1e: {  	s7 =	smul.u32 @!p0 $0xF7A, s2;
	p2 =	seq.s32 @!p0 s5, $0x0  }
0x1f: {  	s9 =	smul.u32 $0xF7A, s1;
	s8 =	simm.s32 @!p0 $0x1BF5;
	p2 =	por !p2, p0  }
0x20: {  	[sflag:s8] =	ssyncset.s32 @!p0 $0xFFFFF086;
	s6 =	sadd.s32 @!p0 s3, s7;
	s7 =	simm.s32 @!p0 $0x108  }
0x21: {  	s3 =	sadd.s32 s3, s9;
	s6 =	sadd.s32 @!p0 $0x88, s6;
	s7 =	simm.s32 @p2 $0x1082  }
0x22: {  	[simem:s7], [sflag:s8] =	dma.local @!p0 [hbm:s6], $0xF7A  }
0x23: {  	s9 =	sor.u32 $0xD0000000, s2;
	s6 =	simm.s32 $0x108;
	_ =	swait.ge @!p0 [sflag:s8], $0x0  }
0x24: {  	s3 =	sadd.s32 $0x88, s3;
	s6 =	simm.s32 @!p1 $0x1082;
	[sflag:s4] =	ssyncset.s32 $0xFFFFF086  }
0x25: {  	[simem:s6], [sflag:s4] =	dma.local [hbm:s3], $0xF7A  }
0x26: {  	[smem:$0x3F9F] =	sst s1;
	(tag) =	ssettag s2;
	_ =	strace s9  }
0x27: {  	s1 =	sld [smem:$0x3FAF]  }
0x28: {  	s2 =	sld [smem:$0x3FB0]  }
0x29: {  	s4 =	sld [smem:$0x3FB2]  }
0x2a: {  	p0 =	seq.s32 s5, $0x0;
	s5 =	sld [smem:$0x3FB3]  }
0x2b: {  	s6 =	sld [smem:$0x3FB4]  }
0x2c: {  	s7 =	sld [smem:$0x3FB5]  }
0x2d: {  	s3 =	simm.s32 $0x108;
	s8 =	sld [smem:$0x3FB6]  }
0x2e: {  	s3 =	simm.s32 @!p0 $0x1082;
	s9 =	sld [smem:$0x3FB7]  }
0x2f: {  	lr =	sadd.s32 s0, s3;
	s0 =	sld [smem:$0x3FAE]  }
0x30: {  	s3 =	sld [smem:$0x3FB1]  }
0x31: {  	[smem:$0x3FBA] =	sst s10  }
0x32: {  	s10 =	sld [smem:$0x3FB8];
	_ =	sdelay $0x3  }
0x33: {  	p0 =	seq.s32 s10, $0x1;
	s10 =	sld [smem:$0x3FBA];
	_ =	sdelay $0x3  }
0x34: {  	[smem:$0x3FBA] =	sst s10  }
0x35: {  	s10 =	sld [smem:$0x3FB9];
	_ =	sdelay $0x3  }
0x36: {  	p1 =	seq.s32 s10, $0x1;
	s10 =	sld [smem:$0x3FBA];
	_ =	sdelay $0x3  }
0x37: {  	[smem:$0x3FBA] =	sst s10  }
0x38: {  	s10 =	sld [smem:$0x3FBB]  }
0x39: {  	_ = 	snop;
	(pc) =	sbr.ind lr, $3  }
0x3a: {  	_ = 	snop  }
0x3b: {  	_ = 	snop  }
0x3c: {  	p2 =	seq.s32 s10, $0x1;
	s10 =	sld [smem:$0x3FBA]  }
0x3d: {  	_ =	shalt  }
0x3e: {  	_ =	shalt  }
0x3f: {  	_ =	shalt  }
0x40: {  	_ =	shalt  }
0x41: {  	_ =	shalt  }
0x42: {  	_ =	shalt  }
0x43: {  	_ =	shalt  }
0x44: {  	_ =	shalt  }
0x45: {  	_ =	shalt  }
0x46: {  	_ =	shalt  }
0x47: {  	_ =	shalt  }
0x48: {  	_ =	shalt  }
0x49: {  	_ =	shalt  }
0x4a: {  	_ =	shalt  }
0x4b: {  	_ =	shalt  }
0x4c: {  	_ =	shalt  }
0x4d: {  	_ =	shalt  }
0x4e: {  	_ =	shalt  }
0x4f: {  	_ =	shalt  }
0x50: {  	_ =	shalt  }
0x51: {  	_ =	shalt  }
0x52: {  	_ =	shalt  }
0x53: {  	_ =	shalt  }
0x54: {  	_ =	shalt  }
0x55: {  	_ =	shalt  }
0x56: {  	_ =	shalt  }
0x57: {  	_ =	shalt  }
0x58: {  	_ =	shalt  }
0x59: {  	_ =	shalt  }
0x5a: {  	_ =	shalt  }
0x5b: {  	_ =	shalt  }
0x5c: {  	_ =	shalt  }
0x5d: {  	_ =	shalt  }
0x5e: {  	_ =	shalt  }
0x5f: {  	_ =	shalt  }
0x60: {  	_ =	shalt  }
0x61: {  	_ =	shalt  }
0x62: {  	_ =	shalt  }
0x63: {  	_ =	shalt  }
0x64: {  	_ =	shalt  }
0x65: {  	_ =	shalt  }
0x66: {  	_ =	shalt  }
0x67: {  	_ =	shalt  }
0x68: {  	_ =	shalt  }
0x69: {  	_ =	shalt  }
0x6a: {  	_ =	shalt  }
0x6b: {  	_ =	shalt  }
0x6c: {  	_ =	shalt  }
0x6d: {  	_ =	shalt  }
0x6e: {  	_ =	shalt  }
0x6f: {  	_ =	shalt  }
0x70: {  	_ =	shalt  }
0x71: {  	_ =	shalt  }
0x72: {  	_ =	shalt  }
0x73: {  	_ =	shalt  }
0x74: {  	_ =	shalt  }
0x75: {  	_ =	shalt  }
0x76: {  	_ =	shalt  }
0x77: {  	_ =	shalt  }
0x78: {  	_ =	shalt  }
0x79: {  	_ =	shalt  }
0x7a: {  	_ =	shalt  }
0x7b: {  	_ =	shalt  }
0x7c: {  	_ =	shalt  }
0x7d: {  	_ =	shalt  }
0x7e: {  	_ =	shalt  }
0x7f: {  	_ =	shalt  }
0x80: {  	_ =	shalt  }
0x81: {  	_ =	shalt  }
0x82: {  	_ =	shalt  }
0x83: {  	_ =	shalt  }
0x84: {  	_ =	shalt  }
0x85: {  	_ =	shalt  }
0x86: {  	_ =	shalt  }
0x87: {  	_ =	shalt  }
.Lfunc_end0:
.L_simem_size_0:
called_computation_lowered:
.L_overlay_start_0:
0x88: {  	s2 =	sld [smem:$0x3FD9]  }
0x89: {  	s3 =	sld [smem:$0x3FFE];
	_ =	sdelay $0x1  }
0x8a: {  	s1 =	srdreg.scid  }
0x8b: {  	s0 =	sand.u32 $0x1, s1  }
0x8c: {  	s17 =	sshll.u32 s0, $0xA;
	s2 =	sadd.s32 s3, s2  }
0x8d: {  	s2 =	sadd.s32 s2, s17  }
0x8e: {  	[smem:$0x3FC6] =	sst s2  }
0x8f: {  	_ = 	snop  }
0x90: {  	s2 =	sld [smem:$0x3FD0];
	(tm) =	ssettm $0x1  }
0x91: {  	s18 =	sld [smem:$0x3FFB];
	_ =	sdelay $0x3  }
0x92: {  	_ =	strace s18  }
0x93: {  	s3 =	sld [smem:$0x3FFC];
	_ =	sdelay $0x3  }
0x94: {  	_ =	strace s3  }
0x95: {  	s3 =	sld [smem:$0x3FFD];
	_ =	sdelay $0x3  }
0x96: {  	_ =	strace s3  }
0x97: {  	_ =	strace $0x8FFFFFFF  }
0x98: {  	s19 =	sld [smem:$0x3FDB];
	_ =	sdelay $0x1  }
0x99: {  	s4 =	simm.s32 $_scs_section_size  }
0x9a: {  	s5 =	simm.s32 $_size__tile_overlayer_lowered;
	s6 =	simm.s32 $_tile_overlayer_lowered  }
0x9b: {  	s22 =	simm.s32 $0x1BFF;
	s21 =	sshll.u32 s6, $0x1;
	s3 =	sadd.s32 s4, s19  }
0x9c: {  	s7 =	simm.s32 $0x0;
	s20 =	sshll.u32 s5, $0x1;
	s5 =	sadd.s32 s21, s3  }
0x9d: {  	[timem:s7], [sflag:s22] =	dma.local [hbm:s5], s20  }
0x9e: {  	_ =	swait.ge [sflag:s22], s20  }
0x9f: {  	s4 =	ssub.s32 $0x0, s20;
	[sflag:s22] =	ssyncset.done $0x0  }
0xa0: {  	[sflag:s22] =	ssyncadd.s32 s4;
	_ =	sdelay $0x1  }
0xa1: {  	s23 =	simm.s32 $0x1B8B  }
0xa2: {  	_ =	swait.ge [sflag:s23], $0x1  }
0xa3: {  	[sflag:s23] =	ssyncset.done $0x0  }
0xa4: {  	s25 =	simm.s32 $0x1B8E;
	s24 =	sld [smem:$0x3FFE];
	[sflag:s23] =	ssyncadd.s32 $0xFFFFFFFF  }
0xa5: {  	s26 =	simm.s32 $execute0_lowered;
	[smem:$0x3FD2] =	sst s25  }
0xa6: {  	s5 =	sshll.u32 s26, $0x1;
	_ =	strace $0x80000046;
	[dreg:$0x1] =	wrdreg $0xFFFFFFFF  }
0xa7: {  	s28 =	simm.s32 $_size_execute0_lowered;
	s3 =	sadd.s32 s3, s5;
	[dreg:$0x0] =	wrdreg $0x0  }
0xa8: {  	s5 =	sshll.u32 s28, $0x1;
	[dreg:$0x2] =	wrdreg s3  }
0xa9: {  	[dreg:$0x3] =	wrdreg s5  }
0xaa: {  	[dreg:$0x4] =	wrdreg $0xC0  }
0xab: {  	_ =	task [dreg:s7], $0x5FFFF  }
0xac: {  	[dreg:$0x1] =	wrdreg $0xFFFFFFFF  }
0xad: {  	[dreg:$0x0] =	wrdreg $0x60  }
0xae: {  	[dreg:$0x2] =	wrdreg s24  }
0xaf: {  	[dreg:$0x3] =	wrdreg s2  }
0xb0: {  	[dreg:$0x4] =	wrdreg $0x9  }
0xb1: {  	_ =	task.clear_ibuf [dreg:s7], $0x5FFFF;
	_ =	strace $0x90000046  }
0xb2: {  	s29 =	simm.s32 $0x9;
	_ =	strace $0x80000048  }
0xb3: {  	_ =	swait.ge [sflag:s29], $0x1  }
0xb4: {  	[sflag:s29] =	ssyncadd.s32 $0xFFFFFFFF  }
0xb5: {  	_ =	strace $0x90000048  }
0xb6: {  	_ =	sfence  }
0xb7: {  	s30 =	sld [smem:$0x0];
	_ =	sdelay $0x2  }
0xb8: {  	s31 =	sshll.u32 s1, $0xD;
	s1 =	sshrl.u32 s1, $0x2  }
0xb9: {  	s3 =	sand.u32 $0x4000, s31;
	s1 =	sadd.s32 s1, s30  }
0xba: {  	s0 =	sor.u32 s3, s0;
	s1 =	sshll.u32 s1, $0x11  }
0xbb: {  	s0 =	sor.u32 s1, s0  }
0xbc: {  	s0 =	sadd.s32 $0x8F2B, s0  }
0xbd: {  	[sflag:s0] =	ssyncadd.remote.s32 $0x1  }
0xbe: {  	_ =	sfence.sel $0xFFFF  }
0xbf: {  	[dreg:$0x0] =	wrdreg $0xFFFFFFFF;
	(pc) =	sbr.abs _section_cstart, $3  }
0xc0: {  	[dreg:$0x1] =	wrdreg $0xFFFFFFFF  }
0xc1: {  	_ =	task.clear_ibuf [dreg:s7], $0x2FFFF;
	_ =	strace $0x9FFFFFFF  }
0xc2: {  	(tm) =	ssettm $0x7FFFFFFF  }
0xc3: {  	_ =	shalt  }
tec
execute0_lowered:
.L_overlay_start_1:
0x0: {  	(tag) =	ssettag $0x1  }
0x1: {  	v0 =	vlaneseq.u32  }
0x2: {  	v1 =	vmul.u32 $0x32, v0;
	_ =	sdelay $0x1  }
0x3: {  	v2 =	vadd.s32 $0x320, v1  }
0x4: {  	v42 =	vadd.s32 $0x640, v1;
	[tilespmem:$0x1FD00] =	vst v2  }
0x5: {  	v43 =	vadd.s32 $0x960, v1;
	[tilespmem:$0x1FD10] =	vst v42  }
0x6: {  	v44 =	vadd.s32 $0xC80, v1;
	[tilespmem:$0x1FD20] =	vst v43  }
0x7: {  	v45 =	vadd.s32 $0xFA0, v1;
	[tilespmem:$0x1FD30] =	vst v44  }
0x8: {  	v46 =	vadd.s32 $0x12C0, v1;
	[tilespmem:$0x1FD40] =	vst v45  }
0x9: {  	v47 =	vadd.s32 $0x15E0, v1;
	[tilespmem:$0x1FD50] =	vst v46  }
0xa: {  	v48 =	vor.u32 $0x1, v1;
	[tilespmem:$0x1FD60] =	vst v47  }
0xb: {  	v49 =	vadd.s32 $0x321, v1;
	[tilespmem:$0x1FD70] =	vst v48  }
0xc: {  	v50 =	vadd.s32 $0x641, v1;
	[tilespmem:$0x1FD80] =	vst v49  }
0xd: {  	v51 =	vadd.s32 $0x961, v1;
	[tilespmem:$0x1FD90] =	vst v50  }
0xe: {  	s0 =	srdreg.scid;
	s2 =	stileid.u32;
	v52 =	vadd.s32 $0xC81, v1;
	[tilespmem:$0x1FDA0] =	vst v51  }
0xf: {  	s0 =	sand.u32 $0x1, s0;
	s3 =	sshll.u32 s2, $0x1;
	v53 =	vadd.s32 $0xFA1, v1;
	[tilespmem:$0x1FDB0] =	vst v52  }
0x10: {  	s1 =	rddreg [dreg:$0x0];
	v26 =	vmul.u32 $0x88, v0;
	s5 =	sor.u32 s0, s3;
	s3 =	simm.s32 $0x0;
	v54 =	vadd.s32 $0x12C1, v1;
	[tilespmem:$0x1FDC0] =	vst v53  }
0x11: {  	[smem:$0x7FF] =	sst s3;
	[tilespmem:$0x1FDD0] =	vst v54  }
0x12: {  	s2 =	rddreg [dreg:$0x1];
	v56 =	vadd.s32 $0x1101, v26;
	_ =	strace $0x80000047;
	[tilespmem:$0x1FDE0] =	vst v1  }
0x13: {  	v57 =	vadd.s32 $0x1981, v26;
	[tilespmem:$0x1FE00] =	vst v56  }
0x14: {  	v58 =	vor.u32 $0x3, v26;
	[tilespmem:$0x1FE10] =	vst v57  }
0x15: {  	v59 =	vadd.s32 $0x1103, v26;
	[tilespmem:$0x1FE20] =	vst v58  }
0x16: {  	v60 =	vadd.s32 $0x1983, v26;
	[tilespmem:$0x1FE30] =	vst v59  }
0x17: {  	v61 =	vadd.s32 $0x1986, v26;
	[tilespmem:$0x1FE40] =	vst v60  }
0x18: {  	v27 =	vadd.s32 $0x880, v26;
	[tilespmem:$0x1FE50] =	vst v61  }
0x19: {  	v28 =	vadd.s32 $0x1100, v26;
	[tilespmem:$0x1FE60] =	vst v27  }
0x1a: {  	v29 =	vadd.s32 $0x1980, v26;
	[tilespmem:$0x1FE70] =	vst v28  }
0x1b: {  	v21 =	vor.u32 $0x1, v26;
	[tilespmem:$0x1FE80] =	vst v29  }
0x1c: {  	v14 =	vadd.s32 $0x881, v26;
	[tilespmem:$0x1FE90] =	vst v21  }
0x1d: {  	v23 =	vor.u32 $0x2, v26;
	[tilespmem:$0x1FEA0] =	vst v14  }
0x1e: {  	v30 =	vadd.s32 $0x882, v26;
	[tilespmem:$0x1FEB0] =	vst v23  }
0x1f: {  	v20 =	vadd.s32 $0x1102, v26;
	[tilespmem:$0x1FEC0] =	vst v30  }
0x20: {  	v24 =	vadd.s32 $0x1982, v26;
	[tilespmem:$0x1FED0] =	vst v20  }
0x21: {  	v39 =	vadd.s32 $0x883, v26;
	[tilespmem:$0x1FEE0] =	vst v24  }
0x22: {  	v42 =	vor.u32 $0x4, v26;
	[tilespmem:$0x1FEF0] =	vst v39  }
0x23: {  	v35 =	vadd.s32 $0x884, v26;
	[tilespmem:$0x1FF00] =	vst v42  }
0x24: {  	v43 =	vadd.s32 $0x1104, v26;
	[tilespmem:$0x1FF10] =	vst v35  }
0x25: {  	v37 =	vadd.s32 $0x1984, v26;
	[tilespmem:$0x1FF20] =	vst v43  }
0x26: {  	v46 =	vor.u32 $0x5, v26;
	[tilespmem:$0x1FF30] =	vst v37  }
0x27: {  	v45 =	vadd.s32 $0x885, v26;
	[tilespmem:$0x1FF40] =	vst v46  }
0x28: {  	s12 =	simm.s32 $0x80;
	s13 =	simm.s32 $0x1900;
	v48 =	vadd.s32 $0x1105, v26;
	[tilespmem:$0x1FF50] =	vst v45  }
0x29: {  	s14 =	simm.s32 $0x1B00;
	s15 =	simm.s32 $0x1980;
	s16 =	simm.s32 $0x3B00;
	v41 =	vadd.s32 $0x1985, v26;
	[tilespmem:$0x1FF60] =	vst v48  }
0x2a: {  	s18 =	simm.s32 $0x5B00;
	s19 =	simm.s32 $0x1;
	s20 =	simm.s32 $0x9B00;
	v22 =	vor.u32 $0x6, v26;
	[tilespmem:$0x1FF70] =	vst v41  }
0x2b: {  	s21 =	simm.s32 $0x1A80;
	s22 =	simm.s32 $0x7B00;
	s23 =	simm.s32 $0x2;
	v36 =	vadd.s32 $0x886, v26;
	[tilespmem:$0x1FF80] =	vst v22  }
0x2c: {  	s24 =	simm.s32 $0xBD00;
	s28 =	simm.s32 $0x4;
	s0 =	ssub.s32 $0x2, s0;
	v40 =	vadd.s32 $0x1106, v26;
	[tilespmem:$0x1FF90] =	vst v36  }
0x2d: {  	s4 =	smul.u32 $0x320, s5;
	s25 =	sshrl.u32 s0, $0x1;
	s7 =	sshll.u32 s5, $0x7;
	v62 =	vadd.s32 $0x1107, v26;
	[tilespmem:$0x1FFA0] =	vst v40  }
0x2e: {  	s29 =	simm.s32 $0x6;
	v63 =	vadd.s32 $0x1987, v26;
	s0 =	ssub.s32 s0, s25;
	s30 =	sadd.s32 s7, s2;
	[tilespmem:$0x1FFC0] =	vst v62  }
0x2f: {  	s7 =	sadd.s32 $0x8000, s2;
	v44 =	vor.u32 $0x7, v26;
	s6 =	sadd.s32 s4, s1;
	s31 =	sadd.s32 $0x180000, s30;
	[tilespmem:$0x1FFD0] =	vst v63  }
0x30: {  	s4 =	sadd.s32 $0x6800, s1;
	s1 =	sadd.s32 $0x188000, s30;
	[tilespmem:$0x1FFE0] =	vst v44;
	[dreg:$0x4] =	wrdreg s31  }
0x31: {  	s25 =	simm.s32 $0x3;
	v1 =	vadd.s32 $0x15E1, v1;
	s0 =	smax.u32 s0, $0x1;
	[tilespmem:$0x1FFF0] =	vst v26;
	[dreg:$0x5] =	wrdreg s1  }
0x32: {  	v55 =	vimm.s32 $0x0;
	vm0 =	vcmask $0x300;
	v60 =	vadd.s32 $0x887, v26;
	[tilespmem:$0x1FDF0] =	vst v1;
	s26 =	sadd.s32 $0x400, s6;
	s6 =	sshll.u32 s5, $0xA;
	[dreg:$0x6] =	wrdreg s0  }
0x33: {  	v17 =	vsel vm0, $0x3, v55;
	s1 =	simm.s32 $0x0;
	[tilespmem:$0x1FFB0] =	vst v60;
	[dreg:$0x3] =	wrdreg s26;
	s26 =	simm.s32 $0x5  }
.LBB2_1:
0x34: {  	[dreg:$0x7] =	wrdreg s1  }
0x35: {  	s0 =	rddreg [dreg:$0x3];
	s30 =	simm.s32 $0x7  }
0x36: {  	[tilespmem:s3], [sflag:$0x7] =	stream.linear.gather [hbm4b:s0+s3], $0x1900, $0x38;
	[tilespmem:$0xDF00] =	vst v63  }
0x37: {  	_ =	swait.ge [sflag:s30], $0x1900  }
0x38: {  	v0 =	vld [tilespmem:$0x1FDE0];
	_ =	sdelay $0x5  }
0x39: {  	[sflag:s30] =	ssyncset.done $0x0;
	v49 =	vld [tilespmem:$0x1FD00]  }
0x3a: {  	[sflag:s30] =	ssyncadd.s32 $0xFFFFE700  }
0x3b: {  	v0 =	vld.idx.msk [tilespmem:v0+s3+$0x0], $0xffff;
	_ =	sdelay $0x3  }
0x3c: {  	v50 =	vld [tilespmem:$0x1FD10]  }
0x3d: {  	[tilespmem:$0x1900] =	vst v0  }
0x3e: {  	v0 =	vld.idx.msk [tilespmem:v49+s3+$0x0], $0xffff;
	_ =	sdelay $0x3  }
0x3f: {  	v51 =	vld [tilespmem:$0x1FD20]  }
0x40: {  	[tilespmem:$0x1910] =	vst v0  }
0x41: {  	v0 =	vld.idx.msk [tilespmem:v50+s3+$0x0], $0xffff;
	_ =	sdelay $0x3  }
0x42: {  	v52 =	vld [tilespmem:$0x1FD30]  }
0x43: {  	[tilespmem:$0x1920] =	vst v0  }
0x44: {  	v0 =	vld.idx.msk [tilespmem:v51+s3+$0x0], $0xffff;
	_ =	sdelay $0x3  }
0x45: {  	v53 =	vld [tilespmem:$0x1FD40]  }
0x46: {  	[tilespmem:$0x1930] =	vst v0  }
0x47: {  	v0 =	vld.idx.msk [tilespmem:v52+s3+$0x0], $0xffff;
	_ =	sdelay $0x3  }
0x48: {  	v54 =	vld [tilespmem:$0x1FD50]  }
0x49: {  	[tilespmem:$0x1940] =	vst v0  }
0x4a: {  	v0 =	vld.idx.msk [tilespmem:v53+s3+$0x0], $0xffff;
	_ =	sdelay $0x3  }
0x4b: {  	v55 =	vld [tilespmem:$0x1FD60]  }
0x4c: {  	[tilespmem:$0x1950] =	vst v0  }
0x4d: {  	v0 =	vld.idx.msk [tilespmem:v54+s3+$0x0], $0xffff;
	_ =	sdelay $0x4  }
0x4e: {  	v56 =	vld [tilespmem:$0x1FD70];
	[tilespmem:$0x1960] =	vst v0  }
0x4f: {  	v0 =	vld.idx.msk [tilespmem:v55+s3+$0x0], $0xffff;
	_ =	sdelay $0x4  }
0x50: {  	v57 =	vld [tilespmem:$0x1FD80];
	[tilespmem:$0x1970] =	vst v0  }
0x51: {  	[tilespmem:s14], [sflag:$0x1] =	stream.indirect.gather [hbm4b:s4+s12], $0x40, s13, s12, $0xb8;
	[tilespmem:$0xDF00] =	vst v63  }
0x52: {  	v0 =	vld.idx.msk [tilespmem:v56+s3+$0x0], $0xffff;
	_ =	sdelay $0x3  }
0x53: {  	v58 =	vld [tilespmem:$0x1FD90]  }
0x54: {  	[tilespmem:$0x1980] =	vst v0  }
0x55: {  	v0 =	vld.idx.msk [tilespmem:v57+s3+$0x0], $0xffff;
	_ =	sdelay $0x3  }
0x56: {  	v59 =	vld [tilespmem:$0x1FDA0]  }
0x57: {  	[tilespmem:$0x1990] =	vst v0  }
0x58: {  	v0 =	vld.idx.msk [tilespmem:v58+s3+$0x0], $0xffff;
	_ =	sdelay $0x3  }
0x59: {  	v60 =	vld [tilespmem:$0x1FDB0]  }
0x5a: {  	[tilespmem:$0x19A0] =	vst v0  }
0x5b: {  	v0 =	vld.idx.msk [tilespmem:v59+s3+$0x0], $0xffff;
	_ =	sdelay $0x3  }
0x5c: {  	v61 =	vld [tilespmem:$0x1FDC0]  }
0x5d: {  	[tilespmem:$0x19B0] =	vst v0  }
0x5e: {  	v0 =	vld.idx.msk [tilespmem:v60+s3+$0x0], $0xffff;
	_ =	sdelay $0x3  }
0x5f: {  	v62 =	vld [tilespmem:$0x1FDD0]  }
0x60: {  	[tilespmem:$0x19C0] =	vst v0  }
0x61: {  	v0 =	vld.idx.msk [tilespmem:v61+s3+$0x0], $0xffff;
	_ =	sdelay $0x3  }
0x62: {  	v63 =	vld [tilespmem:$0x1FDF0]  }
0x63: {  	[tilespmem:$0x19D0] =	vst v0  }
0x64: {  	v0 =	vld.idx.msk [tilespmem:v62+s3+$0x0], $0xffff;
	_ =	sdelay $0x4  }
0x65: {  	[tilespmem:$0x19E0] =	vst v0  }
0x66: {  	v0 =	vld.idx.msk [tilespmem:v63+s3+$0x0], $0xffff  }
0x67: {  	v34 =	vld [tilespmem:$0x1FE50]  }
0x68: {  	v36 =	vld [tilespmem:$0x1FE40]  }
0x69: {  	v32 =	vld [tilespmem:$0x1FE00]  }
0x6a: {  	v38 =	vld [tilespmem:$0x1FE20]  }
0x6b: {  	s31 =	simm.s32 $0x0;
	v40 =	vld [tilespmem:$0x1FE30];
	[tilespmem:$0x19F0] =	vst v0  }
0x6c: {  	v54 =	vld [tilespmem:$0x1FE10];
	[tilespmem:s16], [sflag:$0x2] =	stream.indirect.gather [hbm4b:s4+s12], $0x40, s15, s12, $0xb8  }
.LBB2_2:
0x6d: {  	v2 =	vld [tilespmem:$0x1FDE0];
	_ =	sdelay $0x2  }
0x6e: {  	s1 =	sshll.u32 s31, $0x2  }
0x6f: {  	s5 =	sor.u32 $0x2, s1  }
0x70: {  	v0 =	vadd.s32 s5, v2;
	_ =	sdelay $0x4  }
0x71: {  	s0 =	sadd.s32 $0x322, s1;
	v0 =	vld.idx.msk [tilespmem:v0+s3+$0x0], $0xffff  }
0x72: {  	v1 =	vadd.s32 s0, v2;
	_ =	sdelay $0x3  }
0x73: {  	[tilespmem:$0x1A00] =	vst v0  }
0x74: {  	s10 =	sor.u32 $0x642, s1;
	v0 =	vld.idx.msk [tilespmem:v1+s3+$0x0], $0xffff  }
0x75: {  	v1 =	vadd.s32 s10, v2;
	_ =	sdelay $0x3  }
0x76: {  	[tilespmem:$0x1A10] =	vst v0  }
0x77: {  	s11 =	sadd.s32 $0x962, s1;
	v0 =	vld.idx.msk [tilespmem:v1+s3+$0x0], $0xffff  }
0x78: {  	v1 =	vadd.s32 s11, v2;
	_ =	sdelay $0x3  }
0x79: {  	[tilespmem:$0x1A20] =	vst v0  }
0x7a: {  	s17 =	sor.u32 $0xC82, s1;
	v0 =	vld.idx.msk [tilespmem:v1+s3+$0x0], $0xffff  }
0x7b: {  	v1 =	vadd.s32 s17, v2;
	_ =	sdelay $0x3  }
0x7c: {  	[tilespmem:$0x1A30] =	vst v0  }
0x7d: {  	s30 =	sadd.s32 $0xFA2, s1;
	v0 =	vld.idx.msk [tilespmem:v1+s3+$0x0], $0xffff  }
0x7e: {  	v1 =	vadd.s32 s30, v2;
	_ =	sdelay $0x3  }
0x7f: {  	[tilespmem:$0x1A40] =	vst v0  }
0x80: {  	s8 =	sor.u32 $0x12C2, s1;
	v0 =	vld.idx.msk [tilespmem:v1+s3+$0x0], $0xffff  }
0x81: {  	v1 =	vadd.s32 s8, v2;
	_ =	sdelay $0x3  }
0x82: {  	[tilespmem:$0x1A50] =	vst v0  }
0x83: {  	s9 =	sadd.s32 $0x15E2, s1;
	v0 =	vld.idx.msk [tilespmem:v1+s3+$0x0], $0xffff  }
0x84: {  	v1 =	vadd.s32 s9, v2;
	_ =	sdelay $0x3  }
0x85: {  	[tilespmem:$0x1A60] =	vst v0  }
0x86: {  	v0 =	vld.idx.msk [tilespmem:v1+s3+$0x0], $0xffff;
	_ =	sdelay $0x3  }
0x87: {  	s17 =	simm.s32 $0x1  }
0x88: {  	s10 =	simm.s32 $0x1A00;
	v1 =	vmov s17;
	s17 =	simm.s32 $0x9;
	[tilespmem:$0x1A70] =	vst v0  }
0x89: {  	[tilespmem:s18], [sflag:$0x3] =	stream.indirect.gather [hbm4b:s4+s12], $0x40, s10, s12, $0xb8;
	[tilespmem:$0xDF00] =	vst v63  }
0x8a: {  	v9 =	vmov s17;
	s17 =	simm.s32 $0xF;
	_ =	swait.ge [sflag:s19], $0x2000  }
0x8b: {  	p0 =	seq.s32 s31, $0x0;
	s11 =	simm.s32 $0x0;
	v16 =	vmov s17;
	[sflag:s19] =	ssyncset.done $0x0  }
0x8c: {  	s0 =	simm.s32 @!p0 $0x5;
	s30 =	simm.s32 $0x2;
	v16 =	vshrl.u32 v16, $0x3;
	v0 =	vmov s11;
	[sflag:s19] =	ssyncadd.s32 $0xFFFFE000  }
0x8d: {  	v2 =	vmov s30;
	v16 =	vshll.u32 v16, v17;
	v0 =	vshrl.u32 v0, $0x3;
	_ =	swait.ge @!p0 [sflag:s0], $0x2000  }
0x8e: {  	v1 =	vshrl.u32 v1, $0x3;
	v16 =	vbroadcast v16, $0x0;
	v0 =	vshll.u32 v0, v17;
	[sflag:s0] =	ssyncset.done @!p0 $0x0  }
0x8f: {  	v2 =	vshrl.u32 v2, $0x3;
	v49 =	vbroadcast v0, $0x0;
	v0 =	vshll.u32 v1, v17;
	[sflag:s0] =	ssyncadd.s32 @!p0 $0xFFFFE000;
	s0 =	simm.s32 $0x1D00  }
0x90: {  	v50 =	vadd.s32 v44, v16;
	v61 =	vbroadcast v0, $0x0;
	v0 =	vshll.u32 v2, v17;
	v2 =	vld [tilespmem:s0+$0x1C0]  }
0x91: {  	s8 =	simm.s32 $0x3;
	v52 =	vadd.s32 v26, v49;
	v51 =	vld [tilespmem:s0+$0xFFFFFE00]  }
0x92: {  	v3 =	vmov s8;
	s8 =	simm.s32 $0x5  }
0x93: {  	v5 =	vmov s8;
	v3 =	vshrl.u32 v3, $0x3;
	s9 =	simm.s32 $0x4  }
0x94: {  	v5 =	vshrl.u32 v5, $0x3;
	v4 =	vmov s9;
	v60 =	vbroadcast v0, $0x0  }
0x95: {  	v4 =	vshrl.u32 v4, $0x3;
	v0 =	vshll.u32 v3, v17;
	v53 =	vadd.s32 v21, v61;
	v3 =	vld [tilespmem:s0+$0xFFFFFE40];
	[tilespmem:v50+s20+$0x0] =	vst.idx.msk $0xffff, v2  }
0x96: {  	s8 =	simm.s32 $0xB;
	v59 =	vbroadcast v0, $0x0;
	v0 =	vshll.u32 v4, v17;
	v56 =	vadd.s32 v23, v60;
	v4 =	vld [tilespmem:s0+$0xFFFFFE80];
	[tilespmem:v52+s20+$0x0] =	vst.idx.msk $0xffff, v51  }
0x97: {  	v11 =	vmov s8;
	v5 =	vshll.u32 v5, v17;
	s9 =	simm.s32 $0x6;
	v1 =	vld [tilespmem:$0x1FFB0]  }
0x98: {  	v6 =	vmov s9;
	v25 =	vbroadcast v0, $0x0;
	v0 =	vshrl.u32 v11, $0x3;
	v11 =	vld [tilespmem:s0+$0xFFFFFEC0]  }
0x99: {  	v29 =	vbroadcast v5, $0x0;
	v6 =	vshrl.u32 v6, $0x3;
	s10 =	simm.s32 $0x7;
	v57 =	vadd.s32 v38, v59;
	v58 =	vld [tilespmem:s0+$0xFFFFFF00]  }
0x9a: {  	v5 =	vshll.u32 v6, v17;
	v7 =	vmov s10;
	v62 =	vadd.s32 v42, v25;
	v6 =	vld [tilespmem:s0+$0x1D0];
	[tilespmem:v53+s20+$0x0] =	vst.idx.msk $0xffff, v3  }
0x9b: {  	v47 =	vadd.s32 v46, v29;
	v7 =	vshrl.u32 v7, $0x3;
	v3 =	vld [tilespmem:s0+$0xFFFFFF40];
	[tilespmem:v56+s20+$0x0] =	vst.idx.msk $0xffff, v4  }
0x9c: {  	v2 =	vbroadcast v5, $0x0;
	v5 =	vshll.u32 v7, v17;
	v22 =	vld [tilespmem:$0x1FF80];
	v7 =	vadd.s32 v1, v16;
	_ =	sdelay $0x1  }
0x9d: {  	s30 =	simm.s32 $0xA;
	s11 =	simm.s32 $0x8;
	[tilespmem:v57+s20+$0x0] =	vst.idx.msk $0xffff, v11  }
0x9e: {  	v10 =	vmov s30;
	v8 =	vmov s11;
	[tilespmem:v62+s20+$0x0] =	vst.idx.msk $0xffff, v58  }
0x9f: {  	v10 =	vshrl.u32 v10, $0x3;
	v9 =	vshrl.u32 v9, $0x3;
	v8 =	vshrl.u32 v8, $0x3;
	[tilespmem:v47+s20+$0x0] =	vst.idx.msk $0xffff, v3  }
0xa0: {  	v31 =	vbroadcast v5, $0x0;
	v5 =	vshll.u32 v8, v17;
	v4 =	vld [tilespmem:s0+$0xFFFFFF80];
	v8 =	vadd.s32 v22, v2;
	[tilespmem:v7+s20+$0x0] =	vst.idx.msk $0xffff, v6  }
0xa1: {  	v10 =	vshll.u32 v10, v17;
	s10 =	simm.s32 $0xD;
	v27 =	vbroadcast v5, $0x0;
	v5 =	vshll.u32 v9, v17;
	v28 =	vld [tilespmem:$0x1FFC0]  }
0xa2: {  	v13 =	vmov s10;
	v9 =	vld [tilespmem:s0+$0xFFFFFFC0];
	v11 =	vadd.s32 v44, v31;
	v18 =	vbroadcast v5, $0x0  }
0xa3: {  	v19 =	vbroadcast v10, $0x0;
	v5 =	vshrl.u32 v13, $0x3;
	v13 =	vld [tilespmem:s0+$0x0];
	v58 =	vadd.s32 v26, v27  }
0xa4: {  	s9 =	simm.s32 $0xC;
	v33 =	vld [tilespmem:s0+$0x40];
	v63 =	vadd.s32 v21, v18  }
0xa5: {  	v12 =	vmov s9;
	v7 =	vadd.s32 v23, v19;
	[tilespmem:v8+s20+$0x0] =	vst.idx.msk $0xffff, v4;
	v4 =	vld [tilespmem:s0+$0x80]  }
0xa6: {  	v12 =	vshrl.u32 v12, $0x3;
	s11 =	simm.s32 $0xE;
	v0 =	vshll.u32 v0, v17;
	v3 =	vld [tilespmem:s0+$0x1E0];
	v6 =	vadd.s32 v28, v16  }
0xa7: {  	v15 =	vmov s11;
	v50 =	vbroadcast v0, $0x0;
	v0 =	vshll.u32 v12, v17;
	[tilespmem:v11+s20+$0x0] =	vst.idx.msk $0xffff, v9  }
0xa8: {  	v15 =	vshrl.u32 v15, $0x3;
	v51 =	vbroadcast v0, $0x0;
	v0 =	vshll.u32 v5, v17;
	[tilespmem:v58+s20+$0x0] =	vst.idx.msk $0xffff, v13  }
0xa9: {  	v52 =	vbroadcast v0, $0x0;
	v0 =	vshll.u32 v15, v17;
	[tilespmem:v63+s20+$0x0] =	vst.idx.msk $0xffff, v33  }
0xaa: {  	v53 =	vbroadcast v0, $0x0;
	[tilespmem:v7+s20+$0x0] =	vst.idx.msk $0xffff, v4  }
0xab: {  	v5 =	vld [tilespmem:s0+$0xC0];
	[tilespmem:v6+s20+$0x0] =	vst.idx.msk $0xffff, v3  }
0xac: {  	v8 =	vadd.s32 v38, v50;
	v13 =	vadd.s32 v22, v53;
	v22 =	vld [tilespmem:$0x1FFD0]  }
0xad: {  	v10 =	vadd.s32 v42, v51;
	v9 =	vld [tilespmem:s0+$0x100]  }
0xae: {  	v0 =	vld [tilespmem:s0+$0x140];
	v11 =	vadd.s32 v46, v52  }
0xaf: {  	v12 =	vld [tilespmem:s0+$0x180]  }
0xb0: {  	v7 =	vadd.s32 v14, v61;
	v6 =	vld [tilespmem:s0+$0xFFFFFE50]  }
0xb1: {  	v3 =	vld [tilespmem:s0+$0x1F0];
	[tilespmem:v8+s20+$0x0] =	vst.idx.msk $0xffff, v5;
	v4 =	vadd.s32 v22, v16  }
0xb2: {  	v5 =	vld [tilespmem:s0+$0xFFFFFE90];
	v8 =	vadd.s32 v30, v60;
	[tilespmem:v10+s20+$0x0] =	vst.idx.msk $0xffff, v9  }
0xb3: {  	v9 =	vld [tilespmem:s0+$0xFFFFFED0];
	v10 =	vadd.s32 v39, v59;
	[tilespmem:v11+s20+$0x0] =	vst.idx.msk $0xffff, v0  }
0xb4: {  	[tilespmem:v13+s20+$0x0] =	vst.idx.msk $0xffff, v12  }
0xb5: {  	v0 =	vld [tilespmem:s0+$0xFFFFFF10];
	v11 =	vadd.s32 v35, v25;
	[tilespmem:v7+s20+$0x0] =	vst.idx.msk $0xffff, v6  }
0xb6: {  	v12 =	vld [tilespmem:s0+$0xFFFFFF50];
	[tilespmem:v4+s20+$0x0] =	vst.idx.msk $0xffff, v3  }
0xb7: {  	v15 =	vld [tilespmem:$0x1FF90];
	[tilespmem:v8+s20+$0x0] =	vst.idx.msk $0xffff, v5  }
0xb8: {  	v6 =	vadd.s32 v1, v31;
	v5 =	vld [tilespmem:s0+$0xFFFFFFD0];
	[tilespmem:v10+s20+$0x0] =	vst.idx.msk $0xffff, v9  }
0xb9: {  	v13 =	vadd.s32 v45, v29;
	v1 =	vld [tilespmem:$0x1FE60]  }
0xba: {  	v9 =	vadd.s32 v14, v18;
	[tilespmem:v11+s20+$0x0] =	vst.idx.msk $0xffff, v0;
	v0 =	vld [tilespmem:s0+$0x50]  }
0xbb: {  	v10 =	vld [tilespmem:s0+$0x90];
	v11 =	vadd.s32 v30, v19  }
0xbc: {  	v3 =	vld [tilespmem:s0+$0xFFFFFF90];
	v4 =	vadd.s32 v15, v2  }
0xbd: {  	[tilespmem:v6+s20+$0x0] =	vst.idx.msk $0xffff, v5;
	v5 =	vld [tilespmem:s0+$0x110];
	v6 =	vadd.s32 v35, v51  }
0xbe: {  	v7 =	vld [tilespmem:s0+$0x10];
	[tilespmem:v13+s20+$0x0] =	vst.idx.msk $0xffff, v12;
	v8 =	vadd.s32 v1, v27  }
0xbf: {  	[tilespmem:v9+s20+$0x0] =	vst.idx.msk $0xffff, v0;
	v0 =	vld [tilespmem:s0+$0x190];
	v9 =	vadd.s32 v15, v53  }
0xc0: {  	v12 =	vld [tilespmem:s0+$0xFFFFFE10];
	v13 =	vadd.s32 v1, v49;
	[tilespmem:v11+s20+$0x0] =	vst.idx.msk $0xffff, v10  }
0xc1: {  	v10 =	vld [tilespmem:s0+$0xFFFFFE60];
	v11 =	vadd.s32 v32, v61;
	[tilespmem:v4+s20+$0x0] =	vst.idx.msk $0xffff, v3  }
0xc2: {  	v3 =	vld [tilespmem:s0+$0xD0];
	v4 =	vadd.s32 v39, v50;
	[tilespmem:v6+s20+$0x0] =	vst.idx.msk $0xffff, v5  }
0xc3: {  	[tilespmem:v8+s20+$0x0] =	vst.idx.msk $0xffff, v7;
	v7 =	vld [tilespmem:s0+$0x150];
	v8 =	vadd.s32 v45, v52  }
0xc4: {  	[tilespmem:v9+s20+$0x0] =	vst.idx.msk $0xffff, v0  }
0xc5: {  	[tilespmem:v13+s20+$0x0] =	vst.idx.msk $0xffff, v12  }
0xc6: {  	v5 =	vld [tilespmem:s0+$0xFFFFFEE0];
	v6 =	vadd.s32 v40, v59;
	[tilespmem:v11+s20+$0x0] =	vst.idx.msk $0xffff, v10  }
0xc7: {  	[tilespmem:v4+s20+$0x0] =	vst.idx.msk $0xffff, v3;
	v3 =	vld [tilespmem:s0+$0xFFFFFEA0];
	v4 =	vadd.s32 v20, v60  }
0xc8: {  	[tilespmem:v8+s20+$0x0] =	vst.idx.msk $0xffff, v7  }
0xc9: {  	v1 =	vld [tilespmem:$0x1FFA0];
	_ =	sdelay $0x1  }
0xca: {  	v7 =	vld [tilespmem:s0+$0xFFFFFF20];
	v8 =	vadd.s32 v43, v25;
	[tilespmem:v6+s20+$0x0] =	vst.idx.msk $0xffff, v5  }
0xcb: {  	v0 =	vld [tilespmem:s0+$0xFFFFFF60];
	v9 =	vadd.s32 v48, v29;
	[tilespmem:v4+s20+$0x0] =	vst.idx.msk $0xffff, v3  }
0xcc: {  	v16 =	vld [tilespmem:$0x1FE70]  }
0xcd: {  	v10 =	vld [tilespmem:s0+$0xFFFFFFA0];
	v11 =	vadd.s32 v1, v2  }
0xce: {  	v3 =	vld [tilespmem:s0+$0xFFFFFFE0];
	v4 =	vadd.s32 v28, v31  }
0xcf: {  	[tilespmem:v8+s20+$0x0] =	vst.idx.msk $0xffff, v7;
	v7 =	vld [tilespmem:s0+$0x60];
	v8 =	vadd.s32 v32, v18  }
0xd0: {  	[tilespmem:v9+s20+$0x0] =	vst.idx.msk $0xffff, v0;
	v0 =	vld [tilespmem:s0+$0xA0];
	v9 =	vadd.s32 v20, v19  }
0xd1: {  	v5 =	vld [tilespmem:s0+$0x20];
	v6 =	vadd.s32 v16, v27  }
0xd2: {  	[tilespmem:v11+s20+$0x0] =	vst.idx.msk $0xffff, v10;
	v10 =	vld [tilespmem:s0+$0xE0];
	v11 =	vadd.s32 v40, v50  }
0xd3: {  	[tilespmem:v4+s20+$0x0] =	vst.idx.msk $0xffff, v3  }
0xd4: {  	v3 =	vld [tilespmem:s0+$0x120];
	v4 =	vadd.s32 v43, v51;
	[tilespmem:v8+s20+$0x0] =	vst.idx.msk $0xffff, v7  }
0xd5: {  	s30 =	simm.s32 $0x10;
	v44 =	vadd.s32 v1, v53;
	v7 =	vld [tilespmem:s0+$0x1A0];
	[tilespmem:v9+s20+$0x0] =	vst.idx.msk $0xffff, v0  }
0xd6: {  	v13 =	vld [tilespmem:s0+$0xFFFFFE20];
	v47 =	vadd.s32 v16, v49;
	[tilespmem:v6+s20+$0x0] =	vst.idx.msk $0xffff, v5;
	v5 =	vmov s30;
	s30 =	simm.s32 $0x15  }
0xd7: {  	v1 =	vadd.s32 v54, v61;
	v9 =	vld [tilespmem:s0+$0xFFFFFE70];
	[tilespmem:v11+s20+$0x0] =	vst.idx.msk $0xffff, v10;
	v0 =	vmov s30  }
0xd8: {  	v12 =	vadd.s32 v48, v52;
	v6 =	vld [tilespmem:s0+$0x160];
	[tilespmem:$0x1FCF0] =	vst v0  }
0xd9: {  	v60 =	vadd.s32 v24, v60;
	v11 =	vld [tilespmem:s0+$0xFFFFFEB0];
	[tilespmem:v4+s20+$0x0] =	vst.idx.msk $0xffff, v3  }
0xda: {  	v59 =	vadd.s32 v36, v59;
	v8 =	vld [tilespmem:s0+$0xFFFFFEF0];
	[tilespmem:v44+s20+$0x0] =	vst.idx.msk $0xffff, v7  }
0xdb: {  	[tilespmem:v47+s20+$0x0] =	vst.idx.msk $0xffff, v13  }
0xdc: {  	[tilespmem:v1+s20+$0x0] =	vst.idx.msk $0xffff, v9  }
0xdd: {  	[tilespmem:v12+s20+$0x0] =	vst.idx.msk $0xffff, v6  }
0xde: {  	v33 =	vmov v54;
	v0 =	vadd.s32 v37, v25;
	v54 =	vld [tilespmem:s0+$0xFFFFFF30];
	[tilespmem:v60+s20+$0x0] =	vst.idx.msk $0xffff, v11  }
0xdf: {  	v55 =	vadd.s32 v41, v29;
	v15 =	vshrl.u32 v5, $0x3;
	v63 =	vld [tilespmem:s0+$0xFFFFFF70];
	[tilespmem:v59+s20+$0x0] =	vst.idx.msk $0xffff, v8  }
0xe0: {  	v7 =	vshll.u32 v15, v17;
	v15 =	vadd.s32 v22, v31;
	v31 =	vmov v14;
	v14 =	vld [tilespmem:$0x1FE80]  }
0xe1: {  	s11 =	simm.s32 $0x13  }
0xe2: {  	s9 =	simm.s32 $0x11;
	s17 =	simm.s32 $0x14;
	s10 =	simm.s32 $0x12;
	v56 =	vmov s11  }
0xe3: {  	v57 =	vmov s17;
	v28 =	vmov s9;
	s9 =	simm.s32 $0x1A;
	v16 =	vmov s10;
	s10 =	simm.s32 $0x16;
	[tilespmem:v0+s20+$0x0] =	vst.idx.msk $0xffff, v54  }
0xe4: {  	s11 =	simm.s32 $0x17;
	v56 =	vshrl.u32 v56, $0x3;
	v62 =	vmov s9;
	v58 =	vmov s10;
	[tilespmem:v55+s20+$0x0] =	vst.idx.msk $0xffff, v63  }
0xe5: {  	s10 =	simm.s32 $0x1B;
	v5 =	vmov s11;
	s30 =	simm.s32 $0x19;
	s11 =	simm.s32 $0x1C;
	v8 =	vshrl.u32 v16, $0x3;
	v16 =	vadd.s32 v14, v27;
	v14 =	vld [tilespmem:$0x1FCF0]  }
0xe6: {  	v61 =	vmov s30;
	s30 =	simm.s32 $0x1E;
	v3 =	vmov s10;
	v4 =	vmov s11;
	v10 =	vld [tilespmem:s0+$0xFFFFFFB0]  }
0xe7: {  	v41 =	vmovc v36;
	s17 =	simm.s32 $0x18;
	v36 =	vmovc v20;
	v13 =	vadd.s32 v34, v2;
	v2 =	vmov s30;
	v9 =	vshrl.u32 v28, $0x3;
	v12 =	vld [tilespmem:s0+$0x30]  }
0xe8: {  	v47 =	vmovc v45;
	v45 =	vmovc v37;
	v44 =	vmov v43;
	v43 =	vmov v35;
	v6 =	vmov s17;
	s17 =	simm.s32 $0x1D;
	v11 =	vld [tilespmem:s0+$0xFFFFFFF0]  }
0xe9: {  	v37 =	vmovc v24;
	v35 =	vmovc v30;
	v1 =	vmov s17;
	v59 =	vld [tilespmem:s0+$0x70];
	v54 =	vshrl.u32 v57, $0x3;
	v0 =	vadd.s32 v33, v18  }
0xea: {  	v34 =	vmovc v23;
	v30 =	vmovc v21;
	s11 =	simm.s32 $0x1F;
	s10 =	simm.s32 $0x20;
	v60 =	vld [tilespmem:s0+$0xB0];
	v55 =	vshrl.u32 v58, $0x3;
	v58 =	vadd.s32 v24, v19;
	v57 =	vshrl.u32 v14, $0x3  }
.LBB2_3:
0xeb: {  	v25 =	vld [tilespmem:$0x1FF70]  }
0xec: {  	v27 =	vld [tilespmem:$0x1FE50]  }
0xed: {  	v22 =	vld [tilespmem:s0+$0xFFFFFE30]  }
0xee: {  	v28 =	vld [tilespmem:$0x1FE80]  }
0xef: {  	v18 =	vld [tilespmem:$0x1FFE0]  }
0xf0: {  	v19 =	vld [tilespmem:$0x1FFB0]  }
0xf1: {  	v5 =	vshrl.u32 v5, $0x3;
	v29 =	vld [tilespmem:$0x1FFD0];
	[tilespmem:v13+s20+$0x0] =	vst.idx.msk $0xffff, v10  }
0xf2: {  	v63 =	vmov s11;
	v6 =	vshrl.u32 v6, $0x3;
	v9 =	vshll.u32 v9, v17;
	v10 =	vld [tilespmem:s0+$0xF0];
	[tilespmem:v15+s20+$0x0] =	vst.idx.msk $0xffff, v11  }
0xf3: {  	v20 =	vshrl.u32 v63, $0x3;
	v5 =	vshll.u32 v5, v17;
	v13 =	vadd.s32 v41, v50;
	v11 =	vld [tilespmem:s0+$0x130];
	[tilespmem:v16+s20+$0x0] =	vst.idx.msk $0xffff, v12  }
0xf4: {  	v15 =	vadd.s32 v45, v51;
	v51 =	vshrl.u32 v61, $0x3;
	v50 =	vshll.u32 v20, v17;
	v12 =	vld [tilespmem:s0+$0x170];
	[tilespmem:v0+s20+$0x0] =	vst.idx.msk $0xffff, v59  }
0xf5: {  	v0 =	vld [tilespmem:s0+$0x1B0];
	[tilespmem:v58+s20+$0x0] =	vst.idx.msk $0xffff, v60;
	v61 =	vbroadcast v9, $0x0;
	v58 =	vshll.u32 v57, v17;
	v60 =	vshll.u32 v55, v17  }
0xf6: {  	s0 =	sadd.s32 $0x400, s0;
	v20 =	vld [tilespmem:$0x1FF80];
	v16 =	vadd.s32 v25, v52;
	v14 =	vbroadcast v50, $0x0;
	v21 =	vadd.s32 v27, v53  }
0xf7: {  	v23 =	vadd.s32 v28, v49;
	v49 =	vbroadcast v7, $0x0;
	v7 =	vshll.u32 v8, v17;
	v8 =	vld [tilespmem:s0+$0x1C0]  }
0xf8: {  	v52 =	vshrl.u32 v62, $0x3;
	v53 =	vld [tilespmem:s0+$0xFFFFFF00];
	v57 =	vbroadcast v58, $0x0;
	v58 =	vbroadcast v5, $0x0  }
0xf9: {  	v5 =	vshll.u32 v6, v17;
	v6 =	vld [tilespmem:s0+$0xFFFFFF80];
	v62 =	vbroadcast v7, $0x0;
	v9 =	vadd.s32 v18, v14;
	[tilespmem:v13+s20+$0x0] =	vst.idx.msk $0xffff, v10  }
0xfa: {  	v7 =	vshll.u32 v56, v17;
	v59 =	vbroadcast v5, $0x0;
	v10 =	vld [tilespmem:s0+$0xFFFFFE00];
	v13 =	vadd.s32 v26, v49;
	[tilespmem:v15+s20+$0x0] =	vst.idx.msk $0xffff, v11  }
0xfb: {  	v5 =	vshll.u32 v51, v17;
	v56 =	vbroadcast v7, $0x0;
	v11 =	vld [tilespmem:s0+$0xFFFFFE40];
	v15 =	vadd.s32 v30, v61;
	[tilespmem:v16+s20+$0x0] =	vst.idx.msk $0xffff, v12  }
0xfc: {  	v55 =	vbroadcast v60, $0x0;
	v7 =	vshll.u32 v54, v17;
	v60 =	vbroadcast v5, $0x0;
	v5 =	vld [tilespmem:s0+$0x0];
	[tilespmem:v21+s20+$0x0] =	vst.idx.msk $0xffff, v0  }
0xfd: {  	v54 =	vbroadcast v7, $0x0;
	v7 =	vadd.s32 v38, v56;
	v0 =	vld [tilespmem:s0+$0xFFFFFEC0];
	[tilespmem:v23+s20+$0x0] =	vst.idx.msk $0xffff, v22  }
0xfe: {  	v1 =	vshrl.u32 v1, $0x3;
	v12 =	vld [tilespmem:s0+$0xFFFFFE80];
	v16 =	vadd.s32 v34, v62;
	[tilespmem:v9+s20+$0x0] =	vst.idx.msk $0xffff, v8  }
0xff: {  	v3 =	vshrl.u32 v3, $0x3;
	v1 =	vshll.u32 v1, v17;
	v63 =	vadd.s32 v42, v54;
	v8 =	vld [tilespmem:s0+$0x1D0];
	[tilespmem:v13+s20+$0x0] =	vst.idx.msk $0xffff, v10  }
0x100: {  	v2 =	vshrl.u32 v2, $0x3;
	v9 =	vadd.s32 v19, v14;
	[tilespmem:v15+s20+$0x0] =	vst.idx.msk $0xffff, v11;
	v10 =	vld [tilespmem:s0+$0xFFFFFF40];
	v11 =	vadd.s32 v46, v57  }
0x101: {  	v15 =	vshll.u32 v52, v17;
	v52 =	vbroadcast v1, $0x0;
	v1 =	vshll.u32 v2, v17;
	v2 =	vld [tilespmem:s0+$0x100]  }
0x102: {  	v3 =	vshll.u32 v3, v17;
	v13 =	vadd.s32 v26, v59;
	[tilespmem:v7+s20+$0x0] =	vst.idx.msk $0xffff, v0;
	v0 =	vld [tilespmem:s0+$0xFFFFFFC0]  }
0x103: {  	v4 =	vshrl.u32 v4, $0x3;
	v50 =	vbroadcast v3, $0x0;
	[tilespmem:v16+s20+$0x0] =	vst.idx.msk $0xffff, v12;
	v16 =	vld [tilespmem:s0+$0x40]  }
0x104: {  	v3 =	vshll.u32 v4, v17;
	v12 =	vadd.s32 v20, v55;
	[tilespmem:v63+s20+$0x0] =	vst.idx.msk $0xffff, v53;
	v63 =	vbroadcast v15, $0x0;
	v15 =	vld [tilespmem:$0x1FFC0]  }
0x105: {  	v51 =	vbroadcast v3, $0x0;
	v7 =	vadd.s32 v18, v58;
	v53 =	vbroadcast v1, $0x0;
	v1 =	vld [tilespmem:s0+$0x140];
	[tilespmem:v9+s20+$0x0] =	vst.idx.msk $0xffff, v8  }
0x106: {  	[tilespmem:v11+s20+$0x0] =	vst.idx.msk $0xffff, v10;
	v4 =	vld [tilespmem:s0+$0x1E0]  }
0x107: {  	[tilespmem:v13+s20+$0x0] =	vst.idx.msk $0xffff, v5;
	v5 =	vadd.s32 v42, v51;
	v10 =	vld [tilespmem:s0+$0x180]  }
0x108: {  	v11 =	vadd.s32 v20, v53;
	v13 =	vld [tilespmem:$0x1FE60]  }
0x109: {  	v8 =	vadd.s32 v15, v14;
	[tilespmem:v12+s20+$0x0] =	vst.idx.msk $0xffff, v6;
	v6 =	vld [tilespmem:s0+$0x80]  }
0x10a: {  	v3 =	vadd.s32 v38, v50;
	[tilespmem:v7+s20+$0x0] =	vst.idx.msk $0xffff, v0;
	v0 =	vld [tilespmem:s0+$0xC0]  }
0x10b: {  	v7 =	vadd.s32 v46, v52;
	v12 =	vld [tilespmem:$0x1FF90]  }
0x10c: {  	v9 =	vadd.s32 v34, v63;
	[tilespmem:v5+s20+$0x0] =	vst.idx.msk $0xffff, v2;
	v2 =	vld [tilespmem:s0+$0xFFFFFED0]  }
0x10d: {  	v5 =	vadd.s32 v39, v56;
	[tilespmem:v11+s20+$0x0] =	vst.idx.msk $0xffff, v10;
	v10 =	vld [tilespmem:s0+$0xFFFFFF50]  }
0x10e: {  	v11 =	vadd.s32 v47, v57;
	[tilespmem:v8+s20+$0x0] =	vst.idx.msk $0xffff, v4;
	v8 =	vld [tilespmem:s0+$0xFFFFFE50]  }
0x10f: {  	v18 =	vadd.s32 v30, v60;
	[tilespmem:v3+s20+$0x0] =	vst.idx.msk $0xffff, v0;
	v0 =	vld [tilespmem:s0+$0xFFFFFE90]  }
0x110: {  	v3 =	vadd.s32 v35, v62;
	[tilespmem:v7+s20+$0x0] =	vst.idx.msk $0xffff, v1;
	v1 =	vld [tilespmem:s0+$0xFFFFFF10]  }
0x111: {  	[tilespmem:v9+s20+$0x0] =	vst.idx.msk $0xffff, v6;
	v7 =	vadd.s32 v43, v54;
	v4 =	vld [tilespmem:s0+$0x1F0]  }
0x112: {  	v9 =	vadd.s32 v31, v61;
	[tilespmem:v5+s20+$0x0] =	vst.idx.msk $0xffff, v2;
	v2 =	vld [tilespmem:s0+$0x10]  }
0x113: {  	v6 =	vadd.s32 v29, v14;
	[tilespmem:v11+s20+$0x0] =	vst.idx.msk $0xffff, v10;
	v10 =	vld [tilespmem:s0+$0xFFFFFE10]  }
0x114: {  	[tilespmem:v18+s20+$0x0] =	vst.idx.msk $0xffff, v16;
	v5 =	vadd.s32 v13, v59;
	v11 =	vadd.s32 v13, v49;
	v13 =	vld [tilespmem:$0x1FE70]  }
0x115: {  	[tilespmem:v3+s20+$0x0] =	vst.idx.msk $0xffff, v0;
	v0 =	vld [tilespmem:s0+$0xFFFFFFD0]  }
0x116: {  	v3 =	vadd.s32 v19, v58;
	[tilespmem:v7+s20+$0x0] =	vst.idx.msk $0xffff, v1;
	v1 =	vld [tilespmem:s0+$0x50]  }
0x117: {  	[tilespmem:v9+s20+$0x0] =	vst.idx.msk $0xffff, v8;
	v7 =	vadd.s32 v31, v60;
	v8 =	vld [tilespmem:s0+$0x90]  }
0x118: {  	v9 =	vadd.s32 v35, v63;
	[tilespmem:v6+s20+$0x0] =	vst.idx.msk $0xffff, v4;
	v4 =	vld [tilespmem:s0+$0xFFFFFF90]  }
0x119: {  	v6 =	vadd.s32 v12, v55;
	[tilespmem:v5+s20+$0x0] =	vst.idx.msk $0xffff, v2;
	v2 =	vld [tilespmem:s0+$0x150]  }
0x11a: {  	v5 =	vadd.s32 v47, v52;
	[tilespmem:v11+s20+$0x0] =	vst.idx.msk $0xffff, v10;
	v11 =	vld [tilespmem:$0x1FFA0]  }
0x11b: {  	[tilespmem:v3+s20+$0x0] =	vst.idx.msk $0xffff, v0;
	v0 =	vld [tilespmem:s0+$0x110];
	v3 =	vadd.s32 v43, v51  }
0x11c: {  	[tilespmem:v7+s20+$0x0] =	vst.idx.msk $0xffff, v1;
	v1 =	vld [tilespmem:s0+$0x190];
	v7 =	vadd.s32 v12, v53  }
0x11d: {  	[tilespmem:v9+s20+$0x0] =	vst.idx.msk $0xffff, v8;
	v8 =	vld [tilespmem:s0+$0xFFFFFE60];
	v9 =	vadd.s32 v32, v61  }
0x11e: {  	[tilespmem:v6+s20+$0x0] =	vst.idx.msk $0xffff, v4;
	v4 =	vld [tilespmem:s0+$0xD0];
	v6 =	vadd.s32 v39, v50  }
0x11f: {  	[tilespmem:v5+s20+$0x0] =	vst.idx.msk $0xffff, v2;
	v2 =	vld [tilespmem:s0+$0xFFFFFF20];
	v5 =	vadd.s32 v44, v54  }
0x120: {  	[tilespmem:v3+s20+$0x0] =	vst.idx.msk $0xffff, v0;
	v0 =	vld [tilespmem:s0+$0xFFFFFEE0];
	v3 =	vadd.s32 v40, v56  }
0x121: {  	[tilespmem:v7+s20+$0x0] =	vst.idx.msk $0xffff, v1;
	v1 =	vld [tilespmem:s0+$0xFFFFFF60];
	v7 =	vadd.s32 v48, v57  }
0x122: {  	[tilespmem:v9+s20+$0x0] =	vst.idx.msk $0xffff, v8;
	v8 =	vld [tilespmem:s0+$0xFFFFFFA0];
	v9 =	vadd.s32 v11, v55  }
0x123: {  	[tilespmem:v6+s20+$0x0] =	vst.idx.msk $0xffff, v4;
	v4 =	vld [tilespmem:s0+$0xFFFFFEA0];
	v6 =	vadd.s32 v36, v62  }
0x124: {  	[tilespmem:v5+s20+$0x0] =	vst.idx.msk $0xffff, v2;
	v2 =	vld [tilespmem:s0+$0x60];
	v5 =	vadd.s32 v32, v60  }
0x125: {  	[tilespmem:v3+s20+$0x0] =	vst.idx.msk $0xffff, v0;
	v0 =	vld [tilespmem:s0+$0x20];
	v3 =	vadd.s32 v13, v59  }
0x126: {  	[tilespmem:v7+s20+$0x0] =	vst.idx.msk $0xffff, v1;
	v1 =	vld [tilespmem:s0+$0xA0];
	v7 =	vadd.s32 v36, v63  }
0x127: {  	v10 =	vmov s10;
	[tilespmem:v9+s20+$0x0] =	vst.idx.msk $0xffff, v8;
	v8 =	vld [tilespmem:s0+$0xE0];
	v9 =	vadd.s32 v40, v50  }
0x128: {  	v12 =	vshrl.u32 v10, $0x3;
	v10 =	vld [tilespmem:s0+$0xFFFFFE20];
	v13 =	vadd.s32 v13, v49;
	[tilespmem:v6+s20+$0x0] =	vst.idx.msk $0xffff, v4  }
0x129: {  	v4 =	vld [tilespmem:s0+$0xFFFFFFE0];
	v6 =	vadd.s32 v15, v58;
	[tilespmem:v5+s20+$0x0] =	vst.idx.msk $0xffff, v2  }
0x12a: {  	v56 =	vadd.s32 v41, v56;
	v22 =	vld [tilespmem:s0+$0xFFFFFEF0];
	[tilespmem:v3+s20+$0x0] =	vst.idx.msk $0xffff, v0  }
0x12b: {  	s17 =	sadd.s32 $0x6, s10;
	v25 =	vadd.s32 v25, v57;
	v24 =	vld [tilespmem:s0+$0xFFFFFF70];
	[tilespmem:v7+s20+$0x0] =	vst.idx.msk $0xffff, v1  }
0x12c: {  	s11 =	sadd.s32 $0x5, s10;
	v21 =	vmov s17;
	v0 =	vld [tilespmem:s0+$0x160];
	v3 =	vadd.s32 v48, v52;
	[tilespmem:v9+s20+$0x0] =	vst.idx.msk $0xffff, v8  }
0x12d: {  	s30 =	sadd.s32 $0x2, s10;
	s9 =	sadd.s32 $0x3, s10;
	v23 =	vadd.s32 v45, v54;
	v20 =	vmov s11;
	v11 =	vadd.s32 v11, v53;
	v2 =	vld [tilespmem:s0+$0x1A0];
	[tilespmem:v13+s20+$0x0] =	vst.idx.msk $0xffff, v10  }
0x12e: {  	s8 =	sadd.s32 $0x1, s10;
	v16 =	vmov s30;
	v18 =	vmov s9;
	s9 =	sadd.s32 $0x4, s10;
	v15 =	vadd.s32 v33, v61;
	v7 =	vld [tilespmem:s0+$0xFFFFFE70];
	[tilespmem:v6+s20+$0x0] =	vst.idx.msk $0xffff, v4  }
0x12f: {  	s11 =	sadd.s32 $0x9, s10;
	v14 =	vmov s8;
	v19 =	vmov s9;
	v8 =	vld [tilespmem:s0+$0xFFFFFEB0];
	v9 =	vadd.s32 v37, v62;
	[tilespmem:v56+s20+$0x0] =	vst.idx.msk $0xffff, v22  }
0x130: {  	s17 =	sadd.s32 $0xA, s10;
	s30 =	sadd.s32 $0x7, s10;
	v54 =	vshrl.u32 v19, $0x3;
	v61 =	vmov s11;
	v4 =	vld [tilespmem:s0+$0x120];
	v6 =	vadd.s32 v44, v51;
	[tilespmem:v25+s20+$0x0] =	vst.idx.msk $0xffff, v24  }
0x131: {  	p1 =	slt.u32 s10, $0x70;
	v57 =	vshrl.u32 v20, $0x3;
	v5 =	vmov s30;
	v62 =	vmov s17;
	s17 =	sadd.s32 $0xD, s10;
	[tilespmem:v3+s20+$0x0] =	vst.idx.msk $0xffff, v0;
	v0 =	vld [tilespmem:s0+$0xFFFFFF30]  }
.Ltmp0:
0x132: {  	s30 =	sadd.s32 $0xB, s10;
	v10 =	vld [tilespmem:s0+$0xFFFFFFB0];
	v13 =	vadd.s32 v27, v55;
	v55 =	vshrl.u32 v21, $0x3;
	v1 =	vmov s17;
	[tilespmem:v11+s20+$0x0] =	vst.idx.msk $0xffff, v2;
	(pc) =	sbr.rel @p1 .LBB2_3-.Ltmp0, $4  }
0x133: {  	v56 =	vshrl.u32 v18, $0x3;
	v11 =	vld [tilespmem:s0+$0xFFFFFFF0];
	v3 =	vmov s30;
	[tilespmem:v15+s20+$0x0] =	vst.idx.msk $0xffff, v7;
	v7 =	vshll.u32 v12, v17  }
0x134: {  	s9 =	sadd.s32 $0x8, s10;
	[tilespmem:v9+s20+$0x0] =	vst.idx.msk $0xffff, v8;
	v15 =	vadd.s32 v29, v58;
	v9 =	vshrl.u32 v14, $0x3;
	v8 =	vshrl.u32 v16, $0x3;
	v12 =	vld [tilespmem:s0+$0x30]  }
0x135: {  	s11 =	sadd.s32 $0xC, s10;
	s30 =	sadd.s32 $0xE, s10;
	v16 =	vadd.s32 v28, v59;
	v59 =	vld [tilespmem:s0+$0x70];
	v58 =	vadd.s32 v37, v63;
	[tilespmem:v6+s20+$0x0] =	vst.idx.msk $0xffff, v4;
	v6 =	vmov s9  }
0x136: {  	v4 =	vmov s11;
	v2 =	vmov s30;
	s11 =	sadd.s32 $0xF, s10;
	s10 =	sadd.s32 $0x10, s10;
	[tilespmem:v23+s20+$0x0] =	vst.idx.msk $0xffff, v0;
	v0 =	vadd.s32 v33, v60;
	v60 =	vld [tilespmem:s0+$0xB0]  }
0x137: {  	_ =	sdelay $0x3  }
0x138: {  	[tilespmem:v13+s20+$0x0] =	vst.idx.msk $0xffff, v10  }
0x139: {  	v10 =	vld [tilespmem:s0+$0xF0];
	[tilespmem:v15+s20+$0x0] =	vst.idx.msk $0xffff, v11  }
0x13a: {  	v13 =	vadd.s32 v41, v50;
	v11 =	vld [tilespmem:s0+$0x130];
	[tilespmem:v16+s20+$0x0] =	vst.idx.msk $0xffff, v12  }
0x13b: {  	v25 =	vld [tilespmem:$0x1FF70];
	[tilespmem:v0+s20+$0x0] =	vst.idx.msk $0xffff, v59  }
0x13c: {  	v27 =	vld [tilespmem:$0x1FE50]  }
0x13d: {  	v50 =	vbroadcast v7, $0x0;
	v28 =	vld [tilespmem:$0x1FE80];
	[tilespmem:v58+s20+$0x0] =	vst.idx.msk $0xffff, v60  }
0x13e: {  	v14 =	vmov s11;
	s11 =	sadd.s32 $0x400, s0;
	v15 =	vadd.s32 v45, v51;
	v60 =	vld [tilespmem:$0x1FFE0]  }
0x13f: {  	v14 =	vshrl.u32 v14, $0x3;
	[tilespmem:v13+s20+$0x0] =	vst.idx.msk $0xffff, v10;
	v10 =	vld [tilespmem:s11+$0xFFFFFE00];
	v13 =	vadd.s32 v26, v50  }
0x140: {  	v14 =	vshll.u32 v14, v17;
	v12 =	vld [tilespmem:s0+$0x170];
	v16 =	vadd.s32 v25, v52  }
0x141: {  	v14 =	vbroadcast v14, $0x0;
	v0 =	vld [tilespmem:s0+$0x1B0];
	v20 =	vadd.s32 v27, v53  }
0x142: {  	v53 =	vshll.u32 v9, v17;
	v9 =	vld [tilespmem:s0+$0xFFFFFE30];
	v21 =	vadd.s32 v28, v49  }
0x143: {  	v58 =	vshll.u32 v8, v17;
	v8 =	vld [tilespmem:s11+$0x1C0];
	[tilespmem:v15+s20+$0x0] =	vst.idx.msk $0xffff, v11;
	v22 =	vadd.s32 v60, v14  }
0x144: {  	[tilespmem:v13+s20+$0x0] =	vst.idx.msk $0xffff, v10  }
0x145: {  	v49 =	vbroadcast v53, $0x0;
	[tilespmem:v16+s20+$0x0] =	vst.idx.msk $0xffff, v12  }
0x146: {  	v51 =	vbroadcast v58, $0x0;
	[tilespmem:v20+s20+$0x0] =	vst.idx.msk $0xffff, v0  }
0x147: {  	v18 =	vshrl.u32 v61, $0x3;
	v61 =	vld [tilespmem:s11+$0xFFFFFE40];
	v15 =	vadd.s32 v30, v49;
	[tilespmem:v21+s20+$0x0] =	vst.idx.msk $0xffff, v9  }
0x148: {  	v63 =	vld [tilespmem:s11+$0xFFFFFE80];
	v59 =	vshll.u32 v56, v17;
	v16 =	vadd.s32 v34, v51;
	[tilespmem:v22+s20+$0x0] =	vst.idx.msk $0xffff, v8  }
0x149: {  	v19 =	vshrl.u32 v62, $0x3;
	v62 =	vshll.u32 v54, v17;
	v52 =	vbroadcast v59, $0x0;
	v29 =	vld [tilespmem:$0x1FFB0]  }
0x14a: {  	v58 =	vshll.u32 v57, v17;
	v11 =	vld [tilespmem:s11+$0xFFFFFF40];
	v53 =	vbroadcast v62, $0x0  }
0x14b: {  	v7 =	vshrl.u32 v3, $0x3;
	v3 =	vbroadcast v58, $0x0;
	v0 =	vld [tilespmem:s11+$0xFFFFFEC0];
	v20 =	vadd.s32 v38, v52  }
0x14c: {  	v9 =	vld [tilespmem:s11+$0xFFFFFF00];
	v21 =	vadd.s32 v42, v53;
	[tilespmem:v15+s20+$0x0] =	vst.idx.msk $0xffff, v61  }
0x14d: {  	v13 =	vadd.s32 v46, v3;
	v8 =	vld [tilespmem:s11+$0x1D0];
	[tilespmem:v16+s20+$0x0] =	vst.idx.msk $0xffff, v63  }
0x14e: {  	v24 =	vld [tilespmem:$0x1FF80];
	v10 =	vadd.s32 v29, v14;
	_ =	sdelay $0x1  }
0x14f: {  	v59 =	vshll.u32 v55, v17;
	[tilespmem:v20+s20+$0x0] =	vst.idx.msk $0xffff, v0  }
0x150: {  	v5 =	vshrl.u32 v5, $0x3;
	v23 =	vshrl.u32 v4, $0x3;
	v4 =	vbroadcast v59, $0x0;
	[tilespmem:v21+s20+$0x0] =	vst.idx.msk $0xffff, v9  }
0x151: {  	v6 =	vshrl.u32 v6, $0x3;
	v5 =	vshll.u32 v5, v17;
	[tilespmem:v13+s20+$0x0] =	vst.idx.msk $0xffff, v11  }
0x152: {  	v54 =	vbroadcast v5, $0x0;
	v62 =	vld [tilespmem:s11+$0xFFFFFF80];
	v61 =	vshll.u32 v6, v17;
	v63 =	vadd.s32 v24, v4;
	[tilespmem:v10+s20+$0x0] =	vst.idx.msk $0xffff, v8  }
0x153: {  	v56 =	vshll.u32 v18, v17;
	v55 =	vbroadcast v61, $0x0;
	v21 =	vld [tilespmem:$0x1FFC0]  }
0x154: {  	v56 =	vbroadcast v56, $0x0;
	v57 =	vshll.u32 v19, v17;
	v15 =	vadd.s32 v60, v54;
	v0 =	vld [tilespmem:s11+$0xFFFFFFC0]  }
0x155: {  	v5 =	vshrl.u32 v1, $0x3;
	v1 =	vbroadcast v57, $0x0;
	v9 =	vld [tilespmem:s11+$0x0];
	v16 =	vadd.s32 v26, v55  }
0x156: {  	v19 =	vld [tilespmem:s11+$0x40];
	v20 =	vadd.s32 v30, v56  }
0x157: {  	[tilespmem:v63+s20+$0x0] =	vst.idx.msk $0xffff, v62;
	v62 =	vld [tilespmem:s11+$0x80];
	v63 =	vadd.s32 v34, v1  }
0x158: {  	v8 =	vld [tilespmem:s11+$0x1E0];
	v61 =	vadd.s32 v21, v14  }
0x159: {  	[tilespmem:v15+s20+$0x0] =	vst.idx.msk $0xffff, v0  }
0x15a: {  	v18 =	vshrl.u32 v2, $0x3;
	v58 =	vshll.u32 v7, v17;
	[tilespmem:v16+s20+$0x0] =	vst.idx.msk $0xffff, v9  }
0x15b: {  	v5 =	vshll.u32 v5, v17;
	v2 =	vbroadcast v58, $0x0;
	v59 =	vshll.u32 v23, v17;
	[tilespmem:v20+s20+$0x0] =	vst.idx.msk $0xffff, v19  }
0x15c: {  	v58 =	vbroadcast v5, $0x0;
	v57 =	vbroadcast v59, $0x0;
	[tilespmem:v63+s20+$0x0] =	vst.idx.msk $0xffff, v62  }
0x15d: {  	v23 =	vshll.u32 v18, v17;
	v0 =	vld [tilespmem:s11+$0xC0];
	[tilespmem:v61+s20+$0x0] =	vst.idx.msk $0xffff, v8  }
0x15e: {  	v22 =	vadd.s32 v38, v2;
	v34 =	vadd.s32 v42, v57;
	v42 =	vadd.s32 v46, v58;
	v46 =	vld [tilespmem:$0x1FFD0]  }
0x15f: {  	v59 =	vbroadcast v23, $0x0;
	v9 =	vld [tilespmem:s11+$0x100]  }
0x160: {  	v38 =	vld [tilespmem:s11+$0x140]  }
0x161: {  	v15 =	vld [tilespmem:s11+$0x180];
	v16 =	vadd.s32 v24, v59  }
0x162: {  	v20 =	vadd.s32 v31, v49;
	v63 =	vld [tilespmem:s11+$0xFFFFFE50]  }
0x163: {  	v61 =	vld [tilespmem:s11+$0x1F0];
	[tilespmem:v22+s20+$0x0] =	vst.idx.msk $0xffff, v0;
	v62 =	vadd.s32 v46, v14  }
0x164: {  	[tilespmem:v34+s20+$0x0] =	vst.idx.msk $0xffff, v9  }
0x165: {  	[tilespmem:v42+s20+$0x0] =	vst.idx.msk $0xffff, v38  }
0x166: {  	v23 =	vadd.s32 v35, v51;
	v22 =	vld [tilespmem:s11+$0xFFFFFE90];
	[tilespmem:v16+s20+$0x0] =	vst.idx.msk $0xffff, v15  }
0x167: {  	v9 =	vld [tilespmem:s11+$0xFFFFFED0];
	v34 =	vadd.s32 v39, v52;
	[tilespmem:v20+s20+$0x0] =	vst.idx.msk $0xffff, v63  }
0x168: {  	[tilespmem:v62+s20+$0x0] =	vst.idx.msk $0xffff, v61  }
0x169: {  	v63 =	vld [tilespmem:$0x1FF90]  }
0x16a: {  	v38 =	vld [tilespmem:s11+$0xFFFFFF10]  }
0x16b: {  	v42 =	vadd.s32 v43, v53;
	v14 =	vld [tilespmem:s11+$0xFFFFFF50];
	[tilespmem:v23+s20+$0x0] =	vst.idx.msk $0xffff, v22  }
0x16c: {  	v22 =	vld [tilespmem:s11+$0xFFFFFFD0];
	v23 =	vadd.s32 v29, v54;
	[tilespmem:v34+s20+$0x0] =	vst.idx.msk $0xffff, v9  }
0x16d: {  	v15 =	vadd.s32 v47, v3;
	v16 =	vld [tilespmem:$0x1FE60]  }
0x16e: {  	v6 =	vld [tilespmem:s11+$0xFFFFFF90];
	v20 =	vadd.s32 v63, v4  }
0x16f: {  	v12 =	vld [tilespmem:s11+$0x90];
	v61 =	vadd.s32 v35, v1  }
0x170: {  	[tilespmem:v42+s20+$0x0] =	vst.idx.msk $0xffff, v38;
	v38 =	vld [tilespmem:s11+$0x50];
	v42 =	vadd.s32 v31, v56  }
0x171: {  	[tilespmem:v23+s20+$0x0] =	vst.idx.msk $0xffff, v22;
	v22 =	vld [tilespmem:s11+$0x110];
	v23 =	vadd.s32 v43, v57  }
0x172: {  	v9 =	vld [tilespmem:s11+$0x10];
	[tilespmem:v15+s20+$0x0] =	vst.idx.msk $0xffff, v14;
	v34 =	vadd.s32 v16, v55  }
0x173: {  	v62 =	vld [tilespmem:s11+$0xD0];
	[tilespmem:v20+s20+$0x0] =	vst.idx.msk $0xffff, v6;
	v20 =	vadd.s32 v39, v2  }
0x174: {  	v35 =	vadd.s32 v47, v58;
	v47 =	vadd.s32 v32, v49;
	[tilespmem:v61+s20+$0x0] =	vst.idx.msk $0xffff, v12;
	v43 =	vld [tilespmem:s11+$0xFFFFFE60]  }
0x175: {  	[tilespmem:v42+s20+$0x0] =	vst.idx.msk $0xffff, v38;
	v42 =	vld [tilespmem:s11+$0xFFFFFE10];
	v15 =	vadd.s32 v16, v50  }
0x176: {  	v38 =	vld [tilespmem:s11+$0x190];
	v39 =	vadd.s32 v63, v59;
	[tilespmem:v23+s20+$0x0] =	vst.idx.msk $0xffff, v22  }
0x177: {  	[tilespmem:v34+s20+$0x0] =	vst.idx.msk $0xffff, v9;
	v34 =	vld [tilespmem:s11+$0x150]  }
0x178: {  	v61 =	vld [tilespmem:s11+$0xFFFFFEA0];
	[tilespmem:v20+s20+$0x0] =	vst.idx.msk $0xffff, v62;
	v62 =	vadd.s32 v36, v51  }
0x179: {  	v22 =	vadd.s32 v40, v52;
	[tilespmem:v47+s20+$0x0] =	vst.idx.msk $0xffff, v43;
	v20 =	vld [tilespmem:s11+$0xFFFFFEE0]  }
0x17a: {  	[tilespmem:v15+s20+$0x0] =	vst.idx.msk $0xffff, v42  }
0x17b: {  	[tilespmem:v39+s20+$0x0] =	vst.idx.msk $0xffff, v38  }
0x17c: {  	v23 =	vadd.s32 v44, v53;
	v9 =	vld [tilespmem:s11+$0xFFFFFF20];
	[tilespmem:v35+s20+$0x0] =	vst.idx.msk $0xffff, v34  }
0x17d: {  	v34 =	vld [tilespmem:$0x1FFA0];
	[tilespmem:v62+s20+$0x0] =	vst.idx.msk $0xffff, v61  }
0x17e: {  	v5 =	vld [tilespmem:s11+$0xFFFFFF60];
	[tilespmem:v22+s20+$0x0] =	vst.idx.msk $0xffff, v20  }
0x17f: {  	v38 =	vadd.s32 v48, v3;
	v62 =	vld [tilespmem:$0x1FE70]  }
0x180: {  	v36 =	vadd.s32 v36, v1;
	v35 =	vld [tilespmem:s11+$0xA0]  }
0x181: {  	v32 =	vadd.s32 v32, v56;
	[tilespmem:v23+s20+$0x0] =	vst.idx.msk $0xffff, v9;
	v23 =	vld [tilespmem:s11+$0x60]  }
0x182: {  	v43 =	vld [tilespmem:s11+$0xFFFFFFE0];
	v47 =	vadd.s32 v21, v54  }
0x183: {  	v39 =	vld [tilespmem:s11+$0xFFFFFFA0];
	v42 =	vadd.s32 v34, v4  }
0x184: {  	v20 =	vld [tilespmem:s11+$0x20];
	[tilespmem:v38+s20+$0x0] =	vst.idx.msk $0xffff, v5;
	v22 =	vadd.s32 v62, v55  }
0x185: {  	v14 =	vld [tilespmem:s11+$0xFFFFFE20];
	[tilespmem:v36+s20+$0x0] =	vst.idx.msk $0xffff, v35;
	v15 =	vadd.s32 v62, v50  }
0x186: {  	v35 =	vadd.s32 v41, v52;
	[tilespmem:v32+s20+$0x0] =	vst.idx.msk $0xffff, v23;
	v32 =	vld [tilespmem:s11+$0xFFFFFEF0]  }
0x187: {  	v1 =	vadd.s32 v37, v1;
	[tilespmem:v47+s20+$0x0] =	vst.idx.msk $0xffff, v43;
	v23 =	vadd.s32 v37, v51;
	v51 =	vld [tilespmem:s11+$0xB0]  }
0x188: {  	v38 =	vld [tilespmem:s11+$0xE0];
	[tilespmem:v42+s20+$0x0] =	vst.idx.msk $0xffff, v39;
	v39 =	vadd.s32 v40, v2  }
0x189: {  	v40 =	vld [tilespmem:s11+$0x120];
	v42 =	vadd.s32 v44, v57;
	[tilespmem:v22+s20+$0x0] =	vst.idx.msk $0xffff, v20  }
0x18a: {  	v43 =	vld [tilespmem:s11+$0x160];
	v44 =	vadd.s32 v48, v58;
	[tilespmem:v15+s20+$0x0] =	vst.idx.msk $0xffff, v14  }
0x18b: {  	v47 =	vld [tilespmem:s11+$0x1A0];
	v48 =	vadd.s32 v34, v59;
	[tilespmem:v35+s20+$0x0] =	vst.idx.msk $0xffff, v32  }
0x18c: {  	v61 =	vld [tilespmem:s11+$0xFFFFFE70];
	v20 =	vadd.s32 v33, v49;
	[tilespmem:v1+s20+$0x0] =	vst.idx.msk $0xffff, v51  }
0x18d: {  	v22 =	vld [tilespmem:s11+$0xFFFFFEB0];
	[tilespmem:v39+s20+$0x0] =	vst.idx.msk $0xffff, v38  }
0x18e: {  	v36 =	vld [tilespmem:s11+$0xFFFFFF30];
	[tilespmem:v42+s20+$0x0] =	vst.idx.msk $0xffff, v40;
	v38 =	vadd.s32 v45, v53  }
0x18f: {  	v3 =	vadd.s32 v25, v3;
	[tilespmem:v44+s20+$0x0] =	vst.idx.msk $0xffff, v43;
	v39 =	vld [tilespmem:s11+$0xFFFFFF70]  }
0x190: {  	v4 =	vadd.s32 v27, v4;
	[tilespmem:v48+s20+$0x0] =	vst.idx.msk $0xffff, v47;
	v40 =	vld [tilespmem:s11+$0xFFFFFFB0]  }
0x191: {  	v42 =	vld [tilespmem:s11+$0xFFFFFFF0];
	v43 =	vadd.s32 v46, v54;
	[tilespmem:v20+s20+$0x0] =	vst.idx.msk $0xffff, v61  }
0x192: {  	v44 =	vld [tilespmem:s11+$0x30];
	v47 =	vadd.s32 v28, v55;
	[tilespmem:v23+s20+$0x0] =	vst.idx.msk $0xffff, v22  }
0x193: {  	v49 =	vadd.s32 v33, v56;
	v48 =	vld [tilespmem:s11+$0x70];
	[tilespmem:v38+s20+$0x0] =	vst.idx.msk $0xffff, v36  }
0x194: {  	v2 =	vadd.s32 v41, v2;
	v52 =	vld [tilespmem:s11+$0xF0];
	[tilespmem:v3+s20+$0x0] =	vst.idx.msk $0xffff, v39  }
0x195: {  	v54 =	vadd.s32 v45, v57;
	v53 =	vld [tilespmem:s11+$0x130];
	[tilespmem:v4+s20+$0x0] =	vst.idx.msk $0xffff, v40  }
0x196: {  	v56 =	vadd.s32 v25, v58;
	v55 =	vld [tilespmem:s11+$0x170];
	[tilespmem:v43+s20+$0x0] =	vst.idx.msk $0xffff, v42  }
0x197: {  	v58 =	vadd.s32 v27, v59;
	v57 =	vld [tilespmem:s11+$0x1B0];
	[tilespmem:v47+s20+$0x0] =	vst.idx.msk $0xffff, v44  }
0x198: {  	v59 =	vld [tilespmem:s11+$0xFFFFFE30];
	v61 =	vadd.s32 v28, v50;
	[tilespmem:v49+s20+$0x0] =	vst.idx.msk $0xffff, v48  }
0x199: {  	[tilespmem:v2+s20+$0x0] =	vst.idx.msk $0xffff, v52  }
0x19a: {  	s17 =	sshll.u32 s31, $0x14;
	[tilespmem:v54+s20+$0x0] =	vst.idx.msk $0xffff, v53  }
0x19b: {  	s0 =	sor.u32 s6, s17;
	[tilespmem:v56+s20+$0x0] =	vst.idx.msk $0xffff, v55  }
0x19c: {  	s10 =	sshrl.u32 s0, $0x3;
	[tilespmem:v58+s20+$0x0] =	vst.idx.msk $0xffff, v57  }
0x19d: {  	s8 =	simm.s32 $0x9B00;
	s30 =	sadd.s32 s2, s10;
	[tilespmem:v61+s20+$0x0] =	vst.idx.msk $0xffff, v59  }
0x19e: {  	[hbm4b:s30+s3] =	stream.linear.scatter [tilespmem:s8], [sflag:$0x5], $0x80, $0x38;
	[tilespmem:$0xDF00] =	vst v63  }
0x19f: {  	s9 =	simm.s32 $0x9B88;
	s8 =	sadd.s32 $0x10, s30  }
0x1a0: {  	[hbm4b:s8+s3] =	stream.linear.scatter [tilespmem:s9], [sflag:$0x5], $0x80, $0x38;
	[tilespmem:$0xDF00] =	vst v63  }
0x1a1: {  	s17 =	sadd.s32 $0x20, s30;
	s11 =	simm.s32 $0x9C10  }
0x1a2: {  	[hbm4b:s17+s3] =	stream.linear.scatter [tilespmem:s11], [sflag:$0x5], $0x80, $0x38;
	[tilespmem:$0xDF00] =	vst v63  }
0x1a3: {  	s8 =	simm.s32 $0x9C98;
	s9 =	sadd.s32 $0x30, s30  }
0x1a4: {  	[hbm4b:s9+s3] =	stream.linear.scatter [tilespmem:s8], [sflag:$0x5], $0x80, $0x38;
	[tilespmem:$0xDF00] =	vst v63  }
0x1a5: {  	s11 =	simm.s32 $0x9D20;
	s17 =	sadd.s32 $0x40, s30  }
0x1a6: {  	[hbm4b:s17+s3] =	stream.linear.scatter [tilespmem:s11], [sflag:$0x5], $0x80, $0x38;
	[tilespmem:$0xDF00] =	vst v63  }
0x1a7: {  	s0 =	simm.s32 $0x2200;
	s8 =	simm.s32 $0x9DA8;
	s9 =	sadd.s32 $0x50, s30  }
0x1a8: {  	[hbm4b:s9+s3] =	stream.linear.scatter [tilespmem:s8], [sflag:$0x5], $0x80, $0x38;
	[tilespmem:$0xDF00] =	vst v63  }
0x1a9: {  	s11 =	simm.s32 $0x9E30;
	s17 =	sadd.s32 $0x60, s30;
	s8 =	simm.s32 $0x9EB8  }
0x1aa: {  	[hbm4b:s17+s3] =	stream.linear.scatter [tilespmem:s11], [sflag:$0x5], $0x80, $0x38;
	[tilespmem:$0xDF00] =	vst v63  }
0x1ab: {  	v30 =	vmovc v60;
	v27 =	vmovc v16;
	v25 =	vmov v46;
	v38 =	vmov v24;
	v42 =	vmov v21;
	s9 =	sadd.s32 $0x70, s30;
	s30 =	sadd.s32 $0x1000, s30;
	s11 =	simm.s32 $0x440  }
.LBB2_5:
0x1ac: {  	[hbm4b:s9+s3] =	stream.linear.scatter [tilespmem:s8], [sflag:$0x5], $0x80, $0x38;
	[tilespmem:$0xDF00] =	vst v63  }
0x1ad: {  	s8 =	smov.u32 s11;
	s9 =	smov.u32 s0  }
0x1ae: {  	s17 =	sadd.s32 $0x1100, s0;
	s11 =	sshra.s32 s9, $0x2;
	s9 =	sadd.s32 $0x9B00, s8  }
0x1af: {  	[hbm4b:s30+s3] =	stream.linear.scatter [tilespmem:s9], [sflag:$0x5], $0x80, $0x38;
	[tilespmem:$0xDF00] =	vst v63  }
0x1b0: {  	p1 =	sne.s32 s0, $0x7700;
	s0 =	sadd.s32 $0x9B88, s8;
	s9 =	sadd.s32 $0x10, s30  }
0x1b1: {  	[hbm4b:s9+s3] =	stream.linear.scatter [tilespmem:s0], [sflag:$0x5], $0x80, $0x38;
	[tilespmem:$0xDF00] =	vst v63  }
0x1b2: {  	s0 =	sadd.s32 $0x9C10, s8;
	s9 =	sadd.s32 $0x20, s30  }
0x1b3: {  	[hbm4b:s9+s3] =	stream.linear.scatter [tilespmem:s0], [sflag:$0x5], $0x80, $0x38;
	[tilespmem:$0xDF00] =	vst v63  }
0x1b4: {  	s0 =	sadd.s32 $0x9C98, s8;
	s9 =	sadd.s32 $0x30, s30  }
0x1b5: {  	[hbm4b:s9+s3] =	stream.linear.scatter [tilespmem:s0], [sflag:$0x5], $0x80, $0x38;
	[tilespmem:$0xDF00] =	vst v63  }
0x1b6: {  	s0 =	sadd.s32 $0x9D20, s8;
	s9 =	sadd.s32 $0x40, s30  }
0x1b7: {  	[hbm4b:s9+s3] =	stream.linear.scatter [tilespmem:s0], [sflag:$0x5], $0x80, $0x38;
	[tilespmem:$0xDF00] =	vst v63  }
.Ltmp1:
0x1b8: {  	s0 =	sadd.s32 $0x9DA8, s8;
	s9 =	sadd.s32 $0x50, s30;
	(pc) =	sbr.rel @p1 .LBB2_5-.Ltmp1, $4  }
0x1b9: {  	[hbm4b:s9+s3] =	stream.linear.scatter [tilespmem:s0], [sflag:$0x5], $0x80, $0x38;
	[tilespmem:$0xDF00] =	vst v63  }
0x1ba: {  	s0 =	sadd.s32 $0x9E30, s8;
	s9 =	sadd.s32 $0x60, s30;
	s8 =	sadd.s32 $0x9EB8, s8  }
0x1bb: {  	[hbm4b:s9+s3] =	stream.linear.scatter [tilespmem:s0], [sflag:$0x5], $0x80, $0x38;
	[tilespmem:$0xDF00] =	vst v63  }
0x1bc: {  	s9 =	sadd.s32 $0x70, s30;
	s30 =	sadd.s32 $0x1000, s30;
	s0 =	smov.u32 s17  }
0x1bd: {  	[hbm4b:s9+s3] =	stream.linear.scatter [tilespmem:s8], [sflag:$0x5], $0x80, $0x38;
	[tilespmem:$0xDF00] =	vst v63  }
0x1be: {  	s0 =	sadd.s32 $0x9B00, s11  }
0x1bf: {  	[hbm4b:s30+s3] =	stream.linear.scatter [tilespmem:s0], [sflag:$0x5], $0x80, $0x38;
	[tilespmem:$0xDF00] =	vst v63  }
0x1c0: {  	s9 =	sadd.s32 $0x9B88, s11;
	s17 =	sadd.s32 $0x10, s30  }
0x1c1: {  	[hbm4b:s17+s3] =	stream.linear.scatter [tilespmem:s9], [sflag:$0x5], $0x80, $0x38;
	[tilespmem:$0xDF00] =	vst v63  }
0x1c2: {  	s9 =	sadd.s32 $0x9C10, s11;
	s17 =	sadd.s32 $0x20, s30  }
0x1c3: {  	[hbm4b:s17+s3] =	stream.linear.scatter [tilespmem:s9], [sflag:$0x5], $0x80, $0x38;
	[tilespmem:$0xDF00] =	vst v63  }
0x1c4: {  	v2 =	vld [tilespmem:$0x1FDE0];
	s9 =	sadd.s32 $0x9C98, s11;
	s17 =	sadd.s32 $0x30, s30  }
0x1c5: {  	[hbm4b:s17+s3] =	stream.linear.scatter [tilespmem:s9], [sflag:$0x5], $0x80, $0x38;
	[tilespmem:$0xDF00] =	vst v63  }
0x1c6: {  	s9 =	sadd.s32 $0x9D20, s11;
	s17 =	sadd.s32 $0x40, s30  }
0x1c7: {  	[hbm4b:s17+s3] =	stream.linear.scatter [tilespmem:s9], [sflag:$0x5], $0x80, $0x38;
	[tilespmem:$0xDF00] =	vst v63  }
0x1c8: {  	s0 =	sor.u32 $0x3, s1;
	s9 =	sadd.s32 $0x9DA8, s11;
	s17 =	sadd.s32 $0x50, s30  }
0x1c9: {  	v0 =	vadd.s32 s0, v2;
	[hbm4b:s17+s3] =	stream.linear.scatter [tilespmem:s9], [sflag:$0x5], $0x80, $0x38;
	[tilespmem:$0xDF00] =	vst v63  }
0x1ca: {  	s9 =	sadd.s32 $0x9E30, s11;
	s17 =	sadd.s32 $0x60, s30  }
0x1cb: {  	[hbm4b:s17+s3] =	stream.linear.scatter [tilespmem:s9], [sflag:$0x5], $0x80, $0x38;
	[tilespmem:$0xDF00] =	vst v63  }
0x1cc: {  	s11 =	sadd.s32 $0x9EB8, s11;
	s17 =	sadd.s32 $0x70, s30  }
0x1cd: {  	[hbm4b:s17+s3] =	stream.linear.scatter [tilespmem:s11], [sflag:$0x5], $0x80, $0x38;
	[tilespmem:$0xDF00] =	vst v63  }
0x1ce: {  	s9 =	sadd.s32 $0x323, s1;
	v0 =	vld.idx.msk [tilespmem:v0+s3+$0x0], $0xffff  }
0x1cf: {  	v1 =	vadd.s32 s9, v2;
	_ =	sdelay $0x3  }
0x1d0: {  	[tilespmem:$0x1A80] =	vst v0  }
0x1d1: {  	s11 =	sor.u32 $0x643, s1;
	v0 =	vld.idx.msk [tilespmem:v1+s3+$0x0], $0xffff  }
0x1d2: {  	v1 =	vadd.s32 s11, v2;
	_ =	sdelay $0x3  }
0x1d3: {  	[tilespmem:$0x1A90] =	vst v0  }
0x1d4: {  	s17 =	sadd.s32 $0x963, s1;
	v0 =	vld.idx.msk [tilespmem:v1+s3+$0x0], $0xffff  }
0x1d5: {  	v1 =	vadd.s32 s17, v2;
	_ =	sdelay $0x3  }
0x1d6: {  	[tilespmem:$0x1AA0] =	vst v0  }
0x1d7: {  	s9 =	sor.u32 $0xC83, s1;
	v0 =	vld.idx.msk [tilespmem:v1+s3+$0x0], $0xffff  }
0x1d8: {  	v1 =	vadd.s32 s9, v2;
	_ =	sdelay $0x3  }
0x1d9: {  	[tilespmem:$0x1AB0] =	vst v0  }
0x1da: {  	s11 =	sadd.s32 $0xFA3, s1;
	v0 =	vld.idx.msk [tilespmem:v1+s3+$0x0], $0xffff  }
0x1db: {  	v1 =	vadd.s32 s11, v2;
	_ =	sdelay $0x3  }
0x1dc: {  	[tilespmem:$0x1AC0] =	vst v0  }
0x1dd: {  	s17 =	sor.u32 $0x12C3, s1;
	v0 =	vld.idx.msk [tilespmem:v1+s3+$0x0], $0xffff  }
0x1de: {  	v1 =	vadd.s32 s17, v2;
	_ =	sdelay $0x3  }
0x1df: {  	[tilespmem:$0x1AD0] =	vst v0  }
0x1e0: {  	s9 =	sadd.s32 $0x15E3, s1;
	v0 =	vld.idx.msk [tilespmem:v1+s3+$0x0], $0xffff  }
0x1e1: {  	v1 =	vadd.s32 s9, v2;
	_ =	sdelay $0x3  }
0x1e2: {  	[tilespmem:$0x1AE0] =	vst v0  }
0x1e3: {  	v0 =	vld.idx.msk [tilespmem:v1+s3+$0x0], $0xffff;
	_ =	sdelay $0x1  }
0x1e4: {  	s17 =	simm.s32 $0x1  }
0x1e5: {  	v1 =	vmov s17;
	s17 =	simm.s32 $0x4  }
0x1e6: {  	v4 =	vmov s17;
	s17 =	simm.s32 $0x7  }
0x1e7: {  	s11 =	simm.s32 $0x0;
	v7 =	vmov s17;
	s17 =	simm.s32 $0xA;
	[tilespmem:$0x1AF0] =	vst v0  }
0x1e8: {  	[tilespmem:s22], [sflag:$0x4] =	stream.indirect.gather [hbm4b:s4+s12], $0x40, s21, s12, $0xb8;
	[tilespmem:$0xDF00] =	vst v63  }
0x1e9: {  	s9 =	simm.s32 $0x2;
	v10 =	vmov s17;
	s17 =	simm.s32 $0xD;
	_ =	swait.ge [sflag:s23], $0x2000  }
0x1ea: {  	v2 =	vmov s9;
	v13 =	vmov s17;
	s17 =	simm.s32 $0xF;
	v0 =	vmov s11;
	s11 =	simm.s32 $0x3;
	[sflag:s23] =	ssyncset.done $0x0  }
0x1eb: {  	s8 =	simm.s32 @!p0 $0x6;
	v2 =	vshrl.u32 v2, $0x3;
	v15 =	vmov s17;
	v3 =	vmov s11;
	s11 =	simm.s32 $0x6;
	[sflag:s23] =	ssyncadd.s32 $0xFFFFE000  }
0x1ec: {  	v1 =	vshrl.u32 v1, $0x3;
	v15 =	vshrl.u32 v15, $0x3;
	v6 =	vmov s11;
	s11 =	simm.s32 $0x9;
	_ =	swait.ge @!p0 [sflag:s8], $0x2000  }
0x1ed: {  	v0 =	vshrl.u32 v0, $0x3;
	v15 =	vshll.u32 v15, v17;
	v9 =	vmov s11;
	s11 =	simm.s32 $0xC;
	v35 =	vld [tilespmem:$0x1FE90]  }
0x1ee: {  	v0 =	vshll.u32 v0, v17;
	v15 =	vbroadcast v15, $0x0;
	v12 =	vmov s11;
	s11 =	simm.s32 $0xE;
	[sflag:s8] =	ssyncset.done @!p0 $0x0  }
0x1ef: {  	v49 =	vbroadcast v0, $0x0;
	v0 =	vshll.u32 v1, v17;
	v14 =	vmov s11;
	s11 =	simm.s32 $0x3D00;
	v32 =	vld [tilespmem:$0x1FEB0];
	[sflag:s8] =	ssyncadd.s32 @!p0 $0xFFFFE000  }
0x1f0: {  	v61 =	vbroadcast v0, $0x0;
	v0 =	vshll.u32 v2, v17;
	v16 =	vadd.s32 v30, v15;
	v2 =	vld [tilespmem:s11+$0x1C0]  }
0x1f1: {  	v3 =	vshrl.u32 v3, $0x3;
	v19 =	vadd.s32 v26, v49;
	v18 =	vld [tilespmem:s11+$0xFFFFFE00]  }
0x1f2: {  	s9 =	simm.s32 $0x5;
	v60 =	vbroadcast v0, $0x0;
	v0 =	vshll.u32 v3, v17;
	v3 =	vld [tilespmem:s11+$0xFFFFFE40];
	v20 =	vadd.s32 v35, v61  }
0x1f3: {  	v5 =	vmov s9;
	s9 =	simm.s32 $0x8  }
0x1f4: {  	v8 =	vmov s9;
	s9 =	simm.s32 $0xB;
	v5 =	vshrl.u32 v5, $0x3;
	v31 =	vld [tilespmem:$0x1FE20]  }
0x1f5: {  	v11 =	vmov s9;
	v5 =	vshll.u32 v5, v17;
	v28 =	vld [tilespmem:$0x1FF00];
	[tilespmem:v16+s24+$0x0] =	vst.idx.msk $0xffff, v2  }
0x1f6: {  	v8 =	vshrl.u32 v8, $0x3;
	v46 =	vbroadcast v5, $0x0;
	v4 =	vshrl.u32 v4, $0x3;
	[tilespmem:v19+s24+$0x0] =	vst.idx.msk $0xffff, v18  }
0x1f7: {  	v59 =	vbroadcast v0, $0x0;
	v0 =	vshll.u32 v4, v17;
	v4 =	vld [tilespmem:s11+$0xFFFFFE80];
	v21 =	vadd.s32 v32, v60;
	[tilespmem:v20+s24+$0x0] =	vst.idx.msk $0xffff, v3  }
0x1f8: {  	v7 =	vshrl.u32 v7, $0x3;
	v6 =	vshrl.u32 v6, $0x3;
	v1 =	vbroadcast v0, $0x0;
	v33 =	vld [tilespmem:$0x1FF40]  }
0x1f9: {  	v5 =	vshll.u32 v6, v17;
	v0 =	vshrl.u32 v11, $0x3;
	v11 =	vld [tilespmem:s11+$0xFFFFFEC0];
	v22 =	vadd.s32 v31, v59  }
0x1fa: {  	v10 =	vshrl.u32 v10, $0x3;
	v23 =	vld [tilespmem:s11+$0xFFFFFF00];
	v24 =	vadd.s32 v28, v1;
	v2 =	vbroadcast v5, $0x0  }
0x1fb: {  	v9 =	vshrl.u32 v9, $0x3;
	v5 =	vshll.u32 v7, v17;
	v7 =	vadd.s32 v29, v15;
	v6 =	vld [tilespmem:s11+$0x1D0]  }
0x1fc: {  	v55 =	vbroadcast v5, $0x0;
	v5 =	vshll.u32 v8, v17;
	v8 =	vadd.s32 v38, v2;
	[tilespmem:v21+s24+$0x0] =	vst.idx.msk $0xffff, v4;
	v4 =	vld [tilespmem:s11+$0xFFFFFF80]  }
0x1fd: {  	v56 =	vbroadcast v5, $0x0;
	v5 =	vshll.u32 v9, v17;
	v3 =	vld [tilespmem:s11+$0xFFFFFF40];
	v16 =	vadd.s32 v33, v46  }
0x1fe: {  	v10 =	vshll.u32 v10, v17;
	v9 =	vld [tilespmem:s11+$0xFFFFFFC0];
	v57 =	vbroadcast v5, $0x0;
	[tilespmem:v22+s24+$0x0] =	vst.idx.msk $0xffff, v11;
	v11 =	vadd.s32 v30, v55  }
0x1ff: {  	v58 =	vbroadcast v10, $0x0;
	v5 =	vshrl.u32 v13, $0x3;
	v13 =	vld [tilespmem:s11+$0x0];
	[tilespmem:v24+s24+$0x0] =	vst.idx.msk $0xffff, v23;
	v18 =	vadd.s32 v26, v56  }
0x200: {  	v12 =	vshrl.u32 v12, $0x3;
	v0 =	vshll.u32 v0, v17;
	v19 =	vld [tilespmem:s11+$0x40];
	v47 =	vadd.s32 v35, v57;
	[tilespmem:v7+s24+$0x0] =	vst.idx.msk $0xffff, v6  }
0x201: {  	v50 =	vbroadcast v0, $0x0;
	v0 =	vshll.u32 v12, v17;
	v7 =	vadd.s32 v32, v58;
	[tilespmem:v8+s24+$0x0] =	vst.idx.msk $0xffff, v4;
	v4 =	vld [tilespmem:s11+$0x80]  }
0x202: {  	v51 =	vbroadcast v0, $0x0;
	v0 =	vshll.u32 v5, v17;
	v6 =	vadd.s32 v42, v15;
	[tilespmem:v16+s24+$0x0] =	vst.idx.msk $0xffff, v3;
	v3 =	vld [tilespmem:s11+$0x1E0]  }
0x203: {  	v14 =	vshrl.u32 v14, $0x3;
	v5 =	vld [tilespmem:s11+$0xC0];
	v52 =	vbroadcast v0, $0x0;
	[tilespmem:v11+s24+$0x0] =	vst.idx.msk $0xffff, v9;
	v8 =	vadd.s32 v31, v50  }
0x204: {  	v10 =	vadd.s32 v28, v51;
	v0 =	vshll.u32 v14, v17;
	[tilespmem:v18+s24+$0x0] =	vst.idx.msk $0xffff, v13;
	v9 =	vld [tilespmem:s11+$0x100]  }
0x205: {  	v53 =	vbroadcast v0, $0x0;
	v0 =	vld [tilespmem:s11+$0x140];
	v11 =	vadd.s32 v33, v52;
	[tilespmem:v47+s24+$0x0] =	vst.idx.msk $0xffff, v19  }
0x206: {  	v12 =	vld [tilespmem:s11+$0x180];
	[tilespmem:v7+s24+$0x0] =	vst.idx.msk $0xffff, v4  }
0x207: {  	v13 =	vadd.s32 v38, v53;
	[tilespmem:v6+s24+$0x0] =	vst.idx.msk $0xffff, v3;
	v6 =	vld [tilespmem:s11+$0xFFFFFE50]  }
0x208: {  	v31 =	vld [tilespmem:$0x1FEA0];
	[tilespmem:v8+s24+$0x0] =	vst.idx.msk $0xffff, v5  }
0x209: {  	v35 =	vld [tilespmem:$0x1FEC0];
	[tilespmem:v10+s24+$0x0] =	vst.idx.msk $0xffff, v9  }
0x20a: {  	v39 =	vld [tilespmem:$0x1FEF0];
	[tilespmem:v11+s24+$0x0] =	vst.idx.msk $0xffff, v0  }
0x20b: {  	v43 =	vld [tilespmem:$0x1FF10]  }
0x20c: {  	v4 =	vadd.s32 v25, v15;
	v3 =	vld [tilespmem:s11+$0x1F0];
	[tilespmem:v13+s24+$0x0] =	vst.idx.msk $0xffff, v12  }
0x20d: {  	v47 =	vld [tilespmem:$0x1FF50];
	v7 =	vadd.s32 v31, v61  }
0x20e: {  	v5 =	vld [tilespmem:s11+$0xFFFFFE90];
	v8 =	vadd.s32 v35, v60  }
0x20f: {  	v9 =	vld [tilespmem:s11+$0xFFFFFED0];
	v10 =	vadd.s32 v39, v59  }
0x210: {  	v0 =	vld [tilespmem:s11+$0xFFFFFF10];
	v11 =	vadd.s32 v43, v1  }
0x211: {  	[tilespmem:v4+s24+$0x0] =	vst.idx.msk $0xffff, v3;
	v3 =	vld [tilespmem:s11+$0xFFFFFF90];
	v4 =	vadd.s32 v63, v2  }
0x212: {  	v12 =	vld [tilespmem:s11+$0xFFFFFF50];
	v13 =	vadd.s32 v47, v46;
	[tilespmem:v7+s24+$0x0] =	vst.idx.msk $0xffff, v6  }
0x213: {  	v6 =	vadd.s32 v29, v55;
	[tilespmem:v8+s24+$0x0] =	vst.idx.msk $0xffff, v5;
	v5 =	vld [tilespmem:s11+$0xFFFFFFD0]  }
0x214: {  	v7 =	vld [tilespmem:s11+$0x10];
	v8 =	vadd.s32 v27, v56;
	[tilespmem:v10+s24+$0x0] =	vst.idx.msk $0xffff, v9  }
0x215: {  	v9 =	vadd.s32 v31, v57;
	[tilespmem:v11+s24+$0x0] =	vst.idx.msk $0xffff, v0;
	v0 =	vld [tilespmem:s11+$0x50]  }
0x216: {  	[tilespmem:v4+s24+$0x0] =	vst.idx.msk $0xffff, v3;
	v10 =	vld [tilespmem:s11+$0x90];
	v11 =	vadd.s32 v35, v58  }
0x217: {  	v3 =	vld [tilespmem:s11+$0xD0];
	v4 =	vadd.s32 v39, v50;
	[tilespmem:v13+s24+$0x0] =	vst.idx.msk $0xffff, v12  }
0x218: {  	[tilespmem:v6+s24+$0x0] =	vst.idx.msk $0xffff, v5;
	v5 =	vld [tilespmem:s11+$0x110];
	v6 =	vadd.s32 v43, v51  }
0x219: {  	[tilespmem:v8+s24+$0x0] =	vst.idx.msk $0xffff, v7;
	v7 =	vld [tilespmem:s11+$0x150];
	v8 =	vadd.s32 v47, v52  }
0x21a: {  	[tilespmem:v9+s24+$0x0] =	vst.idx.msk $0xffff, v0;
	v0 =	vld [tilespmem:s11+$0x190];
	v9 =	vadd.s32 v63, v53  }
0x21b: {  	v12 =	vld [tilespmem:s11+$0xFFFFFE10];
	v13 =	vadd.s32 v27, v49;
	[tilespmem:v11+s24+$0x0] =	vst.idx.msk $0xffff, v10  }
0x21c: {  	v32 =	vld [tilespmem:$0x1FE00];
	[tilespmem:v4+s24+$0x0] =	vst.idx.msk $0xffff, v3  }
0x21d: {  	v36 =	vld [tilespmem:$0x1FED0];
	[tilespmem:v6+s24+$0x0] =	vst.idx.msk $0xffff, v5  }
0x21e: {  	v40 =	vld [tilespmem:$0x1FE30];
	[tilespmem:v8+s24+$0x0] =	vst.idx.msk $0xffff, v7  }
0x21f: {  	v44 =	vld [tilespmem:$0x1FF20];
	[tilespmem:v9+s24+$0x0] =	vst.idx.msk $0xffff, v0  }
0x220: {  	[tilespmem:v13+s24+$0x0] =	vst.idx.msk $0xffff, v12  }
0x221: {  	v48 =	vld [tilespmem:$0x1FF60]  }
0x222: {  	v10 =	vld [tilespmem:s11+$0xFFFFFE60];
	v11 =	vadd.s32 v32, v61  }
0x223: {  	v3 =	vld [tilespmem:s11+$0xFFFFFEA0];
	v4 =	vadd.s32 v36, v60  }
0x224: {  	v5 =	vld [tilespmem:s11+$0xFFFFFEE0];
	v6 =	vadd.s32 v40, v59  }
0x225: {  	v7 =	vld [tilespmem:s11+$0xFFFFFF20];
	v8 =	vadd.s32 v44, v1  }
0x226: {  	v0 =	vld [tilespmem:s11+$0xFFFFFF60];
	v9 =	vadd.s32 v48, v46  }
0x227: {  	[tilespmem:v11+s24+$0x0] =	vst.idx.msk $0xffff, v10;
	v10 =	vld [tilespmem:s11+$0xFFFFFFA0];
	v11 =	vadd.s32 v34, v2  }
0x228: {  	[tilespmem:v4+s24+$0x0] =	vst.idx.msk $0xffff, v3;
	v3 =	vld [tilespmem:s11+$0xFFFFFFE0];
	v4 =	vadd.s32 v42, v55  }
0x229: {  	[tilespmem:v6+s24+$0x0] =	vst.idx.msk $0xffff, v5;
	v5 =	vld [tilespmem:s11+$0x20];
	v6 =	vadd.s32 v62, v56  }
0x22a: {  	[tilespmem:v8+s24+$0x0] =	vst.idx.msk $0xffff, v7;
	v7 =	vld [tilespmem:s11+$0x60];
	v8 =	vadd.s32 v32, v57  }
0x22b: {  	[tilespmem:v9+s24+$0x0] =	vst.idx.msk $0xffff, v0;
	v0 =	vld [tilespmem:s11+$0xA0];
	v9 =	vadd.s32 v36, v58  }
0x22c: {  	[tilespmem:v11+s24+$0x0] =	vst.idx.msk $0xffff, v10;
	v10 =	vld [tilespmem:s11+$0xE0];
	v11 =	vadd.s32 v40, v50  }
0x22d: {  	[tilespmem:v4+s24+$0x0] =	vst.idx.msk $0xffff, v3;
	v3 =	vld [tilespmem:s11+$0x120];
	v4 =	vadd.s32 v44, v51  }
0x22e: {  	v15 =	vld [tilespmem:s11+$0xFFFFFE20];
	[tilespmem:v6+s24+$0x0] =	vst.idx.msk $0xffff, v5  }
0x22f: {  	v12 =	vadd.s32 v48, v52;
	v6 =	vld [tilespmem:s11+$0x160];
	[tilespmem:v8+s24+$0x0] =	vst.idx.msk $0xffff, v7  }
0x230: {  	v7 =	vld [tilespmem:s11+$0x1A0];
	v8 =	vadd.s32 v34, v53;
	[tilespmem:v9+s24+$0x0] =	vst.idx.msk $0xffff, v0  }
0x231: {  	v16 =	vadd.s32 v62, v49;
	v33 =	vld [tilespmem:$0x1FE10];
	[tilespmem:v11+s24+$0x0] =	vst.idx.msk $0xffff, v10  }
0x232: {  	v37 =	vld [tilespmem:$0x1FEE0];
	[tilespmem:v4+s24+$0x0] =	vst.idx.msk $0xffff, v3  }
0x233: {  	v41 =	vld [tilespmem:$0x1FE40]  }
0x234: {  	v0 =	vld [tilespmem:s11+$0xFFFFFE70];
	[tilespmem:v12+s24+$0x0] =	vst.idx.msk $0xffff, v6  }
0x235: {  	v45 =	vld [tilespmem:$0x1FF30];
	[tilespmem:v8+s24+$0x0] =	vst.idx.msk $0xffff, v7  }
0x236: {  	v11 =	vld [tilespmem:s11+$0xFFFFFEB0];
	[tilespmem:v16+s24+$0x0] =	vst.idx.msk $0xffff, v15;
	v9 =	vadd.s32 v33, v61  }
0x237: {  	v42 =	vld [tilespmem:$0x1FF70];
	v22 =	vadd.s32 v37, v60  }
0x238: {  	s9 =	simm.s32 $0x10;
	s17 =	simm.s32 $0x11;
	v24 =	vld [tilespmem:s11+$0xFFFFFEF0];
	v4 =	vmov v25;
	v25 =	vadd.s32 v41, v59  }
0x239: {  	v54 =	vmov s17;
	s17 =	simm.s32 $0x13;
	v5 =	vmov s9;
	s9 =	simm.s32 $0x12  }
0x23a: {  	v19 =	vmov s17;
	s17 =	simm.s32 $0x15;
	v18 =	vmov s9;
	s9 =	simm.s32 $0x14  }
0x23b: {  	v26 =	vmov v63;
	v21 =	vmov s17;
	v63 =	vld [tilespmem:s11+$0xFFFFFF70];
	v20 =	vmov s9;
	s9 =	simm.s32 $0x16;
	[tilespmem:v9+s24+$0x0] =	vst.idx.msk $0xffff, v0  }
0x23c: {  	s17 =	simm.s32 $0x17;
	v13 =	vshrl.u32 v5, $0x3;
	v23 =	vmov s9;
	s9 =	simm.s32 $0x18;
	v14 =	vadd.s32 v42, v46;
	v46 =	vld [tilespmem:$0x1FE50];
	[tilespmem:v22+s24+$0x0] =	vst.idx.msk $0xffff, v11  }
0x23d: {  	v5 =	vmov s17;
	v6 =	vmov s9;
	s9 =	simm.s32 $0x1A;
	v27 =	vmovc v4;
	v59 =	vld [tilespmem:s11+$0xFFFFFF30];
	v60 =	vadd.s32 v45, v1;
	[tilespmem:v25+s24+$0x0] =	vst.idx.msk $0xffff, v24  }
0x23e: {  	s17 =	simm.s32 $0x19;
	v62 =	vmov s9;
	v7 =	vshll.u32 v13, v17;
	v13 =	vadd.s32 v27, v55;
	v29 =	vld [tilespmem:$0x1FE80]  }
0x23f: {  	v10 =	vld [tilespmem:s11+$0xFFFFFFB0];
	s9 =	simm.s32 $0x1C;
	v8 =	vshrl.u32 v18, $0x3;
	v55 =	vshrl.u32 v23, $0x3;
	v61 =	vmov s17;
	s17 =	simm.s32 $0x1B  }
0x240: {  	v12 =	vld [tilespmem:s11+$0x30];
	v4 =	vmov s9;
	v16 =	vadd.s32 v33, v57;
	v3 =	vmov s17;
	s17 =	simm.s32 $0x1D  }
0x241: {  	v57 =	vshrl.u32 v21, $0x3;
	v58 =	vadd.s32 v37, v58;
	v1 =	vmov s17;
	v11 =	vld [tilespmem:s11+$0xFFFFFFF0]  }
0x242: {  	s17 =	simm.s32 $0x1E;
	v9 =	vshrl.u32 v54, $0x3;
	v54 =	vshrl.u32 v20, $0x3;
	[tilespmem:v60+s24+$0x0] =	vst.idx.msk $0xffff, v59;
	v59 =	vld [tilespmem:s11+$0x70];
	v0 =	vadd.s32 v46, v2  }
0x243: {  	s30 =	simm.s32 $0x20;
	s8 =	simm.s32 $0x1F;
	v60 =	vld [tilespmem:s11+$0xB0];
	[tilespmem:v14+s24+$0x0] =	vst.idx.msk $0xffff, v63;
	v2 =	vmov s17;
	v15 =	vadd.s32 v29, v56;
	v56 =	vshrl.u32 v19, $0x3  }
.LBB2_7:
0x244: {  	v21 =	vld [tilespmem:s11+$0xFFFFFE30]  }
0x245: {  	v25 =	vld [tilespmem:$0x1FFF0]  }
0x246: {  	v24 =	vld [tilespmem:$0x1FE20]  }
0x247: {  	v23 =	vld [tilespmem:$0x1FF00]  }
0x248: {  	v28 =	vld [tilespmem:$0x1FFB0]  }
0x249: {  	[tilespmem:v0+s24+$0x0] =	vst.idx.msk $0xffff, v10;
	v0 =	vld [tilespmem:s11+$0xF0]  }
0x24a: {  	v14 =	vmov s8;
	[tilespmem:v13+s24+$0x0] =	vst.idx.msk $0xffff, v11;
	v11 =	vld [tilespmem:s11+$0x130]  }
0x24b: {  	v19 =	vshrl.u32 v62, $0x3;
	v22 =	vadd.s32 v29, v49;
	v49 =	vbroadcast v7, $0x0;
	[tilespmem:v15+s24+$0x0] =	vst.idx.msk $0xffff, v12;
	v12 =	vld [tilespmem:s11+$0x170]  }
0x24c: {  	v7 =	vshll.u32 v8, v17;
	v14 =	vshrl.u32 v14, $0x3;
	v10 =	vadd.s32 v41, v50;
	[tilespmem:v16+s24+$0x0] =	vst.idx.msk $0xffff, v59;
	v16 =	vld [tilespmem:s11+$0x1B0]  }
0x24d: {  	v62 =	vbroadcast v7, $0x0;
	v7 =	vshll.u32 v56, v17;
	v13 =	vadd.s32 v45, v51;
	v50 =	vld [tilespmem:$0x1FE90]  }
0x24e: {  	v20 =	vadd.s32 v46, v53;
	v14 =	vshll.u32 v14, v17;
	v56 =	vbroadcast v7, $0x0;
	s11 =	sadd.s32 $0x400, s11;
	v51 =	vld [tilespmem:$0x1FEB0]  }
0x24f: {  	v7 =	vshll.u32 v54, v17;
	v14 =	vbroadcast v14, $0x0;
	v15 =	vadd.s32 v42, v52;
	v8 =	vld [tilespmem:s11+$0x1C0]  }
0x250: {  	v9 =	vshll.u32 v9, v17;
	v54 =	vbroadcast v7, $0x0;
	[tilespmem:v58+s24+$0x0] =	vst.idx.msk $0xffff, v60;
	v7 =	vld [tilespmem:s11+$0xFFFFFEC0]  }
0x251: {  	v18 =	vshrl.u32 v61, $0x3;
	v61 =	vbroadcast v9, $0x0;
	v9 =	vadd.s32 v30, v14;
	[tilespmem:v10+s24+$0x0] =	vst.idx.msk $0xffff, v0;
	v0 =	vld [tilespmem:s11+$0xFFFFFE00]  }
0x252: {  	v10 =	vadd.s32 v25, v49;
	[tilespmem:v13+s24+$0x0] =	vst.idx.msk $0xffff, v11;
	v11 =	vld [tilespmem:s11+$0xFFFFFE40]  }
0x253: {  	[tilespmem:v20+s24+$0x0] =	vst.idx.msk $0xffff, v16;
	v16 =	vadd.s32 v24, v56;
	v20 =	vld [tilespmem:$0x1FF40]  }
0x254: {  	[tilespmem:v15+s24+$0x0] =	vst.idx.msk $0xffff, v12;
	v12 =	vld [tilespmem:s11+$0xFFFFFE80];
	v15 =	vadd.s32 v51, v62  }
0x255: {  	v53 =	vshll.u32 v57, v17;
	v13 =	vadd.s32 v50, v61;
	[tilespmem:v22+s24+$0x0] =	vst.idx.msk $0xffff, v21;
	v21 =	vld [tilespmem:s11+$0xFFFFFF00]  }
0x256: {  	v5 =	vshrl.u32 v5, $0x3;
	v55 =	vshll.u32 v55, v17;
	v57 =	vbroadcast v53, $0x0;
	[tilespmem:v9+s24+$0x0] =	vst.idx.msk $0xffff, v8;
	v9 =	vld [tilespmem:s11+$0xFFFFFF40]  }
0x257: {  	v6 =	vshrl.u32 v6, $0x3;
	v8 =	vadd.s32 v28, v14;
	[tilespmem:v10+s24+$0x0] =	vst.idx.msk $0xffff, v0;
	v0 =	vshll.u32 v5, v17;
	v5 =	vld [tilespmem:s11+$0x1D0]  }
0x258: {  	v3 =	vshrl.u32 v3, $0x3;
	v55 =	vbroadcast v55, $0x0;
	v10 =	vadd.s32 v20, v57;
	[tilespmem:v16+s24+$0x0] =	vst.idx.msk $0xffff, v7;
	v7 =	vld [tilespmem:s11+$0xFFFFFFC0]  }
0x259: {  	[tilespmem:v15+s24+$0x0] =	vst.idx.msk $0xffff, v12;
	v15 =	vshll.u32 v19, v17;
	v58 =	vbroadcast v0, $0x0;
	v0 =	vshll.u32 v6, v17;
	v6 =	vld [tilespmem:s11+$0xFFFFFF80]  }
0x25a: {  	v3 =	vshll.u32 v3, v17;
	[tilespmem:v13+s24+$0x0] =	vst.idx.msk $0xffff, v11;
	v11 =	vadd.s32 v38, v55;
	v63 =	vbroadcast v15, $0x0;
	v15 =	vld [tilespmem:$0x1FFC0]  }
0x25b: {  	v22 =	vadd.s32 v23, v54;
	v16 =	vld [tilespmem:s11+$0x40];
	v59 =	vbroadcast v0, $0x0;
	v0 =	vshll.u32 v18, v17  }
0x25c: {  	v12 =	vadd.s32 v30, v58;
	v60 =	vbroadcast v0, $0x0;
	v0 =	vshrl.u32 v1, $0x3;
	v1 =	vld [tilespmem:s11+$0x0];
	[tilespmem:v8+s24+$0x0] =	vst.idx.msk $0xffff, v5  }
0x25d: {  	v4 =	vshrl.u32 v4, $0x3;
	v13 =	vadd.s32 v25, v59;
	v0 =	vshll.u32 v0, v17;
	[tilespmem:v10+s24+$0x0] =	vst.idx.msk $0xffff, v9;
	v10 =	vld [tilespmem:s11+$0x180]  }
0x25e: {  	v18 =	vadd.s32 v50, v60;
	v50 =	vbroadcast v3, $0x0;
	v3 =	vshll.u32 v4, v17;
	v4 =	vld [tilespmem:s11+$0x1E0]  }
0x25f: {  	v2 =	vshrl.u32 v2, $0x3;
	v52 =	vbroadcast v0, $0x0;
	v5 =	vadd.s32 v15, v14;
	[tilespmem:v11+s24+$0x0] =	vst.idx.msk $0xffff, v6;
	v6 =	vld [tilespmem:s11+$0x80]  }
0x260: {  	[tilespmem:v22+s24+$0x0] =	vst.idx.msk $0xffff, v21;
	v8 =	vadd.s32 v51, v63;
	v0 =	vshll.u32 v2, v17;
	v51 =	vbroadcast v3, $0x0;
	v3 =	vld [tilespmem:s11+$0xC0]  }
0x261: {  	v53 =	vbroadcast v0, $0x0;
	v0 =	vld [tilespmem:s11+$0x140];
	v9 =	vadd.s32 v20, v52;
	[tilespmem:v12+s24+$0x0] =	vst.idx.msk $0xffff, v7  }
0x262: {  	v7 =	vadd.s32 v24, v50;
	v12 =	vld [tilespmem:$0x1FE60];
	[tilespmem:v13+s24+$0x0] =	vst.idx.msk $0xffff, v1  }
0x263: {  	v11 =	vadd.s32 v38, v53;
	v1 =	vld [tilespmem:s11+$0x100];
	[tilespmem:v18+s24+$0x0] =	vst.idx.msk $0xffff, v16  }
0x264: {  	v2 =	vadd.s32 v23, v51;
	v13 =	vld [tilespmem:$0x1FE70];
	[tilespmem:v5+s24+$0x0] =	vst.idx.msk $0xffff, v4  }
0x265: {  	[tilespmem:v8+s24+$0x0] =	vst.idx.msk $0xffff, v6;
	v6 =	vld [tilespmem:s11+$0xFFFFFE50];
	v8 =	vadd.s32 v31, v61  }
0x266: {  	v5 =	vadd.s32 v27, v14;
	v4 =	vld [tilespmem:s11+$0x1F0];
	[tilespmem:v9+s24+$0x0] =	vst.idx.msk $0xffff, v0  }
0x267: {  	v0 =	vld [tilespmem:s11+$0xFFFFFF10];
	v9 =	vadd.s32 v43, v54;
	[tilespmem:v7+s24+$0x0] =	vst.idx.msk $0xffff, v3  }
0x268: {  	v3 =	vld [tilespmem:s11+$0xFFFFFE90];
	v7 =	vadd.s32 v35, v62;
	[tilespmem:v11+s24+$0x0] =	vst.idx.msk $0xffff, v10  }
0x269: {  	v10 =	vld [tilespmem:s11+$0xFFFFFF50];
	v11 =	vadd.s32 v47, v57;
	[tilespmem:v2+s24+$0x0] =	vst.idx.msk $0xffff, v1  }
0x26a: {  	v1 =	vld [tilespmem:s11+$0xFFFFFED0];
	v2 =	vadd.s32 v39, v56;
	[tilespmem:v8+s24+$0x0] =	vst.idx.msk $0xffff, v6  }
0x26b: {  	[tilespmem:v5+s24+$0x0] =	vst.idx.msk $0xffff, v4;
	v4 =	vld [tilespmem:s11+$0xFFFFFF90];
	v5 =	vadd.s32 v26, v55  }
0x26c: {  	v8 =	vld [tilespmem:s11+$0x90];
	[tilespmem:v9+s24+$0x0] =	vst.idx.msk $0xffff, v0;
	v9 =	vadd.s32 v35, v63  }
0x26d: {  	v6 =	vadd.s32 v28, v58;
	[tilespmem:v7+s24+$0x0] =	vst.idx.msk $0xffff, v3;
	v3 =	vld [tilespmem:s11+$0xFFFFFFD0]  }
0x26e: {  	v0 =	vld [tilespmem:s11+$0x50];
	v7 =	vadd.s32 v31, v60;
	[tilespmem:v11+s24+$0x0] =	vst.idx.msk $0xffff, v10  }
0x26f: {  	v10 =	vld [tilespmem:s11+$0xFFFFFE10];
	v11 =	vadd.s32 v12, v49;
	[tilespmem:v2+s24+$0x0] =	vst.idx.msk $0xffff, v1  }
0x270: {  	v1 =	vld [tilespmem:s11+$0x10];
	v2 =	vadd.s32 v12, v59;
	[tilespmem:v5+s24+$0x0] =	vst.idx.msk $0xffff, v4  }
0x271: {  	v4 =	vld [tilespmem:s11+$0xD0];
	v5 =	vadd.s32 v39, v50;
	[tilespmem:v9+s24+$0x0] =	vst.idx.msk $0xffff, v8  }
0x272: {  	v8 =	vld [tilespmem:s11+$0xFFFFFE60];
	v9 =	vadd.s32 v32, v61;
	[tilespmem:v6+s24+$0x0] =	vst.idx.msk $0xffff, v3  }
0x273: {  	v3 =	vld [tilespmem:s11+$0x110];
	v6 =	vadd.s32 v43, v51;
	[tilespmem:v7+s24+$0x0] =	vst.idx.msk $0xffff, v0  }
0x274: {  	v0 =	vld [tilespmem:s11+$0x190];
	v7 =	vadd.s32 v26, v53;
	[tilespmem:v11+s24+$0x0] =	vst.idx.msk $0xffff, v10  }
0x275: {  	[tilespmem:v2+s24+$0x0] =	vst.idx.msk $0xffff, v1;
	v1 =	vld [tilespmem:s11+$0x150];
	v2 =	vadd.s32 v47, v52  }
0x276: {  	[tilespmem:v5+s24+$0x0] =	vst.idx.msk $0xffff, v4;
	v4 =	vld [tilespmem:s11+$0xFFFFFEA0];
	v5 =	vadd.s32 v36, v62  }
0x277: {  	[tilespmem:v9+s24+$0x0] =	vst.idx.msk $0xffff, v8;
	v8 =	vld [tilespmem:s11+$0xFFFFFFA0];
	v9 =	vadd.s32 v34, v55  }
0x278: {  	[tilespmem:v6+s24+$0x0] =	vst.idx.msk $0xffff, v3;
	v3 =	vld [tilespmem:s11+$0xFFFFFEE0];
	v6 =	vadd.s32 v40, v56  }
0x279: {  	[tilespmem:v7+s24+$0x0] =	vst.idx.msk $0xffff, v0;
	v0 =	vld [tilespmem:s11+$0xFFFFFF60];
	v7 =	vadd.s32 v48, v57  }
0x27a: {  	[tilespmem:v2+s24+$0x0] =	vst.idx.msk $0xffff, v1;
	v1 =	vld [tilespmem:s11+$0xFFFFFF20];
	v2 =	vadd.s32 v44, v54  }
0x27b: {  	[tilespmem:v5+s24+$0x0] =	vst.idx.msk $0xffff, v4;
	v4 =	vld [tilespmem:s11+$0xFFFFFFE0];
	v5 =	vadd.s32 v15, v58  }
0x27c: {  	[tilespmem:v9+s24+$0x0] =	vst.idx.msk $0xffff, v8;
	v8 =	vld [tilespmem:s11+$0xE0];
	v9 =	vadd.s32 v40, v50  }
0x27d: {  	[tilespmem:v6+s24+$0x0] =	vst.idx.msk $0xffff, v3;
	v3 =	vld [tilespmem:s11+$0x20];
	v6 =	vadd.s32 v13, v59  }
0x27e: {  	v10 =	vmov s30;
	[tilespmem:v7+s24+$0x0] =	vst.idx.msk $0xffff, v0;
	v0 =	vld [tilespmem:s11+$0xA0];
	v7 =	vadd.s32 v36, v63  }
0x27f: {  	v11 =	vshrl.u32 v10, $0x3;
	v10 =	vld [tilespmem:s11+$0xFFFFFE20];
	v13 =	vadd.s32 v13, v49;
	[tilespmem:v2+s24+$0x0] =	vst.idx.msk $0xffff, v1  }
0x280: {  	v1 =	vld [tilespmem:s11+$0x60];
	v2 =	vadd.s32 v32, v60;
	[tilespmem:v5+s24+$0x0] =	vst.idx.msk $0xffff, v4  }
0x281: {  	v56 =	vadd.s32 v41, v56;
	v15 =	vld [tilespmem:s11+$0xFFFFFEF0];
	[tilespmem:v9+s24+$0x0] =	vst.idx.msk $0xffff, v8  }
0x282: {  	s9 =	sadd.s32 $0x1, s30;
	v25 =	vadd.s32 v42, v57;
	v24 =	vld [tilespmem:s11+$0xFFFFFF70];
	[tilespmem:v6+s24+$0x0] =	vst.idx.msk $0xffff, v3  }
0x283: {  	v12 =	vmov s9;
	s9 =	sadd.s32 $0x3, s30;
	v4 =	vld [tilespmem:s11+$0x120];
	v5 =	vadd.s32 v44, v51;
	[tilespmem:v7+s24+$0x0] =	vst.idx.msk $0xffff, v0  }
0x284: {  	s17 =	sadd.s32 $0x2, s30;
	v23 =	vadd.s32 v45, v54;
	v16 =	vmov s9;
	s9 =	sadd.s32 $0x4, s30;
	v8 =	vld [tilespmem:s11+$0xFFFFFEB0];
	v9 =	vadd.s32 v37, v62;
	[tilespmem:v13+s24+$0x0] =	vst.idx.msk $0xffff, v10  }
0x285: {  	v14 =	vmov s17;
	s17 =	sadd.s32 $0x5, s30;
	v18 =	vmov s9;
	s9 =	sadd.s32 $0x6, s30;
	v3 =	vld [tilespmem:s11+$0x160];
	v6 =	vadd.s32 v48, v52;
	[tilespmem:v2+s24+$0x0] =	vst.idx.msk $0xffff, v1  }
0x286: {  	v19 =	vmov s17;
	v20 =	vmov s9;
	v0 =	vld [tilespmem:s11+$0xFFFFFE70];
	v7 =	vadd.s32 v33, v61;
	[tilespmem:v56+s24+$0x0] =	vst.idx.msk $0xffff, v15  }
0x287: {  	v57 =	vshrl.u32 v19, $0x3;
	v13 =	vadd.s32 v27, v58;
	v1 =	vld [tilespmem:s11+$0x1A0];
	v2 =	vadd.s32 v34, v53;
	[tilespmem:v25+s24+$0x0] =	vst.idx.msk $0xffff, v24  }
0x288: {  	p0 =	slt.u32 s30, $0x70;
	s17 =	sadd.s32 $0x7, s30;
	v54 =	vshrl.u32 v18, $0x3;
	v22 =	vld [tilespmem:s11+$0xFFFFFF30];
	v58 =	vadd.s32 v37, v63;
	v15 =	vadd.s32 v29, v59;
	[tilespmem:v5+s24+$0x0] =	vst.idx.msk $0xffff, v4  }
.Ltmp2:
0x289: {  	v10 =	vld [tilespmem:s11+$0xFFFFFFB0];
	v56 =	vshrl.u32 v16, $0x3;
	v16 =	vadd.s32 v33, v60;
	v5 =	vmov s17;
	s17 =	sadd.s32 $0x9, s30;
	[tilespmem:v9+s24+$0x0] =	vst.idx.msk $0xffff, v8;
	(pc) =	sbr.rel @p0 .LBB2_7-.Ltmp2, $4  }
0x28a: {  	s9 =	sadd.s32 $0x8, s30;
	v60 =	vld [tilespmem:s11+$0xB0];
	v9 =	vshrl.u32 v12, $0x3;
	v8 =	vshrl.u32 v14, $0x3;
	[tilespmem:v6+s24+$0x0] =	vst.idx.msk $0xffff, v3;
	v61 =	vmov s17;
	s17 =	sadd.s32 $0xB, s30  }
0x28b: {  	v59 =	vld [tilespmem:s11+$0x70];
	v6 =	vmov s9;
	s9 =	sadd.s32 $0xA, s30;
	[tilespmem:v7+s24+$0x0] =	vst.idx.msk $0xffff, v0;
	v0 =	vadd.s32 v46, v55;
	v3 =	vmov s17;
	s17 =	sadd.s32 $0xD, s30  }
0x28c: {  	v12 =	vld [tilespmem:s11+$0x30];
	v7 =	vshll.u32 v11, v17;
	[tilespmem:v2+s24+$0x0] =	vst.idx.msk $0xffff, v1;
	v62 =	vmov s9;
	s9 =	sadd.s32 $0xC, s30;
	v1 =	vmov s17;
	s17 =	sadd.s32 $0xE, s30  }
0x28d: {  	s8 =	sadd.s32 $0xF, s30;
	[tilespmem:v23+s24+$0x0] =	vst.idx.msk $0xffff, v22;
	v11 =	vld [tilespmem:s11+$0xFFFFFFF0];
	v55 =	vshrl.u32 v20, $0x3;
	v4 =	vmov s9;
	s30 =	sadd.s32 $0x10, s30;
	v2 =	vmov s17  }
0x28e: {  	_ =	sdelay $0x3  }
0x28f: {  	[tilespmem:v0+s24+$0x0] =	vst.idx.msk $0xffff, v10;
	v0 =	vld [tilespmem:s11+$0xF0];
	v63 =	vadd.s32 v41, v50  }
0x290: {  	[tilespmem:v13+s24+$0x0] =	vst.idx.msk $0xffff, v11;
	v11 =	vld [tilespmem:s11+$0x130];
	v13 =	vadd.s32 v45, v51  }
0x291: {  	[tilespmem:v58+s24+$0x0] =	vst.idx.msk $0xffff, v60  }
0x292: {  	[tilespmem:v16+s24+$0x0] =	vst.idx.msk $0xffff, v59  }
0x293: {  	[tilespmem:v15+s24+$0x0] =	vst.idx.msk $0xffff, v12  }
0x294: {  	v14 =	vmov s8;
	v12 =	vld [tilespmem:s11+$0x170];
	[tilespmem:v63+s24+$0x0] =	vst.idx.msk $0xffff, v0  }
0x295: {  	v14 =	vshrl.u32 v14, $0x3;
	v59 =	vshll.u32 v8, v17;
	v60 =	vld [tilespmem:$0x1FFF0];
	[tilespmem:v13+s24+$0x0] =	vst.idx.msk $0xffff, v11  }
0x296: {  	v14 =	vshll.u32 v14, v17;
	v15 =	vadd.s32 v42, v52;
	v51 =	vbroadcast v59, $0x0;
	v59 =	vld [tilespmem:$0x1FE90]  }
0x297: {  	v20 =	vadd.s32 v46, v53;
	v16 =	vld [tilespmem:s11+$0x1B0];
	v14 =	vbroadcast v14, $0x0  }
0x298: {  	v50 =	vbroadcast v7, $0x0;
	v53 =	vshll.u32 v9, v17;
	v9 =	vld [tilespmem:s11+$0xFFFFFE30];
	v21 =	vadd.s32 v29, v49;
	s9 =	sadd.s32 $0x400, s11  }
0x299: {  	v49 =	vbroadcast v53, $0x0;
	v8 =	vld [tilespmem:s9+$0x1C0];
	v22 =	vadd.s32 v30, v14  }
0x29a: {  	v0 =	vld [tilespmem:s9+$0xFFFFFE00];
	v63 =	vadd.s32 v60, v50  }
0x29b: {  	v11 =	vld [tilespmem:s9+$0xFFFFFE40];
	[tilespmem:v15+s24+$0x0] =	vst.idx.msk $0xffff, v12;
	v13 =	vadd.s32 v59, v49  }
0x29c: {  	v58 =	vld [tilespmem:$0x1FEB0];
	[tilespmem:v20+s24+$0x0] =	vst.idx.msk $0xffff, v16  }
0x29d: {  	v25 =	vld [tilespmem:$0x1FE20];
	[tilespmem:v21+s24+$0x0] =	vst.idx.msk $0xffff, v9  }
0x29e: {  	v24 =	vld [tilespmem:$0x1FF00];
	[tilespmem:v22+s24+$0x0] =	vst.idx.msk $0xffff, v8  }
0x29f: {  	[tilespmem:v63+s24+$0x0] =	vst.idx.msk $0xffff, v0  }
0x2a0: {  	v18 =	vshrl.u32 v61, $0x3;
	v52 =	vshll.u32 v56, v17;
	v61 =	vld [tilespmem:$0x1FFB0];
	[tilespmem:v13+s24+$0x0] =	vst.idx.msk $0xffff, v11  }
0x2a1: {  	v53 =	vshll.u32 v54, v17;
	v52 =	vbroadcast v52, $0x0;
	v22 =	vld [tilespmem:$0x1FF40]  }
0x2a2: {  	v53 =	vbroadcast v53, $0x0;
	v12 =	vld [tilespmem:s9+$0xFFFFFE80];
	v15 =	vadd.s32 v58, v51  }
0x2a3: {  	v5 =	vshrl.u32 v5, $0x3;
	v54 =	vshll.u32 v57, v17;
	v16 =	vld [tilespmem:s9+$0xFFFFFEC0];
	v20 =	vadd.s32 v25, v52  }
0x2a4: {  	v7 =	vshrl.u32 v3, $0x3;
	v3 =	vbroadcast v54, $0x0;
	v9 =	vld [tilespmem:s9+$0xFFFFFF00];
	v21 =	vadd.s32 v24, v53  }
0x2a5: {  	v56 =	vshll.u32 v5, v17;
	v5 =	vld [tilespmem:s9+$0x1D0];
	v8 =	vadd.s32 v61, v14  }
0x2a6: {  	v10 =	vld [tilespmem:s9+$0xFFFFFF40];
	v11 =	vadd.s32 v22, v3  }
0x2a7: {  	v6 =	vshrl.u32 v6, $0x3;
	v19 =	vshrl.u32 v62, $0x3;
	v55 =	vshll.u32 v55, v17;
	[tilespmem:v15+s24+$0x0] =	vst.idx.msk $0xffff, v12  }
0x2a8: {  	v23 =	vshrl.u32 v4, $0x3;
	v4 =	vbroadcast v55, $0x0;
	v57 =	vshll.u32 v6, v17;
	[tilespmem:v20+s24+$0x0] =	vst.idx.msk $0xffff, v16  }
0x2a9: {  	v6 =	vld [tilespmem:s9+$0xFFFFFF80];
	v62 =	vshll.u32 v18, v17;
	v18 =	vshrl.u32 v2, $0x3;
	v55 =	vbroadcast v57, $0x0;
	[tilespmem:v21+s24+$0x0] =	vst.idx.msk $0xffff, v9  }
0x2aa: {  	v57 =	vshll.u32 v7, v17;
	v54 =	vbroadcast v56, $0x0;
	v13 =	vld [tilespmem:s9+$0xFFFFFFC0];
	v12 =	vadd.s32 v38, v4;
	[tilespmem:v8+s24+$0x0] =	vst.idx.msk $0xffff, v5  }
0x2ab: {  	v2 =	vbroadcast v57, $0x0;
	v56 =	vbroadcast v62, $0x0;
	v16 =	vadd.s32 v60, v55;
	v9 =	vld [tilespmem:s9+$0x0];
	[tilespmem:v11+s24+$0x0] =	vst.idx.msk $0xffff, v10  }
0x2ac: {  	v0 =	vshrl.u32 v1, $0x3;
	v63 =	vshll.u32 v19, v17;
	v15 =	vadd.s32 v30, v54;
	v62 =	vld [tilespmem:$0x1FFC0]  }
0x2ad: {  	v19 =	vld [tilespmem:s9+$0x40];
	v1 =	vbroadcast v63, $0x0;
	v20 =	vadd.s32 v59, v56;
	v59 =	vshll.u32 v23, v17  }
0x2ae: {  	v57 =	vbroadcast v59, $0x0;
	v5 =	vld [tilespmem:s9+$0xC0];
	v11 =	vadd.s32 v25, v2  }
0x2af: {  	v63 =	vshll.u32 v18, v17;
	v10 =	vadd.s32 v58, v1;
	[tilespmem:v12+s24+$0x0] =	vst.idx.msk $0xffff, v6;
	v6 =	vld [tilespmem:s9+$0x80]  }
0x2b0: {  	v0 =	vshll.u32 v0, v17;
	v59 =	vbroadcast v63, $0x0;
	v21 =	vadd.s32 v24, v57;
	[tilespmem:v16+s24+$0x0] =	vst.idx.msk $0xffff, v9;
	v9 =	vld [tilespmem:s9+$0x100]  }
0x2b1: {  	v7 =	vld [tilespmem:s9+$0x1E0];
	v58 =	vbroadcast v0, $0x0;
	[tilespmem:v15+s24+$0x0] =	vst.idx.msk $0xffff, v13;
	v8 =	vadd.s32 v62, v14  }
0x2b2: {  	[tilespmem:v20+s24+$0x0] =	vst.idx.msk $0xffff, v19;
	v15 =	vld [tilespmem:s9+$0x180];
	v16 =	vadd.s32 v38, v59  }
0x2b3: {  	v0 =	vld [tilespmem:s9+$0x140];
	v23 =	vadd.s32 v22, v58;
	[tilespmem:v11+s24+$0x0] =	vst.idx.msk $0xffff, v5  }
0x2b4: {  	v63 =	vadd.s32 v35, v51;
	v5 =	vld [tilespmem:s9+$0xFFFFFE90];
	[tilespmem:v10+s24+$0x0] =	vst.idx.msk $0xffff, v6  }
0x2b5: {  	v20 =	vld [tilespmem:s9+$0xFFFFFED0];
	[tilespmem:v21+s24+$0x0] =	vst.idx.msk $0xffff, v9;
	v21 =	vadd.s32 v39, v52  }
0x2b6: {  	v10 =	vadd.s32 v31, v49;
	[tilespmem:v8+s24+$0x0] =	vst.idx.msk $0xffff, v7;
	v8 =	vld [tilespmem:s9+$0xFFFFFE50]  }
0x2b7: {  	[tilespmem:v16+s24+$0x0] =	vst.idx.msk $0xffff, v15;
	v7 =	vadd.s32 v27, v14;
	v6 =	vld [tilespmem:s9+$0x1F0]  }
0x2b8: {  	[tilespmem:v23+s24+$0x0] =	vst.idx.msk $0xffff, v0  }
0x2b9: {  	v22 =	vld [tilespmem:s9+$0xFFFFFF10];
	[tilespmem:v63+s24+$0x0] =	vst.idx.msk $0xffff, v5  }
0x2ba: {  	v23 =	vadd.s32 v43, v53;
	v5 =	vld [tilespmem:s9+$0xFFFFFFD0];
	[tilespmem:v21+s24+$0x0] =	vst.idx.msk $0xffff, v20  }
0x2bb: {  	v63 =	vadd.s32 v61, v54;
	v14 =	vld [tilespmem:s9+$0xFFFFFF50];
	[tilespmem:v10+s24+$0x0] =	vst.idx.msk $0xffff, v8  }
0x2bc: {  	[tilespmem:v7+s24+$0x0] =	vst.idx.msk $0xffff, v6;
	v6 =	vld [tilespmem:s9+$0xFFFFFF90];
	v7 =	vadd.s32 v26, v4  }
0x2bd: {  	v15 =	vadd.s32 v47, v3;
	v16 =	vld [tilespmem:$0x1FE60]  }
0x2be: {  	v35 =	vadd.s32 v35, v1;
	v12 =	vld [tilespmem:s9+$0x90]  }
0x2bf: {  	[tilespmem:v23+s24+$0x0] =	vst.idx.msk $0xffff, v22;
	v22 =	vld [tilespmem:s9+$0x50];
	v23 =	vadd.s32 v31, v56  }
0x2c0: {  	[tilespmem:v63+s24+$0x0] =	vst.idx.msk $0xffff, v5;
	v5 =	vld [tilespmem:s9+$0x110];
	v63 =	vadd.s32 v43, v57  }
0x2c1: {  	v39 =	vadd.s32 v39, v2;
	[tilespmem:v7+s24+$0x0] =	vst.idx.msk $0xffff, v6;
	v6 =	vld [tilespmem:s9+$0xD0]  }
0x2c2: {  	v20 =	vld [tilespmem:s9+$0x10];
	[tilespmem:v15+s24+$0x0] =	vst.idx.msk $0xffff, v14;
	v21 =	vadd.s32 v16, v55  }
0x2c3: {  	[tilespmem:v35+s24+$0x0] =	vst.idx.msk $0xffff, v12;
	v12 =	vld [tilespmem:s9+$0xFFFFFE60];
	v35 =	vadd.s32 v32, v49  }
0x2c4: {  	v0 =	vld [tilespmem:s9+$0x190];
	[tilespmem:v23+s24+$0x0] =	vst.idx.msk $0xffff, v22;
	v22 =	vadd.s32 v26, v59  }
0x2c5: {  	v23 =	vld [tilespmem:s9+$0xFFFFFE10];
	v15 =	vadd.s32 v16, v50;
	[tilespmem:v63+s24+$0x0] =	vst.idx.msk $0xffff, v5  }
0x2c6: {  	v43 =	vadd.s32 v36, v51;
	[tilespmem:v39+s24+$0x0] =	vst.idx.msk $0xffff, v6;
	v39 =	vld [tilespmem:s9+$0xFFFFFEA0]  }
0x2c7: {  	[tilespmem:v21+s24+$0x0] =	vst.idx.msk $0xffff, v20;
	v20 =	vld [tilespmem:s9+$0x150];
	v21 =	vadd.s32 v47, v58  }
0x2c8: {  	v63 =	vadd.s32 v40, v52;
	[tilespmem:v35+s24+$0x0] =	vst.idx.msk $0xffff, v12;
	v47 =	vld [tilespmem:s9+$0xFFFFFEE0]  }
0x2c9: {  	[tilespmem:v22+s24+$0x0] =	vst.idx.msk $0xffff, v0  }
0x2ca: {  	[tilespmem:v15+s24+$0x0] =	vst.idx.msk $0xffff, v23;
	v22 =	vld [tilespmem:s9+$0xFFFFFF60];
	v23 =	vadd.s32 v48, v3  }
0x2cb: {  	[tilespmem:v43+s24+$0x0] =	vst.idx.msk $0xffff, v39;
	v39 =	vld [tilespmem:s9+$0xFFFFFFE0];
	v43 =	vadd.s32 v62, v54  }
0x2cc: {  	v12 =	vld [tilespmem:s9+$0xFFFFFFA0];
	v35 =	vadd.s32 v34, v4;
	[tilespmem:v21+s24+$0x0] =	vst.idx.msk $0xffff, v20  }
0x2cd: {  	v20 =	vld [tilespmem:s9+$0xFFFFFF20];
	v21 =	vadd.s32 v44, v53;
	[tilespmem:v63+s24+$0x0] =	vst.idx.msk $0xffff, v47  }
0x2ce: {  	v28 =	vld [tilespmem:$0x1FE70]  }
0x2cf: {  	[tilespmem:v23+s24+$0x0] =	vst.idx.msk $0xffff, v22;
	v22 =	vld [tilespmem:s9+$0xA0];
	v23 =	vadd.s32 v36, v1  }
0x2d0: {  	v36 =	vld [tilespmem:s9+$0x120];
	[tilespmem:v43+s24+$0x0] =	vst.idx.msk $0xffff, v39;
	v39 =	vadd.s32 v44, v57  }
0x2d1: {  	[tilespmem:v35+s24+$0x0] =	vst.idx.msk $0xffff, v12;
	v35 =	vadd.s32 v40, v2;
	v40 =	vld [tilespmem:s9+$0x160];
	v43 =	vadd.s32 v48, v58  }
0x2d2: {  	[tilespmem:v21+s24+$0x0] =	vst.idx.msk $0xffff, v20;
	v20 =	vld [tilespmem:s9+$0x60];
	v21 =	vadd.s32 v32, v56  }
0x2d3: {  	v32 =	vld [tilespmem:s9+$0xE0]  }
0x2d4: {  	v47 =	vld [tilespmem:s9+$0x20];
	v63 =	vadd.s32 v28, v55;
	[tilespmem:v23+s24+$0x0] =	vst.idx.msk $0xffff, v22  }
0x2d5: {  	v14 =	vld [tilespmem:s9+$0xFFFFFE20];
	v15 =	vadd.s32 v28, v50;
	[tilespmem:v39+s24+$0x0] =	vst.idx.msk $0xffff, v36  }
0x2d6: {  	v22 =	vld [tilespmem:s9+$0xFFFFFEF0];
	v23 =	vadd.s32 v41, v52;
	[tilespmem:v43+s24+$0x0] =	vst.idx.msk $0xffff, v40  }
0x2d7: {  	v3 =	vadd.s32 v42, v3;
	v36 =	vld [tilespmem:s9+$0xFFFFFF70];
	[tilespmem:v21+s24+$0x0] =	vst.idx.msk $0xffff, v20  }
0x2d8: {  	v4 =	vadd.s32 v46, v4;
	v39 =	vld [tilespmem:s9+$0xFFFFFFB0];
	[tilespmem:v35+s24+$0x0] =	vst.idx.msk $0xffff, v32  }
0x2d9: {  	v40 =	vld [tilespmem:s9+$0xFFFFFFF0];
	v43 =	vadd.s32 v27, v54;
	[tilespmem:v63+s24+$0x0] =	vst.idx.msk $0xffff, v47  }
0x2da: {  	v20 =	vld [tilespmem:s9+$0xFFFFFEB0];
	v21 =	vadd.s32 v37, v51;
	[tilespmem:v15+s24+$0x0] =	vst.idx.msk $0xffff, v14  }
0x2db: {  	v32 =	vld [tilespmem:s9+$0xFFFFFF30];
	v35 =	vadd.s32 v45, v53;
	[tilespmem:v23+s24+$0x0] =	vst.idx.msk $0xffff, v22  }
0x2dc: {  	v44 =	vld [tilespmem:s9+$0x1A0];
	v47 =	vadd.s32 v34, v59;
	[tilespmem:v3+s24+$0x0] =	vst.idx.msk $0xffff, v36  }
0x2dd: {  	v48 =	vld [tilespmem:s9+$0xFFFFFE70];
	v63 =	vadd.s32 v33, v49;
	[tilespmem:v4+s24+$0x0] =	vst.idx.msk $0xffff, v39  }
0x2de: {  	v1 =	vadd.s32 v37, v1;
	v51 =	vld [tilespmem:s9+$0xB0];
	[tilespmem:v43+s24+$0x0] =	vst.idx.msk $0xffff, v40  }
0x2df: {  	v54 =	vadd.s32 v45, v57;
	v53 =	vld [tilespmem:s9+$0x130];
	[tilespmem:v21+s24+$0x0] =	vst.idx.msk $0xffff, v20  }
0x2e0: {  	v2 =	vadd.s32 v41, v2;
	v52 =	vld [tilespmem:s9+$0xF0];
	[tilespmem:v35+s24+$0x0] =	vst.idx.msk $0xffff, v32  }
0x2e1: {  	[tilespmem:v47+s24+$0x0] =	vst.idx.msk $0xffff, v44;
	v44 =	vld [tilespmem:s9+$0x30];
	v47 =	vadd.s32 v29, v55  }
0x2e2: {  	v49 =	vadd.s32 v33, v56;
	[tilespmem:v63+s24+$0x0] =	vst.idx.msk $0xffff, v48;
	v48 =	vld [tilespmem:s9+$0x70]  }
0x2e3: {  	v56 =	vadd.s32 v42, v58;
	[tilespmem:v1+s24+$0x0] =	vst.idx.msk $0xffff, v51;
	v55 =	vld [tilespmem:s9+$0x170]  }
0x2e4: {  	v58 =	vadd.s32 v46, v59;
	v59 =	vld [tilespmem:s9+$0xFFFFFE30];
	[tilespmem:v54+s24+$0x0] =	vst.idx.msk $0xffff, v53;
	v63 =	vadd.s32 v29, v50  }
0x2e5: {  	[tilespmem:v2+s24+$0x0] =	vst.idx.msk $0xffff, v52;
	v57 =	vld [tilespmem:s9+$0x1B0]  }
0x2e6: {  	[tilespmem:v47+s24+$0x0] =	vst.idx.msk $0xffff, v44  }
0x2e7: {  	[tilespmem:v49+s24+$0x0] =	vst.idx.msk $0xffff, v48  }
0x2e8: {  	[tilespmem:v56+s24+$0x0] =	vst.idx.msk $0xffff, v55  }
0x2e9: {  	[tilespmem:v63+s24+$0x0] =	vst.idx.msk $0xffff, v59  }
0x2ea: {  	s11 =	sadd.s32 s10, s7;
	s10 =	simm.s32 $0xBD00;
	[tilespmem:v58+s24+$0x0] =	vst.idx.msk $0xffff, v57  }
0x2eb: {  	[hbm4b:s11+s3] =	stream.linear.scatter [tilespmem:s10], [sflag:$0x6], $0x80, $0x38;
	[tilespmem:$0xDF00] =	vst v63  }
0x2ec: {  	s17 =	simm.s32 $0xBD88;
	s9 =	sadd.s32 $0x10, s11  }
0x2ed: {  	[hbm4b:s9+s3] =	stream.linear.scatter [tilespmem:s17], [sflag:$0x6], $0x80, $0x38;
	[tilespmem:$0xDF00] =	vst v63  }
0x2ee: {  	s10 =	simm.s32 $0xBE10;
	s17 =	sadd.s32 $0x20, s11  }
0x2ef: {  	[hbm4b:s17+s3] =	stream.linear.scatter [tilespmem:s10], [sflag:$0x6], $0x80, $0x38;
	[tilespmem:$0xDF00] =	vst v63  }
0x2f0: {  	s10 =	simm.s32 $0xBE98;
	s17 =	sadd.s32 $0x30, s11  }
0x2f1: {  	[hbm4b:s17+s3] =	stream.linear.scatter [tilespmem:s10], [sflag:$0x6], $0x80, $0x38;
	[tilespmem:$0xDF00] =	vst v63  }
0x2f2: {  	s10 =	simm.s32 $0xBF20;
	s17 =	sadd.s32 $0x40, s11  }
0x2f3: {  	[hbm4b:s17+s3] =	stream.linear.scatter [tilespmem:s10], [sflag:$0x6], $0x80, $0x38;
	[tilespmem:$0xDF00] =	vst v63  }
0x2f4: {  	s30 =	simm.s32 $0x2200;
	s10 =	simm.s32 $0xBFA8;
	s17 =	sadd.s32 $0x50, s11  }
0x2f5: {  	[hbm4b:s17+s3] =	stream.linear.scatter [tilespmem:s10], [sflag:$0x6], $0x80, $0x38;
	[tilespmem:$0xDF00] =	vst v63  }
0x2f6: {  	s8 =	simm.s32 $0xC0B8;
	s10 =	simm.s32 $0xC030;
	s17 =	sadd.s32 $0x60, s11  }
0x2f7: {  	v25 =	vmov v60;
	[hbm4b:s17+s3] =	stream.linear.scatter [tilespmem:s10], [sflag:$0x6], $0x80, $0x38;
	[tilespmem:$0xDF00] =	vst v63  }
0x2f8: {  	v46 =	vmovc v16;
	v42 =	vmovc v61;
	v35 =	vmov v27;
	v29 =	vmov v26;
	v63 =	vmov v30;
	s9 =	sadd.s32 $0x70, s11;
	s11 =	sadd.s32 $0x1000, s11;
	s10 =	simm.s32 $0x440  }
.LBB2_9:
0x2f9: {  	[hbm4b:s9+s3] =	stream.linear.scatter [tilespmem:s8], [sflag:$0x6], $0x80, $0x38;
	[tilespmem:$0xDF00] =	vst v63  }
0x2fa: {  	s8 =	smov.u32 s10;
	s9 =	smov.u32 s30  }
0x2fb: {  	s17 =	sadd.s32 $0x1100, s30;
	s10 =	sshra.s32 s9, $0x2;
	s9 =	sadd.s32 $0xBD00, s8  }
0x2fc: {  	[hbm4b:s11+s3] =	stream.linear.scatter [tilespmem:s9], [sflag:$0x6], $0x80, $0x38;
	[tilespmem:$0xDF00] =	vst v63  }
0x2fd: {  	p0 =	sne.s32 s30, $0x7700;
	s30 =	sadd.s32 $0x10, s11;
	s9 =	sadd.s32 $0xBD88, s8  }
0x2fe: {  	[hbm4b:s30+s3] =	stream.linear.scatter [tilespmem:s9], [sflag:$0x6], $0x80, $0x38;
	[tilespmem:$0xDF00] =	vst v63  }
0x2ff: {  	s9 =	sadd.s32 $0xBE10, s8;
	s30 =	sadd.s32 $0x20, s11  }
0x300: {  	[hbm4b:s30+s3] =	stream.linear.scatter [tilespmem:s9], [sflag:$0x6], $0x80, $0x38;
	[tilespmem:$0xDF00] =	vst v63  }
0x301: {  	s9 =	sadd.s32 $0xBE98, s8;
	s30 =	sadd.s32 $0x30, s11  }
0x302: {  	[hbm4b:s30+s3] =	stream.linear.scatter [tilespmem:s9], [sflag:$0x6], $0x80, $0x38;
	[tilespmem:$0xDF00] =	vst v63  }
0x303: {  	s9 =	sadd.s32 $0xBF20, s8;
	s30 =	sadd.s32 $0x40, s11  }
0x304: {  	[hbm4b:s30+s3] =	stream.linear.scatter [tilespmem:s9], [sflag:$0x6], $0x80, $0x38;
	[tilespmem:$0xDF00] =	vst v63  }
.Ltmp3:
0x305: {  	s9 =	sadd.s32 $0xBFA8, s8;
	s30 =	sadd.s32 $0x50, s11;
	(pc) =	sbr.rel @p0 .LBB2_9-.Ltmp3, $4  }
0x306: {  	[hbm4b:s30+s3] =	stream.linear.scatter [tilespmem:s9], [sflag:$0x6], $0x80, $0x38;
	[tilespmem:$0xDF00] =	vst v63  }
0x307: {  	s9 =	sadd.s32 $0xC030, s8;
	s30 =	sadd.s32 $0x60, s11;
	s8 =	sadd.s32 $0xC0B8, s8  }
0x308: {  	[hbm4b:s30+s3] =	stream.linear.scatter [tilespmem:s9], [sflag:$0x6], $0x80, $0x38;
	[tilespmem:$0xDF00] =	vst v63  }
0x309: {  	s9 =	sadd.s32 $0x70, s11;
	s11 =	sadd.s32 $0x1000, s11;
	s30 =	smov.u32 s17  }
0x30a: {  	[hbm4b:s9+s3] =	stream.linear.scatter [tilespmem:s8], [sflag:$0x6], $0x80, $0x38;
	[tilespmem:$0xDF00] =	vst v63  }
0x30b: {  	s9 =	sadd.s32 $0xBD00, s10  }
0x30c: {  	[hbm4b:s11+s3] =	stream.linear.scatter [tilespmem:s9], [sflag:$0x6], $0x80, $0x38;
	[tilespmem:$0xDF00] =	vst v63  }
0x30d: {  	s17 =	sadd.s32 $0xBD88, s10;
	s30 =	sadd.s32 $0x10, s11  }
0x30e: {  	[hbm4b:s30+s3] =	stream.linear.scatter [tilespmem:s17], [sflag:$0x6], $0x80, $0x38;
	[tilespmem:$0xDF00] =	vst v63  }
0x30f: {  	s17 =	sadd.s32 $0xBE10, s10;
	s30 =	sadd.s32 $0x20, s11  }
0x310: {  	[hbm4b:s30+s3] =	stream.linear.scatter [tilespmem:s17], [sflag:$0x6], $0x80, $0x38;
	[tilespmem:$0xDF00] =	vst v63  }
0x311: {  	v2 =	vld [tilespmem:$0x1FDE0];
	s17 =	sadd.s32 $0xBE98, s10;
	s30 =	sadd.s32 $0x30, s11  }
0x312: {  	[hbm4b:s30+s3] =	stream.linear.scatter [tilespmem:s17], [sflag:$0x6], $0x80, $0x38;
	[tilespmem:$0xDF00] =	vst v63  }
0x313: {  	s17 =	sadd.s32 $0xBF20, s10;
	s30 =	sadd.s32 $0x40, s11  }
0x314: {  	[hbm4b:s30+s3] =	stream.linear.scatter [tilespmem:s17], [sflag:$0x6], $0x80, $0x38;
	[tilespmem:$0xDF00] =	vst v63  }
0x315: {  	s9 =	sadd.s32 $0x4, s1;
	s17 =	sadd.s32 $0xBFA8, s10;
	s30 =	sadd.s32 $0x50, s11  }
0x316: {  	v0 =	vadd.s32 s9, v2;
	[hbm4b:s30+s3] =	stream.linear.scatter [tilespmem:s17], [sflag:$0x6], $0x80, $0x38;
	[tilespmem:$0xDF00] =	vst v63  }
0x317: {  	s17 =	sadd.s32 $0xC030, s10;
	s30 =	sadd.s32 $0x60, s11  }
0x318: {  	[hbm4b:s30+s3] =	stream.linear.scatter [tilespmem:s17], [sflag:$0x6], $0x80, $0x38;
	[tilespmem:$0xDF00] =	vst v63  }
0x319: {  	s8 =	simm.s32 $0x0;
	s9 =	sadd.s32 $0xC0B8, s10;
	s10 =	sadd.s32 $0x70, s11  }
0x31a: {  	[hbm4b:s10+s3] =	stream.linear.scatter [tilespmem:s9], [sflag:$0x6], $0x80, $0x38;
	[tilespmem:$0xDF00] =	vst v63  }
0x31b: {  	s11 =	sadd.s32 $0x324, s1;
	v0 =	vld.idx.msk [tilespmem:v0+s8+$0x0], $0xffff  }
0x31c: {  	v1 =	vadd.s32 s11, v2;
	_ =	sdelay $0x3  }
0x31d: {  	[tilespmem:$0x1900] =	vst v0  }
0x31e: {  	s17 =	sadd.s32 $0x644, s1;
	v0 =	vld.idx.msk [tilespmem:v1+s8+$0x0], $0xffff  }
0x31f: {  	v1 =	vadd.s32 s17, v2;
	_ =	sdelay $0x3  }
0x320: {  	[tilespmem:$0x1910] =	vst v0  }
0x321: {  	s30 =	sadd.s32 $0x964, s1;
	v0 =	vld.idx.msk [tilespmem:v1+s8+$0x0], $0xffff  }
0x322: {  	v1 =	vadd.s32 s30, v2;
	_ =	sdelay $0x3  }
0x323: {  	[tilespmem:$0x1920] =	vst v0  }
0x324: {  	s10 =	sadd.s32 $0xC84, s1;
	v0 =	vld.idx.msk [tilespmem:v1+s8+$0x0], $0xffff  }
0x325: {  	v1 =	vadd.s32 s10, v2;
	_ =	sdelay $0x3  }
0x326: {  	[tilespmem:$0x1930] =	vst v0  }
0x327: {  	s11 =	sadd.s32 $0xFA4, s1;
	v0 =	vld.idx.msk [tilespmem:v1+s8+$0x0], $0xffff  }
0x328: {  	v1 =	vadd.s32 s11, v2;
	_ =	sdelay $0x3  }
0x329: {  	[tilespmem:$0x1940] =	vst v0  }
0x32a: {  	s17 =	sadd.s32 $0x12C4, s1;
	v0 =	vld.idx.msk [tilespmem:v1+s8+$0x0], $0xffff  }
0x32b: {  	v1 =	vadd.s32 s17, v2;
	_ =	sdelay $0x3  }
0x32c: {  	[tilespmem:$0x1950] =	vst v0  }
0x32d: {  	s30 =	sadd.s32 $0x15E4, s1;
	v0 =	vld.idx.msk [tilespmem:v1+s8+$0x0], $0xffff  }
0x32e: {  	v1 =	vadd.s32 s30, v2;
	_ =	sdelay $0x3  }
0x32f: {  	[tilespmem:$0x1960] =	vst v0  }
0x330: {  	v0 =	vld.idx.msk [tilespmem:v1+s8+$0x0], $0xffff;
	_ =	sdelay $0x3  }
0x331: {  	s30 =	simm.s32 $0x4  }
0x332: {  	v4 =	vmov s30;
	s30 =	simm.s32 $0x7;
	[tilespmem:$0x1970] =	vst v0  }
0x333: {  	[tilespmem:s14], [sflag:$0x1] =	stream.indirect.gather [hbm4b:s4+s12], $0x40, s13, s12, $0xb8;
	[tilespmem:$0xDF00] =	vst v63  }
0x334: {  	s11 =	simm.s32 $0x2;
	v7 =	vmov s30;
	s30 =	simm.s32 $0xA;
	_ =	swait.ge [sflag:s25], $0x2000  }
0x335: {  	s17 =	simm.s32 $0x3;
	v10 =	vmov s30;
	s30 =	simm.s32 $0xF;
	[sflag:s25] =	ssyncset.done $0x0  }
0x336: {  	v3 =	vmov s17;
	v2 =	vmov s11;
	v15 =	vmov s30;
	[sflag:s25] =	ssyncadd.s32 $0xFFFFE000  }
0x337: {  	s10 =	simm.s32 $0x1;
	v2 =	vshrl.u32 v2, $0x3;
	v15 =	vshrl.u32 v15, $0x3;
	v0 =	vmov s8;
	_ =	swait.ge [sflag:s26], $0x2000  }
0x338: {  	v1 =	vmov s10;
	v15 =	vshll.u32 v15, v17;
	v0 =	vshrl.u32 v0, $0x3;
	v30 =	vld [tilespmem:$0x1FE90]  }
0x339: {  	s10 =	simm.s32 $0xC;
	v1 =	vshrl.u32 v1, $0x3;
	v15 =	vbroadcast v15, $0x0;
	v0 =	vshll.u32 v0, v17;
	[sflag:s26] =	ssyncset.done $0x0  }
0x33a: {  	v12 =	vmov s10;
	s10 =	simm.s32 $0x5D00;
	v49 =	vbroadcast v0, $0x0;
	v0 =	vshll.u32 v1, v17;
	v33 =	vld [tilespmem:$0x1FEB0];
	[sflag:s26] =	ssyncadd.s32 $0xFFFFE000  }
0x33b: {  	s17 =	simm.s32 $0x6;
	v16 =	vadd.s32 v63, v15;
	v61 =	vbroadcast v0, $0x0;
	v0 =	vshll.u32 v2, v17;
	v2 =	vld [tilespmem:s10+$0x1C0]  }
0x33c: {  	v6 =	vmov s17;
	v3 =	vshrl.u32 v3, $0x3;
	v19 =	vadd.s32 v25, v49;
	v18 =	vld [tilespmem:s10+$0xFFFFFE00]  }
0x33d: {  	s9 =	simm.s32 $0xB;
	s17 =	simm.s32 $0x9;
	v60 =	vbroadcast v0, $0x0;
	v0 =	vshll.u32 v3, v17;
	v3 =	vld [tilespmem:s10+$0xFFFFFE40];
	v20 =	vadd.s32 v30, v61  }
0x33e: {  	v11 =	vmov s9;
	v9 =	vmov s17;
	s17 =	simm.s32 $0xE;
	s11 =	simm.s32 $0x5  }
0x33f: {  	v6 =	vshrl.u32 v6, $0x3;
	v14 =	vmov s17;
	v5 =	vmov s11;
	s11 =	simm.s32 $0x8;
	v32 =	vld [tilespmem:$0x1FE20]  }
0x340: {  	v9 =	vshrl.u32 v9, $0x3;
	v8 =	vmov s11;
	s11 =	simm.s32 $0xD;
	v5 =	vshrl.u32 v5, $0x3;
	v31 =	vld [tilespmem:$0x1FF00];
	[tilespmem:v16+s20+$0x0] =	vst.idx.msk $0xffff, v2  }
0x341: {  	v4 =	vshrl.u32 v4, $0x3;
	v13 =	vmov s11;
	v5 =	vshll.u32 v5, v17;
	[tilespmem:v19+s20+$0x0] =	vst.idx.msk $0xffff, v18  }
0x342: {  	v59 =	vbroadcast v0, $0x0;
	v0 =	vshll.u32 v4, v17;
	v4 =	vld [tilespmem:s10+$0xFFFFFE80];
	v21 =	vadd.s32 v33, v60;
	[tilespmem:v20+s20+$0x0] =	vst.idx.msk $0xffff, v3  }
0x343: {  	v7 =	vshrl.u32 v7, $0x3;
	v26 =	vbroadcast v5, $0x0;
	v1 =	vbroadcast v0, $0x0;
	v27 =	vld [tilespmem:$0x1FF40]  }
0x344: {  	v5 =	vshll.u32 v6, v17;
	v0 =	vshrl.u32 v11, $0x3;
	v11 =	vld [tilespmem:s10+$0xFFFFFEC0];
	v22 =	vadd.s32 v32, v59  }
0x345: {  	v8 =	vshrl.u32 v8, $0x3;
	v23 =	vld [tilespmem:s10+$0xFFFFFF00];
	v24 =	vadd.s32 v31, v1;
	v2 =	vbroadcast v5, $0x0  }
0x346: {  	v10 =	vshrl.u32 v10, $0x3;
	v5 =	vshll.u32 v7, v17;
	v7 =	vadd.s32 v42, v15;
	v6 =	vld [tilespmem:s10+$0x1D0]  }
0x347: {  	v55 =	vbroadcast v5, $0x0;
	v5 =	vshll.u32 v8, v17;
	v8 =	vadd.s32 v38, v2;
	[tilespmem:v21+s20+$0x0] =	vst.idx.msk $0xffff, v4;
	v4 =	vld [tilespmem:s10+$0xFFFFFF80]  }
0x348: {  	v56 =	vbroadcast v5, $0x0;
	v5 =	vshll.u32 v9, v17;
	v3 =	vld [tilespmem:s10+$0xFFFFFF40];
	v16 =	vadd.s32 v27, v26  }
0x349: {  	v10 =	vshll.u32 v10, v17;
	v9 =	vld [tilespmem:s10+$0xFFFFFFC0];
	v57 =	vbroadcast v5, $0x0;
	[tilespmem:v22+s20+$0x0] =	vst.idx.msk $0xffff, v11;
	v11 =	vadd.s32 v63, v55  }
0x34a: {  	v58 =	vbroadcast v10, $0x0;
	v5 =	vshrl.u32 v13, $0x3;
	v13 =	vld [tilespmem:s10+$0x0];
	[tilespmem:v24+s20+$0x0] =	vst.idx.msk $0xffff, v23;
	v18 =	vadd.s32 v25, v56  }
0x34b: {  	v12 =	vshrl.u32 v12, $0x3;
	v0 =	vshll.u32 v0, v17;
	v19 =	vld [tilespmem:s10+$0x40];
	v47 =	vadd.s32 v30, v57;
	[tilespmem:v7+s20+$0x0] =	vst.idx.msk $0xffff, v6  }
0x34c: {  	v50 =	vbroadcast v0, $0x0;
	v0 =	vshll.u32 v12, v17;
	v7 =	vadd.s32 v33, v58;
	[tilespmem:v8+s20+$0x0] =	vst.idx.msk $0xffff, v4;
	v4 =	vld [tilespmem:s10+$0x80]  }
0x34d: {  	v51 =	vbroadcast v0, $0x0;
	v0 =	vshll.u32 v5, v17;
	v6 =	vadd.s32 v62, v15;
	[tilespmem:v16+s20+$0x0] =	vst.idx.msk $0xffff, v3;
	v3 =	vld [tilespmem:s10+$0x1E0]  }
0x34e: {  	v14 =	vshrl.u32 v14, $0x3;
	v5 =	vld [tilespmem:s10+$0xC0];
	v52 =	vbroadcast v0, $0x0;
	[tilespmem:v11+s20+$0x0] =	vst.idx.msk $0xffff, v9;
	v8 =	vadd.s32 v32, v50  }
0x34f: {  	v10 =	vadd.s32 v31, v51;
	v0 =	vshll.u32 v14, v17;
	[tilespmem:v18+s20+$0x0] =	vst.idx.msk $0xffff, v13;
	v9 =	vld [tilespmem:s10+$0x100]  }
0x350: {  	v53 =	vbroadcast v0, $0x0;
	v0 =	vld [tilespmem:s10+$0x140];
	v11 =	vadd.s32 v27, v52;
	[tilespmem:v47+s20+$0x0] =	vst.idx.msk $0xffff, v19  }
0x351: {  	v12 =	vld [tilespmem:s10+$0x180];
	[tilespmem:v7+s20+$0x0] =	vst.idx.msk $0xffff, v4  }
0x352: {  	v13 =	vadd.s32 v38, v53;
	[tilespmem:v6+s20+$0x0] =	vst.idx.msk $0xffff, v3;
	v6 =	vld [tilespmem:s10+$0xFFFFFE50]  }
0x353: {  	v31 =	vld [tilespmem:$0x1FEA0];
	[tilespmem:v8+s20+$0x0] =	vst.idx.msk $0xffff, v5  }
0x354: {  	v14 =	vmov v35;
	v4 =	vadd.s32 v35, v15;
	v35 =	vld [tilespmem:$0x1FEC0];
	[tilespmem:v10+s20+$0x0] =	vst.idx.msk $0xffff, v9  }
0x355: {  	v39 =	vld [tilespmem:$0x1FEF0];
	[tilespmem:v11+s20+$0x0] =	vst.idx.msk $0xffff, v0  }
0x356: {  	v43 =	vld [tilespmem:$0x1FF10]  }
0x357: {  	v3 =	vld [tilespmem:s10+$0x1F0];
	[tilespmem:v13+s20+$0x0] =	vst.idx.msk $0xffff, v12  }
0x358: {  	v47 =	vld [tilespmem:$0x1FF50];
	v7 =	vadd.s32 v31, v61  }
0x359: {  	v5 =	vld [tilespmem:s10+$0xFFFFFE90];
	v8 =	vadd.s32 v35, v60  }
0x35a: {  	v9 =	vld [tilespmem:s10+$0xFFFFFED0];
	v10 =	vadd.s32 v39, v59  }
0x35b: {  	v0 =	vld [tilespmem:s10+$0xFFFFFF10];
	v11 =	vadd.s32 v43, v1  }
0x35c: {  	[tilespmem:v4+s20+$0x0] =	vst.idx.msk $0xffff, v3;
	v3 =	vld [tilespmem:s10+$0xFFFFFF90];
	v4 =	vadd.s32 v29, v2  }
0x35d: {  	v12 =	vld [tilespmem:s10+$0xFFFFFF50];
	v13 =	vadd.s32 v47, v26;
	[tilespmem:v7+s20+$0x0] =	vst.idx.msk $0xffff, v6  }
0x35e: {  	v6 =	vadd.s32 v42, v55;
	[tilespmem:v8+s20+$0x0] =	vst.idx.msk $0xffff, v5;
	v5 =	vld [tilespmem:s10+$0xFFFFFFD0]  }
0x35f: {  	v7 =	vld [tilespmem:s10+$0x10];
	v8 =	vadd.s32 v46, v56;
	[tilespmem:v10+s20+$0x0] =	vst.idx.msk $0xffff, v9  }
0x360: {  	v9 =	vadd.s32 v31, v57;
	[tilespmem:v11+s20+$0x0] =	vst.idx.msk $0xffff, v0;
	v0 =	vld [tilespmem:s10+$0x50]  }
0x361: {  	[tilespmem:v4+s20+$0x0] =	vst.idx.msk $0xffff, v3;
	v10 =	vld [tilespmem:s10+$0x90];
	v11 =	vadd.s32 v35, v58  }
0x362: {  	v3 =	vld [tilespmem:s10+$0xD0];
	v4 =	vadd.s32 v39, v50;
	[tilespmem:v13+s20+$0x0] =	vst.idx.msk $0xffff, v12  }
0x363: {  	[tilespmem:v6+s20+$0x0] =	vst.idx.msk $0xffff, v5;
	v5 =	vld [tilespmem:s10+$0x110];
	v6 =	vadd.s32 v43, v51  }
0x364: {  	[tilespmem:v8+s20+$0x0] =	vst.idx.msk $0xffff, v7;
	v7 =	vld [tilespmem:s10+$0x150];
	v8 =	vadd.s32 v47, v52  }
0x365: {  	[tilespmem:v9+s20+$0x0] =	vst.idx.msk $0xffff, v0;
	v0 =	vld [tilespmem:s10+$0x190];
	v9 =	vadd.s32 v29, v53  }
0x366: {  	v12 =	vld [tilespmem:s10+$0xFFFFFE10];
	v13 =	vadd.s32 v46, v49;
	[tilespmem:v11+s20+$0x0] =	vst.idx.msk $0xffff, v10  }
0x367: {  	v32 =	vld [tilespmem:$0x1FE00];
	[tilespmem:v4+s20+$0x0] =	vst.idx.msk $0xffff, v3  }
0x368: {  	v36 =	vld [tilespmem:$0x1FED0];
	[tilespmem:v6+s20+$0x0] =	vst.idx.msk $0xffff, v5  }
0x369: {  	v40 =	vld [tilespmem:$0x1FE30];
	[tilespmem:v8+s20+$0x0] =	vst.idx.msk $0xffff, v7  }
0x36a: {  	v44 =	vld [tilespmem:$0x1FF20];
	[tilespmem:v9+s20+$0x0] =	vst.idx.msk $0xffff, v0  }
0x36b: {  	[tilespmem:v13+s20+$0x0] =	vst.idx.msk $0xffff, v12  }
0x36c: {  	v48 =	vld [tilespmem:$0x1FF60]  }
0x36d: {  	v10 =	vld [tilespmem:s10+$0xFFFFFE60];
	v11 =	vadd.s32 v32, v61  }
0x36e: {  	v3 =	vld [tilespmem:s10+$0xFFFFFEA0];
	v4 =	vadd.s32 v36, v60  }
0x36f: {  	v5 =	vld [tilespmem:s10+$0xFFFFFEE0];
	v6 =	vadd.s32 v40, v59  }
0x370: {  	v7 =	vld [tilespmem:s10+$0xFFFFFF20];
	v8 =	vadd.s32 v44, v1  }
0x371: {  	v0 =	vld [tilespmem:s10+$0xFFFFFF60];
	v9 =	vadd.s32 v48, v26  }
0x372: {  	[tilespmem:v11+s20+$0x0] =	vst.idx.msk $0xffff, v10;
	v10 =	vld [tilespmem:s10+$0xFFFFFFA0];
	v11 =	vadd.s32 v34, v2  }
0x373: {  	[tilespmem:v4+s20+$0x0] =	vst.idx.msk $0xffff, v3;
	v3 =	vld [tilespmem:s10+$0xFFFFFFE0];
	v4 =	vadd.s32 v62, v55  }
0x374: {  	[tilespmem:v6+s20+$0x0] =	vst.idx.msk $0xffff, v5;
	v5 =	vld [tilespmem:s10+$0x20];
	v6 =	vadd.s32 v28, v56  }
0x375: {  	[tilespmem:v8+s20+$0x0] =	vst.idx.msk $0xffff, v7;
	v7 =	vld [tilespmem:s10+$0x60];
	v8 =	vadd.s32 v32, v57  }
0x376: {  	[tilespmem:v9+s20+$0x0] =	vst.idx.msk $0xffff, v0;
	v0 =	vld [tilespmem:s10+$0xA0];
	v9 =	vadd.s32 v36, v58  }
0x377: {  	[tilespmem:v11+s20+$0x0] =	vst.idx.msk $0xffff, v10;
	v10 =	vld [tilespmem:s10+$0xE0];
	v11 =	vadd.s32 v40, v50  }
0x378: {  	[tilespmem:v4+s20+$0x0] =	vst.idx.msk $0xffff, v3;
	v3 =	vld [tilespmem:s10+$0x120];
	v4 =	vadd.s32 v44, v51  }
0x379: {  	v15 =	vld [tilespmem:s10+$0xFFFFFE20];
	[tilespmem:v6+s20+$0x0] =	vst.idx.msk $0xffff, v5  }
0x37a: {  	v12 =	vadd.s32 v48, v52;
	v6 =	vld [tilespmem:s10+$0x160];
	[tilespmem:v8+s20+$0x0] =	vst.idx.msk $0xffff, v7  }
0x37b: {  	v7 =	vld [tilespmem:s10+$0x1A0];
	v8 =	vadd.s32 v34, v53;
	[tilespmem:v9+s20+$0x0] =	vst.idx.msk $0xffff, v0  }
0x37c: {  	v16 =	vadd.s32 v28, v49;
	v33 =	vld [tilespmem:$0x1FE10];
	[tilespmem:v11+s20+$0x0] =	vst.idx.msk $0xffff, v10  }
0x37d: {  	v37 =	vld [tilespmem:$0x1FEE0];
	[tilespmem:v4+s20+$0x0] =	vst.idx.msk $0xffff, v3  }
0x37e: {  	v41 =	vld [tilespmem:$0x1FE40]  }
0x37f: {  	v0 =	vld [tilespmem:s10+$0xFFFFFE70];
	[tilespmem:v12+s20+$0x0] =	vst.idx.msk $0xffff, v6  }
0x380: {  	v45 =	vld [tilespmem:$0x1FF30];
	[tilespmem:v8+s20+$0x0] =	vst.idx.msk $0xffff, v7  }
0x381: {  	v11 =	vld [tilespmem:s10+$0xFFFFFEB0];
	[tilespmem:v16+s20+$0x0] =	vst.idx.msk $0xffff, v15;
	v9 =	vadd.s32 v33, v61  }
0x382: {  	v42 =	vld [tilespmem:$0x1FF70];
	v22 =	vadd.s32 v37, v60  }
0x383: {  	s11 =	simm.s32 $0x11;
	v24 =	vld [tilespmem:s10+$0xFFFFFEF0];
	v25 =	vadd.s32 v41, v59  }
0x384: {  	s17 =	simm.s32 $0x12;
	v54 =	vmov s11;
	s30 =	simm.s32 $0x13;
	s11 =	simm.s32 $0x15  }
0x385: {  	s9 =	simm.s32 $0x10;
	v21 =	vmov s11;
	v18 =	vmov s17;
	s17 =	simm.s32 $0x16;
	v19 =	vmov s30  }
0x386: {  	v23 =	vmov s17;
	s17 =	simm.s32 $0x1A;
	v28 =	vmov v63;
	v63 =	vld [tilespmem:s10+$0xFFFFFF70];
	v5 =	vmov s9;
	[tilespmem:v9+s20+$0x0] =	vst.idx.msk $0xffff, v0  }
0x387: {  	s30 =	simm.s32 $0x17;
	v46 =	vmovc v14;
	v62 =	vmov s17;
	s9 =	simm.s32 $0x14;
	v13 =	vshrl.u32 v5, $0x3;
	v14 =	vadd.s32 v42, v26;
	v26 =	vld [tilespmem:$0x1FE50];
	[tilespmem:v22+s20+$0x0] =	vst.idx.msk $0xffff, v11  }
0x388: {  	v20 =	vmov s9;
	v5 =	vmov s30;
	s9 =	simm.s32 $0x18;
	s30 =	simm.s32 $0x1B;
	v59 =	vld [tilespmem:s10+$0xFFFFFF30];
	v60 =	vadd.s32 v45, v1;
	[tilespmem:v25+s20+$0x0] =	vst.idx.msk $0xffff, v24  }
0x389: {  	v38 =	vmovc v29;
	v3 =	vmov s30;
	v6 =	vmov s9;
	v7 =	vshll.u32 v13, v17;
	v29 =	vld [tilespmem:$0x1FE80]  }
0x38a: {  	s11 =	simm.s32 $0x19;
	v10 =	vld [tilespmem:s10+$0xFFFFFFB0];
	v13 =	vadd.s32 v46, v55;
	v8 =	vshrl.u32 v18, $0x3;
	v55 =	vshrl.u32 v23, $0x3  }
0x38b: {  	s17 =	simm.s32 $0x1D;
	v12 =	vld [tilespmem:s10+$0x30];
	v61 =	vmov s11;
	s11 =	simm.s32 $0x1C;
	v16 =	vadd.s32 v33, v57;
	v57 =	vshrl.u32 v21, $0x3  }
0x38c: {  	v4 =	vmov s11;
	v58 =	vadd.s32 v37, v58;
	v1 =	vmov s17;
	v11 =	vld [tilespmem:s10+$0xFFFFFFF0]  }
0x38d: {  	s30 =	simm.s32 $0x1E;
	v9 =	vshrl.u32 v54, $0x3;
	v54 =	vshrl.u32 v20, $0x3;
	[tilespmem:v60+s20+$0x0] =	vst.idx.msk $0xffff, v59;
	v59 =	vld [tilespmem:s10+$0x70];
	v0 =	vadd.s32 v26, v2  }
0x38e: {  	s8 =	simm.s32 $0x1F;
	s11 =	simm.s32 $0x20;
	v60 =	vld [tilespmem:s10+$0xB0];
	[tilespmem:v14+s20+$0x0] =	vst.idx.msk $0xffff, v63;
	v2 =	vmov s30;
	v15 =	vadd.s32 v29, v56;
	v56 =	vshrl.u32 v19, $0x3  }
.LBB2_11:
0x38f: {  	v21 =	vld [tilespmem:s10+$0xFFFFFE30]  }
0x390: {  	v23 =	vld [tilespmem:$0x1FFF0]  }
0x391: {  	v25 =	vld [tilespmem:$0x1FE20]  }
0x392: {  	v24 =	vld [tilespmem:$0x1FF00]  }
0x393: {  	v30 =	vld [tilespmem:$0x1FF40]  }
0x394: {  	v27 =	vld [tilespmem:$0x1FF80]  }
0x395: {  	[tilespmem:v0+s20+$0x0] =	vst.idx.msk $0xffff, v10;
	v0 =	vld [tilespmem:s10+$0xF0]  }
0x396: {  	v14 =	vmov s8;
	[tilespmem:v13+s20+$0x0] =	vst.idx.msk $0xffff, v11;
	v11 =	vld [tilespmem:s10+$0x130]  }
0x397: {  	v19 =	vshrl.u32 v62, $0x3;
	v20 =	vadd.s32 v26, v53;
	v22 =	vadd.s32 v29, v49;
	[tilespmem:v15+s20+$0x0] =	vst.idx.msk $0xffff, v12;
	v12 =	vld [tilespmem:s10+$0x170]  }
0x398: {  	v49 =	vbroadcast v7, $0x0;
	v7 =	vshll.u32 v8, v17;
	v10 =	vadd.s32 v41, v50;
	[tilespmem:v16+s20+$0x0] =	vst.idx.msk $0xffff, v59;
	v16 =	vld [tilespmem:s10+$0x1B0]  }
0x399: {  	v14 =	vshrl.u32 v14, $0x3;
	v62 =	vbroadcast v7, $0x0;
	v7 =	vshll.u32 v56, v17;
	v50 =	vld [tilespmem:$0x1FE90]  }
0x39a: {  	v14 =	vshll.u32 v14, v17;
	v56 =	vbroadcast v7, $0x0;
	v13 =	vadd.s32 v45, v51;
	s10 =	sadd.s32 $0x400, s10;
	v51 =	vld [tilespmem:$0x1FEB0]  }
0x39b: {  	v7 =	vshll.u32 v54, v17;
	v14 =	vbroadcast v14, $0x0;
	v15 =	vadd.s32 v42, v52;
	v8 =	vld [tilespmem:s10+$0x1C0]  }
0x39c: {  	v9 =	vshll.u32 v9, v17;
	v54 =	vbroadcast v7, $0x0;
	[tilespmem:v58+s20+$0x0] =	vst.idx.msk $0xffff, v60;
	v7 =	vld [tilespmem:s10+$0xFFFFFEC0]  }
0x39d: {  	v18 =	vshrl.u32 v61, $0x3;
	v61 =	vbroadcast v9, $0x0;
	v9 =	vadd.s32 v28, v14;
	[tilespmem:v10+s20+$0x0] =	vst.idx.msk $0xffff, v0;
	v0 =	vld [tilespmem:s10+$0xFFFFFE00]  }
0x39e: {  	v10 =	vadd.s32 v23, v49;
	[tilespmem:v20+s20+$0x0] =	vst.idx.msk $0xffff, v16;
	v20 =	vld [tilespmem:$0x1FFB0]  }
0x39f: {  	[tilespmem:v13+s20+$0x0] =	vst.idx.msk $0xffff, v11;
	v11 =	vld [tilespmem:s10+$0xFFFFFE40];
	v16 =	vadd.s32 v25, v56  }
0x3a0: {  	[tilespmem:v15+s20+$0x0] =	vst.idx.msk $0xffff, v12;
	v12 =	vld [tilespmem:s10+$0xFFFFFE80];
	v15 =	vadd.s32 v51, v62  }
0x3a1: {  	v53 =	vshll.u32 v57, v17;
	v13 =	vadd.s32 v50, v61;
	[tilespmem:v22+s20+$0x0] =	vst.idx.msk $0xffff, v21;
	v21 =	vld [tilespmem:s10+$0xFFFFFF00]  }
0x3a2: {  	v5 =	vshrl.u32 v5, $0x3;
	v55 =	vshll.u32 v55, v17;
	v57 =	vbroadcast v53, $0x0;
	[tilespmem:v9+s20+$0x0] =	vst.idx.msk $0xffff, v8;
	v9 =	vld [tilespmem:s10+$0xFFFFFF40]  }
0x3a3: {  	v6 =	vshrl.u32 v6, $0x3;
	[tilespmem:v10+s20+$0x0] =	vst.idx.msk $0xffff, v0;
	v0 =	vshll.u32 v5, v17;
	v5 =	vld [tilespmem:s10+$0x1D0];
	v8 =	vadd.s32 v20, v14  }
0x3a4: {  	v3 =	vshrl.u32 v3, $0x3;
	v55 =	vbroadcast v55, $0x0;
	v10 =	vadd.s32 v30, v57;
	[tilespmem:v16+s20+$0x0] =	vst.idx.msk $0xffff, v7;
	v7 =	vld [tilespmem:s10+$0xFFFFFFC0]  }
0x3a5: {  	[tilespmem:v15+s20+$0x0] =	vst.idx.msk $0xffff, v12;
	v15 =	vshll.u32 v19, v17;
	v58 =	vbroadcast v0, $0x0;
	v0 =	vshll.u32 v6, v17;
	v6 =	vld [tilespmem:s10+$0xFFFFFF80]  }
0x3a6: {  	v3 =	vshll.u32 v3, v17;
	[tilespmem:v13+s20+$0x0] =	vst.idx.msk $0xffff, v11;
	v11 =	vadd.s32 v27, v55;
	v63 =	vbroadcast v15, $0x0;
	v15 =	vld [tilespmem:$0x1FFC0]  }
0x3a7: {  	v22 =	vadd.s32 v24, v54;
	v16 =	vld [tilespmem:s10+$0x40];
	v59 =	vbroadcast v0, $0x0;
	v0 =	vshll.u32 v18, v17  }
0x3a8: {  	v12 =	vadd.s32 v28, v58;
	v60 =	vbroadcast v0, $0x0;
	v0 =	vshrl.u32 v1, $0x3;
	v1 =	vld [tilespmem:s10+$0x0];
	[tilespmem:v8+s20+$0x0] =	vst.idx.msk $0xffff, v5  }
0x3a9: {  	v4 =	vshrl.u32 v4, $0x3;
	v13 =	vadd.s32 v23, v59;
	v0 =	vshll.u32 v0, v17;
	[tilespmem:v10+s20+$0x0] =	vst.idx.msk $0xffff, v9;
	v10 =	vld [tilespmem:s10+$0x180]  }
0x3aa: {  	v18 =	vadd.s32 v50, v60;
	v50 =	vbroadcast v3, $0x0;
	v3 =	vshll.u32 v4, v17;
	v4 =	vld [tilespmem:s10+$0x1E0]  }
0x3ab: {  	v2 =	vshrl.u32 v2, $0x3;
	v52 =	vbroadcast v0, $0x0;
	v5 =	vadd.s32 v15, v14;
	[tilespmem:v11+s20+$0x0] =	vst.idx.msk $0xffff, v6;
	v6 =	vld [tilespmem:s10+$0x80]  }
0x3ac: {  	[tilespmem:v22+s20+$0x0] =	vst.idx.msk $0xffff, v21;
	v8 =	vadd.s32 v51, v63;
	v0 =	vshll.u32 v2, v17;
	v51 =	vbroadcast v3, $0x0;
	v3 =	vld [tilespmem:s10+$0xC0]  }
0x3ad: {  	v53 =	vbroadcast v0, $0x0;
	v0 =	vld [tilespmem:s10+$0x140];
	v9 =	vadd.s32 v30, v52;
	[tilespmem:v12+s20+$0x0] =	vst.idx.msk $0xffff, v7  }
0x3ae: {  	v7 =	vadd.s32 v25, v50;
	v12 =	vld [tilespmem:$0x1FE60];
	[tilespmem:v13+s20+$0x0] =	vst.idx.msk $0xffff, v1  }
0x3af: {  	v11 =	vadd.s32 v27, v53;
	v1 =	vld [tilespmem:s10+$0x100];
	[tilespmem:v18+s20+$0x0] =	vst.idx.msk $0xffff, v16  }
0x3b0: {  	v2 =	vadd.s32 v24, v51;
	v13 =	vld [tilespmem:$0x1FE70];
	[tilespmem:v5+s20+$0x0] =	vst.idx.msk $0xffff, v4  }
0x3b1: {  	[tilespmem:v8+s20+$0x0] =	vst.idx.msk $0xffff, v6;
	v6 =	vld [tilespmem:s10+$0xFFFFFE50];
	v8 =	vadd.s32 v31, v61  }
0x3b2: {  	v5 =	vadd.s32 v46, v14;
	v4 =	vld [tilespmem:s10+$0x1F0];
	[tilespmem:v9+s20+$0x0] =	vst.idx.msk $0xffff, v0  }
0x3b3: {  	v0 =	vld [tilespmem:s10+$0xFFFFFF10];
	v9 =	vadd.s32 v43, v54;
	[tilespmem:v7+s20+$0x0] =	vst.idx.msk $0xffff, v3  }
0x3b4: {  	v3 =	vld [tilespmem:s10+$0xFFFFFE90];
	v7 =	vadd.s32 v35, v62;
	[tilespmem:v11+s20+$0x0] =	vst.idx.msk $0xffff, v10  }
0x3b5: {  	v10 =	vld [tilespmem:s10+$0xFFFFFF50];
	v11 =	vadd.s32 v47, v57;
	[tilespmem:v2+s20+$0x0] =	vst.idx.msk $0xffff, v1  }
0x3b6: {  	v1 =	vld [tilespmem:s10+$0xFFFFFED0];
	v2 =	vadd.s32 v39, v56;
	[tilespmem:v8+s20+$0x0] =	vst.idx.msk $0xffff, v6  }
0x3b7: {  	[tilespmem:v5+s20+$0x0] =	vst.idx.msk $0xffff, v4;
	v4 =	vld [tilespmem:s10+$0xFFFFFF90];
	v5 =	vadd.s32 v38, v55  }
0x3b8: {  	v8 =	vld [tilespmem:s10+$0x90];
	[tilespmem:v9+s20+$0x0] =	vst.idx.msk $0xffff, v0;
	v9 =	vadd.s32 v35, v63  }
0x3b9: {  	v6 =	vadd.s32 v20, v58;
	[tilespmem:v7+s20+$0x0] =	vst.idx.msk $0xffff, v3;
	v3 =	vld [tilespmem:s10+$0xFFFFFFD0]  }
0x3ba: {  	v0 =	vld [tilespmem:s10+$0x50];
	v7 =	vadd.s32 v31, v60;
	[tilespmem:v11+s20+$0x0] =	vst.idx.msk $0xffff, v10  }
0x3bb: {  	v10 =	vld [tilespmem:s10+$0xFFFFFE10];
	v11 =	vadd.s32 v12, v49;
	[tilespmem:v2+s20+$0x0] =	vst.idx.msk $0xffff, v1  }
0x3bc: {  	v1 =	vld [tilespmem:s10+$0x10];
	v2 =	vadd.s32 v12, v59;
	[tilespmem:v5+s20+$0x0] =	vst.idx.msk $0xffff, v4  }
0x3bd: {  	v4 =	vld [tilespmem:s10+$0xD0];
	v5 =	vadd.s32 v39, v50;
	[tilespmem:v9+s20+$0x0] =	vst.idx.msk $0xffff, v8  }
0x3be: {  	v8 =	vld [tilespmem:s10+$0xFFFFFE60];
	v9 =	vadd.s32 v32, v61;
	[tilespmem:v6+s20+$0x0] =	vst.idx.msk $0xffff, v3  }
0x3bf: {  	v3 =	vld [tilespmem:s10+$0x110];
	v6 =	vadd.s32 v43, v51;
	[tilespmem:v7+s20+$0x0] =	vst.idx.msk $0xffff, v0  }
0x3c0: {  	v0 =	vld [tilespmem:s10+$0x190];
	v7 =	vadd.s32 v38, v53;
	[tilespmem:v11+s20+$0x0] =	vst.idx.msk $0xffff, v10  }
0x3c1: {  	[tilespmem:v2+s20+$0x0] =	vst.idx.msk $0xffff, v1;
	v1 =	vld [tilespmem:s10+$0x150];
	v2 =	vadd.s32 v47, v52  }
0x3c2: {  	[tilespmem:v5+s20+$0x0] =	vst.idx.msk $0xffff, v4;
	v4 =	vld [tilespmem:s10+$0xFFFFFEA0];
	v5 =	vadd.s32 v36, v62  }
0x3c3: {  	[tilespmem:v9+s20+$0x0] =	vst.idx.msk $0xffff, v8;
	v8 =	vld [tilespmem:s10+$0xFFFFFFA0];
	v9 =	vadd.s32 v34, v55  }
0x3c4: {  	[tilespmem:v6+s20+$0x0] =	vst.idx.msk $0xffff, v3;
	v3 =	vld [tilespmem:s10+$0xFFFFFEE0];
	v6 =	vadd.s32 v40, v56  }
0x3c5: {  	[tilespmem:v7+s20+$0x0] =	vst.idx.msk $0xffff, v0;
	v0 =	vld [tilespmem:s10+$0xFFFFFF60];
	v7 =	vadd.s32 v48, v57  }
0x3c6: {  	[tilespmem:v2+s20+$0x0] =	vst.idx.msk $0xffff, v1;
	v1 =	vld [tilespmem:s10+$0xFFFFFF20];
	v2 =	vadd.s32 v44, v54  }
0x3c7: {  	[tilespmem:v5+s20+$0x0] =	vst.idx.msk $0xffff, v4;
	v4 =	vld [tilespmem:s10+$0xFFFFFFE0];
	v5 =	vadd.s32 v15, v58  }
0x3c8: {  	[tilespmem:v9+s20+$0x0] =	vst.idx.msk $0xffff, v8;
	v8 =	vld [tilespmem:s10+$0xE0];
	v9 =	vadd.s32 v40, v50  }
0x3c9: {  	[tilespmem:v6+s20+$0x0] =	vst.idx.msk $0xffff, v3;
	v3 =	vld [tilespmem:s10+$0x20];
	v6 =	vadd.s32 v13, v59  }
0x3ca: {  	v10 =	vmov s11;
	[tilespmem:v7+s20+$0x0] =	vst.idx.msk $0xffff, v0;
	v0 =	vld [tilespmem:s10+$0xA0];
	v7 =	vadd.s32 v36, v63  }
0x3cb: {  	v11 =	vshrl.u32 v10, $0x3;
	v10 =	vld [tilespmem:s10+$0xFFFFFE20];
	v13 =	vadd.s32 v13, v49;
	[tilespmem:v2+s20+$0x0] =	vst.idx.msk $0xffff, v1  }
0x3cc: {  	v1 =	vld [tilespmem:s10+$0x60];
	v2 =	vadd.s32 v32, v60;
	[tilespmem:v5+s20+$0x0] =	vst.idx.msk $0xffff, v4  }
0x3cd: {  	v56 =	vadd.s32 v41, v56;
	v15 =	vld [tilespmem:s10+$0xFFFFFEF0];
	[tilespmem:v9+s20+$0x0] =	vst.idx.msk $0xffff, v8  }
0x3ce: {  	v25 =	vadd.s32 v42, v57;
	v24 =	vld [tilespmem:s10+$0xFFFFFF70];
	[tilespmem:v6+s20+$0x0] =	vst.idx.msk $0xffff, v3  }
0x3cf: {  	s17 =	sadd.s32 $0x1, s11;
	s9 =	sadd.s32 $0x3, s11;
	v23 =	vadd.s32 v45, v54;
	v4 =	vld [tilespmem:s10+$0x120];
	v5 =	vadd.s32 v44, v51;
	[tilespmem:v7+s20+$0x0] =	vst.idx.msk $0xffff, v0  }
0x3d0: {  	s30 =	sadd.s32 $0x2, s11;
	v16 =	vmov s9;
	v12 =	vmov s17;
	s17 =	sadd.s32 $0x4, s11;
	v8 =	vld [tilespmem:s10+$0xFFFFFEB0];
	v9 =	vadd.s32 v37, v62;
	[tilespmem:v13+s20+$0x0] =	vst.idx.msk $0xffff, v10  }
0x3d1: {  	v14 =	vmov s30;
	s30 =	sadd.s32 $0x5, s11;
	v18 =	vmov s17;
	s17 =	sadd.s32 $0x6, s11;
	v3 =	vld [tilespmem:s10+$0x160];
	v6 =	vadd.s32 v48, v52;
	[tilespmem:v2+s20+$0x0] =	vst.idx.msk $0xffff, v1  }
0x3d2: {  	v19 =	vmov s30;
	v20 =	vmov s17;
	v0 =	vld [tilespmem:s10+$0xFFFFFE70];
	v7 =	vadd.s32 v33, v61;
	[tilespmem:v56+s20+$0x0] =	vst.idx.msk $0xffff, v15  }
0x3d3: {  	v57 =	vshrl.u32 v19, $0x3;
	v22 =	vld [tilespmem:s10+$0xFFFFFF30];
	v13 =	vadd.s32 v46, v58;
	v58 =	vadd.s32 v37, v63;
	[tilespmem:v25+s20+$0x0] =	vst.idx.msk $0xffff, v24  }
0x3d4: {  	p0 =	slt.u32 s11, $0x70;
	s30 =	sadd.s32 $0x7, s11;
	v54 =	vshrl.u32 v18, $0x3;
	v1 =	vld [tilespmem:s10+$0x1A0];
	v2 =	vadd.s32 v34, v53;
	v15 =	vadd.s32 v29, v59;
	[tilespmem:v5+s20+$0x0] =	vst.idx.msk $0xffff, v4  }
.Ltmp4:
0x3d5: {  	s9 =	sadd.s32 $0xC, s11;
	v10 =	vld [tilespmem:s10+$0xFFFFFFB0];
	v56 =	vshrl.u32 v16, $0x3;
	v16 =	vadd.s32 v33, v60;
	v5 =	vmov s30;
	[tilespmem:v9+s20+$0x0] =	vst.idx.msk $0xffff, v8;
	(pc) =	sbr.rel @p0 .LBB2_11-.Ltmp4, $4  }
0x3d6: {  	s17 =	sadd.s32 $0x8, s11;
	v60 =	vld [tilespmem:s10+$0xB0];
	s30 =	sadd.s32 $0x9, s11;
	v4 =	vmov s9;
	v9 =	vshrl.u32 v12, $0x3;
	v8 =	vshrl.u32 v14, $0x3;
	[tilespmem:v6+s20+$0x0] =	vst.idx.msk $0xffff, v3  }
0x3d7: {  	v59 =	vld [tilespmem:s10+$0x70];
	v6 =	vmov s17;
	v61 =	vmov s30;
	s17 =	sadd.s32 $0xA, s11;
	s30 =	sadd.s32 $0xB, s11;
	[tilespmem:v7+s20+$0x0] =	vst.idx.msk $0xffff, v0;
	v0 =	vadd.s32 v26, v55  }
0x3d8: {  	[tilespmem:v23+s20+$0x0] =	vst.idx.msk $0xffff, v22;
	v12 =	vld [tilespmem:s10+$0x30];
	v7 =	vshll.u32 v11, v17;
	v62 =	vmov s17;
	v3 =	vmov s30;
	s17 =	sadd.s32 $0xD, s11;
	s30 =	sadd.s32 $0xE, s11  }
0x3d9: {  	s8 =	sadd.s32 $0xF, s11;
	v11 =	vld [tilespmem:s10+$0xFFFFFFF0];
	v55 =	vshrl.u32 v20, $0x3;
	[tilespmem:v2+s20+$0x0] =	vst.idx.msk $0xffff, v1;
	s11 =	sadd.s32 $0x10, s11;
	v1 =	vmov s17;
	v2 =	vmov s30  }
0x3da: {  	_ =	sdelay $0x3  }
0x3db: {  	[tilespmem:v0+s20+$0x0] =	vst.idx.msk $0xffff, v10;
	v0 =	vld [tilespmem:s10+$0xF0];
	v10 =	vadd.s32 v41, v50  }
0x3dc: {  	[tilespmem:v13+s20+$0x0] =	vst.idx.msk $0xffff, v11;
	v11 =	vld [tilespmem:s10+$0x130];
	v13 =	vadd.s32 v45, v51  }
0x3dd: {  	[tilespmem:v58+s20+$0x0] =	vst.idx.msk $0xffff, v60  }
0x3de: {  	[tilespmem:v16+s20+$0x0] =	vst.idx.msk $0xffff, v59  }
0x3df: {  	v63 =	vld [tilespmem:s10+$0x170];
	[tilespmem:v15+s20+$0x0] =	vst.idx.msk $0xffff, v12;
	v15 =	vadd.s32 v42, v52  }
0x3e0: {  	v14 =	vmov s8;
	v20 =	vadd.s32 v26, v53;
	v53 =	vshll.u32 v9, v17;
	v9 =	vld [tilespmem:s10+$0xFFFFFE30];
	[tilespmem:v10+s20+$0x0] =	vst.idx.msk $0xffff, v0  }
0x3e1: {  	v14 =	vshrl.u32 v14, $0x3;
	v25 =	vld [tilespmem:$0x1FFF0];
	[tilespmem:v13+s20+$0x0] =	vst.idx.msk $0xffff, v11  }
0x3e2: {  	v14 =	vshll.u32 v14, v17;
	v30 =	vld [tilespmem:$0x1FE90]  }
0x3e3: {  	v21 =	vadd.s32 v29, v49;
	s30 =	sadd.s32 $0x400, s10;
	v16 =	vld [tilespmem:s10+$0x1B0];
	v14 =	vbroadcast v14, $0x0  }
0x3e4: {  	v50 =	vbroadcast v7, $0x0;
	v58 =	vshll.u32 v8, v17;
	v8 =	vld [tilespmem:s30+$0x1C0];
	v59 =	vshll.u32 v56, v17;
	[tilespmem:v15+s20+$0x0] =	vst.idx.msk $0xffff, v63  }
0x3e5: {  	v49 =	vbroadcast v53, $0x0;
	v52 =	vbroadcast v59, $0x0;
	v22 =	vadd.s32 v28, v14;
	v59 =	vld [tilespmem:$0x1FEB0]  }
0x3e6: {  	v0 =	vld [tilespmem:s30+$0xFFFFFE00];
	v10 =	vadd.s32 v25, v50  }
0x3e7: {  	v11 =	vld [tilespmem:s30+$0xFFFFFE40];
	v60 =	vadd.s32 v30, v49  }
0x3e8: {  	v19 =	vshrl.u32 v62, $0x3;
	v62 =	vld [tilespmem:s30+$0xFFFFFE80];
	v51 =	vbroadcast v58, $0x0;
	[tilespmem:v20+s20+$0x0] =	vst.idx.msk $0xffff, v16  }
0x3e9: {  	v58 =	vld [tilespmem:$0x1FE20];
	[tilespmem:v21+s20+$0x0] =	vst.idx.msk $0xffff, v9  }
0x3ea: {  	v24 =	vld [tilespmem:$0x1FF00];
	[tilespmem:v22+s20+$0x0] =	vst.idx.msk $0xffff, v8;
	v15 =	vadd.s32 v59, v51  }
0x3eb: {  	[tilespmem:v10+s20+$0x0] =	vst.idx.msk $0xffff, v0  }
0x3ec: {  	v22 =	vld [tilespmem:$0x1FFB0];
	[tilespmem:v60+s20+$0x0] =	vst.idx.msk $0xffff, v11  }
0x3ed: {  	v18 =	vshrl.u32 v61, $0x3;
	v61 =	vshll.u32 v54, v17;
	v27 =	vld [tilespmem:$0x1FF40]  }
0x3ee: {  	v53 =	vbroadcast v61, $0x0;
	v16 =	vld [tilespmem:s30+$0xFFFFFEC0]  }
0x3ef: {  	v5 =	vshrl.u32 v5, $0x3;
	v63 =	vshll.u32 v57, v17;
	v9 =	vld [tilespmem:s30+$0xFFFFFF00];
	v20 =	vadd.s32 v58, v52;
	[tilespmem:v15+s20+$0x0] =	vst.idx.msk $0xffff, v62  }
0x3f0: {  	v7 =	vshrl.u32 v3, $0x3;
	v3 =	vbroadcast v63, $0x0;
	v21 =	vadd.s32 v24, v53;
	v60 =	vld [tilespmem:$0x1FF80]  }
0x3f1: {  	v54 =	vshll.u32 v55, v17;
	v55 =	vshll.u32 v5, v17;
	v5 =	vld [tilespmem:s30+$0x1D0];
	v8 =	vadd.s32 v22, v14  }
0x3f2: {  	v10 =	vld [tilespmem:s30+$0xFFFFFF40];
	v11 =	vadd.s32 v27, v3  }
0x3f3: {  	v6 =	vshrl.u32 v6, $0x3;
	v23 =	vshrl.u32 v4, $0x3;
	v4 =	vbroadcast v54, $0x0  }
0x3f4: {  	v54 =	vbroadcast v55, $0x0;
	v56 =	vshll.u32 v6, v17;
	[tilespmem:v20+s20+$0x0] =	vst.idx.msk $0xffff, v16  }
0x3f5: {  	v6 =	vld [tilespmem:s30+$0xFFFFFF80];
	v55 =	vbroadcast v56, $0x0;
	v57 =	vshll.u32 v18, v17;
	[tilespmem:v21+s20+$0x0] =	vst.idx.msk $0xffff, v9;
	v12 =	vadd.s32 v60, v4  }
0x3f6: {  	v61 =	vld [tilespmem:s30+$0xFFFFFFC0];
	v18 =	vshrl.u32 v2, $0x3;
	v63 =	vshll.u32 v19, v17;
	v15 =	vadd.s32 v28, v54;
	[tilespmem:v8+s20+$0x0] =	vst.idx.msk $0xffff, v5  }
0x3f7: {  	v56 =	vbroadcast v57, $0x0;
	v16 =	vadd.s32 v25, v55;
	v9 =	vld [tilespmem:s30+$0x0];
	v21 =	vshll.u32 v7, v17;
	[tilespmem:v11+s20+$0x0] =	vst.idx.msk $0xffff, v10  }
0x3f8: {  	v62 =	vshrl.u32 v1, $0x3;
	v1 =	vbroadcast v63, $0x0;
	v2 =	vbroadcast v21, $0x0;
	v21 =	vld [tilespmem:$0x1FFC0]  }
0x3f9: {  	v19 =	vld [tilespmem:s30+$0x40];
	v57 =	vshll.u32 v23, v17;
	v20 =	vadd.s32 v30, v56  }
0x3fa: {  	v57 =	vbroadcast v57, $0x0;
	v0 =	vshll.u32 v62, v17;
	v10 =	vadd.s32 v59, v1;
	[tilespmem:v12+s20+$0x0] =	vst.idx.msk $0xffff, v6;
	v6 =	vld [tilespmem:s30+$0x80]  }
0x3fb: {  	v62 =	vshll.u32 v18, v17;
	v5 =	vld [tilespmem:s30+$0xC0];
	[tilespmem:v15+s20+$0x0] =	vst.idx.msk $0xffff, v61;
	v61 =	vadd.s32 v58, v2  }
0x3fc: {  	v63 =	vadd.s32 v24, v57;
	v59 =	vbroadcast v62, $0x0;
	[tilespmem:v16+s20+$0x0] =	vst.idx.msk $0xffff, v9;
	v9 =	vld [tilespmem:s30+$0x100]  }
0x3fd: {  	v7 =	vld [tilespmem:s30+$0x1E0];
	v58 =	vbroadcast v0, $0x0;
	v8 =	vadd.s32 v21, v14  }
0x3fe: {  	[tilespmem:v20+s20+$0x0] =	vst.idx.msk $0xffff, v19;
	v15 =	vld [tilespmem:s30+$0x180];
	v16 =	vadd.s32 v60, v59  }
0x3ff: {  	v0 =	vld [tilespmem:s30+$0x140];
	v23 =	vadd.s32 v27, v58;
	[tilespmem:v10+s20+$0x0] =	vst.idx.msk $0xffff, v6  }
0x400: {  	v62 =	vadd.s32 v35, v51;
	[tilespmem:v61+s20+$0x0] =	vst.idx.msk $0xffff, v5;
	v61 =	vld [tilespmem:s30+$0xFFFFFE90]  }
0x401: {  	v20 =	vadd.s32 v39, v52;
	[tilespmem:v63+s20+$0x0] =	vst.idx.msk $0xffff, v9;
	v63 =	vld [tilespmem:s30+$0xFFFFFED0]  }
0x402: {  	v10 =	vadd.s32 v31, v49;
	[tilespmem:v8+s20+$0x0] =	vst.idx.msk $0xffff, v7;
	v8 =	vld [tilespmem:s30+$0xFFFFFE50]  }
0x403: {  	[tilespmem:v16+s20+$0x0] =	vst.idx.msk $0xffff, v15;
	v7 =	vadd.s32 v46, v14;
	v6 =	vld [tilespmem:s30+$0x1F0]  }
0x404: {  	[tilespmem:v23+s20+$0x0] =	vst.idx.msk $0xffff, v0  }
0x405: {  	[tilespmem:v62+s20+$0x0] =	vst.idx.msk $0xffff, v61  }
0x406: {  	[tilespmem:v20+s20+$0x0] =	vst.idx.msk $0xffff, v63  }
0x407: {  	v0 =	vld [tilespmem:s30+$0xFFFFFF10];
	[tilespmem:v10+s20+$0x0] =	vst.idx.msk $0xffff, v8  }
0x408: {  	v23 =	vadd.s32 v43, v53;
	v14 =	vld [tilespmem:s30+$0xFFFFFF50];
	[tilespmem:v7+s20+$0x0] =	vst.idx.msk $0xffff, v6  }
0x409: {  	v15 =	vadd.s32 v47, v3;
	v27 =	vld [tilespmem:$0x1FE60]  }
0x40a: {  	v61 =	vld [tilespmem:s30+$0xFFFFFFD0];
	v62 =	vadd.s32 v22, v54  }
0x40b: {  	v6 =	vld [tilespmem:s30+$0xFFFFFF90];
	v7 =	vadd.s32 v38, v4  }
0x40c: {  	v35 =	vadd.s32 v35, v1;
	v12 =	vld [tilespmem:s30+$0x90]  }
0x40d: {  	[tilespmem:v23+s20+$0x0] =	vst.idx.msk $0xffff, v0;
	v0 =	vld [tilespmem:s30+$0x50];
	v23 =	vadd.s32 v31, v56  }
0x40e: {  	v63 =	vld [tilespmem:s30+$0x10];
	[tilespmem:v15+s20+$0x0] =	vst.idx.msk $0xffff, v14;
	v20 =	vadd.s32 v27, v55  }
0x40f: {  	[tilespmem:v62+s20+$0x0] =	vst.idx.msk $0xffff, v61;
	v61 =	vld [tilespmem:s30+$0x110];
	v62 =	vadd.s32 v43, v57  }
0x410: {  	[tilespmem:v7+s20+$0x0] =	vst.idx.msk $0xffff, v6;
	v6 =	vld [tilespmem:s30+$0xD0];
	v7 =	vadd.s32 v39, v2  }
0x411: {  	[tilespmem:v35+s20+$0x0] =	vst.idx.msk $0xffff, v12;
	v35 =	vld [tilespmem:s30+$0xFFFFFE60];
	v39 =	vadd.s32 v32, v49  }
0x412: {  	v11 =	vadd.s32 v38, v59;
	[tilespmem:v23+s20+$0x0] =	vst.idx.msk $0xffff, v0;
	v0 =	vld [tilespmem:s30+$0x190]  }
0x413: {  	[tilespmem:v20+s20+$0x0] =	vst.idx.msk $0xffff, v63;
	v63 =	vld [tilespmem:s30+$0x150];
	v20 =	vadd.s32 v47, v58  }
0x414: {  	v23 =	vld [tilespmem:s30+$0xFFFFFE10];
	v15 =	vadd.s32 v27, v50;
	[tilespmem:v62+s20+$0x0] =	vst.idx.msk $0xffff, v61  }
0x415: {  	v61 =	vld [tilespmem:s30+$0xFFFFFEE0];
	v62 =	vadd.s32 v40, v52;
	[tilespmem:v7+s20+$0x0] =	vst.idx.msk $0xffff, v6  }
0x416: {  	v43 =	vld [tilespmem:s30+$0xFFFFFEA0];
	[tilespmem:v39+s20+$0x0] =	vst.idx.msk $0xffff, v35;
	v47 =	vadd.s32 v36, v51  }
0x417: {  	[tilespmem:v11+s20+$0x0] =	vst.idx.msk $0xffff, v0  }
0x418: {  	[tilespmem:v20+s20+$0x0] =	vst.idx.msk $0xffff, v63;
	v63 =	vld [tilespmem:s30+$0xFFFFFF20];
	v20 =	vadd.s32 v44, v53  }
0x419: {  	[tilespmem:v15+s20+$0x0] =	vst.idx.msk $0xffff, v23;
	v0 =	vld [tilespmem:s30+$0xFFFFFF60];
	v23 =	vadd.s32 v48, v3  }
0x41a: {  	v35 =	vld [tilespmem:s30+$0xFFFFFFA0];
	v39 =	vadd.s32 v34, v4;
	[tilespmem:v62+s20+$0x0] =	vst.idx.msk $0xffff, v61  }
0x41b: {  	[tilespmem:v47+s20+$0x0] =	vst.idx.msk $0xffff, v43;
	v43 =	vld [tilespmem:s30+$0xFFFFFFE0]  }
0x41c: {  	v47 =	vadd.s32 v21, v54;
	v16 =	vld [tilespmem:$0x1FE70]  }
0x41d: {  	[tilespmem:v20+s20+$0x0] =	vst.idx.msk $0xffff, v63;
	v63 =	vld [tilespmem:s30+$0x60];
	v20 =	vadd.s32 v32, v56  }
0x41e: {  	[tilespmem:v23+s20+$0x0] =	vst.idx.msk $0xffff, v0;
	v23 =	vld [tilespmem:s30+$0xA0];
	v32 =	vadd.s32 v36, v1  }
0x41f: {  	[tilespmem:v39+s20+$0x0] =	vst.idx.msk $0xffff, v35;
	v35 =	vld [tilespmem:s30+$0xE0];
	v36 =	vadd.s32 v40, v2  }
0x420: {  	v39 =	vld [tilespmem:s30+$0x120];
	v40 =	vadd.s32 v44, v57  }
0x421: {  	[tilespmem:v47+s20+$0x0] =	vst.idx.msk $0xffff, v43;
	v43 =	vld [tilespmem:s30+$0x160];
	v44 =	vadd.s32 v48, v58  }
0x422: {  	v47 =	vld [tilespmem:s30+$0x1A0];
	v48 =	vadd.s32 v34, v59;
	[tilespmem:v20+s20+$0x0] =	vst.idx.msk $0xffff, v63  }
0x423: {  	v61 =	vld [tilespmem:s30+$0x20];
	v62 =	vadd.s32 v16, v55;
	[tilespmem:v32+s20+$0x0] =	vst.idx.msk $0xffff, v23  }
0x424: {  	v14 =	vld [tilespmem:s30+$0xFFFFFE20];
	v15 =	vadd.s32 v16, v50;
	[tilespmem:v36+s20+$0x0] =	vst.idx.msk $0xffff, v35  }
0x425: {  	v63 =	vld [tilespmem:s30+$0xFFFFFEB0];
	v20 =	vadd.s32 v37, v51;
	[tilespmem:v40+s20+$0x0] =	vst.idx.msk $0xffff, v39  }
0x426: {  	v23 =	vld [tilespmem:s30+$0xFFFFFEF0];
	v32 =	vadd.s32 v41, v52;
	[tilespmem:v44+s20+$0x0] =	vst.idx.msk $0xffff, v43  }
0x427: {  	v35 =	vld [tilespmem:s30+$0xFFFFFF30];
	v36 =	vadd.s32 v45, v53;
	[tilespmem:v48+s20+$0x0] =	vst.idx.msk $0xffff, v47  }
0x428: {  	v3 =	vadd.s32 v42, v3;
	v39 =	vld [tilespmem:s30+$0xFFFFFF70];
	[tilespmem:v62+s20+$0x0] =	vst.idx.msk $0xffff, v61  }
0x429: {  	v4 =	vadd.s32 v26, v4;
	v40 =	vld [tilespmem:s30+$0xFFFFFFB0];
	[tilespmem:v15+s20+$0x0] =	vst.idx.msk $0xffff, v14  }
0x42a: {  	v43 =	vld [tilespmem:s30+$0xFFFFFFF0];
	v44 =	vadd.s32 v46, v54;
	[tilespmem:v20+s20+$0x0] =	vst.idx.msk $0xffff, v63  }
0x42b: {  	v61 =	vld [tilespmem:s30+$0xFFFFFE70];
	v62 =	vadd.s32 v33, v49;
	[tilespmem:v32+s20+$0x0] =	vst.idx.msk $0xffff, v23  }
0x42c: {  	v51 =	vadd.s32 v33, v56;
	v49 =	vld [tilespmem:s30+$0x70];
	[tilespmem:v36+s20+$0x0] =	vst.idx.msk $0xffff, v35  }
0x42d: {  	v1 =	vadd.s32 v37, v1;
	v52 =	vld [tilespmem:s30+$0xB0];
	[tilespmem:v3+s20+$0x0] =	vst.idx.msk $0xffff, v39  }
0x42e: {  	v2 =	vadd.s32 v41, v2;
	v53 =	vld [tilespmem:s30+$0xF0];
	[tilespmem:v4+s20+$0x0] =	vst.idx.msk $0xffff, v40  }
0x42f: {  	v48 =	vadd.s32 v29, v55;
	v55 =	vadd.s32 v45, v57;
	v54 =	vld [tilespmem:s30+$0x130];
	[tilespmem:v44+s20+$0x0] =	vst.idx.msk $0xffff, v43  }
0x430: {  	v57 =	vadd.s32 v42, v58;
	v56 =	vld [tilespmem:s30+$0x170];
	[tilespmem:v62+s20+$0x0] =	vst.idx.msk $0xffff, v61  }
0x431: {  	v47 =	vld [tilespmem:s30+$0x30];
	[tilespmem:v51+s20+$0x0] =	vst.idx.msk $0xffff, v49  }
0x432: {  	v58 =	vld [tilespmem:s30+$0x1B0];
	v61 =	vadd.s32 v26, v59;
	[tilespmem:v1+s20+$0x0] =	vst.idx.msk $0xffff, v52  }
0x433: {  	v63 =	vadd.s32 v29, v50;
	v62 =	vld [tilespmem:s30+$0xFFFFFE30];
	[tilespmem:v2+s20+$0x0] =	vst.idx.msk $0xffff, v53  }
0x434: {  	[tilespmem:v55+s20+$0x0] =	vst.idx.msk $0xffff, v54  }
0x435: {  	s5 =	sshll.u32 s5, $0x12;
	[tilespmem:v57+s20+$0x0] =	vst.idx.msk $0xffff, v56  }
0x436: {  	s5 =	sor.u32 s6, s5;
	[tilespmem:v48+s20+$0x0] =	vst.idx.msk $0xffff, v47  }
0x437: {  	s5 =	sshrl.u32 s5, $0x3;
	[tilespmem:v61+s20+$0x0] =	vst.idx.msk $0xffff, v58  }
0x438: {  	s8 =	simm.s32 $0x9B00;
	s10 =	sadd.s32 s2, s5;
	[tilespmem:v63+s20+$0x0] =	vst.idx.msk $0xffff, v62  }
0x439: {  	[hbm4b:s10+s3] =	stream.linear.scatter [tilespmem:s8], [sflag:$0x5], $0x80, $0x38;
	[tilespmem:$0xDF00] =	vst v63  }
0x43a: {  	s9 =	simm.s32 $0x9B88;
	s11 =	sadd.s32 $0x10, s10  }
0x43b: {  	[hbm4b:s11+s3] =	stream.linear.scatter [tilespmem:s9], [sflag:$0x5], $0x80, $0x38;
	[tilespmem:$0xDF00] =	vst v63  }
0x43c: {  	s17 =	simm.s32 $0x9C10;
	s5 =	simm.s32 $0x440;
	s30 =	sadd.s32 $0x20, s10  }
0x43d: {  	[hbm4b:s30+s3] =	stream.linear.scatter [tilespmem:s17], [sflag:$0x5], $0x80, $0x38;
	[tilespmem:$0xDF00] =	vst v63  }
0x43e: {  	s8 =	simm.s32 $0x9EB8;
	s9 =	simm.s32 $0x9C98;
	s11 =	sadd.s32 $0x30, s10  }
0x43f: {  	[hbm4b:s11+s3] =	stream.linear.scatter [tilespmem:s9], [sflag:$0x5], $0x80, $0x38;
	[tilespmem:$0xDF00] =	vst v63  }
0x440: {  	s17 =	simm.s32 $0x9D20;
	s30 =	sadd.s32 $0x40, s10;
	s9 =	simm.s32 $0x9DA8  }
0x441: {  	[hbm4b:s30+s3] =	stream.linear.scatter [tilespmem:s17], [sflag:$0x5], $0x80, $0x38;
	[tilespmem:$0xDF00] =	vst v63  }
0x442: {  	s11 =	sadd.s32 $0x50, s10;
	s17 =	simm.s32 $0x9E30;
	s30 =	sadd.s32 $0x60, s10  }
0x443: {  	[hbm4b:s11+s3] =	stream.linear.scatter [tilespmem:s9], [sflag:$0x5], $0x80, $0x38;
	[tilespmem:$0xDF00] =	vst v63  }
0x444: {  	v37 =	vmov v22;
	v41 =	vmov v21;
	v33 =	vmov v28;
	s11 =	simm.s32 $0x2200;
	s9 =	sadd.s32 $0x70, s10;
	s10 =	sadd.s32 $0x1000, s10  }
0x445: {  	v29 =	vmovc v16;
	v35 =	vmovc v60;
	v39 =	vmov v38;
	v43 =	vmov v34;
	v26 =	vmov v46;
	[hbm4b:s30+s3] =	stream.linear.scatter [tilespmem:s17], [sflag:$0x5], $0x80, $0x38;
	[tilespmem:$0xDF00] =	vst v63  }
.LBB2_13:
0x446: {  	[hbm4b:s9+s3] =	stream.linear.scatter [tilespmem:s8], [sflag:$0x5], $0x80, $0x38;
	[tilespmem:$0xDF00] =	vst v63  }
0x447: {  	s8 =	smov.u32 s5;
	s5 =	smov.u32 s11  }
0x448: {  	s17 =	sadd.s32 $0x1100, s11;
	s5 =	sshra.s32 s5, $0x2;
	s9 =	sadd.s32 $0x9B00, s8  }
0x449: {  	[hbm4b:s10+s3] =	stream.linear.scatter [tilespmem:s9], [sflag:$0x5], $0x80, $0x38;
	[tilespmem:$0xDF00] =	vst v63  }
0x44a: {  	p0 =	sne.s32 s11, $0x7700;
	s11 =	sadd.s32 $0x10, s10;
	s9 =	sadd.s32 $0x9B88, s8  }
0x44b: {  	[hbm4b:s11+s3] =	stream.linear.scatter [tilespmem:s9], [sflag:$0x5], $0x80, $0x38;
	[tilespmem:$0xDF00] =	vst v63  }
0x44c: {  	s9 =	sadd.s32 $0x9C10, s8;
	s11 =	sadd.s32 $0x20, s10  }
0x44d: {  	[hbm4b:s11+s3] =	stream.linear.scatter [tilespmem:s9], [sflag:$0x5], $0x80, $0x38;
	[tilespmem:$0xDF00] =	vst v63  }
0x44e: {  	s9 =	sadd.s32 $0x9C98, s8;
	s11 =	sadd.s32 $0x30, s10  }
0x44f: {  	[hbm4b:s11+s3] =	stream.linear.scatter [tilespmem:s9], [sflag:$0x5], $0x80, $0x38;
	[tilespmem:$0xDF00] =	vst v63  }
0x450: {  	s9 =	sadd.s32 $0x9D20, s8;
	s11 =	sadd.s32 $0x40, s10  }
0x451: {  	[hbm4b:s11+s3] =	stream.linear.scatter [tilespmem:s9], [sflag:$0x5], $0x80, $0x38;
	[tilespmem:$0xDF00] =	vst v63  }
.Ltmp5:
0x452: {  	s9 =	sadd.s32 $0x9DA8, s8;
	s11 =	sadd.s32 $0x50, s10;
	(pc) =	sbr.rel @p0 .LBB2_13-.Ltmp5, $4  }
0x453: {  	[hbm4b:s11+s3] =	stream.linear.scatter [tilespmem:s9], [sflag:$0x5], $0x80, $0x38;
	[tilespmem:$0xDF00] =	vst v63  }
0x454: {  	s9 =	sadd.s32 $0x9E30, s8;
	s11 =	sadd.s32 $0x60, s10;
	s8 =	sadd.s32 $0x9EB8, s8  }
0x455: {  	[hbm4b:s11+s3] =	stream.linear.scatter [tilespmem:s9], [sflag:$0x5], $0x80, $0x38;
	[tilespmem:$0xDF00] =	vst v63  }
0x456: {  	s9 =	sadd.s32 $0x70, s10;
	s10 =	sadd.s32 $0x1000, s10;
	s11 =	smov.u32 s17  }
0x457: {  	[hbm4b:s9+s3] =	stream.linear.scatter [tilespmem:s8], [sflag:$0x5], $0x80, $0x38;
	[tilespmem:$0xDF00] =	vst v63  }
0x458: {  	s11 =	sadd.s32 $0x9B00, s5  }
0x459: {  	[hbm4b:s10+s3] =	stream.linear.scatter [tilespmem:s11], [sflag:$0x5], $0x80, $0x38;
	[tilespmem:$0xDF00] =	vst v63  }
0x45a: {  	s17 =	sadd.s32 $0x9B88, s5;
	s30 =	sadd.s32 $0x10, s10  }
0x45b: {  	[hbm4b:s30+s3] =	stream.linear.scatter [tilespmem:s17], [sflag:$0x5], $0x80, $0x38;
	[tilespmem:$0xDF00] =	vst v63  }
0x45c: {  	s9 =	sadd.s32 $0x9C10, s5;
	s11 =	sadd.s32 $0x20, s10  }
0x45d: {  	[hbm4b:s11+s3] =	stream.linear.scatter [tilespmem:s9], [sflag:$0x5], $0x80, $0x38;
	[tilespmem:$0xDF00] =	vst v63  }
0x45e: {  	v2 =	vld [tilespmem:$0x1FDE0];
	s17 =	sadd.s32 $0x9C98, s5;
	s30 =	sadd.s32 $0x30, s10  }
0x45f: {  	[hbm4b:s30+s3] =	stream.linear.scatter [tilespmem:s17], [sflag:$0x5], $0x80, $0x38;
	[tilespmem:$0xDF00] =	vst v63  }
0x460: {  	s9 =	sadd.s32 $0x9D20, s5;
	s11 =	sadd.s32 $0x40, s10  }
0x461: {  	[hbm4b:s11+s3] =	stream.linear.scatter [tilespmem:s9], [sflag:$0x5], $0x80, $0x38;
	[tilespmem:$0xDF00] =	vst v63  }
0x462: {  	s17 =	sadd.s32 $0x9DA8, s5;
	s30 =	sadd.s32 $0x50, s10;
	s11 =	sadd.s32 $0x5, s1  }
0x463: {  	v0 =	vadd.s32 s11, v2;
	[hbm4b:s30+s3] =	stream.linear.scatter [tilespmem:s17], [sflag:$0x5], $0x80, $0x38;
	[tilespmem:$0xDF00] =	vst v63  }
0x464: {  	s17 =	sadd.s32 $0x9E30, s5;
	s30 =	sadd.s32 $0x60, s10  }
0x465: {  	[hbm4b:s30+s3] =	stream.linear.scatter [tilespmem:s17], [sflag:$0x5], $0x80, $0x38;
	[tilespmem:$0xDF00] =	vst v63  }
0x466: {  	s9 =	sadd.s32 $0x9EB8, s5;
	s11 =	sadd.s32 $0x70, s10;
	s5 =	simm.s32 $0x0  }
0x467: {  	[hbm4b:s11+s3] =	stream.linear.scatter [tilespmem:s9], [sflag:$0x5], $0x80, $0x38;
	[tilespmem:$0xDF00] =	vst v63  }
0x468: {  	s17 =	sadd.s32 $0x325, s1;
	v0 =	vld.idx.msk [tilespmem:v0+s5+$0x0], $0xffff  }
0x469: {  	v1 =	vadd.s32 s17, v2;
	_ =	sdelay $0x3  }
0x46a: {  	[tilespmem:$0x1980] =	vst v0  }
0x46b: {  	s30 =	sadd.s32 $0x645, s1;
	v0 =	vld.idx.msk [tilespmem:v1+s5+$0x0], $0xffff  }
0x46c: {  	v1 =	vadd.s32 s30, v2;
	_ =	sdelay $0x3  }
0x46d: {  	[tilespmem:$0x1990] =	vst v0  }
0x46e: {  	s9 =	sadd.s32 $0x965, s1;
	v0 =	vld.idx.msk [tilespmem:v1+s5+$0x0], $0xffff  }
0x46f: {  	v1 =	vadd.s32 s9, v2;
	_ =	sdelay $0x3  }
0x470: {  	[tilespmem:$0x19A0] =	vst v0  }
0x471: {  	s10 =	sadd.s32 $0xC85, s1;
	v0 =	vld.idx.msk [tilespmem:v1+s5+$0x0], $0xffff  }
0x472: {  	v1 =	vadd.s32 s10, v2;
	_ =	sdelay $0x3  }
0x473: {  	[tilespmem:$0x19B0] =	vst v0  }
0x474: {  	s11 =	sadd.s32 $0xFA5, s1;
	v0 =	vld.idx.msk [tilespmem:v1+s5+$0x0], $0xffff  }
0x475: {  	v1 =	vadd.s32 s11, v2;
	_ =	sdelay $0x3  }
0x476: {  	[tilespmem:$0x19C0] =	vst v0  }
0x477: {  	s17 =	sadd.s32 $0x12C5, s1;
	v0 =	vld.idx.msk [tilespmem:v1+s5+$0x0], $0xffff  }
0x478: {  	v1 =	vadd.s32 s17, v2;
	_ =	sdelay $0x3  }
0x479: {  	[tilespmem:$0x19D0] =	vst v0  }
0x47a: {  	s30 =	sadd.s32 $0x15E5, s1;
	v0 =	vld.idx.msk [tilespmem:v1+s5+$0x0], $0xffff  }
0x47b: {  	v1 =	vadd.s32 s30, v2;
	_ =	sdelay $0x3  }
0x47c: {  	[tilespmem:$0x19E0] =	vst v0  }
0x47d: {  	v0 =	vld.idx.msk [tilespmem:v1+s5+$0x0], $0xffff;
	_ =	sdelay $0x2  }
0x47e: {  	s9 =	simm.s32 $0x3  }
0x47f: {  	v3 =	vmov s9;
	s9 =	simm.s32 $0x9  }
0x480: {  	v9 =	vmov s9;
	s9 =	simm.s32 $0xF;
	[tilespmem:$0x19F0] =	vst v0  }
0x481: {  	[tilespmem:s16], [sflag:$0x2] =	stream.indirect.gather [hbm4b:s4+s12], $0x40, s15, s12, $0xb8;
	[tilespmem:$0xDF00] =	vst v63  }
0x482: {  	v15 =	vmov s9;
	_ =	swait.ge [sflag:s28], $0x2000  }
0x483: {  	v15 =	vshrl.u32 v15, $0x3;
	[sflag:s28] =	ssyncset.done $0x0  }
0x484: {  	v15 =	vshll.u32 v15, v17;
	s10 =	simm.s32 $0x4;
	[sflag:s28] =	ssyncadd.s32 $0xFFFFE000  }
0x485: {  	v15 =	vbroadcast v15, $0x0;
	v4 =	vmov s10;
	s10 =	simm.s32 $0xA;
	v0 =	vmov s5;
	s5 =	simm.s32 $0x1;
	_ =	swait.ge [sflag:s29], $0x2000  }
0x486: {  	s8 =	simm.s32 $0x2;
	v10 =	vmov s10;
	v0 =	vshrl.u32 v0, $0x3;
	v1 =	vmov s5;
	v30 =	vld [tilespmem:$0x1FE90]  }
0x487: {  	v2 =	vmov s8;
	v0 =	vshll.u32 v0, v17;
	v1 =	vshrl.u32 v1, $0x3;
	[sflag:s29] =	ssyncset.done $0x0  }
0x488: {  	s1 =	simm.s32 $0x7D00;
	v2 =	vshrl.u32 v2, $0x3;
	v49 =	vbroadcast v0, $0x0;
	v0 =	vshll.u32 v1, v17;
	v34 =	vld [tilespmem:$0x1FEB0];
	[sflag:s29] =	ssyncadd.s32 $0xFFFFE000  }
0x489: {  	v16 =	vadd.s32 v33, v15;
	v61 =	vbroadcast v0, $0x0;
	v0 =	vshll.u32 v2, v17;
	v2 =	vld [tilespmem:s1+$0x1C0]  }
0x48a: {  	v3 =	vshrl.u32 v3, $0x3;
	v10 =	vshrl.u32 v10, $0x3;
	v19 =	vadd.s32 v25, v49;
	v18 =	vld [tilespmem:s1+$0xFFFFFE00]  }
0x48b: {  	s11 =	simm.s32 $0x5;
	v60 =	vbroadcast v0, $0x0;
	v0 =	vshll.u32 v3, v17;
	v3 =	vld [tilespmem:s1+$0xFFFFFE40];
	v20 =	vadd.s32 v30, v61  }
0x48c: {  	v9 =	vshrl.u32 v9, $0x3;
	v10 =	vshll.u32 v10, v17;
	v5 =	vmov s11  }
0x48d: {  	v4 =	vshrl.u32 v4, $0x3;
	v58 =	vbroadcast v10, $0x0;
	s11 =	simm.s32 $0xB;
	v5 =	vshrl.u32 v5, $0x3;
	s17 =	simm.s32 $0x6;
	v31 =	vld [tilespmem:$0x1FE20]  }
0x48e: {  	v11 =	vmov s11;
	v5 =	vshll.u32 v5, v17;
	v6 =	vmov s17;
	s17 =	simm.s32 $0xC;
	v28 =	vld [tilespmem:$0x1FF00];
	[tilespmem:v16+s24+$0x0] =	vst.idx.msk $0xffff, v2  }
0x48f: {  	v38 =	vbroadcast v5, $0x0;
	v12 =	vmov s17;
	v6 =	vshrl.u32 v6, $0x3;
	[tilespmem:v19+s24+$0x0] =	vst.idx.msk $0xffff, v18  }
0x490: {  	s30 =	simm.s32 $0x7;
	v59 =	vbroadcast v0, $0x0;
	v0 =	vshll.u32 v4, v17;
	v4 =	vld [tilespmem:s1+$0xFFFFFE80];
	v21 =	vadd.s32 v34, v60;
	[tilespmem:v20+s24+$0x0] =	vst.idx.msk $0xffff, v3  }
0x491: {  	v5 =	vshll.u32 v6, v17;
	s8 =	simm.s32 $0x8;
	v7 =	vmov s30;
	v1 =	vbroadcast v0, $0x0;
	v46 =	vld [tilespmem:$0x1FF40]  }
0x492: {  	v8 =	vmov s8;
	v0 =	vshrl.u32 v11, $0x3;
	v11 =	vld [tilespmem:s1+$0xFFFFFEC0];
	v22 =	vadd.s32 v31, v59  }
0x493: {  	v7 =	vshrl.u32 v7, $0x3;
	v23 =	vld [tilespmem:s1+$0xFFFFFF00];
	v24 =	vadd.s32 v28, v1;
	v2 =	vbroadcast v5, $0x0  }
0x494: {  	v8 =	vshrl.u32 v8, $0x3;
	v5 =	vshll.u32 v7, v17;
	v7 =	vadd.s32 v37, v15;
	v6 =	vld [tilespmem:s1+$0x1D0]  }
0x495: {  	v55 =	vbroadcast v5, $0x0;
	v5 =	vshll.u32 v8, v17;
	v8 =	vadd.s32 v35, v2;
	[tilespmem:v21+s24+$0x0] =	vst.idx.msk $0xffff, v4;
	v4 =	vld [tilespmem:s1+$0xFFFFFF80]  }
0x496: {  	s30 =	simm.s32 $0xD;
	v56 =	vbroadcast v5, $0x0;
	v5 =	vshll.u32 v9, v17;
	v3 =	vld [tilespmem:s1+$0xFFFFFF40];
	v16 =	vadd.s32 v46, v38  }
0x497: {  	v13 =	vmov s30;
	v9 =	vld [tilespmem:s1+$0xFFFFFFC0];
	v57 =	vbroadcast v5, $0x0;
	[tilespmem:v22+s24+$0x0] =	vst.idx.msk $0xffff, v11;
	v11 =	vadd.s32 v33, v55  }
0x498: {  	v12 =	vshrl.u32 v12, $0x3;
	s8 =	simm.s32 $0xE;
	v5 =	vshrl.u32 v13, $0x3;
	v13 =	vld [tilespmem:s1+$0x0];
	[tilespmem:v24+s24+$0x0] =	vst.idx.msk $0xffff, v23;
	v18 =	vadd.s32 v25, v56  }
0x499: {  	v14 =	vmov s8;
	v0 =	vshll.u32 v0, v17;
	v19 =	vld [tilespmem:s1+$0x40];
	v63 =	vadd.s32 v30, v57;
	[tilespmem:v7+s24+$0x0] =	vst.idx.msk $0xffff, v6  }
0x49a: {  	v50 =	vbroadcast v0, $0x0;
	v0 =	vshll.u32 v12, v17;
	v7 =	vadd.s32 v34, v58;
	[tilespmem:v8+s24+$0x0] =	vst.idx.msk $0xffff, v4;
	v4 =	vld [tilespmem:s1+$0x80]  }
0x49b: {  	v51 =	vbroadcast v0, $0x0;
	v0 =	vshll.u32 v5, v17;
	v6 =	vadd.s32 v41, v15;
	[tilespmem:v16+s24+$0x0] =	vst.idx.msk $0xffff, v3;
	v3 =	vld [tilespmem:s1+$0x1E0]  }
0x49c: {  	v14 =	vshrl.u32 v14, $0x3;
	v5 =	vld [tilespmem:s1+$0xC0];
	v52 =	vbroadcast v0, $0x0;
	[tilespmem:v11+s24+$0x0] =	vst.idx.msk $0xffff, v9;
	v8 =	vadd.s32 v31, v50  }
0x49d: {  	v10 =	vadd.s32 v28, v51;
	v0 =	vshll.u32 v14, v17;
	[tilespmem:v18+s24+$0x0] =	vst.idx.msk $0xffff, v13;
	v9 =	vld [tilespmem:s1+$0x100]  }
0x49e: {  	v53 =	vbroadcast v0, $0x0;
	v0 =	vld [tilespmem:s1+$0x140];
	v11 =	vadd.s32 v46, v52;
	[tilespmem:v63+s24+$0x0] =	vst.idx.msk $0xffff, v19  }
0x49f: {  	v12 =	vld [tilespmem:s1+$0x180];
	[tilespmem:v7+s24+$0x0] =	vst.idx.msk $0xffff, v4  }
0x4a0: {  	v13 =	vadd.s32 v35, v53;
	[tilespmem:v6+s24+$0x0] =	vst.idx.msk $0xffff, v3;
	v6 =	vld [tilespmem:s1+$0xFFFFFE50]  }
0x4a1: {  	v14 =	vld [tilespmem:$0x1FEA0];
	[tilespmem:v8+s24+$0x0] =	vst.idx.msk $0xffff, v5  }
0x4a2: {  	v4 =	vadd.s32 v26, v15;
	v15 =	vld [tilespmem:$0x1FEC0];
	[tilespmem:v10+s24+$0x0] =	vst.idx.msk $0xffff, v9  }
0x4a3: {  	v16 =	vld [tilespmem:$0x1FEF0];
	[tilespmem:v11+s24+$0x0] =	vst.idx.msk $0xffff, v0  }
0x4a4: {  	v18 =	vld [tilespmem:$0x1FF10]  }
0x4a5: {  	v3 =	vld [tilespmem:s1+$0x1F0];
	[tilespmem:v13+s24+$0x0] =	vst.idx.msk $0xffff, v12  }
0x4a6: {  	v19 =	vld [tilespmem:$0x1FF50];
	v7 =	vadd.s32 v14, v61  }
0x4a7: {  	v5 =	vld [tilespmem:s1+$0xFFFFFE90];
	v8 =	vadd.s32 v15, v60  }
0x4a8: {  	v9 =	vld [tilespmem:s1+$0xFFFFFED0];
	v10 =	vadd.s32 v16, v59  }
0x4a9: {  	v0 =	vld [tilespmem:s1+$0xFFFFFF10];
	v11 =	vadd.s32 v18, v1  }
0x4aa: {  	[tilespmem:v4+s24+$0x0] =	vst.idx.msk $0xffff, v3;
	v3 =	vld [tilespmem:s1+$0xFFFFFF90];
	v4 =	vadd.s32 v39, v2  }
0x4ab: {  	v12 =	vld [tilespmem:s1+$0xFFFFFF50];
	v13 =	vadd.s32 v19, v38;
	[tilespmem:v7+s24+$0x0] =	vst.idx.msk $0xffff, v6  }
0x4ac: {  	v6 =	vadd.s32 v37, v55;
	[tilespmem:v8+s24+$0x0] =	vst.idx.msk $0xffff, v5;
	v5 =	vld [tilespmem:s1+$0xFFFFFFD0]  }
0x4ad: {  	v7 =	vld [tilespmem:s1+$0x10];
	v8 =	vadd.s32 v27, v56;
	[tilespmem:v10+s24+$0x0] =	vst.idx.msk $0xffff, v9  }
0x4ae: {  	v9 =	vadd.s32 v14, v57;
	[tilespmem:v11+s24+$0x0] =	vst.idx.msk $0xffff, v0;
	v0 =	vld [tilespmem:s1+$0x50]  }
0x4af: {  	[tilespmem:v4+s24+$0x0] =	vst.idx.msk $0xffff, v3;
	v10 =	vld [tilespmem:s1+$0x90];
	v11 =	vadd.s32 v15, v58  }
0x4b0: {  	v3 =	vld [tilespmem:s1+$0xD0];
	v4 =	vadd.s32 v16, v50;
	[tilespmem:v13+s24+$0x0] =	vst.idx.msk $0xffff, v12  }
0x4b1: {  	[tilespmem:v6+s24+$0x0] =	vst.idx.msk $0xffff, v5;
	v5 =	vld [tilespmem:s1+$0x110];
	v6 =	vadd.s32 v18, v51  }
0x4b2: {  	[tilespmem:v8+s24+$0x0] =	vst.idx.msk $0xffff, v7;
	v7 =	vld [tilespmem:s1+$0x150];
	v8 =	vadd.s32 v19, v52  }
0x4b3: {  	[tilespmem:v9+s24+$0x0] =	vst.idx.msk $0xffff, v0;
	v0 =	vld [tilespmem:s1+$0x190];
	v9 =	vadd.s32 v39, v53  }
0x4b4: {  	v12 =	vld [tilespmem:s1+$0xFFFFFE10];
	v13 =	vadd.s32 v27, v49;
	[tilespmem:v11+s24+$0x0] =	vst.idx.msk $0xffff, v10  }
0x4b5: {  	v32 =	vld [tilespmem:$0x1FE00];
	[tilespmem:v4+s24+$0x0] =	vst.idx.msk $0xffff, v3  }
0x4b6: {  	v36 =	vld [tilespmem:$0x1FED0];
	[tilespmem:v6+s24+$0x0] =	vst.idx.msk $0xffff, v5  }
0x4b7: {  	v40 =	vld [tilespmem:$0x1FE30];
	[tilespmem:v8+s24+$0x0] =	vst.idx.msk $0xffff, v7  }
0x4b8: {  	v44 =	vld [tilespmem:$0x1FF20];
	[tilespmem:v9+s24+$0x0] =	vst.idx.msk $0xffff, v0  }
0x4b9: {  	[tilespmem:v13+s24+$0x0] =	vst.idx.msk $0xffff, v12  }
0x4ba: {  	v48 =	vld [tilespmem:$0x1FF60]  }
0x4bb: {  	v10 =	vld [tilespmem:s1+$0xFFFFFE60];
	v11 =	vadd.s32 v32, v61  }
0x4bc: {  	v3 =	vld [tilespmem:s1+$0xFFFFFEA0];
	v4 =	vadd.s32 v36, v60  }
0x4bd: {  	v5 =	vld [tilespmem:s1+$0xFFFFFEE0];
	v6 =	vadd.s32 v40, v59  }
0x4be: {  	v7 =	vld [tilespmem:s1+$0xFFFFFF20];
	v8 =	vadd.s32 v44, v1  }
0x4bf: {  	v0 =	vld [tilespmem:s1+$0xFFFFFF60];
	v9 =	vadd.s32 v48, v38  }
0x4c0: {  	[tilespmem:v11+s24+$0x0] =	vst.idx.msk $0xffff, v10;
	v10 =	vld [tilespmem:s1+$0xFFFFFFA0];
	v11 =	vadd.s32 v43, v2  }
0x4c1: {  	[tilespmem:v4+s24+$0x0] =	vst.idx.msk $0xffff, v3;
	v3 =	vld [tilespmem:s1+$0xFFFFFFE0];
	v4 =	vadd.s32 v41, v55  }
0x4c2: {  	[tilespmem:v6+s24+$0x0] =	vst.idx.msk $0xffff, v5;
	v5 =	vld [tilespmem:s1+$0x20];
	v6 =	vadd.s32 v29, v56  }
0x4c3: {  	[tilespmem:v8+s24+$0x0] =	vst.idx.msk $0xffff, v7;
	v7 =	vld [tilespmem:s1+$0x60];
	v8 =	vadd.s32 v32, v57  }
0x4c4: {  	[tilespmem:v9+s24+$0x0] =	vst.idx.msk $0xffff, v0;
	v0 =	vld [tilespmem:s1+$0xA0];
	v9 =	vadd.s32 v36, v58  }
0x4c5: {  	[tilespmem:v11+s24+$0x0] =	vst.idx.msk $0xffff, v10;
	v10 =	vld [tilespmem:s1+$0xE0];
	v11 =	vadd.s32 v40, v50  }
0x4c6: {  	[tilespmem:v4+s24+$0x0] =	vst.idx.msk $0xffff, v3;
	v3 =	vld [tilespmem:s1+$0x120];
	v4 =	vadd.s32 v44, v51  }
0x4c7: {  	v15 =	vld [tilespmem:s1+$0xFFFFFE20];
	[tilespmem:v6+s24+$0x0] =	vst.idx.msk $0xffff, v5  }
0x4c8: {  	v6 =	vld [tilespmem:s1+$0x160];
	[tilespmem:v8+s24+$0x0] =	vst.idx.msk $0xffff, v7  }
0x4c9: {  	v7 =	vld [tilespmem:s1+$0x1A0];
	[tilespmem:v9+s24+$0x0] =	vst.idx.msk $0xffff, v0  }
0x4ca: {  	v12 =	vadd.s32 v48, v52;
	v16 =	vld [tilespmem:$0x1FE10];
	[tilespmem:v11+s24+$0x0] =	vst.idx.msk $0xffff, v10  }
0x4cb: {  	v8 =	vadd.s32 v43, v53;
	v42 =	vld [tilespmem:$0x1FEE0];
	[tilespmem:v4+s24+$0x0] =	vst.idx.msk $0xffff, v3  }
0x4cc: {  	v14 =	vadd.s32 v29, v49;
	v3 =	vld [tilespmem:$0x1FE40];
	_ =	sdelay $0x1  }
0x4cd: {  	v0 =	vld [tilespmem:s1+$0xFFFFFE70]  }
0x4ce: {  	v11 =	vld [tilespmem:s1+$0xFFFFFEB0];
	[tilespmem:v12+s24+$0x0] =	vst.idx.msk $0xffff, v6;
	v9 =	vadd.s32 v16, v61  }
0x4cf: {  	v45 =	vld [tilespmem:$0x1FF30];
	[tilespmem:v8+s24+$0x0] =	vst.idx.msk $0xffff, v7;
	v22 =	vadd.s32 v42, v60  }
0x4d0: {  	s9 =	simm.s32 $0x15;
	v24 =	vld [tilespmem:s1+$0xFFFFFEF0];
	[tilespmem:v14+s24+$0x0] =	vst.idx.msk $0xffff, v15;
	v25 =	vadd.s32 v3, v59  }
0x4d1: {  	s11 =	simm.s32 $0x11;
	s8 =	simm.s32 $0x14;
	v21 =	vmov s9;
	s9 =	simm.s32 $0x1A;
	v31 =	vld [tilespmem:$0x1FF70]  }
0x4d2: {  	s10 =	simm.s32 $0x10;
	v54 =	vmov s11;
	s17 =	simm.s32 $0x12;
	v20 =	vmov s8;
	v62 =	vmov s9  }
0x4d3: {  	s11 =	simm.s32 $0x17;
	s30 =	simm.s32 $0x13;
	v18 =	vmov s17;
	v63 =	vld [tilespmem:s1+$0xFFFFFF70];
	v5 =	vmov s10;
	[tilespmem:v9+s24+$0x0] =	vst.idx.msk $0xffff, v0  }
0x4d4: {  	v19 =	vmov s30;
	s10 =	simm.s32 $0x16;
	v13 =	vshrl.u32 v5, $0x3;
	v5 =	vmov s11;
	s11 =	simm.s32 $0x1C;
	v47 =	vld [tilespmem:$0x1FE50];
	[tilespmem:v22+s24+$0x0] =	vst.idx.msk $0xffff, v11  }
0x4d5: {  	s17 =	simm.s32 $0x18;
	v23 =	vmov s10;
	v4 =	vmov s11;
	v59 =	vld [tilespmem:s1+$0xFFFFFF30];
	v60 =	vadd.s32 v45, v1;
	[tilespmem:v25+s24+$0x0] =	vst.idx.msk $0xffff, v24  }
0x4d6: {  	v28 =	vmovc v29;
	v6 =	vmov s17;
	v7 =	vshll.u32 v13, v17;
	v14 =	vadd.s32 v31, v38;
	v29 =	vld [tilespmem:$0x1FE80]  }
0x4d7: {  	s30 =	simm.s32 $0x19;
	v10 =	vld [tilespmem:s1+$0xFFFFFFB0];
	v13 =	vadd.s32 v26, v55;
	v8 =	vshrl.u32 v18, $0x3;
	v55 =	vshrl.u32 v23, $0x3  }
0x4d8: {  	s10 =	simm.s32 $0x1B;
	s17 =	simm.s32 $0x1D;
	v12 =	vld [tilespmem:s1+$0x30];
	v61 =	vmov s30;
	v16 =	vadd.s32 v16, v57;
	v57 =	vshrl.u32 v21, $0x3  }
0x4d9: {  	v58 =	vadd.s32 v42, v58;
	v3 =	vmov s10;
	v1 =	vmov s17;
	v11 =	vld [tilespmem:s1+$0xFFFFFFF0]  }
0x4da: {  	s30 =	simm.s32 $0x1E;
	v9 =	vshrl.u32 v54, $0x3;
	v54 =	vshrl.u32 v20, $0x3;
	[tilespmem:v60+s24+$0x0] =	vst.idx.msk $0xffff, v59;
	v59 =	vld [tilespmem:s1+$0x70];
	v0 =	vadd.s32 v47, v2  }
0x4db: {  	s5 =	simm.s32 $0x20;
	s8 =	simm.s32 $0x1F;
	v60 =	vld [tilespmem:s1+$0xB0];
	[tilespmem:v14+s24+$0x0] =	vst.idx.msk $0xffff, v63;
	v2 =	vmov s30;
	v15 =	vadd.s32 v29, v56;
	v56 =	vshrl.u32 v19, $0x3  }
.LBB2_15:
0x4dc: {  	v23 =	vld [tilespmem:$0x1FE40]  }
0x4dd: {  	v21 =	vld [tilespmem:s1+$0xFFFFFE30]  }
0x4de: {  	v24 =	vld [tilespmem:$0x1FFF0]  }
0x4df: {  	v14 =	vmov s8;
	v19 =	vshrl.u32 v62, $0x3;
	v38 =	vld [tilespmem:$0x1FE20]  }
0x4e0: {  	v22 =	vadd.s32 v29, v49;
	v49 =	vbroadcast v7, $0x0;
	v42 =	vshll.u32 v57, v17;
	v25 =	vld [tilespmem:$0x1FF00]  }
0x4e1: {  	v7 =	vshll.u32 v8, v17;
	v14 =	vshrl.u32 v14, $0x3;
	v57 =	vbroadcast v42, $0x0;
	v42 =	vld [tilespmem:$0x1FE10]  }
0x4e2: {  	v62 =	vbroadcast v7, $0x0;
	v7 =	vshll.u32 v56, v17;
	[tilespmem:v13+s24+$0x0] =	vst.idx.msk $0xffff, v11;
	v11 =	vld [tilespmem:s1+$0x130];
	v13 =	vadd.s32 v45, v51  }
0x4e3: {  	v14 =	vshll.u32 v14, v17;
	v56 =	vbroadcast v7, $0x0;
	[tilespmem:v15+s24+$0x0] =	vst.idx.msk $0xffff, v12;
	v12 =	vld [tilespmem:s1+$0x170];
	v15 =	vadd.s32 v31, v52  }
0x4e4: {  	v7 =	vshll.u32 v54, v17;
	v14 =	vbroadcast v14, $0x0;
	[tilespmem:v0+s24+$0x0] =	vst.idx.msk $0xffff, v10;
	v0 =	vld [tilespmem:s1+$0xF0];
	v10 =	vadd.s32 v23, v50  }
0x4e5: {  	v20 =	vadd.s32 v47, v53;
	v9 =	vshll.u32 v9, v17;
	v54 =	vbroadcast v7, $0x0;
	[tilespmem:v16+s24+$0x0] =	vst.idx.msk $0xffff, v59;
	v16 =	vld [tilespmem:s1+$0x1B0];
	s1 =	sadd.s32 $0x400, s1  }
0x4e6: {  	v18 =	vshrl.u32 v61, $0x3;
	v61 =	vbroadcast v9, $0x0;
	[tilespmem:v58+s24+$0x0] =	vst.idx.msk $0xffff, v60;
	v8 =	vld [tilespmem:s1+$0x1C0];
	v9 =	vadd.s32 v33, v14  }
0x4e7: {  	v50 =	vld [tilespmem:s1+$0xFFFFFF00];
	v51 =	vadd.s32 v25, v54;
	[tilespmem:v13+s24+$0x0] =	vst.idx.msk $0xffff, v11  }
0x4e8: {  	v7 =	vld [tilespmem:s1+$0xFFFFFEC0];
	[tilespmem:v15+s24+$0x0] =	vst.idx.msk $0xffff, v12  }
0x4e9: {  	[tilespmem:v10+s24+$0x0] =	vst.idx.msk $0xffff, v0;
	v0 =	vld [tilespmem:s1+$0xFFFFFE00];
	v10 =	vadd.s32 v24, v49  }
0x4ea: {  	v3 =	vshrl.u32 v3, $0x3;
	v11 =	vld [tilespmem:s1+$0xFFFFFE40];
	[tilespmem:v20+s24+$0x0] =	vst.idx.msk $0xffff, v16;
	v16 =	vadd.s32 v38, v56  }
0x4eb: {  	v4 =	vshrl.u32 v4, $0x3;
	v3 =	vshll.u32 v3, v17;
	v13 =	vadd.s32 v30, v61;
	v12 =	vld [tilespmem:s1+$0xFFFFFE80];
	[tilespmem:v9+s24+$0x0] =	vst.idx.msk $0xffff, v8  }
0x4ec: {  	v15 =	vadd.s32 v34, v62;
	v9 =	vld [tilespmem:s1+$0xFFFFFF40];
	[tilespmem:v51+s24+$0x0] =	vst.idx.msk $0xffff, v50;
	v50 =	vbroadcast v3, $0x0;
	v3 =	vshll.u32 v4, v17  }
0x4ed: {  	v5 =	vshrl.u32 v5, $0x3;
	v55 =	vshll.u32 v55, v17;
	[tilespmem:v22+s24+$0x0] =	vst.idx.msk $0xffff, v21;
	v51 =	vbroadcast v3, $0x0;
	v3 =	vld [tilespmem:s1+$0xC0]  }
0x4ee: {  	v55 =	vbroadcast v55, $0x0;
	v8 =	vadd.s32 v37, v14;
	[tilespmem:v10+s24+$0x0] =	vst.idx.msk $0xffff, v0;
	v0 =	vshll.u32 v5, v17;
	v5 =	vld [tilespmem:s1+$0x1D0]  }
0x4ef: {  	[tilespmem:v16+s24+$0x0] =	vst.idx.msk $0xffff, v7;
	v7 =	vld [tilespmem:s1+$0xFFFFFFC0];
	v10 =	vadd.s32 v46, v57  }
0x4f0: {  	v6 =	vshrl.u32 v6, $0x3;
	[tilespmem:v13+s24+$0x0] =	vst.idx.msk $0xffff, v11;
	v11 =	vadd.s32 v35, v55;
	v16 =	vld [tilespmem:s1+$0x40]  }
0x4f1: {  	[tilespmem:v15+s24+$0x0] =	vst.idx.msk $0xffff, v12;
	v15 =	vshll.u32 v19, v17;
	v58 =	vbroadcast v0, $0x0;
	v0 =	vshll.u32 v6, v17;
	v6 =	vld [tilespmem:s1+$0xFFFFFF80]  }
0x4f2: {  	v63 =	vbroadcast v15, $0x0;
	v15 =	vld [tilespmem:$0x1FF10];
	v59 =	vbroadcast v0, $0x0;
	v0 =	vshll.u32 v18, v17  }
0x4f3: {  	v12 =	vadd.s32 v33, v58;
	v60 =	vbroadcast v0, $0x0;
	v0 =	vshrl.u32 v1, $0x3;
	v1 =	vld [tilespmem:s1+$0x0];
	[tilespmem:v8+s24+$0x0] =	vst.idx.msk $0xffff, v5  }
0x4f4: {  	[tilespmem:v10+s24+$0x0] =	vst.idx.msk $0xffff, v9;
	v10 =	vld [tilespmem:s1+$0x180]  }
0x4f5: {  	v2 =	vshrl.u32 v2, $0x3;
	v13 =	vadd.s32 v24, v59;
	v0 =	vshll.u32 v0, v17;
	v4 =	vld [tilespmem:s1+$0x1E0]  }
0x4f6: {  	v52 =	vbroadcast v0, $0x0;
	v0 =	vshll.u32 v2, v17;
	[tilespmem:v11+s24+$0x0] =	vst.idx.msk $0xffff, v6;
	v6 =	vld [tilespmem:s1+$0x80]  }
0x4f7: {  	v18 =	vadd.s32 v30, v60;
	v53 =	vbroadcast v0, $0x0;
	v0 =	vld [tilespmem:s1+$0x140]  }
0x4f8: {  	v5 =	vadd.s32 v41, v14;
	[tilespmem:v12+s24+$0x0] =	vst.idx.msk $0xffff, v7;
	v12 =	vld [tilespmem:$0x1FEA0]  }
0x4f9: {  	v8 =	vadd.s32 v34, v63;
	v7 =	vadd.s32 v38, v50;
	v38 =	vld [tilespmem:$0x1FEE0]  }
0x4fa: {  	v9 =	vadd.s32 v46, v52;
	[tilespmem:v13+s24+$0x0] =	vst.idx.msk $0xffff, v1;
	v1 =	vld [tilespmem:s1+$0x100]  }
0x4fb: {  	v13 =	vld [tilespmem:$0x1FEC0]  }
0x4fc: {  	v11 =	vadd.s32 v35, v53;
	[tilespmem:v18+s24+$0x0] =	vst.idx.msk $0xffff, v16;
	v16 =	vld [tilespmem:$0x1FF50]  }
0x4fd: {  	v2 =	vadd.s32 v25, v51;
	[tilespmem:v5+s24+$0x0] =	vst.idx.msk $0xffff, v4;
	v5 =	vadd.s32 v26, v14;
	v14 =	vld [tilespmem:$0x1FEF0]  }
0x4fe: {  	[tilespmem:v8+s24+$0x0] =	vst.idx.msk $0xffff, v6;
	v4 =	vld [tilespmem:s1+$0x1F0]  }
0x4ff: {  	[tilespmem:v9+s24+$0x0] =	vst.idx.msk $0xffff, v0;
	v0 =	vld [tilespmem:s1+$0xFFFFFF10];
	v9 =	vadd.s32 v15, v54  }
0x500: {  	v6 =	vld [tilespmem:s1+$0xFFFFFE50];
	v8 =	vadd.s32 v12, v61;
	[tilespmem:v7+s24+$0x0] =	vst.idx.msk $0xffff, v3  }
0x501: {  	v3 =	vld [tilespmem:s1+$0xFFFFFE90];
	[tilespmem:v11+s24+$0x0] =	vst.idx.msk $0xffff, v10;
	v7 =	vadd.s32 v13, v62  }
0x502: {  	v10 =	vld [tilespmem:s1+$0xFFFFFF50];
	[tilespmem:v2+s24+$0x0] =	vst.idx.msk $0xffff, v1;
	v11 =	vadd.s32 v16, v57  }
0x503: {  	v1 =	vld [tilespmem:s1+$0xFFFFFED0];
	v2 =	vadd.s32 v14, v56;
	[tilespmem:v5+s24+$0x0] =	vst.idx.msk $0xffff, v4  }
0x504: {  	v4 =	vld [tilespmem:s1+$0xFFFFFF90];
	v5 =	vadd.s32 v39, v55;
	[tilespmem:v9+s24+$0x0] =	vst.idx.msk $0xffff, v0  }
0x505: {  	v9 =	vadd.s32 v13, v63;
	[tilespmem:v8+s24+$0x0] =	vst.idx.msk $0xffff, v6;
	v8 =	vld [tilespmem:s1+$0x90]  }
0x506: {  	v6 =	vadd.s32 v37, v58;
	[tilespmem:v7+s24+$0x0] =	vst.idx.msk $0xffff, v3;
	v3 =	vld [tilespmem:s1+$0xFFFFFFD0]  }
0x507: {  	v0 =	vld [tilespmem:s1+$0x50];
	v7 =	vadd.s32 v12, v60;
	[tilespmem:v11+s24+$0x0] =	vst.idx.msk $0xffff, v10  }
0x508: {  	v10 =	vld [tilespmem:s1+$0xFFFFFE10];
	v11 =	vadd.s32 v27, v49;
	[tilespmem:v2+s24+$0x0] =	vst.idx.msk $0xffff, v1  }
0x509: {  	v1 =	vld [tilespmem:s1+$0x10];
	v2 =	vadd.s32 v27, v59;
	[tilespmem:v5+s24+$0x0] =	vst.idx.msk $0xffff, v4  }
0x50a: {  	v4 =	vld [tilespmem:s1+$0xD0];
	v5 =	vadd.s32 v14, v50;
	[tilespmem:v9+s24+$0x0] =	vst.idx.msk $0xffff, v8  }
0x50b: {  	v8 =	vld [tilespmem:s1+$0xFFFFFE60];
	v9 =	vadd.s32 v32, v61;
	[tilespmem:v6+s24+$0x0] =	vst.idx.msk $0xffff, v3  }
0x50c: {  	v3 =	vld [tilespmem:s1+$0x110];
	v6 =	vadd.s32 v15, v51;
	[tilespmem:v7+s24+$0x0] =	vst.idx.msk $0xffff, v0  }
0x50d: {  	v0 =	vld [tilespmem:s1+$0x190];
	v7 =	vadd.s32 v39, v53;
	[tilespmem:v11+s24+$0x0] =	vst.idx.msk $0xffff, v10  }
0x50e: {  	v10 =	vmov s5;
	[tilespmem:v2+s24+$0x0] =	vst.idx.msk $0xffff, v1;
	v1 =	vld [tilespmem:s1+$0x150];
	v2 =	vadd.s32 v16, v52  }
0x50f: {  	v13 =	vadd.s32 v28, v49;
	v11 =	vshrl.u32 v10, $0x3;
	v10 =	vld [tilespmem:s1+$0xFFFFFE20];
	[tilespmem:v5+s24+$0x0] =	vst.idx.msk $0xffff, v4  }
0x510: {  	v4 =	vld [tilespmem:s1+$0xFFFFFEA0];
	v5 =	vadd.s32 v36, v62;
	[tilespmem:v9+s24+$0x0] =	vst.idx.msk $0xffff, v8  }
0x511: {  	v8 =	vld [tilespmem:s1+$0xFFFFFFA0];
	v9 =	vadd.s32 v43, v55;
	[tilespmem:v6+s24+$0x0] =	vst.idx.msk $0xffff, v3  }
0x512: {  	v3 =	vld [tilespmem:s1+$0xFFFFFEE0];
	v6 =	vadd.s32 v40, v56;
	[tilespmem:v7+s24+$0x0] =	vst.idx.msk $0xffff, v0  }
0x513: {  	v0 =	vld [tilespmem:s1+$0xFFFFFF60];
	v7 =	vadd.s32 v48, v57;
	[tilespmem:v2+s24+$0x0] =	vst.idx.msk $0xffff, v1  }
0x514: {  	v1 =	vld [tilespmem:s1+$0xFFFFFF20];
	v2 =	vadd.s32 v44, v54;
	[tilespmem:v13+s24+$0x0] =	vst.idx.msk $0xffff, v10  }
0x515: {  	[tilespmem:v5+s24+$0x0] =	vst.idx.msk $0xffff, v4;
	v4 =	vld [tilespmem:s1+$0xFFFFFFE0];
	v5 =	vadd.s32 v41, v58  }
0x516: {  	[tilespmem:v9+s24+$0x0] =	vst.idx.msk $0xffff, v8;
	v8 =	vld [tilespmem:s1+$0xE0];
	v9 =	vadd.s32 v40, v50  }
0x517: {  	[tilespmem:v6+s24+$0x0] =	vst.idx.msk $0xffff, v3;
	v3 =	vld [tilespmem:s1+$0x20];
	v6 =	vadd.s32 v28, v59  }
0x518: {  	[tilespmem:v7+s24+$0x0] =	vst.idx.msk $0xffff, v0;
	v0 =	vld [tilespmem:s1+$0xA0];
	v7 =	vadd.s32 v36, v63  }
0x519: {  	v56 =	vadd.s32 v23, v56;
	v15 =	vld [tilespmem:s1+$0xFFFFFEF0];
	[tilespmem:v2+s24+$0x0] =	vst.idx.msk $0xffff, v1  }
0x51a: {  	v25 =	vadd.s32 v31, v57;
	v24 =	vld [tilespmem:s1+$0xFFFFFF70];
	[tilespmem:v5+s24+$0x0] =	vst.idx.msk $0xffff, v4  }
0x51b: {  	s30 =	sadd.s32 $0x5, s5;
	v1 =	vld [tilespmem:s1+$0x60];
	v2 =	vadd.s32 v32, v60;
	[tilespmem:v9+s24+$0x0] =	vst.idx.msk $0xffff, v8  }
0x51c: {  	s10 =	sadd.s32 $0x1, s5;
	s17 =	sadd.s32 $0x4, s5;
	v19 =	vmov s30;
	v4 =	vld [tilespmem:s1+$0x120];
	v5 =	vadd.s32 v44, v51;
	[tilespmem:v6+s24+$0x0] =	vst.idx.msk $0xffff, v3  }
0x51d: {  	s11 =	sadd.s32 $0x2, s5;
	v18 =	vmov s17;
	v12 =	vmov s10;
	s10 =	sadd.s32 $0x6, s5;
	v23 =	vadd.s32 v45, v54;
	v22 =	vld [tilespmem:s1+$0xFFFFFF30];
	[tilespmem:v7+s24+$0x0] =	vst.idx.msk $0xffff, v0  }
0x51e: {  	s9 =	sadd.s32 $0x3, s5;
	v20 =	vmov s10;
	v14 =	vmov s11;
	v8 =	vld [tilespmem:s1+$0xFFFFFEB0];
	v9 =	vadd.s32 v38, v62;
	[tilespmem:v56+s24+$0x0] =	vst.idx.msk $0xffff, v15  }
0x51f: {  	v16 =	vmov s9;
	v57 =	vshrl.u32 v19, $0x3;
	v3 =	vld [tilespmem:s1+$0x160];
	v6 =	vadd.s32 v48, v52;
	[tilespmem:v25+s24+$0x0] =	vst.idx.msk $0xffff, v24  }
0x520: {  	s9 =	sadd.s32 $0xA, s5;
	v13 =	vadd.s32 v26, v58;
	v54 =	vshrl.u32 v18, $0x3;
	v0 =	vld [tilespmem:s1+$0xFFFFFE70];
	v7 =	vadd.s32 v42, v61;
	[tilespmem:v2+s24+$0x0] =	vst.idx.msk $0xffff, v1  }
0x521: {  	p0 =	slt.u32 s5, $0x70;
	s30 =	sadd.s32 $0x9, s5;
	s11 =	sadd.s32 $0x7, s5;
	v58 =	vadd.s32 v38, v63;
	v62 =	vmov s9;
	v1 =	vld [tilespmem:s1+$0x1A0];
	v2 =	vadd.s32 v43, v53;
	[tilespmem:v5+s24+$0x0] =	vst.idx.msk $0xffff, v4  }
.Ltmp6:
0x522: {  	v10 =	vld [tilespmem:s1+$0xFFFFFFB0];
	v61 =	vmov s30;
	v15 =	vadd.s32 v29, v59;
	v5 =	vmov s11;
	s11 =	sadd.s32 $0xC, s5;
	[tilespmem:v23+s24+$0x0] =	vst.idx.msk $0xffff, v22;
	(pc) =	sbr.rel @p0 .LBB2_15-.Ltmp6, $4  }
0x523: {  	s17 =	sadd.s32 $0x8, s5;
	v56 =	vshrl.u32 v16, $0x3;
	v16 =	vadd.s32 v42, v60;
	v60 =	vld [tilespmem:s1+$0xB0];
	v4 =	vmov s11;
	[tilespmem:v9+s24+$0x0] =	vst.idx.msk $0xffff, v8  }
0x524: {  	s10 =	sadd.s32 $0xB, s5;
	v59 =	vld [tilespmem:s1+$0x70];
	v9 =	vshrl.u32 v12, $0x3;
	v8 =	vshrl.u32 v14, $0x3;
	[tilespmem:v6+s24+$0x0] =	vst.idx.msk $0xffff, v3;
	v6 =	vmov s17  }
0x525: {  	s30 =	sadd.s32 $0xE, s5;
	v12 =	vld [tilespmem:s1+$0x30];
	v3 =	vmov s10;
	s17 =	sadd.s32 $0xD, s5;
	[tilespmem:v7+s24+$0x0] =	vst.idx.msk $0xffff, v0;
	v0 =	vadd.s32 v47, v55;
	v7 =	vshll.u32 v11, v17  }
0x526: {  	s8 =	sadd.s32 $0xF, s5;
	v11 =	vld [tilespmem:s1+$0xFFFFFFF0];
	v55 =	vshrl.u32 v20, $0x3;
	s5 =	sadd.s32 $0x10, s5;
	[tilespmem:v2+s24+$0x0] =	vst.idx.msk $0xffff, v1;
	v1 =	vmov s17;
	v2 =	vmov s30  }
0x527: {  	_ =	sdelay $0x3  }
0x528: {  	[tilespmem:v0+s24+$0x0] =	vst.idx.msk $0xffff, v10  }
0x529: {  	v38 =	vld [tilespmem:$0x1FE40];
	_ =	sdelay $0x2  }
0x52a: {  	v0 =	vld [tilespmem:s1+$0xF0]  }
0x52b: {  	v42 =	vld [tilespmem:s1+$0x130];
	s5 =	sadd.s32 $0x400, s1  }
0x52c: {  	v14 =	vmov s8;
	v18 =	vshrl.u32 v61, $0x3;
	v61 =	vld [tilespmem:s5+$0x1C0];
	v63 =	vadd.s32 v38, v50  }
0x52d: {  	v19 =	vshrl.u32 v62, $0x3;
	v14 =	vshrl.u32 v14, $0x3;
	v62 =	vld [tilespmem:s5+$0xFFFFFE00];
	[tilespmem:v13+s24+$0x0] =	vst.idx.msk $0xffff, v11;
	v13 =	vadd.s32 v45, v51  }
0x52e: {  	v14 =	vshll.u32 v14, v17;
	[tilespmem:v15+s24+$0x0] =	vst.idx.msk $0xffff, v12;
	v12 =	vld [tilespmem:s1+$0x170];
	v15 =	vadd.s32 v31, v52  }
0x52f: {  	v20 =	vadd.s32 v47, v53;
	v21 =	vadd.s32 v29, v49;
	[tilespmem:v16+s24+$0x0] =	vst.idx.msk $0xffff, v59;
	v16 =	vld [tilespmem:s1+$0x1B0];
	v14 =	vbroadcast v14, $0x0  }
0x530: {  	v6 =	vshrl.u32 v6, $0x3;
	v53 =	vshll.u32 v56, v17;
	[tilespmem:v58+s24+$0x0] =	vst.idx.msk $0xffff, v60;
	v59 =	vshll.u32 v9, v17;
	v9 =	vld [tilespmem:s1+$0xFFFFFE30]  }
0x531: {  	v60 =	vshll.u32 v8, v17;
	v56 =	vld [tilespmem:s5+$0xFFFFFE40];
	v49 =	vbroadcast v59, $0x0;
	v22 =	vadd.s32 v33, v14;
	[tilespmem:v63+s24+$0x0] =	vst.idx.msk $0xffff, v0  }
0x532: {  	v58 =	vshll.u32 v54, v17;
	v52 =	vbroadcast v53, $0x0;
	v51 =	vbroadcast v60, $0x0;
	v25 =	vld [tilespmem:$0x1FFF0];
	[tilespmem:v13+s24+$0x0] =	vst.idx.msk $0xffff, v42  }
0x533: {  	v53 =	vbroadcast v58, $0x0;
	v58 =	vshll.u32 v6, v17;
	v6 =	vld [tilespmem:s5+$0xFFFFFF80];
	v13 =	vadd.s32 v30, v49;
	[tilespmem:v15+s24+$0x0] =	vst.idx.msk $0xffff, v12  }
0x534: {  	v12 =	vld [tilespmem:s5+$0xFFFFFE80];
	v15 =	vadd.s32 v34, v51;
	[tilespmem:v20+s24+$0x0] =	vst.idx.msk $0xffff, v16  }
0x535: {  	v5 =	vshrl.u32 v5, $0x3;
	v60 =	vshll.u32 v55, v17;
	v50 =	vbroadcast v7, $0x0;
	v42 =	vld [tilespmem:$0x1FE20];
	[tilespmem:v21+s24+$0x0] =	vst.idx.msk $0xffff, v9  }
0x536: {  	v23 =	vshrl.u32 v4, $0x3;
	v4 =	vbroadcast v60, $0x0;
	v24 =	vld [tilespmem:$0x1FF00];
	[tilespmem:v22+s24+$0x0] =	vst.idx.msk $0xffff, v61;
	v61 =	vshll.u32 v5, v17  }
0x537: {  	v60 =	vshll.u32 v19, v17;
	v19 =	vld [tilespmem:s5+$0x40];
	v54 =	vbroadcast v61, $0x0;
	v63 =	vadd.s32 v25, v50  }
0x538: {  	v8 =	vadd.s32 v37, v14;
	v5 =	vld [tilespmem:s5+$0x1D0];
	[tilespmem:v13+s24+$0x0] =	vst.idx.msk $0xffff, v56  }
0x539: {  	v59 =	vshll.u32 v57, v17;
	[tilespmem:v15+s24+$0x0] =	vst.idx.msk $0xffff, v12;
	v13 =	vld [tilespmem:s5+$0xFFFFFFC0];
	v15 =	vadd.s32 v33, v54  }
0x53a: {  	v7 =	vshrl.u32 v3, $0x3;
	v3 =	vbroadcast v59, $0x0;
	v16 =	vld [tilespmem:s5+$0xFFFFFEC0];
	v20 =	vadd.s32 v42, v52  }
0x53b: {  	v59 =	vshll.u32 v18, v17;
	v9 =	vld [tilespmem:s5+$0xFFFFFF00];
	v21 =	vadd.s32 v24, v53  }
0x53c: {  	v18 =	vshrl.u32 v2, $0x3;
	v61 =	vshll.u32 v7, v17;
	[tilespmem:v63+s24+$0x0] =	vst.idx.msk $0xffff, v62;
	v62 =	vld [tilespmem:s5+$0xFFFFFF40];
	v63 =	vadd.s32 v46, v3  }
0x53d: {  	v0 =	vshrl.u32 v1, $0x3;
	v2 =	vbroadcast v61, $0x0;
	v61 =	vld [tilespmem:s5+$0x100];
	v56 =	vbroadcast v59, $0x0;
	[tilespmem:v8+s24+$0x0] =	vst.idx.msk $0xffff, v5  }
0x53e: {  	v1 =	vbroadcast v60, $0x0;
	v0 =	vshll.u32 v0, v17;
	v12 =	vadd.s32 v35, v4;
	v7 =	vld [tilespmem:s5+$0x1E0];
	[tilespmem:v15+s24+$0x0] =	vst.idx.msk $0xffff, v13  }
0x53f: {  	v55 =	vbroadcast v58, $0x0;
	v58 =	vbroadcast v0, $0x0;
	v15 =	vld [tilespmem:s5+$0x180];
	[tilespmem:v20+s24+$0x0] =	vst.idx.msk $0xffff, v16;
	v20 =	vadd.s32 v30, v56  }
0x540: {  	v22 =	vadd.s32 v34, v1;
	[tilespmem:v21+s24+$0x0] =	vst.idx.msk $0xffff, v9;
	v21 =	vld [tilespmem:s5+$0x80]  }
0x541: {  	v13 =	vadd.s32 v46, v58;
	v46 =	vld [tilespmem:s5+$0xFFFFFE90];
	[tilespmem:v63+s24+$0x0] =	vst.idx.msk $0xffff, v62;
	v63 =	vadd.s32 v41, v14  }
0x542: {  	v16 =	vadd.s32 v25, v55;
	v9 =	vld [tilespmem:s5+$0x0];
	v62 =	vshll.u32 v23, v17  }
0x543: {  	v34 =	vadd.s32 v42, v2;
	[tilespmem:v12+s24+$0x0] =	vst.idx.msk $0xffff, v6;
	v23 =	vld [tilespmem:s5+$0xC0];
	v57 =	vbroadcast v62, $0x0  }
0x544: {  	v60 =	vshll.u32 v18, v17;
	[tilespmem:v20+s24+$0x0] =	vst.idx.msk $0xffff, v19;
	v62 =	vld [tilespmem:s5+$0x140]  }
0x545: {  	v59 =	vbroadcast v60, $0x0;
	[tilespmem:v22+s24+$0x0] =	vst.idx.msk $0xffff, v21;
	v22 =	vld [tilespmem:s5+$0xFFFFFFD0];
	v12 =	vadd.s32 v24, v57  }
0x546: {  	[tilespmem:v63+s24+$0x0] =	vst.idx.msk $0xffff, v7;
	v63 =	vld [tilespmem:s5+$0xFFFFFE50]  }
0x547: {  	[tilespmem:v16+s24+$0x0] =	vst.idx.msk $0xffff, v9;
	v16 =	vadd.s32 v35, v59;
	v6 =	vld [tilespmem:s5+$0x1F0]  }
0x548: {  	v18 =	vld [tilespmem:$0x1FEA0];
	[tilespmem:v34+s24+$0x0] =	vst.idx.msk $0xffff, v23;
	v23 =	vadd.s32 v37, v54  }
0x549: {  	v34 =	vld [tilespmem:s5+$0x10];
	v37 =	vadd.s32 v27, v55  }
0x54a: {  	v30 =	vld [tilespmem:$0x1FEC0];
	[tilespmem:v12+s24+$0x0] =	vst.idx.msk $0xffff, v61  }
0x54b: {  	v20 =	vld [tilespmem:$0x1FEF0];
	[tilespmem:v13+s24+$0x0] =	vst.idx.msk $0xffff, v62  }
0x54c: {  	v7 =	vadd.s32 v26, v14;
	v35 =	vld [tilespmem:$0x1FF10];
	[tilespmem:v16+s24+$0x0] =	vst.idx.msk $0xffff, v15  }
0x54d: {  	v42 =	vadd.s32 v18, v49;
	v16 =	vld [tilespmem:$0x1FF50];
	[tilespmem:v23+s24+$0x0] =	vst.idx.msk $0xffff, v22  }
0x54e: {  	[tilespmem:v37+s24+$0x0] =	vst.idx.msk $0xffff, v34;
	v23 =	vld [tilespmem:s5+$0x190];
	v34 =	vadd.s32 v39, v59  }
0x54f: {  	v14 =	vld [tilespmem:s5+$0xFFFFFF50];
	v60 =	vadd.s32 v30, v51  }
0x550: {  	v61 =	vld [tilespmem:s5+$0xFFFFFED0];
	v12 =	vadd.s32 v20, v52  }
0x551: {  	v62 =	vld [tilespmem:s5+$0xFFFFFF10];
	[tilespmem:v7+s24+$0x0] =	vst.idx.msk $0xffff, v6;
	v13 =	vadd.s32 v35, v53  }
0x552: {  	v15 =	vadd.s32 v16, v3;
	[tilespmem:v42+s24+$0x0] =	vst.idx.msk $0xffff, v63;
	v63 =	vld [tilespmem:s5+$0xFFFFFF90]  }
0x553: {  	v21 =	vadd.s32 v39, v4;
	v42 =	vld [tilespmem:s5+$0x50];
	[tilespmem:v34+s24+$0x0] =	vst.idx.msk $0xffff, v23  }
0x554: {  	v23 =	vld [tilespmem:s5+$0x20];
	v34 =	vadd.s32 v28, v55;
	[tilespmem:v60+s24+$0x0] =	vst.idx.msk $0xffff, v46  }
0x555: {  	v46 =	vadd.s32 v18, v56;
	v60 =	vld [tilespmem:s5+$0xD0];
	[tilespmem:v12+s24+$0x0] =	vst.idx.msk $0xffff, v61  }
0x556: {  	v12 =	vld [tilespmem:s5+$0x90];
	[tilespmem:v13+s24+$0x0] =	vst.idx.msk $0xffff, v62;
	v13 =	vadd.s32 v30, v1  }
0x557: {  	v39 =	vadd.s32 v36, v51;
	v37 =	vld [tilespmem:s5+$0xFFFFFEA0];
	[tilespmem:v15+s24+$0x0] =	vst.idx.msk $0xffff, v14  }
0x558: {  	v61 =	vadd.s32 v20, v2;
	v62 =	vld [tilespmem:s5+$0x110];
	[tilespmem:v21+s24+$0x0] =	vst.idx.msk $0xffff, v63  }
0x559: {  	v63 =	vadd.s32 v35, v57;
	v21 =	vld [tilespmem:s5+$0x150];
	[tilespmem:v34+s24+$0x0] =	vst.idx.msk $0xffff, v23  }
0x55a: {  	v22 =	vadd.s32 v16, v58;
	v14 =	vld [tilespmem:s5+$0xFFFFFE10];
	[tilespmem:v46+s24+$0x0] =	vst.idx.msk $0xffff, v42  }
0x55b: {  	[tilespmem:v13+s24+$0x0] =	vst.idx.msk $0xffff, v12;
	v12 =	vld [tilespmem:s5+$0xFFFFFE60];
	v13 =	vadd.s32 v32, v49  }
0x55c: {  	v15 =	vadd.s32 v27, v50;
	v42 =	vld [tilespmem:s5+$0xFFFFFEE0];
	[tilespmem:v39+s24+$0x0] =	vst.idx.msk $0xffff, v37  }
0x55d: {  	v46 =	vadd.s32 v40, v52;
	v37 =	vld [tilespmem:s5+$0x60];
	[tilespmem:v61+s24+$0x0] =	vst.idx.msk $0xffff, v60  }
0x55e: {  	v39 =	vadd.s32 v32, v56;
	v60 =	vld [tilespmem:s5+$0xFFFFFF20];
	[tilespmem:v63+s24+$0x0] =	vst.idx.msk $0xffff, v62  }
0x55f: {  	v61 =	vadd.s32 v44, v53;
	[tilespmem:v22+s24+$0x0] =	vst.idx.msk $0xffff, v21;
	v62 =	vld [tilespmem:s5+$0xFFFFFF60]  }
0x560: {  	[tilespmem:v13+s24+$0x0] =	vst.idx.msk $0xffff, v12;
	v12 =	vld [tilespmem:s5+$0xFFFFFFA0];
	v13 =	vadd.s32 v43, v4  }
0x561: {  	[tilespmem:v15+s24+$0x0] =	vst.idx.msk $0xffff, v14;
	v63 =	vadd.s32 v48, v3;
	v21 =	vld [tilespmem:s5+$0xFFFFFFE0]  }
0x562: {  	v22 =	vadd.s32 v41, v54;
	v41 =	vld [tilespmem:s5+$0xA0];
	[tilespmem:v46+s24+$0x0] =	vst.idx.msk $0xffff, v42  }
0x563: {  	v42 =	vadd.s32 v36, v1;
	v46 =	vld [tilespmem:s5+$0x120];
	[tilespmem:v39+s24+$0x0] =	vst.idx.msk $0xffff, v37  }
0x564: {  	v14 =	vld [tilespmem:s5+$0xFFFFFE20];
	[tilespmem:v61+s24+$0x0] =	vst.idx.msk $0xffff, v60  }
0x565: {  	[tilespmem:v13+s24+$0x0] =	vst.idx.msk $0xffff, v12;
	v12 =	vld [tilespmem:s5+$0xE0];
	v13 =	vadd.s32 v40, v2  }
0x566: {  	v37 =	vld [tilespmem:s5+$0xFFFFFEF0];
	v60 =	vadd.s32 v44, v57;
	[tilespmem:v63+s24+$0x0] =	vst.idx.msk $0xffff, v62  }
0x567: {  	v61 =	vld [tilespmem:s5+$0x160];
	[tilespmem:v22+s24+$0x0] =	vst.idx.msk $0xffff, v21;
	v62 =	vadd.s32 v48, v58  }
0x568: {  	v63 =	vld [tilespmem:s5+$0x1A0];
	v21 =	vadd.s32 v43, v59;
	[tilespmem:v42+s24+$0x0] =	vst.idx.msk $0xffff, v41  }
0x569: {  	v15 =	vadd.s32 v28, v50;
	v23 =	vld [tilespmem:$0x1FE10]  }
0x56a: {  	v39 =	vadd.s32 v38, v52;
	v40 =	vld [tilespmem:s5+$0xFFFFFF30];
	[tilespmem:v13+s24+$0x0] =	vst.idx.msk $0xffff, v12  }
0x56b: {  	v41 =	vadd.s32 v45, v53;
	v24 =	vld [tilespmem:$0x1FEE0];
	[tilespmem:v60+s24+$0x0] =	vst.idx.msk $0xffff, v46  }
0x56c: {  	v3 =	vadd.s32 v31, v3;
	v42 =	vld [tilespmem:s5+$0xFFFFFF70];
	[tilespmem:v62+s24+$0x0] =	vst.idx.msk $0xffff, v61  }
0x56d: {  	v4 =	vadd.s32 v47, v4;
	v43 =	vld [tilespmem:s5+$0xFFFFFFB0];
	[tilespmem:v21+s24+$0x0] =	vst.idx.msk $0xffff, v63  }
0x56e: {  	v22 =	vld [tilespmem:s5+$0xFFFFFE70];
	v36 =	vadd.s32 v23, v49;
	[tilespmem:v15+s24+$0x0] =	vst.idx.msk $0xffff, v14  }
0x56f: {  	v44 =	vld [tilespmem:s5+$0xFFFFFFF0];
	v46 =	vadd.s32 v26, v54;
	[tilespmem:v39+s24+$0x0] =	vst.idx.msk $0xffff, v37  }
0x570: {  	v48 =	vld [tilespmem:s5+$0x30];
	v49 =	vadd.s32 v29, v55;
	[tilespmem:v41+s24+$0x0] =	vst.idx.msk $0xffff, v40  }
0x571: {  	v2 =	vadd.s32 v38, v2;
	[tilespmem:v3+s24+$0x0] =	vst.idx.msk $0xffff, v42;
	v54 =	vld [tilespmem:s5+$0xF0]  }
0x572: {  	v52 =	vadd.s32 v23, v56;
	[tilespmem:v4+s24+$0x0] =	vst.idx.msk $0xffff, v43;
	v56 =	vadd.s32 v45, v57;
	v55 =	vld [tilespmem:s5+$0x130]  }
0x573: {  	v58 =	vadd.s32 v31, v58;
	v57 =	vld [tilespmem:s5+$0x170];
	[tilespmem:v36+s24+$0x0] =	vst.idx.msk $0xffff, v22  }
0x574: {  	v61 =	vadd.s32 v47, v59;
	v60 =	vld [tilespmem:s5+$0x1B0];
	[tilespmem:v46+s24+$0x0] =	vst.idx.msk $0xffff, v44  }
0x575: {  	v63 =	vadd.s32 v29, v50;
	v62 =	vld [tilespmem:s5+$0xFFFFFE30];
	[tilespmem:v49+s24+$0x0] =	vst.idx.msk $0xffff, v48  }
0x576: {  	v12 =	vld [tilespmem:s5+$0xFFFFFEB0];
	v13 =	vadd.s32 v24, v51;
	[tilespmem:v2+s24+$0x0] =	vst.idx.msk $0xffff, v54  }
0x577: {  	v51 =	vld [tilespmem:s5+$0x70];
	[tilespmem:v56+s24+$0x0] =	vst.idx.msk $0xffff, v55  }
0x578: {  	v53 =	vld [tilespmem:s5+$0xB0];
	v1 =	vadd.s32 v24, v1;
	[tilespmem:v58+s24+$0x0] =	vst.idx.msk $0xffff, v57  }
0x579: {  	[tilespmem:v61+s24+$0x0] =	vst.idx.msk $0xffff, v60  }
0x57a: {  	s0 =	sshll.u32 s0, $0x12;
	[tilespmem:v63+s24+$0x0] =	vst.idx.msk $0xffff, v62  }
0x57b: {  	s0 =	sor.u32 s6, s0;
	[tilespmem:v13+s24+$0x0] =	vst.idx.msk $0xffff, v12  }
0x57c: {  	s0 =	sshrl.u32 s0, $0x3;
	[tilespmem:v52+s24+$0x0] =	vst.idx.msk $0xffff, v51  }
0x57d: {  	s8 =	simm.s32 $0xBD00;
	s1 =	sadd.s32 s2, s0;
	[tilespmem:v1+s24+$0x0] =	vst.idx.msk $0xffff, v53  }
0x57e: {  	[hbm4b:s1+s3] =	stream.linear.scatter [tilespmem:s8], [sflag:$0x6], $0x80, $0x38;
	[tilespmem:$0xDF00] =	vst v63  }
0x57f: {  	s9 =	simm.s32 $0xBD88;
	s5 =	sadd.s32 $0x10, s1  }
0x580: {  	[hbm4b:s5+s3] =	stream.linear.scatter [tilespmem:s9], [sflag:$0x6], $0x80, $0x38;
	[tilespmem:$0xDF00] =	vst v63  }
0x581: {  	s10 =	simm.s32 $0xBE10;
	s17 =	simm.s32 $0xBE98;
	s11 =	sadd.s32 $0x20, s1  }
0x582: {  	[hbm4b:s11+s3] =	stream.linear.scatter [tilespmem:s10], [sflag:$0x6], $0x80, $0x38;
	[tilespmem:$0xDF00] =	vst v63  }
0x583: {  	s0 =	simm.s32 $0x440;
	s30 =	sadd.s32 $0x30, s1;
	s8 =	simm.s32 $0xBF20  }
0x584: {  	[hbm4b:s30+s3] =	stream.linear.scatter [tilespmem:s17], [sflag:$0x6], $0x80, $0x38;
	[tilespmem:$0xDF00] =	vst v63  }
0x585: {  	s9 =	sadd.s32 $0x40, s1;
	s5 =	simm.s32 $0x2200;
	s10 =	simm.s32 $0xBFA8  }
0x586: {  	[hbm4b:s9+s3] =	stream.linear.scatter [tilespmem:s8], [sflag:$0x6], $0x80, $0x38;
	[tilespmem:$0xDF00] =	vst v63  }
0x587: {  	s11 =	sadd.s32 $0x50, s1;
	s17 =	simm.s32 $0xC030;
	s30 =	sadd.s32 $0x60, s1  }
0x588: {  	[hbm4b:s11+s3] =	stream.linear.scatter [tilespmem:s10], [sflag:$0x6], $0x80, $0x38;
	[tilespmem:$0xDF00] =	vst v63  }
0x589: {  	v34 =	vmovc v47;
	v26 =	vmovc v25;
	v14 =	vmov v18;
	v39 =	vmov v20;
	v37 =	vmov v45;
	s8 =	simm.s32 $0xC0B8;
	s9 =	sadd.s32 $0x70, s1;
	s1 =	sadd.s32 $0x1000, s1  }
0x58a: {  	v45 =	vmovc v16;
	v41 =	vmovc v31;
	v54 =	vmov v23;
	v36 =	vmov v38;
	v44 =	vmov v33;
	[hbm4b:s30+s3] =	stream.linear.scatter [tilespmem:s17], [sflag:$0x6], $0x80, $0x38;
	[tilespmem:$0xDF00] =	vst v63  }
.LBB2_17:
0x58b: {  	[hbm4b:s9+s3] =	stream.linear.scatter [tilespmem:s8], [sflag:$0x6], $0x80, $0x38;
	[tilespmem:$0xDF00] =	vst v63  }
0x58c: {  	s8 =	smov.u32 s0;
	s0 =	smov.u32 s5  }
0x58d: {  	s10 =	sadd.s32 $0x1100, s5;
	s0 =	sshra.s32 s0, $0x2;
	s9 =	sadd.s32 $0xBD00, s8  }
0x58e: {  	[hbm4b:s1+s3] =	stream.linear.scatter [tilespmem:s9], [sflag:$0x6], $0x80, $0x38;
	[tilespmem:$0xDF00] =	vst v63  }
0x58f: {  	p0 =	sne.s32 s5, $0x7700;
	s5 =	sadd.s32 $0xBD88, s8;
	s9 =	sadd.s32 $0x10, s1  }
0x590: {  	[hbm4b:s9+s3] =	stream.linear.scatter [tilespmem:s5], [sflag:$0x6], $0x80, $0x38;
	[tilespmem:$0xDF00] =	vst v63  }
0x591: {  	s5 =	sadd.s32 $0xBE10, s8;
	s9 =	sadd.s32 $0x20, s1  }
0x592: {  	[hbm4b:s9+s3] =	stream.linear.scatter [tilespmem:s5], [sflag:$0x6], $0x80, $0x38;
	[tilespmem:$0xDF00] =	vst v63  }
0x593: {  	s5 =	sadd.s32 $0xBE98, s8;
	s9 =	sadd.s32 $0x30, s1  }
0x594: {  	[hbm4b:s9+s3] =	stream.linear.scatter [tilespmem:s5], [sflag:$0x6], $0x80, $0x38;
	[tilespmem:$0xDF00] =	vst v63  }
0x595: {  	s5 =	sadd.s32 $0xBF20, s8;
	s9 =	sadd.s32 $0x40, s1  }
0x596: {  	[hbm4b:s9+s3] =	stream.linear.scatter [tilespmem:s5], [sflag:$0x6], $0x80, $0x38;
	[tilespmem:$0xDF00] =	vst v63  }
.Ltmp7:
0x597: {  	s5 =	sadd.s32 $0xBFA8, s8;
	s9 =	sadd.s32 $0x50, s1;
	(pc) =	sbr.rel @p0 .LBB2_17-.Ltmp7, $4  }
0x598: {  	[hbm4b:s9+s3] =	stream.linear.scatter [tilespmem:s5], [sflag:$0x6], $0x80, $0x38;
	[tilespmem:$0xDF00] =	vst v63  }
0x599: {  	s5 =	sadd.s32 $0xC030, s8;
	s9 =	sadd.s32 $0x60, s1;
	s8 =	sadd.s32 $0xC0B8, s8  }
0x59a: {  	[hbm4b:s9+s3] =	stream.linear.scatter [tilespmem:s5], [sflag:$0x6], $0x80, $0x38;
	[tilespmem:$0xDF00] =	vst v63  }
0x59b: {  	s9 =	sadd.s32 $0x70, s1;
	s1 =	sadd.s32 $0x1000, s1;
	s5 =	smov.u32 s10  }
0x59c: {  	[hbm4b:s9+s3] =	stream.linear.scatter [tilespmem:s8], [sflag:$0x6], $0x80, $0x38;
	[tilespmem:$0xDF00] =	vst v63  }
0x59d: {  	s5 =	sadd.s32 $0xBD00, s0  }
0x59e: {  	[hbm4b:s1+s3] =	stream.linear.scatter [tilespmem:s5], [sflag:$0x6], $0x80, $0x38;
	[tilespmem:$0xDF00] =	vst v63  }
0x59f: {  	s17 =	sadd.s32 $0xBD88, s0;
	s30 =	sadd.s32 $0x10, s1  }
0x5a0: {  	[hbm4b:s30+s3] =	stream.linear.scatter [tilespmem:s17], [sflag:$0x6], $0x80, $0x38;
	[tilespmem:$0xDF00] =	vst v63  }
0x5a1: {  	s8 =	sadd.s32 $0xBE10, s0;
	s9 =	sadd.s32 $0x20, s1  }
0x5a2: {  	[hbm4b:s9+s3] =	stream.linear.scatter [tilespmem:s8], [sflag:$0x6], $0x80, $0x38;
	[tilespmem:$0xDF00] =	vst v63  }
0x5a3: {  	s10 =	sadd.s32 $0xBE98, s0;
	s11 =	sadd.s32 $0x30, s1  }
0x5a4: {  	v21 =	vld [tilespmem:$0x1FE90];
	[hbm4b:s11+s3] =	stream.linear.scatter [tilespmem:s10], [sflag:$0x6], $0x80, $0x38  }
0x5a5: {  	s31 =	sadd.s32 $0x1, s31;
	v32 =	vld [tilespmem:$0x1FE00];
	s17 =	sadd.s32 $0xBF20, s0;
	s30 =	sadd.s32 $0x40, s1  }
0x5a6: {  	v23 =	vld [tilespmem:$0x1FEB0];
	[hbm4b:s30+s3] =	stream.linear.scatter [tilespmem:s17], [sflag:$0x6], $0x80, $0x38  }
0x5a7: {  	v20 =	vld [tilespmem:$0x1FED0];
	p0 =	sne.s32 s31, $0xC;
	s8 =	sadd.s32 $0xBFA8, s0;
	s9 =	sadd.s32 $0x50, s1  }
0x5a8: {  	v38 =	vld [tilespmem:$0x1FE20];
	[hbm4b:s9+s3] =	stream.linear.scatter [tilespmem:s8], [sflag:$0x6], $0x80, $0x38  }
.Ltmp8:
0x5a9: {  	v40 =	vld [tilespmem:$0x1FE30];
	(pc) =	sbr.rel @p0 .LBB2_2-.Ltmp8, $4  }
0x5aa: {  	v42 =	vld [tilespmem:$0x1FF00];
	s10 =	sadd.s32 $0xC030, s0;
	s11 =	sadd.s32 $0x60, s1  }
0x5ab: {  	v43 =	vld [tilespmem:$0x1FF20];
	[hbm4b:s11+s3] =	stream.linear.scatter [tilespmem:s10], [sflag:$0x6], $0x80, $0x38  }
0x5ac: {  	v46 =	vld [tilespmem:$0x1FF40];
	s17 =	sadd.s32 $0xC0B8, s0;
	s30 =	sadd.s32 $0x70, s1  }
0x5ad: {  	v48 =	vld [tilespmem:$0x1FF60];
	[hbm4b:s30+s3] =	stream.linear.scatter [tilespmem:s17], [sflag:$0x6], $0x80, $0x38  }
0x5ae: {  	_ =	swait.ge [sflag:s19], $0x2000;
	s1 =	simm.s32 $0x0;
	s31 =	simm.s32 $0x8  }
0x5af: {  	[sflag:s19] =	ssyncset.done $0x0;
	v0 =	vmov s1;
	v8 =	vmov s31;
	s31 =	simm.s32 $0xF  }
0x5b0: {  	[sflag:s19] =	ssyncadd.s32 $0xFFFFE000;
	v0 =	vshrl.u32 v0, $0x3;
	v15 =	vmov s31  }
0x5b1: {  	s5 =	simm.s32 $0x1;
	_ =	swait.ge [sflag:s26], $0x2000;
	v0 =	vshll.u32 v0, v17;
	v15 =	vshrl.u32 v15, $0x3  }
0x5b2: {  	s8 =	simm.s32 $0x2;
	v1 =	vmov s5;
	[sflag:s26] =	ssyncset.done $0x0;
	v15 =	vshll.u32 v15, v17;
	v49 =	vbroadcast v0, $0x0  }
0x5b3: {  	s0 =	simm.s32 $0x1D00;
	v2 =	vmov s8;
	v1 =	vshrl.u32 v1, $0x3;
	[sflag:s26] =	ssyncadd.s32 $0xFFFFE000;
	v15 =	vbroadcast v15, $0x0  }
0x5b4: {  	v2 =	vshrl.u32 v2, $0x3;
	v0 =	vshll.u32 v1, v17;
	v18 =	vld [tilespmem:s0+$0xFFFFFE00];
	v19 =	vadd.s32 v26, v49  }
0x5b5: {  	v61 =	vbroadcast v0, $0x0;
	v0 =	vshll.u32 v2, v17;
	v2 =	vld [tilespmem:s0+$0x1C0];
	v16 =	vadd.s32 v44, v15  }
0x5b6: {  	s9 =	simm.s32 $0x3;
	s10 =	simm.s32 $0x4  }
0x5b7: {  	s11 =	simm.s32 $0x5;
	v3 =	vmov s9;
	v4 =	vmov s10  }
0x5b8: {  	v5 =	vmov s11;
	v3 =	vshrl.u32 v3, $0x3;
	v60 =	vbroadcast v0, $0x0  }
0x5b9: {  	v4 =	vshrl.u32 v4, $0x3;
	v0 =	vshll.u32 v3, v17;
	v3 =	vld [tilespmem:s0+$0xFFFFFE40];
	v51 =	vadd.s32 v21, v61;
	[tilespmem:v19+s20+$0x0] =	vst.idx.msk $0xffff, v18  }
0x5ba: {  	s17 =	simm.s32 $0x6;
	s10 =	simm.s32 $0xB;
	v59 =	vbroadcast v0, $0x0;
	v0 =	vshll.u32 v4, v17;
	v4 =	vld [tilespmem:s0+$0xFFFFFE80];
	v52 =	vadd.s32 v23, v60;
	[tilespmem:v16+s20+$0x0] =	vst.idx.msk $0xffff, v2  }
0x5bb: {  	v6 =	vmov s17;
	v11 =	vmov s10;
	v5 =	vshrl.u32 v5, $0x3;
	v47 =	vld [tilespmem:$0x1FFB0]  }
0x5bc: {  	v6 =	vshrl.u32 v6, $0x3;
	v5 =	vshll.u32 v5, v17;
	v53 =	vld [tilespmem:s0+$0xFFFFFF00];
	v1 =	vbroadcast v0, $0x0  }
0x5bd: {  	v31 =	vmovc v39;
	s30 =	simm.s32 $0x7;
	v39 =	vbroadcast v5, $0x0;
	v0 =	vshrl.u32 v11, $0x3;
	v11 =	vld [tilespmem:s0+$0xFFFFFEC0];
	v22 =	vadd.s32 v38, v59  }
0x5be: {  	v29 =	vmovc v24;
	v7 =	vmov s30;
	v5 =	vshll.u32 v6, v17;
	v24 =	vadd.s32 v42, v1;
	v6 =	vld [tilespmem:s0+$0x1D0];
	[tilespmem:v51+s20+$0x0] =	vst.idx.msk $0xffff, v3  }
0x5bf: {  	v7 =	vshrl.u32 v7, $0x3;
	v16 =	vadd.s32 v46, v39;
	v3 =	vld [tilespmem:s0+$0xFFFFFF40];
	[tilespmem:v52+s20+$0x0] =	vst.idx.msk $0xffff, v4  }
0x5c0: {  	v33 =	vmovc v30;
	v30 =	vmovc v21;
	v2 =	vbroadcast v5, $0x0;
	v5 =	vshll.u32 v7, v17;
	v21 =	vld [tilespmem:$0x1FF80];
	v7 =	vadd.s32 v47, v15;
	_ =	sdelay $0x1  }
0x5c1: {  	s5 =	simm.s32 $0x9;
	s9 =	simm.s32 $0xA;
	[tilespmem:v22+s20+$0x0] =	vst.idx.msk $0xffff, v11  }
0x5c2: {  	s17 =	simm.s32 $0xD;
	v9 =	vmov s5;
	v10 =	vmov s9;
	[tilespmem:v24+s20+$0x0] =	vst.idx.msk $0xffff, v53  }
0x5c3: {  	v13 =	vmov s17;
	v8 =	vshrl.u32 v8, $0x3;
	v9 =	vshrl.u32 v9, $0x3;
	[tilespmem:v16+s20+$0x0] =	vst.idx.msk $0xffff, v3  }
0x5c4: {  	v28 =	vbroadcast v5, $0x0;
	v5 =	vshll.u32 v8, v17;
	v4 =	vld [tilespmem:s0+$0xFFFFFF80];
	v8 =	vadd.s32 v21, v2;
	[tilespmem:v7+s20+$0x0] =	vst.idx.msk $0xffff, v6  }
0x5c5: {  	v10 =	vshrl.u32 v10, $0x3;
	v56 =	vbroadcast v5, $0x0;
	v5 =	vshll.u32 v9, v17;
	v16 =	vld [tilespmem:$0x1FFC0]  }
0x5c6: {  	v10 =	vshll.u32 v10, v17;
	v9 =	vld [tilespmem:s0+$0xFFFFFFC0];
	v11 =	vadd.s32 v44, v28;
	v57 =	vbroadcast v5, $0x0  }
0x5c7: {  	v58 =	vbroadcast v10, $0x0;
	v5 =	vshrl.u32 v13, $0x3;
	v13 =	vld [tilespmem:s0+$0x0];
	v18 =	vadd.s32 v26, v56  }
0x5c8: {  	v27 =	vmov v23;
	v19 =	vld [tilespmem:s0+$0x40];
	v63 =	vadd.s32 v30, v57  }
0x5c9: {  	v7 =	vadd.s32 v27, v58;
	[tilespmem:v8+s20+$0x0] =	vst.idx.msk $0xffff, v4;
	v4 =	vld [tilespmem:s0+$0x80]  }
0x5ca: {  	v3 =	vld [tilespmem:s0+$0x1E0];
	v6 =	vadd.s32 v16, v15  }
0x5cb: {  	s11 =	simm.s32 $0xC;
	[tilespmem:v11+s20+$0x0] =	vst.idx.msk $0xffff, v9  }
0x5cc: {  	v12 =	vmov s11;
	[tilespmem:v18+s20+$0x0] =	vst.idx.msk $0xffff, v13  }
0x5cd: {  	s30 =	simm.s32 $0xE;
	v12 =	vshrl.u32 v12, $0x3;
	v0 =	vshll.u32 v0, v17;
	[tilespmem:v63+s20+$0x0] =	vst.idx.msk $0xffff, v19  }
0x5ce: {  	v25 =	vmovc v14;
	v14 =	vmov s30;
	v50 =	vbroadcast v0, $0x0;
	v0 =	vshll.u32 v12, v17;
	[tilespmem:v7+s20+$0x0] =	vst.idx.msk $0xffff, v4  }
0x5cf: {  	v14 =	vshrl.u32 v14, $0x3;
	v51 =	vbroadcast v0, $0x0;
	v0 =	vshll.u32 v5, v17;
	v5 =	vld [tilespmem:s0+$0xC0];
	[tilespmem:v6+s20+$0x0] =	vst.idx.msk $0xffff, v3  }
0x5d0: {  	v52 =	vbroadcast v0, $0x0;
	v0 =	vshll.u32 v14, v17;
	v8 =	vadd.s32 v38, v50;
	v27 =	vld [tilespmem:$0x1FFD0]  }
0x5d1: {  	v10 =	vadd.s32 v42, v51;
	v53 =	vbroadcast v0, $0x0;
	v9 =	vld [tilespmem:s0+$0x100]  }
0x5d2: {  	v0 =	vld [tilespmem:s0+$0x140];
	v11 =	vadd.s32 v46, v52  }
0x5d3: {  	v12 =	vld [tilespmem:s0+$0x180];
	v13 =	vadd.s32 v21, v53  }
0x5d4: {  	v7 =	vadd.s32 v25, v61;
	v6 =	vld [tilespmem:s0+$0xFFFFFE50]  }
0x5d5: {  	v3 =	vld [tilespmem:s0+$0x1F0];
	[tilespmem:v8+s20+$0x0] =	vst.idx.msk $0xffff, v5;
	v4 =	vadd.s32 v27, v15  }
0x5d6: {  	v5 =	vld [tilespmem:s0+$0xFFFFFE90];
	v8 =	vadd.s32 v33, v60;
	[tilespmem:v10+s20+$0x0] =	vst.idx.msk $0xffff, v9  }
0x5d7: {  	v9 =	vld [tilespmem:s0+$0xFFFFFED0];
	v10 =	vadd.s32 v31, v59;
	[tilespmem:v11+s20+$0x0] =	vst.idx.msk $0xffff, v0  }
0x5d8: {  	[tilespmem:v13+s20+$0x0] =	vst.idx.msk $0xffff, v12  }
0x5d9: {  	v0 =	vld [tilespmem:s0+$0xFFFFFF10];
	v11 =	vadd.s32 v35, v1;
	[tilespmem:v7+s20+$0x0] =	vst.idx.msk $0xffff, v6  }
0x5da: {  	v12 =	vld [tilespmem:s0+$0xFFFFFF50];
	[tilespmem:v4+s20+$0x0] =	vst.idx.msk $0xffff, v3  }
0x5db: {  	v14 =	vld [tilespmem:$0x1FF90];
	[tilespmem:v8+s20+$0x0] =	vst.idx.msk $0xffff, v5  }
0x5dc: {  	v6 =	vadd.s32 v47, v28;
	v5 =	vld [tilespmem:s0+$0xFFFFFFD0];
	[tilespmem:v10+s20+$0x0] =	vst.idx.msk $0xffff, v9  }
0x5dd: {  	v13 =	vadd.s32 v45, v39;
	v15 =	vld [tilespmem:$0x1FE60]  }
0x5de: {  	v9 =	vadd.s32 v25, v57;
	[tilespmem:v11+s20+$0x0] =	vst.idx.msk $0xffff, v0;
	v0 =	vld [tilespmem:s0+$0x50]  }
0x5df: {  	v10 =	vld [tilespmem:s0+$0x90];
	v11 =	vadd.s32 v33, v58  }
0x5e0: {  	v3 =	vld [tilespmem:s0+$0xFFFFFF90];
	v4 =	vadd.s32 v14, v2  }
0x5e1: {  	[tilespmem:v6+s20+$0x0] =	vst.idx.msk $0xffff, v5;
	v5 =	vld [tilespmem:s0+$0x110];
	v6 =	vadd.s32 v35, v51  }
0x5e2: {  	v7 =	vld [tilespmem:s0+$0x10];
	[tilespmem:v13+s20+$0x0] =	vst.idx.msk $0xffff, v12;
	v8 =	vadd.s32 v15, v56  }
0x5e3: {  	[tilespmem:v9+s20+$0x0] =	vst.idx.msk $0xffff, v0;
	v0 =	vld [tilespmem:s0+$0x190];
	v9 =	vadd.s32 v14, v53  }
0x5e4: {  	v12 =	vld [tilespmem:s0+$0xFFFFFE10];
	v13 =	vadd.s32 v15, v49;
	[tilespmem:v11+s20+$0x0] =	vst.idx.msk $0xffff, v10  }
0x5e5: {  	v10 =	vld [tilespmem:s0+$0xFFFFFE60];
	v11 =	vadd.s32 v32, v61;
	[tilespmem:v4+s20+$0x0] =	vst.idx.msk $0xffff, v3  }
0x5e6: {  	v3 =	vld [tilespmem:s0+$0xD0];
	v4 =	vadd.s32 v31, v50;
	[tilespmem:v6+s20+$0x0] =	vst.idx.msk $0xffff, v5  }
0x5e7: {  	[tilespmem:v8+s20+$0x0] =	vst.idx.msk $0xffff, v7;
	v7 =	vld [tilespmem:s0+$0x150];
	v8 =	vadd.s32 v45, v52  }
0x5e8: {  	[tilespmem:v9+s20+$0x0] =	vst.idx.msk $0xffff, v0  }
0x5e9: {  	v5 =	vld [tilespmem:s0+$0xFFFFFEE0];
	v6 =	vadd.s32 v40, v59;
	[tilespmem:v13+s20+$0x0] =	vst.idx.msk $0xffff, v12  }
0x5ea: {  	v55 =	vmov v20;
	[tilespmem:v11+s20+$0x0] =	vst.idx.msk $0xffff, v10  }
0x5eb: {  	[tilespmem:v4+s20+$0x0] =	vst.idx.msk $0xffff, v3;
	v3 =	vld [tilespmem:s0+$0xFFFFFEA0];
	v4 =	vadd.s32 v55, v60  }
0x5ec: {  	v0 =	vld [tilespmem:s0+$0xFFFFFF60];
	[tilespmem:v8+s20+$0x0] =	vst.idx.msk $0xffff, v7  }
0x5ed: {  	v13 =	vld [tilespmem:$0x1FFA0]  }
0x5ee: {  	v7 =	vld [tilespmem:s0+$0xFFFFFF20];
	v8 =	vadd.s32 v43, v1;
	[tilespmem:v6+s20+$0x0] =	vst.idx.msk $0xffff, v5  }
0x5ef: {  	v9 =	vadd.s32 v48, v39;
	v24 =	vld [tilespmem:s0+$0xFFFFFEF0]  }
0x5f0: {  	[tilespmem:v4+s20+$0x0] =	vst.idx.msk $0xffff, v3;
	v3 =	vld [tilespmem:s0+$0xFFFFFFE0];
	v4 =	vadd.s32 v16, v28  }
0x5f1: {  	v25 =	vadd.s32 v36, v59;
	v14 =	vld [tilespmem:$0x1FE70]  }
0x5f2: {  	v10 =	vld [tilespmem:s0+$0xFFFFFFA0];
	v11 =	vadd.s32 v13, v2  }
0x5f3: {  	[tilespmem:v8+s20+$0x0] =	vst.idx.msk $0xffff, v7;
	v7 =	vld [tilespmem:s0+$0x60];
	v8 =	vadd.s32 v32, v57  }
0x5f4: {  	[tilespmem:v9+s20+$0x0] =	vst.idx.msk $0xffff, v0;
	v0 =	vld [tilespmem:s0+$0xA0];
	v9 =	vadd.s32 v55, v58  }
0x5f5: {  	[tilespmem:v4+s20+$0x0] =	vst.idx.msk $0xffff, v3;
	v3 =	vld [tilespmem:s0+$0x120];
	v4 =	vadd.s32 v43, v51  }
0x5f6: {  	v5 =	vld [tilespmem:s0+$0x20];
	[tilespmem:v25+s20+$0x0] =	vst.idx.msk $0xffff, v24;
	v6 =	vadd.s32 v14, v56  }
0x5f7: {  	[tilespmem:v11+s20+$0x0] =	vst.idx.msk $0xffff, v10;
	v10 =	vld [tilespmem:s0+$0xE0];
	v11 =	vadd.s32 v40, v50  }
0x5f8: {  	[tilespmem:v8+s20+$0x0] =	vst.idx.msk $0xffff, v7;
	v7 =	vld [tilespmem:s0+$0x1A0];
	v8 =	vadd.s32 v13, v53  }
0x5f9: {  	v62 =	vmov v54;
	v15 =	vld [tilespmem:s0+$0xFFFFFE20];
	v16 =	vadd.s32 v14, v49;
	[tilespmem:v9+s20+$0x0] =	vst.idx.msk $0xffff, v0  }
0x5fa: {  	v0 =	vld [tilespmem:s0+$0xFFFFFE70];
	v9 =	vadd.s32 v62, v61;
	[tilespmem:v4+s20+$0x0] =	vst.idx.msk $0xffff, v3  }
0x5fb: {  	v12 =	vadd.s32 v48, v52;
	[tilespmem:v6+s20+$0x0] =	vst.idx.msk $0xffff, v5;
	v6 =	vld [tilespmem:s0+$0x160]  }
0x5fc: {  	s11 =	simm.s32 $0x14;
	s30 =	simm.s32 $0x16;
	v47 =	vadd.s32 v29, v60;
	[tilespmem:v11+s20+$0x0] =	vst.idx.msk $0xffff, v10;
	v11 =	vld [tilespmem:s0+$0xFFFFFEB0]  }
0x5fd: {  	s9 =	simm.s32 $0x12;
	s10 =	simm.s32 $0x13;
	v20 =	vmov s11;
	v23 =	vmov s30;
	v59 =	vld [tilespmem:s0+$0xFFFFFF30];
	[tilespmem:v8+s20+$0x0] =	vst.idx.msk $0xffff, v7  }
0x5fe: {  	s8 =	simm.s32 $0x11;
	s17 =	simm.s32 $0x15;
	v18 =	vmov s9;
	v19 =	vmov s10;
	v63 =	vld [tilespmem:s0+$0xFFFFFF70];
	[tilespmem:v16+s20+$0x0] =	vst.idx.msk $0xffff, v15  }
0x5ff: {  	v54 =	vshrl.u32 v20, $0x3;
	s30 =	simm.s32 $0x1D;
	v21 =	vmov s17;
	s9 =	simm.s32 $0x19;
	v45 =	vmov s8;
	[tilespmem:v9+s20+$0x0] =	vst.idx.msk $0xffff, v0;
	v10 =	vld [tilespmem:s0+$0xFFFFFFB0]  }
0x600: {  	s5 =	simm.s32 $0x10;
	s10 =	simm.s32 $0x1A;
	v60 =	vadd.s32 v37, v1;
	v1 =	vmov s30;
	v61 =	vmov s9;
	[tilespmem:v12+s20+$0x0] =	vst.idx.msk $0xffff, v6;
	v12 =	vld [tilespmem:s0+$0x30]  }
0x601: {  	s11 =	simm.s32 $0x1B;
	v30 =	vmovc v62;
	v62 =	vmov s10;
	v14 =	vadd.s32 v41, v39;
	v5 =	vmov s5;
	[tilespmem:v47+s20+$0x0] =	vst.idx.msk $0xffff, v11;
	v11 =	vld [tilespmem:s0+$0xFFFFFFF0]  }
0x602: {  	v3 =	vmov s11;
	v9 =	vshrl.u32 v45, $0x3;
	v45 =	vmovc v37;
	v37 =	vmovc v29;
	v13 =	vshrl.u32 v5, $0x3;
	v29 =	vld [tilespmem:$0x1FE80]  }
0x603: {  	s31 =	simm.s32 $0x17;
	s17 =	simm.s32 $0x1C;
	v0 =	vadd.s32 v34, v2;
	v7 =	vshll.u32 v13, v17;
	v13 =	vadd.s32 v27, v28;
	v27 =	vmovc v34;
	v34 =	vld [tilespmem:$0x1FEB0]  }
0x604: {  	v39 =	vmovc v31;
	v4 =	vmov s17;
	v8 =	vshrl.u32 v18, $0x3;
	v5 =	vmov s31;
	s31 =	simm.s32 $0x1E;
	v31 =	vld [tilespmem:$0x1FEA0]  }
0x605: {  	s8 =	simm.s32 $0x18;
	v58 =	vadd.s32 v37, v58;
	v2 =	vmov s31;
	v28 =	vmovc v35;
	v35 =	vmovc v33;
	v33 =	vmov v30;
	v30 =	vld [tilespmem:$0x1FE90]  }
0x606: {  	v16 =	vadd.s32 v33, v57;
	v57 =	vshrl.u32 v21, $0x3;
	v6 =	vmov s8;
	v47 =	vmovc v41;
	v41 =	vmovc v36;
	[tilespmem:v60+s20+$0x0] =	vst.idx.msk $0xffff, v59;
	v59 =	vld [tilespmem:s0+$0x70]  }
0x607: {  	s1 =	simm.s32 $0x20;
	s5 =	simm.s32 $0x1F;
	v36 =	vmovc v55;
	v55 =	vshrl.u32 v23, $0x3;
	[tilespmem:v14+s20+$0x0] =	vst.idx.msk $0xffff, v63;
	v60 =	vld [tilespmem:s0+$0xB0];
	v15 =	vadd.s32 v29, v56;
	v56 =	vshrl.u32 v19, $0x3  }
.LBB2_20:
0x608: {  	v21 =	vld [tilespmem:s0+$0xFFFFFE30]  }
0x609: {  	v24 =	vld [tilespmem:$0x1FFF0]  }
0x60a: {  	v14 =	vmov s5;
	v23 =	vld [tilespmem:$0x1FF80]  }
0x60b: {  	v19 =	vshrl.u32 v62, $0x3;
	v20 =	vadd.s32 v27, v53;
	v22 =	vadd.s32 v29, v49;
	v26 =	vld [tilespmem:$0x1FFD0]  }
0x60c: {  	v49 =	vbroadcast v7, $0x0;
	v7 =	vshll.u32 v8, v17;
	v14 =	vshrl.u32 v14, $0x3;
	[tilespmem:v0+s20+$0x0] =	vst.idx.msk $0xffff, v10;
	v0 =	vld [tilespmem:s0+$0xF0]  }
0x60d: {  	v62 =	vbroadcast v7, $0x0;
	v7 =	vshll.u32 v56, v17;
	v10 =	vadd.s32 v41, v50;
	[tilespmem:v13+s20+$0x0] =	vst.idx.msk $0xffff, v11;
	v11 =	vld [tilespmem:s0+$0x130]  }
0x60e: {  	v14 =	vshll.u32 v14, v17;
	v13 =	vadd.s32 v45, v51;
	[tilespmem:v15+s20+$0x0] =	vst.idx.msk $0xffff, v12;
	v12 =	vld [tilespmem:s0+$0x170]  }
0x60f: {  	v56 =	vbroadcast v7, $0x0;
	v7 =	vshll.u32 v54, v17;
	v14 =	vbroadcast v14, $0x0;
	[tilespmem:v16+s20+$0x0] =	vst.idx.msk $0xffff, v59;
	v16 =	vld [tilespmem:s0+$0x1B0];
	s0 =	sadd.s32 $0x400, s0  }
0x610: {  	v9 =	vshll.u32 v9, v17;
	v54 =	vbroadcast v7, $0x0;
	v15 =	vadd.s32 v47, v52;
	v8 =	vld [tilespmem:s0+$0x1C0]  }
0x611: {  	v18 =	vshrl.u32 v61, $0x3;
	v61 =	vbroadcast v9, $0x0;
	[tilespmem:v58+s20+$0x0] =	vst.idx.msk $0xffff, v60;
	v9 =	vadd.s32 v44, v14;
	v7 =	vld [tilespmem:s0+$0xFFFFFEC0]  }
0x612: {  	v50 =	vld [tilespmem:s0+$0xFFFFFF00];
	v51 =	vadd.s32 v42, v54;
	[tilespmem:v10+s20+$0x0] =	vst.idx.msk $0xffff, v0  }
0x613: {  	v0 =	vld [tilespmem:s0+$0xFFFFFE00];
	[tilespmem:v13+s20+$0x0] =	vst.idx.msk $0xffff, v11  }
0x614: {  	v5 =	vshrl.u32 v5, $0x3;
	v10 =	vadd.s32 v24, v49;
	[tilespmem:v20+s20+$0x0] =	vst.idx.msk $0xffff, v16;
	v20 =	vld [tilespmem:$0x1FFB0]  }
0x615: {  	v3 =	vshrl.u32 v3, $0x3;
	v63 =	vshll.u32 v57, v17;
	v11 =	vld [tilespmem:s0+$0xFFFFFE40];
	[tilespmem:v15+s20+$0x0] =	vst.idx.msk $0xffff, v12;
	v16 =	vadd.s32 v38, v56  }
0x616: {  	v4 =	vshrl.u32 v4, $0x3;
	v3 =	vshll.u32 v3, v17;
	v13 =	vadd.s32 v30, v61;
	v12 =	vld [tilespmem:s0+$0xFFFFFE80];
	[tilespmem:v9+s20+$0x0] =	vst.idx.msk $0xffff, v8  }
0x617: {  	v15 =	vadd.s32 v34, v62;
	v9 =	vld [tilespmem:s0+$0xFFFFFF40];
	[tilespmem:v51+s20+$0x0] =	vst.idx.msk $0xffff, v50;
	v50 =	vbroadcast v3, $0x0;
	v3 =	vshll.u32 v4, v17  }
0x618: {  	v55 =	vshll.u32 v55, v17;
	v57 =	vbroadcast v63, $0x0;
	[tilespmem:v22+s20+$0x0] =	vst.idx.msk $0xffff, v21;
	v51 =	vbroadcast v3, $0x0;
	v3 =	vld [tilespmem:s0+$0xC0]  }
0x619: {  	v55 =	vbroadcast v55, $0x0;
	[tilespmem:v10+s20+$0x0] =	vst.idx.msk $0xffff, v0;
	v0 =	vshll.u32 v5, v17;
	v5 =	vld [tilespmem:s0+$0x1D0];
	v8 =	vadd.s32 v20, v14  }
0x61a: {  	v10 =	vadd.s32 v46, v57;
	[tilespmem:v16+s20+$0x0] =	vst.idx.msk $0xffff, v7;
	v7 =	vld [tilespmem:s0+$0xFFFFFFC0]  }
0x61b: {  	v6 =	vshrl.u32 v6, $0x3;
	[tilespmem:v13+s20+$0x0] =	vst.idx.msk $0xffff, v11;
	v11 =	vadd.s32 v23, v55;
	v16 =	vld [tilespmem:s0+$0x40]  }
0x61c: {  	[tilespmem:v15+s20+$0x0] =	vst.idx.msk $0xffff, v12;
	v15 =	vshll.u32 v19, v17;
	v58 =	vbroadcast v0, $0x0;
	v0 =	vshll.u32 v6, v17;
	v6 =	vld [tilespmem:s0+$0xFFFFFF80]  }
0x61d: {  	v63 =	vbroadcast v15, $0x0;
	v15 =	vld [tilespmem:$0x1FFC0];
	v59 =	vbroadcast v0, $0x0;
	v0 =	vshll.u32 v18, v17  }
0x61e: {  	v12 =	vadd.s32 v44, v58;
	v60 =	vbroadcast v0, $0x0;
	v0 =	vshrl.u32 v1, $0x3;
	v1 =	vld [tilespmem:s0+$0x0];
	[tilespmem:v8+s20+$0x0] =	vst.idx.msk $0xffff, v5  }
0x61f: {  	v13 =	vadd.s32 v24, v59;
	[tilespmem:v10+s20+$0x0] =	vst.idx.msk $0xffff, v9;
	v10 =	vld [tilespmem:s0+$0x180]  }
0x620: {  	v2 =	vshrl.u32 v2, $0x3;
	v0 =	vshll.u32 v0, v17;
	v4 =	vld [tilespmem:s0+$0x1E0]  }
0x621: {  	v8 =	vadd.s32 v34, v63;
	v52 =	vbroadcast v0, $0x0;
	v0 =	vshll.u32 v2, v17;
	[tilespmem:v11+s20+$0x0] =	vst.idx.msk $0xffff, v6;
	v6 =	vld [tilespmem:s0+$0x80]  }
0x622: {  	v5 =	vadd.s32 v15, v14;
	v53 =	vbroadcast v0, $0x0;
	v0 =	vld [tilespmem:s0+$0x140]  }
0x623: {  	v18 =	vadd.s32 v30, v60;
	[tilespmem:v12+s20+$0x0] =	vst.idx.msk $0xffff, v7;
	v12 =	vld [tilespmem:$0x1FF90]  }
0x624: {  	v9 =	vadd.s32 v46, v52;
	[tilespmem:v13+s20+$0x0] =	vst.idx.msk $0xffff, v1;
	v1 =	vld [tilespmem:s0+$0x100]  }
0x625: {  	v7 =	vadd.s32 v38, v50;
	v13 =	vld [tilespmem:$0x1FE60]  }
0x626: {  	v11 =	vadd.s32 v23, v53;
	[tilespmem:v8+s20+$0x0] =	vst.idx.msk $0xffff, v6;
	v6 =	vld [tilespmem:s0+$0xFFFFFE50]  }
0x627: {  	v2 =	vadd.s32 v42, v51;
	[tilespmem:v5+s20+$0x0] =	vst.idx.msk $0xffff, v4;
	v5 =	vadd.s32 v26, v14;
	v14 =	vld [tilespmem:$0x1FF50]  }
0x628: {  	[tilespmem:v18+s20+$0x0] =	vst.idx.msk $0xffff, v16;
	v8 =	vadd.s32 v31, v61;
	v4 =	vld [tilespmem:s0+$0x1F0]  }
0x629: {  	[tilespmem:v9+s20+$0x0] =	vst.idx.msk $0xffff, v0;
	v0 =	vld [tilespmem:s0+$0xFFFFFF10]  }
0x62a: {  	v9 =	vadd.s32 v28, v54;
	[tilespmem:v7+s20+$0x0] =	vst.idx.msk $0xffff, v3;
	v3 =	vld [tilespmem:s0+$0xFFFFFE90]  }
0x62b: {  	v7 =	vadd.s32 v35, v62;
	[tilespmem:v11+s20+$0x0] =	vst.idx.msk $0xffff, v10;
	v10 =	vld [tilespmem:s0+$0xFFFFFF50]  }
0x62c: {  	[tilespmem:v2+s20+$0x0] =	vst.idx.msk $0xffff, v1;
	v1 =	vld [tilespmem:s0+$0xFFFFFED0];
	v2 =	vadd.s32 v39, v56  }
0x62d: {  	v11 =	vadd.s32 v14, v57;
	[tilespmem:v8+s20+$0x0] =	vst.idx.msk $0xffff, v6;
	v8 =	vld [tilespmem:s0+$0x90]  }
0x62e: {  	[tilespmem:v5+s20+$0x0] =	vst.idx.msk $0xffff, v4;
	v4 =	vld [tilespmem:s0+$0xFFFFFF90]  }
0x62f: {  	v5 =	vadd.s32 v12, v55;
	[tilespmem:v9+s20+$0x0] =	vst.idx.msk $0xffff, v0;
	v0 =	vld [tilespmem:s0+$0x50]  }
0x630: {  	v9 =	vadd.s32 v35, v63;
	[tilespmem:v7+s20+$0x0] =	vst.idx.msk $0xffff, v3;
	v3 =	vld [tilespmem:s0+$0xFFFFFFD0]  }
0x631: {  	v6 =	vadd.s32 v20, v58;
	[tilespmem:v2+s20+$0x0] =	vst.idx.msk $0xffff, v1;
	v1 =	vld [tilespmem:s0+$0x10]  }
0x632: {  	v7 =	vadd.s32 v31, v60;
	[tilespmem:v11+s20+$0x0] =	vst.idx.msk $0xffff, v10;
	v10 =	vld [tilespmem:s0+$0xFFFFFE10]  }
0x633: {  	v2 =	vadd.s32 v13, v59;
	v11 =	vadd.s32 v13, v49;
	v13 =	vld [tilespmem:$0x1FE70]  }
0x634: {  	[tilespmem:v5+s20+$0x0] =	vst.idx.msk $0xffff, v4;
	v4 =	vld [tilespmem:s0+$0xD0]  }
0x635: {  	v5 =	vadd.s32 v39, v50;
	[tilespmem:v9+s20+$0x0] =	vst.idx.msk $0xffff, v8;
	v8 =	vld [tilespmem:s0+$0xFFFFFE60]  }
0x636: {  	[tilespmem:v6+s20+$0x0] =	vst.idx.msk $0xffff, v3;
	v3 =	vld [tilespmem:s0+$0x110];
	v6 =	vadd.s32 v28, v51  }
0x637: {  	[tilespmem:v7+s20+$0x0] =	vst.idx.msk $0xffff, v0;
	v0 =	vld [tilespmem:s0+$0x190];
	v7 =	vadd.s32 v12, v53  }
0x638: {  	[tilespmem:v2+s20+$0x0] =	vst.idx.msk $0xffff, v1;
	v1 =	vld [tilespmem:s0+$0x150];
	v2 =	vadd.s32 v14, v52  }
0x639: {  	v9 =	vadd.s32 v32, v61;
	[tilespmem:v11+s20+$0x0] =	vst.idx.msk $0xffff, v10;
	v11 =	vld [tilespmem:$0x1FFA0]  }
0x63a: {  	[tilespmem:v5+s20+$0x0] =	vst.idx.msk $0xffff, v4;
	v4 =	vld [tilespmem:s0+$0xFFFFFEA0];
	v5 =	vadd.s32 v36, v62  }
0x63b: {  	[tilespmem:v6+s20+$0x0] =	vst.idx.msk $0xffff, v3;
	v3 =	vld [tilespmem:s0+$0xFFFFFEE0];
	v6 =	vadd.s32 v40, v56  }
0x63c: {  	[tilespmem:v7+s20+$0x0] =	vst.idx.msk $0xffff, v0;
	v0 =	vld [tilespmem:s0+$0xFFFFFF60];
	v7 =	vadd.s32 v48, v57  }
0x63d: {  	[tilespmem:v2+s20+$0x0] =	vst.idx.msk $0xffff, v1;
	v1 =	vld [tilespmem:s0+$0xFFFFFF20];
	v2 =	vadd.s32 v43, v54  }
0x63e: {  	[tilespmem:v9+s20+$0x0] =	vst.idx.msk $0xffff, v8;
	v8 =	vld [tilespmem:s0+$0xFFFFFFA0]  }
0x63f: {  	v9 =	vadd.s32 v11, v55;
	[tilespmem:v5+s20+$0x0] =	vst.idx.msk $0xffff, v4;
	v4 =	vld [tilespmem:s0+$0xFFFFFFE0]  }
0x640: {  	v5 =	vadd.s32 v15, v58;
	[tilespmem:v6+s20+$0x0] =	vst.idx.msk $0xffff, v3;
	v3 =	vld [tilespmem:s0+$0x20]  }
0x641: {  	v6 =	vadd.s32 v13, v59;
	[tilespmem:v7+s20+$0x0] =	vst.idx.msk $0xffff, v0;
	v0 =	vld [tilespmem:s0+$0xA0]  }
0x642: {  	v7 =	vadd.s32 v36, v63;
	[tilespmem:v2+s20+$0x0] =	vst.idx.msk $0xffff, v1;
	v1 =	vld [tilespmem:s0+$0x60]  }
0x643: {  	v2 =	vadd.s32 v32, v60;
	v15 =	vld [tilespmem:s0+$0xFFFFFEF0]  }
0x644: {  	v56 =	vadd.s32 v41, v56;
	v24 =	vld [tilespmem:s0+$0xFFFFFF70];
	[tilespmem:v9+s20+$0x0] =	vst.idx.msk $0xffff, v8  }
0x645: {  	v25 =	vadd.s32 v47, v57;
	v22 =	vld [tilespmem:s0+$0xFFFFFF30];
	[tilespmem:v5+s20+$0x0] =	vst.idx.msk $0xffff, v4  }
0x646: {  	s17 =	sadd.s32 $0x5, s1;
	v23 =	vadd.s32 v45, v54;
	v8 =	vld [tilespmem:s0+$0xE0];
	[tilespmem:v6+s20+$0x0] =	vst.idx.msk $0xffff, v3  }
0x647: {  	s8 =	sadd.s32 $0x3, s1;
	s11 =	sadd.s32 $0x4, s1;
	v19 =	vmov s17;
	v9 =	vadd.s32 v40, v50;
	v4 =	vld [tilespmem:s0+$0x120];
	[tilespmem:v7+s20+$0x0] =	vst.idx.msk $0xffff, v0  }
0x648: {  	s9 =	sadd.s32 $0x1, s1;
	s30 =	sadd.s32 $0x6, s1;
	v16 =	vmov s8;
	v18 =	vmov s11;
	v5 =	vadd.s32 v43, v51;
	v3 =	vld [tilespmem:s0+$0x160];
	[tilespmem:v2+s20+$0x0] =	vst.idx.msk $0xffff, v1  }
0x649: {  	s10 =	sadd.s32 $0x2, s1;
	v20 =	vmov s30;
	v12 =	vmov s9;
	v6 =	vadd.s32 v48, v52;
	v0 =	vld [tilespmem:s0+$0xFFFFFE70];
	[tilespmem:v56+s20+$0x0] =	vst.idx.msk $0xffff, v15  }
0x64a: {  	v14 =	vmov s10;
	v10 =	vmov s1;
	v7 =	vadd.s32 v33, v61;
	v1 =	vld [tilespmem:s0+$0x1A0];
	[tilespmem:v25+s20+$0x0] =	vst.idx.msk $0xffff, v24  }
0x64b: {  	v57 =	vshrl.u32 v19, $0x3;
	v2 =	vadd.s32 v11, v53;
	v11 =	vshrl.u32 v10, $0x3;
	v10 =	vld [tilespmem:s0+$0xFFFFFE20];
	[tilespmem:v23+s20+$0x0] =	vst.idx.msk $0xffff, v22  }
0x64c: {  	p0 =	slt.u32 s1, $0x70;
	s9 =	sadd.s32 $0x9, s1;
	v13 =	vadd.s32 v13, v49;
	v56 =	vshrl.u32 v16, $0x3;
	v16 =	vadd.s32 v33, v60;
	v60 =	vld [tilespmem:s0+$0xB0];
	[tilespmem:v9+s20+$0x0] =	vst.idx.msk $0xffff, v8  }
0x64d: {  	s31 =	sadd.s32 $0x7, s1;
	s17 =	sadd.s32 $0xC, s1;
	s10 =	sadd.s32 $0xA, s1;
	v54 =	vshrl.u32 v18, $0x3;
	v61 =	vmov s9;
	v8 =	vld [tilespmem:s0+$0xFFFFFEB0];
	v9 =	vadd.s32 v37, v62;
	[tilespmem:v5+s20+$0x0] =	vst.idx.msk $0xffff, v4  }
.Ltmp9:
0x64e: {  	s8 =	sadd.s32 $0x8, s1;
	s11 =	sadd.s32 $0xB, s1;
	v15 =	vadd.s32 v29, v59;
	v59 =	vld [tilespmem:s0+$0x70];
	v62 =	vmov s10;
	v5 =	vmov s31;
	[tilespmem:v6+s20+$0x0] =	vst.idx.msk $0xffff, v3;
	(pc) =	sbr.rel @p0 .LBB2_20-.Ltmp9, $4  }
0x64f: {  	v4 =	vmov s17;
	v6 =	vmov s8;
	v3 =	vmov s11;
	[tilespmem:v7+s20+$0x0] =	vst.idx.msk $0xffff, v0  }
0x650: {  	s30 =	sadd.s32 $0xD, s1;
	s31 =	sadd.s32 $0xE, s1;
	v0 =	vadd.s32 v27, v55;
	v7 =	vshll.u32 v11, v17;
	v11 =	vld [tilespmem:s0+$0xFFFFFFF0];
	v55 =	vshrl.u32 v20, $0x3;
	[tilespmem:v2+s20+$0x0] =	vst.idx.msk $0xffff, v1  }
0x651: {  	[tilespmem:v13+s20+$0x0] =	vst.idx.msk $0xffff, v10;
	v1 =	vmov s30;
	v10 =	vld [tilespmem:s0+$0xFFFFFFB0];
	v2 =	vmov s31;
	v13 =	vadd.s32 v26, v58  }
0x652: {  	s5 =	sadd.s32 $0xF, s1;
	s1 =	sadd.s32 $0x10, s1;
	v58 =	vadd.s32 v37, v63;
	[tilespmem:v9+s20+$0x0] =	vst.idx.msk $0xffff, v8;
	v9 =	vshrl.u32 v12, $0x3;
	v8 =	vshrl.u32 v14, $0x3;
	v12 =	vld [tilespmem:s0+$0x30]  }
0x653: {  	_ =	sdelay $0x3  }
0x654: {  	[tilespmem:v0+s20+$0x0] =	vst.idx.msk $0xffff, v10;
	v0 =	vld [tilespmem:s0+$0xF0];
	v10 =	vadd.s32 v41, v50  }
0x655: {  	[tilespmem:v16+s20+$0x0] =	vst.idx.msk $0xffff, v59  }
0x656: {  	[tilespmem:v58+s20+$0x0] =	vst.idx.msk $0xffff, v60  }
0x657: {  	[tilespmem:v13+s20+$0x0] =	vst.idx.msk $0xffff, v11  }
0x658: {  	[tilespmem:v15+s20+$0x0] =	vst.idx.msk $0xffff, v12  }
0x659: {  	v14 =	vmov s5;
	v11 =	vld [tilespmem:s0+$0x130];
	[tilespmem:v10+s20+$0x0] =	vst.idx.msk $0xffff, v0  }
0x65a: {  	v63 =	vadd.s32 v45, v51;
	v14 =	vshrl.u32 v14, $0x3;
	v26 =	vld [tilespmem:$0x1FFF0]  }
0x65b: {  	v14 =	vshll.u32 v14, v17;
	v12 =	vld [tilespmem:s0+$0x170];
	v15 =	vadd.s32 v47, v52  }
0x65c: {  	v16 =	vld [tilespmem:s0+$0x1B0];
	v20 =	vadd.s32 v27, v53;
	v14 =	vbroadcast v14, $0x0  }
0x65d: {  	v53 =	vshll.u32 v9, v17;
	v9 =	vld [tilespmem:s0+$0xFFFFFE30];
	v21 =	vadd.s32 v29, v49;
	s10 =	sadd.s32 $0x400, s0;
	v50 =	vbroadcast v7, $0x0  }
0x65e: {  	v59 =	vshll.u32 v8, v17;
	v8 =	vld [tilespmem:s10+$0x1C0];
	v22 =	vadd.s32 v44, v14  }
0x65f: {  	v0 =	vld [tilespmem:s10+$0xFFFFFE00];
	[tilespmem:v63+s20+$0x0] =	vst.idx.msk $0xffff, v11;
	v60 =	vadd.s32 v26, v50  }
0x660: {  	[tilespmem:v15+s20+$0x0] =	vst.idx.msk $0xffff, v12  }
0x661: {  	v49 =	vbroadcast v53, $0x0;
	[tilespmem:v20+s20+$0x0] =	vst.idx.msk $0xffff, v16  }
0x662: {  	v51 =	vbroadcast v59, $0x0;
	[tilespmem:v21+s20+$0x0] =	vst.idx.msk $0xffff, v9  }
0x663: {  	v19 =	vshrl.u32 v62, $0x3;
	v62 =	vld [tilespmem:s10+$0xFFFFFE40];
	v63 =	vadd.s32 v30, v49;
	[tilespmem:v22+s20+$0x0] =	vst.idx.msk $0xffff, v8  }
0x664: {  	v18 =	vshrl.u32 v61, $0x3;
	v61 =	vshll.u32 v56, v17;
	v58 =	vld [tilespmem:s10+$0xFFFFFE80];
	v15 =	vadd.s32 v34, v51;
	[tilespmem:v60+s20+$0x0] =	vst.idx.msk $0xffff, v0  }
0x665: {  	v56 =	vshll.u32 v54, v17;
	v52 =	vbroadcast v61, $0x0;
	v24 =	vld [tilespmem:$0x1FFB0]  }
0x666: {  	v53 =	vbroadcast v56, $0x0;
	v7 =	vshrl.u32 v3, $0x3;
	v3 =	vshll.u32 v57, v17;
	v10 =	vld [tilespmem:s10+$0xFFFFFF40]  }
0x667: {  	v3 =	vbroadcast v3, $0x0;
	v16 =	vld [tilespmem:s10+$0xFFFFFEC0];
	v20 =	vadd.s32 v38, v52  }
0x668: {  	v5 =	vshrl.u32 v5, $0x3;
	v9 =	vld [tilespmem:s10+$0xFFFFFF00];
	v21 =	vadd.s32 v42, v53;
	[tilespmem:v63+s20+$0x0] =	vst.idx.msk $0xffff, v62  }
0x669: {  	v0 =	vshll.u32 v5, v17;
	v5 =	vld [tilespmem:s10+$0x1D0];
	v60 =	vadd.s32 v46, v3;
	[tilespmem:v15+s20+$0x0] =	vst.idx.msk $0xffff, v58  }
0x66a: {  	v25 =	vld [tilespmem:$0x1FF80];
	v8 =	vadd.s32 v24, v14;
	_ =	sdelay $0x1  }
0x66b: {  	v59 =	vshll.u32 v55, v17;
	[tilespmem:v20+s20+$0x0] =	vst.idx.msk $0xffff, v16  }
0x66c: {  	v23 =	vshrl.u32 v4, $0x3;
	v4 =	vbroadcast v59, $0x0;
	[tilespmem:v21+s20+$0x0] =	vst.idx.msk $0xffff, v9  }
0x66d: {  	v6 =	vshrl.u32 v6, $0x3;
	v54 =	vbroadcast v0, $0x0;
	[tilespmem:v60+s20+$0x0] =	vst.idx.msk $0xffff, v10  }
0x66e: {  	v61 =	vld [tilespmem:s10+$0xFFFFFF80];
	v0 =	vshll.u32 v6, v17;
	v62 =	vadd.s32 v25, v4;
	[tilespmem:v8+s20+$0x0] =	vst.idx.msk $0xffff, v5  }
0x66f: {  	v55 =	vbroadcast v0, $0x0;
	v0 =	vshll.u32 v18, v17;
	v15 =	vadd.s32 v44, v54;
	v21 =	vld [tilespmem:$0x1FFC0]  }
0x670: {  	v63 =	vld [tilespmem:s10+$0xFFFFFFC0];
	v56 =	vbroadcast v0, $0x0;
	v0 =	vshrl.u32 v1, $0x3;
	v1 =	vshll.u32 v19, v17  }
0x671: {  	v9 =	vld [tilespmem:s10+$0x0];
	v16 =	vadd.s32 v26, v55;
	v1 =	vbroadcast v1, $0x0  }
0x672: {  	v19 =	vld [tilespmem:s10+$0x40];
	v20 =	vadd.s32 v30, v56  }
0x673: {  	v60 =	vld [tilespmem:s10+$0x80];
	[tilespmem:v62+s20+$0x0] =	vst.idx.msk $0xffff, v61;
	v61 =	vadd.s32 v34, v1  }
0x674: {  	v18 =	vshrl.u32 v2, $0x3;
	v2 =	vshll.u32 v7, v17;
	v7 =	vld [tilespmem:s10+$0x1E0];
	v8 =	vadd.s32 v21, v14  }
0x675: {  	[tilespmem:v15+s20+$0x0] =	vst.idx.msk $0xffff, v63  }
0x676: {  	[tilespmem:v16+s20+$0x0] =	vst.idx.msk $0xffff, v9  }
0x677: {  	v59 =	vshll.u32 v23, v17;
	v2 =	vbroadcast v2, $0x0;
	[tilespmem:v20+s20+$0x0] =	vst.idx.msk $0xffff, v19  }
0x678: {  	v57 =	vbroadcast v59, $0x0;
	v0 =	vshll.u32 v0, v17;
	v62 =	vld [tilespmem:s10+$0xC0];
	[tilespmem:v61+s20+$0x0] =	vst.idx.msk $0xffff, v60  }
0x679: {  	v58 =	vbroadcast v0, $0x0;
	v0 =	vshll.u32 v18, v17;
	v63 =	vadd.s32 v38, v2;
	v34 =	vld [tilespmem:s10+$0x100];
	[tilespmem:v8+s20+$0x0] =	vst.idx.msk $0xffff, v7  }
0x67a: {  	v59 =	vbroadcast v0, $0x0;
	v38 =	vadd.s32 v42, v57;
	v18 =	vld [tilespmem:$0x1FFD0]  }
0x67b: {  	v0 =	vld [tilespmem:s10+$0x140];
	v42 =	vadd.s32 v46, v58  }
0x67c: {  	v15 =	vld [tilespmem:s10+$0x180];
	v16 =	vadd.s32 v25, v59;
	_ =	sdelay $0x1  }
0x67d: {  	v46 =	vld [tilespmem:s10+$0xFFFFFE50];
	v60 =	vadd.s32 v31, v49;
	[tilespmem:v63+s20+$0x0] =	vst.idx.msk $0xffff, v62  }
0x67e: {  	v6 =	vld [tilespmem:s10+$0x1F0];
	[tilespmem:v38+s20+$0x0] =	vst.idx.msk $0xffff, v34;
	v7 =	vadd.s32 v18, v14  }
0x67f: {  	v61 =	vld [tilespmem:s10+$0xFFFFFE90];
	[tilespmem:v42+s20+$0x0] =	vst.idx.msk $0xffff, v0  }
0x680: {  	v62 =	vadd.s32 v35, v51;
	v63 =	vld [tilespmem:s10+$0xFFFFFED0];
	[tilespmem:v16+s20+$0x0] =	vst.idx.msk $0xffff, v15  }
0x681: {  	v34 =	vadd.s32 v39, v52;
	v20 =	vld [tilespmem:$0x1FF50]  }
0x682: {  	[tilespmem:v60+s20+$0x0] =	vst.idx.msk $0xffff, v46  }
0x683: {  	v0 =	vld [tilespmem:s10+$0xFFFFFF10];
	v38 =	vadd.s32 v28, v53;
	[tilespmem:v7+s20+$0x0] =	vst.idx.msk $0xffff, v6  }
0x684: {  	v16 =	vld [tilespmem:$0x1FF90]  }
0x685: {  	v5 =	vld [tilespmem:s10+$0xFFFFFFD0];
	[tilespmem:v62+s20+$0x0] =	vst.idx.msk $0xffff, v61  }
0x686: {  	v42 =	vld [tilespmem:s10+$0xFFFFFF50];
	v15 =	vadd.s32 v20, v3;
	[tilespmem:v34+s20+$0x0] =	vst.idx.msk $0xffff, v63  }
0x687: {  	v8 =	vadd.s32 v24, v54;
	v62 =	vld [tilespmem:$0x1FE60]  }
0x688: {  	v34 =	vadd.s32 v31, v56;
	[tilespmem:v38+s20+$0x0] =	vst.idx.msk $0xffff, v0;
	v0 =	vld [tilespmem:s10+$0x50]  }
0x689: {  	v6 =	vld [tilespmem:s10+$0xFFFFFF90];
	v46 =	vadd.s32 v16, v4  }
0x68a: {  	v61 =	vld [tilespmem:s10+$0x110];
	v63 =	vadd.s32 v28, v57  }
0x68b: {  	[tilespmem:v15+s20+$0x0] =	vst.idx.msk $0xffff, v42;
	v38 =	vld [tilespmem:s10+$0x90];
	v42 =	vadd.s32 v35, v1  }
0x68c: {  	v9 =	vld [tilespmem:s10+$0x10];
	[tilespmem:v8+s20+$0x0] =	vst.idx.msk $0xffff, v5;
	v10 =	vadd.s32 v62, v55  }
0x68d: {  	v11 =	vadd.s32 v16, v59;
	[tilespmem:v34+s20+$0x0] =	vst.idx.msk $0xffff, v0;
	v0 =	vld [tilespmem:s10+$0x190]  }
0x68e: {  	v60 =	vadd.s32 v39, v2;
	[tilespmem:v46+s20+$0x0] =	vst.idx.msk $0xffff, v6;
	v46 =	vld [tilespmem:s10+$0xD0]  }
0x68f: {  	[tilespmem:v63+s20+$0x0] =	vst.idx.msk $0xffff, v61;
	v34 =	vld [tilespmem:s10+$0xFFFFFE10];
	v15 =	vadd.s32 v62, v50  }
0x690: {  	[tilespmem:v42+s20+$0x0] =	vst.idx.msk $0xffff, v38;
	v38 =	vld [tilespmem:s10+$0xFFFFFE60];
	v42 =	vadd.s32 v32, v49  }
0x691: {  	[tilespmem:v10+s20+$0x0] =	vst.idx.msk $0xffff, v9;
	v9 =	vld [tilespmem:s10+$0x150];
	v10 =	vadd.s32 v20, v58  }
0x692: {  	v61 =	vld [tilespmem:s10+$0xFFFFFEE0];
	v63 =	vadd.s32 v40, v52;
	[tilespmem:v11+s20+$0x0] =	vst.idx.msk $0xffff, v0  }
0x693: {  	[tilespmem:v60+s20+$0x0] =	vst.idx.msk $0xffff, v46;
	v46 =	vld [tilespmem:s10+$0xFFFFFEA0];
	v60 =	vadd.s32 v36, v51  }
0x694: {  	[tilespmem:v15+s20+$0x0] =	vst.idx.msk $0xffff, v34  }
0x695: {  	[tilespmem:v42+s20+$0x0] =	vst.idx.msk $0xffff, v38  }
0x696: {  	v0 =	vld [tilespmem:s10+$0xFFFFFF60];
	v34 =	vadd.s32 v48, v3;
	[tilespmem:v10+s20+$0x0] =	vst.idx.msk $0xffff, v9  }
0x697: {  	v19 =	vld [tilespmem:$0x1FFA0];
	[tilespmem:v63+s20+$0x0] =	vst.idx.msk $0xffff, v61  }
0x698: {  	v9 =	vld [tilespmem:s10+$0xFFFFFF20];
	[tilespmem:v60+s20+$0x0] =	vst.idx.msk $0xffff, v46  }
0x699: {  	v10 =	vadd.s32 v43, v53;
	v63 =	vld [tilespmem:$0x1FE70]  }
0x69a: {  	v32 =	vadd.s32 v32, v56;
	v61 =	vld [tilespmem:s10+$0x60]  }
0x69b: {  	[tilespmem:v34+s20+$0x0] =	vst.idx.msk $0xffff, v0;
	v0 =	vld [tilespmem:s10+$0xA0];
	v34 =	vadd.s32 v36, v1  }
0x69c: {  	v6 =	vld [tilespmem:s10+$0xFFFFFFE0];
	v42 =	vadd.s32 v21, v54  }
0x69d: {  	v12 =	vld [tilespmem:s10+$0xFFFFFFA0];
	v38 =	vadd.s32 v19, v4  }
0x69e: {  	v46 =	vld [tilespmem:s10+$0x20];
	[tilespmem:v10+s20+$0x0] =	vst.idx.msk $0xffff, v9;
	v60 =	vadd.s32 v63, v55  }
0x69f: {  	v14 =	vld [tilespmem:s10+$0xFFFFFE20];
	[tilespmem:v32+s20+$0x0] =	vst.idx.msk $0xffff, v61;
	v15 =	vadd.s32 v63, v50  }
0x6a0: {  	v61 =	vadd.s32 v33, v49;
	[tilespmem:v34+s20+$0x0] =	vst.idx.msk $0xffff, v0;
	v0 =	vld [tilespmem:s10+$0xFFFFFE70]  }
0x6a1: {  	[tilespmem:v42+s20+$0x0] =	vst.idx.msk $0xffff, v6;
	v32 =	vld [tilespmem:s10+$0xFFFFFEB0];
	v34 =	vadd.s32 v37, v51  }
0x6a2: {  	v36 =	vld [tilespmem:s10+$0xE0];
	[tilespmem:v38+s20+$0x0] =	vst.idx.msk $0xffff, v12;
	v38 =	vadd.s32 v40, v2  }
0x6a3: {  	v42 =	vadd.s32 v43, v57;
	v40 =	vld [tilespmem:s10+$0x120];
	[tilespmem:v60+s20+$0x0] =	vst.idx.msk $0xffff, v46  }
0x6a4: {  	v43 =	vld [tilespmem:s10+$0x160];
	v46 =	vadd.s32 v48, v58;
	[tilespmem:v15+s20+$0x0] =	vst.idx.msk $0xffff, v14  }
0x6a5: {  	v48 =	vld [tilespmem:s10+$0x1A0];
	v60 =	vadd.s32 v19, v59;
	[tilespmem:v61+s20+$0x0] =	vst.idx.msk $0xffff, v0  }
0x6a6: {  	v4 =	vadd.s32 v27, v4;
	v0 =	vld [tilespmem:s10+$0xFFFFFFB0];
	[tilespmem:v34+s20+$0x0] =	vst.idx.msk $0xffff, v32  }
0x6a7: {  	[tilespmem:v38+s20+$0x0] =	vst.idx.msk $0xffff, v36;
	v36 =	vld [tilespmem:s10+$0xFFFFFEF0];
	v38 =	vadd.s32 v41, v52  }
0x6a8: {  	[tilespmem:v42+s20+$0x0] =	vst.idx.msk $0xffff, v40;
	v40 =	vld [tilespmem:s10+$0xFFFFFF30];
	v42 =	vadd.s32 v45, v53  }
0x6a9: {  	v51 =	vadd.s32 v29, v55;
	v49 =	vld [tilespmem:s10+$0x30];
	[tilespmem:v46+s20+$0x0] =	vst.idx.msk $0xffff, v43  }
0x6aa: {  	v52 =	vld [tilespmem:s10+$0x70];
	v53 =	vadd.s32 v33, v56;
	[tilespmem:v60+s20+$0x0] =	vst.idx.msk $0xffff, v48  }
0x6ab: {  	v3 =	vadd.s32 v47, v3;
	v43 =	vld [tilespmem:s10+$0xFFFFFF70];
	[tilespmem:v4+s20+$0x0] =	vst.idx.msk $0xffff, v0  }
0x6ac: {  	v46 =	vld [tilespmem:s10+$0xFFFFFFF0];
	v48 =	vadd.s32 v18, v54;
	[tilespmem:v38+s20+$0x0] =	vst.idx.msk $0xffff, v36  }
0x6ad: {  	v2 =	vadd.s32 v41, v2;
	v0 =	vld [tilespmem:s10+$0xF0];
	[tilespmem:v42+s20+$0x0] =	vst.idx.msk $0xffff, v40  }
0x6ae: {  	v55 =	vadd.s32 v45, v57;
	v54 =	vld [tilespmem:s10+$0x130];
	[tilespmem:v51+s20+$0x0] =	vst.idx.msk $0xffff, v49  }
0x6af: {  	v61 =	vadd.s32 v29, v50;
	v60 =	vld [tilespmem:s10+$0xFFFFFE30];
	[tilespmem:v53+s20+$0x0] =	vst.idx.msk $0xffff, v52  }
0x6b0: {  	v57 =	vadd.s32 v47, v58;
	v56 =	vld [tilespmem:s10+$0x170];
	[tilespmem:v3+s20+$0x0] =	vst.idx.msk $0xffff, v43  }
0x6b1: {  	v59 =	vadd.s32 v27, v59;
	v58 =	vld [tilespmem:s10+$0x1B0];
	[tilespmem:v48+s20+$0x0] =	vst.idx.msk $0xffff, v46  }
0x6b2: {  	v1 =	vadd.s32 v37, v1;
	v3 =	vld [tilespmem:s10+$0xB0];
	[tilespmem:v2+s20+$0x0] =	vst.idx.msk $0xffff, v0  }
0x6b3: {  	[tilespmem:v55+s20+$0x0] =	vst.idx.msk $0xffff, v54  }
0x6b4: {  	[tilespmem:v61+s20+$0x0] =	vst.idx.msk $0xffff, v60  }
0x6b5: {  	[tilespmem:v57+s20+$0x0] =	vst.idx.msk $0xffff, v56  }
0x6b6: {  	[tilespmem:v59+s20+$0x0] =	vst.idx.msk $0xffff, v58  }
0x6b7: {  	[tilespmem:v1+s20+$0x0] =	vst.idx.msk $0xffff, v3  }
0x6b8: {  	s11 =	simm.s32 $0x9B00;
	s10 =	rddreg [dreg:$0x4]  }
0x6b9: {  	[hbm4b:s10+s3] =	stream.linear.scatter [tilespmem:s11], [sflag:$0x5], $0x80, $0x38;
	[tilespmem:$0xDF00] =	vst v63  }
0x6ba: {  	s17 =	simm.s32 $0x9B88;
	s1 =	sadd.s32 $0x10, s10  }
0x6bb: {  	[hbm4b:s1+s3] =	stream.linear.scatter [tilespmem:s17], [sflag:$0x5], $0x80, $0x38;
	[tilespmem:$0xDF00] =	vst v63  }
0x6bc: {  	s30 =	simm.s32 $0x9C10;
	s8 =	simm.s32 $0x9D20;
	s31 =	sadd.s32 $0x20, s10  }
0x6bd: {  	[hbm4b:s31+s3] =	stream.linear.scatter [tilespmem:s30], [sflag:$0x5], $0x80, $0x38;
	[tilespmem:$0xDF00] =	vst v63  }
0x6be: {  	s0 =	simm.s32 $0x440;
	s5 =	sadd.s32 $0x30, s10;
	s1 =	simm.s32 $0x9C98  }
0x6bf: {  	v37 =	vmov v45;
	v45 =	vld [tilespmem:$0x1FE90];
	[hbm4b:s5+s3] =	stream.linear.scatter [tilespmem:s1], [sflag:$0x5], $0x80, $0x38  }
0x6c0: {  	v48 =	vld [tilespmem:$0x1FE00];
	s9 =	sadd.s32 $0x40, s10;
	s11 =	simm.s32 $0x9DA8;
	s17 =	sadd.s32 $0x50, s10  }
0x6c1: {  	v0 =	vmov v31;
	v31 =	vld [tilespmem:$0x1FEB0];
	[hbm4b:s9+s3] =	stream.linear.scatter [tilespmem:s8], [sflag:$0x5], $0x80, $0x38  }
0x6c2: {  	v25 =	vmov v26;
	v26 =	vld [tilespmem:$0x1FE20];
	s30 =	simm.s32 $0x9E30;
	s31 =	sadd.s32 $0x60, s10;
	s5 =	simm.s32 $0x2200  }
0x6c3: {  	v32 =	vld [tilespmem:$0x1FF20];
	[hbm4b:s17+s3] =	stream.linear.scatter [tilespmem:s11], [sflag:$0x5], $0x80, $0x38  }
0x6c4: {  	v22 =	vmov v44;
	v33 =	vmov v39;
	v30 =	vld [tilespmem:$0x1FF40];
	s1 =	sadd.s32 $0x1000, s10;
	s8 =	simm.s32 $0x9EB8;
	s9 =	sadd.s32 $0x70, s10  }
0x6c5: {  	v39 =	vmovc v20;
	v41 =	vmovc v47;
	v36 =	vmov v16;
	v40 =	vmov v19;
	v2 =	vmov v35;
	v38 =	vld [tilespmem:$0x1FF60];
	[hbm4b:s31+s3] =	stream.linear.scatter [tilespmem:s30], [sflag:$0x5], $0x80, $0x38  }
.LBB2_22:
0x6c6: {  	[hbm4b:s9+s3] =	stream.linear.scatter [tilespmem:s8], [sflag:$0x5], $0x80, $0x38;
	[tilespmem:$0xDF00] =	vst v63  }
0x6c7: {  	s8 =	smov.u32 s0;
	s0 =	smov.u32 s5  }
0x6c8: {  	s10 =	sadd.s32 $0x1100, s5;
	s0 =	sshra.s32 s0, $0x2;
	s9 =	sadd.s32 $0x9B00, s8  }
0x6c9: {  	[hbm4b:s1+s3] =	stream.linear.scatter [tilespmem:s9], [sflag:$0x5], $0x80, $0x38;
	[tilespmem:$0xDF00] =	vst v63  }
0x6ca: {  	p0 =	sne.s32 s5, $0x7700;
	s5 =	sadd.s32 $0x9B88, s8;
	s9 =	sadd.s32 $0x10, s1  }
0x6cb: {  	[hbm4b:s9+s3] =	stream.linear.scatter [tilespmem:s5], [sflag:$0x5], $0x80, $0x38;
	[tilespmem:$0xDF00] =	vst v63  }
0x6cc: {  	s5 =	sadd.s32 $0x9C10, s8;
	s9 =	sadd.s32 $0x20, s1  }
0x6cd: {  	[hbm4b:s9+s3] =	stream.linear.scatter [tilespmem:s5], [sflag:$0x5], $0x80, $0x38;
	[tilespmem:$0xDF00] =	vst v63  }
0x6ce: {  	s5 =	sadd.s32 $0x9C98, s8;
	s9 =	sadd.s32 $0x30, s1  }
0x6cf: {  	[hbm4b:s9+s3] =	stream.linear.scatter [tilespmem:s5], [sflag:$0x5], $0x80, $0x38;
	[tilespmem:$0xDF00] =	vst v63  }
0x6d0: {  	s5 =	sadd.s32 $0x9D20, s8;
	s9 =	sadd.s32 $0x40, s1  }
0x6d1: {  	[hbm4b:s9+s3] =	stream.linear.scatter [tilespmem:s5], [sflag:$0x5], $0x80, $0x38;
	[tilespmem:$0xDF00] =	vst v63  }
.Ltmp10:
0x6d2: {  	s5 =	sadd.s32 $0x9DA8, s8;
	s9 =	sadd.s32 $0x50, s1;
	(pc) =	sbr.rel @p0 .LBB2_22-.Ltmp10, $4  }
0x6d3: {  	[hbm4b:s9+s3] =	stream.linear.scatter [tilespmem:s5], [sflag:$0x5], $0x80, $0x38;
	[tilespmem:$0xDF00] =	vst v63  }
0x6d4: {  	s5 =	sadd.s32 $0x9E30, s8;
	s9 =	sadd.s32 $0x60, s1;
	s8 =	sadd.s32 $0x9EB8, s8  }
0x6d5: {  	[hbm4b:s9+s3] =	stream.linear.scatter [tilespmem:s5], [sflag:$0x5], $0x80, $0x38;
	[tilespmem:$0xDF00] =	vst v63  }
0x6d6: {  	s9 =	sadd.s32 $0x70, s1;
	s1 =	sadd.s32 $0x1000, s1;
	s5 =	smov.u32 s10  }
0x6d7: {  	[hbm4b:s9+s3] =	stream.linear.scatter [tilespmem:s8], [sflag:$0x5], $0x80, $0x38;
	[tilespmem:$0xDF00] =	vst v63  }
0x6d8: {  	s5 =	sadd.s32 $0x9B00, s0  }
0x6d9: {  	[hbm4b:s1+s3] =	stream.linear.scatter [tilespmem:s5], [sflag:$0x5], $0x80, $0x38;
	[tilespmem:$0xDF00] =	vst v63  }
0x6da: {  	s11 =	sadd.s32 $0x9B88, s0;
	s17 =	sadd.s32 $0x10, s1  }
0x6db: {  	[hbm4b:s17+s3] =	stream.linear.scatter [tilespmem:s11], [sflag:$0x5], $0x80, $0x38;
	[tilespmem:$0xDF00] =	vst v63  }
0x6dc: {  	s30 =	sadd.s32 $0x9C10, s0;
	s31 =	sadd.s32 $0x20, s1  }
0x6dd: {  	[hbm4b:s31+s3] =	stream.linear.scatter [tilespmem:s30], [sflag:$0x5], $0x80, $0x38;
	[tilespmem:$0xDF00] =	vst v63  }
0x6de: {  	s9 =	sadd.s32 $0x9C98, s0;
	s10 =	sadd.s32 $0x30, s1  }
0x6df: {  	[hbm4b:s10+s3] =	stream.linear.scatter [tilespmem:s9], [sflag:$0x5], $0x80, $0x38;
	[tilespmem:$0xDF00] =	vst v63  }
0x6e0: {  	s11 =	sadd.s32 $0x9D20, s0;
	s17 =	sadd.s32 $0x40, s1  }
0x6e1: {  	[hbm4b:s17+s3] =	stream.linear.scatter [tilespmem:s11], [sflag:$0x5], $0x80, $0x38;
	[tilespmem:$0xDF00] =	vst v63  }
0x6e2: {  	s30 =	sadd.s32 $0x9DA8, s0;
	s31 =	sadd.s32 $0x50, s1  }
0x6e3: {  	[hbm4b:s31+s3] =	stream.linear.scatter [tilespmem:s30], [sflag:$0x5], $0x80, $0x38;
	[tilespmem:$0xDF00] =	vst v63  }
0x6e4: {  	s8 =	sadd.s32 $0x9E30, s0;
	s9 =	sadd.s32 $0x60, s1;
	s31 =	simm.s32 $0x2  }
0x6e5: {  	[hbm4b:s9+s3] =	stream.linear.scatter [tilespmem:s8], [sflag:$0x5], $0x80, $0x38;
	[tilespmem:$0xDF00] =	vst v63  }
0x6e6: {  	v29 =	vmov v2;
	s10 =	sadd.s32 $0x9EB8, s0;
	s11 =	sadd.s32 $0x70, s1;
	v2 =	vmov s31;
	s31 =	simm.s32 $0x8  }
0x6e7: {  	[hbm4b:s11+s3] =	stream.linear.scatter [tilespmem:s10], [sflag:$0x5], $0x80, $0x38;
	[tilespmem:$0xDF00] =	vst v63  }
0x6e8: {  	v8 =	vmov s31;
	s31 =	simm.s32 $0xF;
	_ =	swait.ge [sflag:s23], $0x2000  }
0x6e9: {  	s17 =	simm.s32 $0x0;
	v15 =	vmov s31;
	[sflag:s23] =	ssyncset.done $0x0  }
0x6ea: {  	v43 =	vmov v0;
	v0 =	vmov s17;
	s30 =	simm.s32 $0x1;
	v15 =	vshrl.u32 v15, $0x3;
	[sflag:s23] =	ssyncadd.s32 $0xFFFFE000  }
0x6eb: {  	v0 =	vshrl.u32 v0, $0x3;
	v1 =	vmov s30;
	v15 =	vshll.u32 v15, v17;
	_ =	swait.ge [sflag:s29], $0x2000  }
0x6ec: {  	v0 =	vshll.u32 v0, v17;
	v1 =	vshrl.u32 v1, $0x3;
	v15 =	vbroadcast v15, $0x0;
	[sflag:s29] =	ssyncset.done $0x0  }
0x6ed: {  	s0 =	simm.s32 $0x3D00;
	v2 =	vshrl.u32 v2, $0x3;
	v49 =	vbroadcast v0, $0x0;
	v0 =	vshll.u32 v1, v17;
	[sflag:s29] =	ssyncadd.s32 $0xFFFFE000  }
0x6ee: {  	v61 =	vbroadcast v0, $0x0;
	v0 =	vshll.u32 v2, v17;
	v16 =	vadd.s32 v22, v15;
	v2 =	vld [tilespmem:s0+$0x1C0]  }
0x6ef: {  	s9 =	simm.s32 $0x3;
	v19 =	vadd.s32 v25, v49;
	v18 =	vld [tilespmem:s0+$0xFFFFFE00]  }
0x6f0: {  	v3 =	vmov s9  }
0x6f1: {  	s10 =	simm.s32 $0x4;
	s11 =	simm.s32 $0x5;
	v3 =	vshrl.u32 v3, $0x3  }
0x6f2: {  	v4 =	vmov s10;
	v5 =	vmov s11;
	v60 =	vbroadcast v0, $0x0;
	v34 =	vld [tilespmem:$0x1FF00]  }
0x6f3: {  	v0 =	vshll.u32 v3, v17;
	v4 =	vshrl.u32 v4, $0x3;
	v20 =	vadd.s32 v45, v61;
	v3 =	vld [tilespmem:s0+$0xFFFFFE40];
	[tilespmem:v16+s24+$0x0] =	vst.idx.msk $0xffff, v2  }
0x6f4: {  	s17 =	simm.s32 $0x6;
	s10 =	simm.s32 $0xB;
	v59 =	vbroadcast v0, $0x0;
	v0 =	vshll.u32 v4, v17;
	v21 =	vadd.s32 v31, v60;
	v4 =	vld [tilespmem:s0+$0xFFFFFE80];
	[tilespmem:v19+s24+$0x0] =	vst.idx.msk $0xffff, v18  }
0x6f5: {  	v6 =	vmov s17;
	v11 =	vmov s10;
	v5 =	vshrl.u32 v5, $0x3;
	v35 =	vld [tilespmem:$0x1FFB0]  }
0x6f6: {  	v5 =	vshll.u32 v5, v17;
	v1 =	vbroadcast v0, $0x0;
	v0 =	vshrl.u32 v11, $0x3;
	v11 =	vld [tilespmem:s0+$0xFFFFFEC0]  }
0x6f7: {  	s30 =	simm.s32 $0x7;
	v6 =	vshrl.u32 v6, $0x3;
	v42 =	vadd.s32 v26, v59;
	v47 =	vbroadcast v5, $0x0;
	v23 =	vld [tilespmem:s0+$0xFFFFFF00]  }
0x6f8: {  	v7 =	vmov s30;
	v5 =	vshll.u32 v6, v17;
	v24 =	vadd.s32 v34, v1;
	v6 =	vld [tilespmem:s0+$0x1D0];
	[tilespmem:v20+s24+$0x0] =	vst.idx.msk $0xffff, v3  }
0x6f9: {  	v7 =	vshrl.u32 v7, $0x3;
	v16 =	vadd.s32 v30, v47;
	v3 =	vld [tilespmem:s0+$0xFFFFFF40];
	[tilespmem:v21+s24+$0x0] =	vst.idx.msk $0xffff, v4  }
0x6fa: {  	v2 =	vbroadcast v5, $0x0;
	v5 =	vshll.u32 v7, v17;
	v21 =	vld [tilespmem:$0x1FF80];
	v7 =	vadd.s32 v35, v15  }
0x6fb: {  	s5 =	simm.s32 $0x9  }
0x6fc: {  	v9 =	vmov s5;
	[tilespmem:v42+s24+$0x0] =	vst.idx.msk $0xffff, v11  }
0x6fd: {  	v9 =	vshrl.u32 v9, $0x3;
	s17 =	simm.s32 $0xD;
	s9 =	simm.s32 $0xA;
	[tilespmem:v24+s24+$0x0] =	vst.idx.msk $0xffff, v23  }
0x6fe: {  	v13 =	vmov s17;
	v8 =	vshrl.u32 v8, $0x3;
	v10 =	vmov s9;
	[tilespmem:v16+s24+$0x0] =	vst.idx.msk $0xffff, v3  }
0x6ff: {  	v55 =	vbroadcast v5, $0x0;
	v5 =	vshll.u32 v8, v17;
	v4 =	vld [tilespmem:s0+$0xFFFFFF80];
	v8 =	vadd.s32 v21, v2;
	[tilespmem:v7+s24+$0x0] =	vst.idx.msk $0xffff, v6  }
0x700: {  	v27 =	vmovc v22;
	v10 =	vshrl.u32 v10, $0x3;
	v56 =	vbroadcast v5, $0x0;
	v5 =	vshll.u32 v9, v17;
	v16 =	vld [tilespmem:$0x1FFC0]  }
0x701: {  	v10 =	vshll.u32 v10, v17;
	v9 =	vld [tilespmem:s0+$0xFFFFFFC0];
	v11 =	vadd.s32 v27, v55;
	v57 =	vbroadcast v5, $0x0  }
0x702: {  	v58 =	vbroadcast v10, $0x0;
	v5 =	vshrl.u32 v13, $0x3;
	v13 =	vld [tilespmem:s0+$0x0];
	v18 =	vadd.s32 v25, v56  }
0x703: {  	v19 =	vld [tilespmem:s0+$0x40];
	v46 =	vadd.s32 v45, v57  }
0x704: {  	v7 =	vadd.s32 v31, v58;
	[tilespmem:v8+s24+$0x0] =	vst.idx.msk $0xffff, v4;
	v4 =	vld [tilespmem:s0+$0x80]  }
0x705: {  	v3 =	vld [tilespmem:s0+$0x1E0];
	v6 =	vadd.s32 v16, v15  }
0x706: {  	s11 =	simm.s32 $0xC;
	[tilespmem:v11+s24+$0x0] =	vst.idx.msk $0xffff, v9  }
0x707: {  	v12 =	vmov s11;
	[tilespmem:v18+s24+$0x0] =	vst.idx.msk $0xffff, v13  }
0x708: {  	s30 =	simm.s32 $0xE;
	v12 =	vshrl.u32 v12, $0x3;
	v0 =	vshll.u32 v0, v17;
	[tilespmem:v46+s24+$0x0] =	vst.idx.msk $0xffff, v19  }
0x709: {  	v14 =	vmov s30;
	v50 =	vbroadcast v0, $0x0;
	v0 =	vshll.u32 v12, v17;
	[tilespmem:v7+s24+$0x0] =	vst.idx.msk $0xffff, v4  }
0x70a: {  	v14 =	vshrl.u32 v14, $0x3;
	v51 =	vbroadcast v0, $0x0;
	v0 =	vshll.u32 v5, v17;
	v5 =	vld [tilespmem:s0+$0xC0];
	[tilespmem:v6+s24+$0x0] =	vst.idx.msk $0xffff, v3  }
0x70b: {  	v52 =	vbroadcast v0, $0x0;
	v0 =	vshll.u32 v14, v17;
	v8 =	vadd.s32 v26, v50;
	v42 =	vld [tilespmem:$0x1FFD0]  }
0x70c: {  	v10 =	vadd.s32 v34, v51;
	v53 =	vbroadcast v0, $0x0;
	v9 =	vld [tilespmem:s0+$0x100]  }
0x70d: {  	v0 =	vld [tilespmem:s0+$0x140];
	v11 =	vadd.s32 v30, v52  }
0x70e: {  	v12 =	vld [tilespmem:s0+$0x180];
	v13 =	vadd.s32 v21, v53  }
0x70f: {  	v7 =	vadd.s32 v43, v61;
	v6 =	vld [tilespmem:s0+$0xFFFFFE50]  }
0x710: {  	v3 =	vld [tilespmem:s0+$0x1F0];
	[tilespmem:v8+s24+$0x0] =	vst.idx.msk $0xffff, v5;
	v4 =	vadd.s32 v42, v15  }
0x711: {  	v5 =	vld [tilespmem:s0+$0xFFFFFE90];
	v8 =	vadd.s32 v29, v60;
	[tilespmem:v10+s24+$0x0] =	vst.idx.msk $0xffff, v9  }
0x712: {  	v9 =	vld [tilespmem:s0+$0xFFFFFED0];
	v10 =	vadd.s32 v33, v59;
	[tilespmem:v11+s24+$0x0] =	vst.idx.msk $0xffff, v0  }
0x713: {  	v0 =	vld [tilespmem:s0+$0xFFFFFF10];
	v11 =	vadd.s32 v28, v1;
	[tilespmem:v13+s24+$0x0] =	vst.idx.msk $0xffff, v12  }
0x714: {  	v12 =	vld [tilespmem:s0+$0xFFFFFF50];
	v13 =	vadd.s32 v39, v47;
	[tilespmem:v7+s24+$0x0] =	vst.idx.msk $0xffff, v6  }
0x715: {  	[tilespmem:v4+s24+$0x0] =	vst.idx.msk $0xffff, v3;
	v3 =	vld [tilespmem:s0+$0xFFFFFF90];
	v4 =	vadd.s32 v36, v2  }
0x716: {  	v6 =	vadd.s32 v35, v55;
	[tilespmem:v8+s24+$0x0] =	vst.idx.msk $0xffff, v5;
	v5 =	vld [tilespmem:s0+$0xFFFFFFD0]  }
0x717: {  	v7 =	vld [tilespmem:s0+$0x10];
	[tilespmem:v10+s24+$0x0] =	vst.idx.msk $0xffff, v9;
	v8 =	vadd.s32 v62, v56  }
0x718: {  	[tilespmem:v11+s24+$0x0] =	vst.idx.msk $0xffff, v0;
	v0 =	vld [tilespmem:s0+$0x50];
	v9 =	vadd.s32 v43, v57  }
0x719: {  	[tilespmem:v13+s24+$0x0] =	vst.idx.msk $0xffff, v12;
	v10 =	vld [tilespmem:s0+$0x90];
	v11 =	vadd.s32 v29, v58  }
0x71a: {  	[tilespmem:v4+s24+$0x0] =	vst.idx.msk $0xffff, v3;
	v3 =	vld [tilespmem:s0+$0xD0];
	v4 =	vadd.s32 v33, v50  }
0x71b: {  	[tilespmem:v6+s24+$0x0] =	vst.idx.msk $0xffff, v5  }
0x71c: {  	[tilespmem:v8+s24+$0x0] =	vst.idx.msk $0xffff, v7  }
0x71d: {  	v5 =	vld [tilespmem:s0+$0x110];
	v6 =	vadd.s32 v28, v51;
	[tilespmem:v9+s24+$0x0] =	vst.idx.msk $0xffff, v0  }
0x71e: {  	[tilespmem:v11+s24+$0x0] =	vst.idx.msk $0xffff, v10  }
0x71f: {  	v12 =	vld [tilespmem:s0+$0xFFFFFE10];
	[tilespmem:v4+s24+$0x0] =	vst.idx.msk $0xffff, v3  }
0x720: {  	v44 =	vld [tilespmem:$0x1FED0]  }
0x721: {  	v7 =	vld [tilespmem:s0+$0x150];
	v8 =	vadd.s32 v39, v52  }
0x722: {  	v0 =	vld [tilespmem:s0+$0x190];
	v9 =	vadd.s32 v36, v53;
	[tilespmem:v6+s24+$0x0] =	vst.idx.msk $0xffff, v5  }
0x723: {  	v13 =	vadd.s32 v62, v49;
	v31 =	vld [tilespmem:$0x1FE30]  }
0x724: {  	v10 =	vld [tilespmem:s0+$0xFFFFFE60];
	v11 =	vadd.s32 v48, v61  }
0x725: {  	v3 =	vld [tilespmem:s0+$0xFFFFFEA0];
	v4 =	vadd.s32 v44, v60  }
0x726: {  	[tilespmem:v8+s24+$0x0] =	vst.idx.msk $0xffff, v7;
	v7 =	vld [tilespmem:s0+$0xFFFFFF20];
	v8 =	vadd.s32 v32, v1  }
0x727: {  	[tilespmem:v9+s24+$0x0] =	vst.idx.msk $0xffff, v0;
	v0 =	vld [tilespmem:s0+$0xFFFFFF60];
	v9 =	vadd.s32 v38, v47  }
0x728: {  	v5 =	vld [tilespmem:s0+$0xFFFFFEE0];
	[tilespmem:v13+s24+$0x0] =	vst.idx.msk $0xffff, v12;
	v6 =	vadd.s32 v31, v59  }
0x729: {  	[tilespmem:v11+s24+$0x0] =	vst.idx.msk $0xffff, v10;
	v10 =	vld [tilespmem:s0+$0xFFFFFFA0];
	v11 =	vadd.s32 v40, v2  }
0x72a: {  	[tilespmem:v4+s24+$0x0] =	vst.idx.msk $0xffff, v3;
	v3 =	vld [tilespmem:s0+$0xFFFFFFE0];
	v4 =	vadd.s32 v16, v55  }
0x72b: {  	[tilespmem:v8+s24+$0x0] =	vst.idx.msk $0xffff, v7;
	v7 =	vld [tilespmem:s0+$0x60];
	v8 =	vadd.s32 v48, v57  }
0x72c: {  	[tilespmem:v9+s24+$0x0] =	vst.idx.msk $0xffff, v0;
	v0 =	vld [tilespmem:s0+$0xA0];
	v9 =	vadd.s32 v44, v58  }
0x72d: {  	[tilespmem:v6+s24+$0x0] =	vst.idx.msk $0xffff, v5;
	v5 =	vld [tilespmem:s0+$0x20];
	v6 =	vadd.s32 v63, v56  }
0x72e: {  	[tilespmem:v11+s24+$0x0] =	vst.idx.msk $0xffff, v10;
	v10 =	vld [tilespmem:s0+$0xE0];
	v11 =	vadd.s32 v31, v50  }
0x72f: {  	[tilespmem:v4+s24+$0x0] =	vst.idx.msk $0xffff, v3;
	v3 =	vld [tilespmem:s0+$0x120];
	v4 =	vadd.s32 v32, v51  }
0x730: {  	[tilespmem:v8+s24+$0x0] =	vst.idx.msk $0xffff, v7  }
0x731: {  	[tilespmem:v9+s24+$0x0] =	vst.idx.msk $0xffff, v0  }
0x732: {  	[tilespmem:v6+s24+$0x0] =	vst.idx.msk $0xffff, v5;
	v6 =	vld [tilespmem:s0+$0x160]  }
0x733: {  	v46 =	vld [tilespmem:$0x1FE10];
	[tilespmem:v11+s24+$0x0] =	vst.idx.msk $0xffff, v10  }
0x734: {  	v45 =	vmov v26;
	v26 =	vld [tilespmem:$0x1FEE0];
	[tilespmem:v4+s24+$0x0] =	vst.idx.msk $0xffff, v3  }
0x735: {  	v12 =	vadd.s32 v38, v52;
	v35 =	vld [tilespmem:$0x1FE40]  }
0x736: {  	v7 =	vld [tilespmem:s0+$0x1A0];
	v8 =	vadd.s32 v40, v53  }
0x737: {  	v15 =	vld [tilespmem:s0+$0xFFFFFE20];
	v16 =	vadd.s32 v63, v49  }
0x738: {  	v0 =	vld [tilespmem:s0+$0xFFFFFE70];
	v9 =	vadd.s32 v46, v61  }
0x739: {  	v11 =	vld [tilespmem:s0+$0xFFFFFEB0];
	v22 =	vadd.s32 v26, v60  }
0x73a: {  	v24 =	vld [tilespmem:s0+$0xFFFFFEF0];
	[tilespmem:v12+s24+$0x0] =	vst.idx.msk $0xffff, v6;
	v25 =	vadd.s32 v35, v59  }
0x73b: {  	s8 =	simm.s32 $0x11;
	s30 =	simm.s32 $0x16;
	s11 =	simm.s32 $0x14;
	[tilespmem:v8+s24+$0x0] =	vst.idx.msk $0xffff, v7  }
0x73c: {  	v54 =	vmov s8;
	s9 =	simm.s32 $0x12;
	s10 =	simm.s32 $0x13;
	v20 =	vmov s11;
	v23 =	vmov s30;
	[tilespmem:v16+s24+$0x0] =	vst.idx.msk $0xffff, v15  }
0x73d: {  	s5 =	simm.s32 $0x10;
	s17 =	simm.s32 $0x15;
	v14 =	vadd.s32 v41, v47;
	v18 =	vmov s9;
	v19 =	vmov s10;
	s10 =	simm.s32 $0x1A;
	v43 =	vmovc v63;
	v63 =	vld [tilespmem:s0+$0xFFFFFF70];
	[tilespmem:v9+s24+$0x0] =	vst.idx.msk $0xffff, v0  }
0x73e: {  	s31 =	simm.s32 $0x17;
	v27 =	vmovc v62;
	v21 =	vmov s17;
	v62 =	vmov s10;
	v5 =	vmov s5;
	v47 =	vld [tilespmem:$0x1FE50];
	[tilespmem:v22+s24+$0x0] =	vst.idx.msk $0xffff, v11  }
0x73f: {  	s8 =	simm.s32 $0x18;
	s11 =	simm.s32 $0x1B;
	s17 =	simm.s32 $0x1C;
	v13 =	vshrl.u32 v5, $0x3;
	v5 =	vmov s31;
	v60 =	vadd.s32 v37, v1;
	v59 =	vld [tilespmem:s0+$0xFFFFFF30];
	[tilespmem:v25+s24+$0x0] =	vst.idx.msk $0xffff, v24  }
0x740: {  	v3 =	vmov s11;
	v4 =	vmov s17;
	v6 =	vmov s8;
	v24 =	vmovc v26;
	v26 =	vmovc v29;
	v29 =	vld [tilespmem:$0x1FE80]  }
0x741: {  	s9 =	simm.s32 $0x19;
	v10 =	vld [tilespmem:s0+$0xFFFFFFB0];
	v7 =	vshll.u32 v13, v17;
	v13 =	vadd.s32 v42, v55;
	v8 =	vshrl.u32 v18, $0x3  }
0x742: {  	s30 =	simm.s32 $0x1D;
	v12 =	vld [tilespmem:s0+$0x30];
	v55 =	vshrl.u32 v23, $0x3;
	v61 =	vmov s9;
	v16 =	vadd.s32 v46, v57  }
0x743: {  	v57 =	vshrl.u32 v21, $0x3;
	v1 =	vmov s30;
	v9 =	vshrl.u32 v54, $0x3;
	v11 =	vld [tilespmem:s0+$0xFFFFFFF0]  }
0x744: {  	s31 =	simm.s32 $0x1E;
	v54 =	vshrl.u32 v20, $0x3;
	[tilespmem:v60+s24+$0x0] =	vst.idx.msk $0xffff, v59;
	v59 =	vld [tilespmem:s0+$0x70];
	v58 =	vadd.s32 v24, v58;
	v0 =	vadd.s32 v47, v2  }
0x745: {  	s1 =	simm.s32 $0x20;
	s5 =	simm.s32 $0x1F;
	[tilespmem:v14+s24+$0x0] =	vst.idx.msk $0xffff, v63;
	v60 =	vld [tilespmem:s0+$0xB0];
	v2 =	vmov s31;
	v15 =	vadd.s32 v29, v56;
	v56 =	vshrl.u32 v19, $0x3  }
.LBB2_24:
0x746: {  	v21 =	vld [tilespmem:s0+$0xFFFFFE30]  }
0x747: {  	v23 =	vld [tilespmem:$0x1FFE0]  }
0x748: {  	v25 =	vld [tilespmem:$0x1FE90]  }
0x749: {  	v42 =	vld [tilespmem:$0x1FF80]  }
0x74a: {  	[tilespmem:v0+s24+$0x0] =	vst.idx.msk $0xffff, v10;
	v0 =	vld [tilespmem:s0+$0xF0]  }
0x74b: {  	[tilespmem:v13+s24+$0x0] =	vst.idx.msk $0xffff, v11;
	v11 =	vld [tilespmem:s0+$0x130]  }
0x74c: {  	v14 =	vmov s5;
	v18 =	vshrl.u32 v61, $0x3;
	v10 =	vadd.s32 v35, v50;
	[tilespmem:v15+s24+$0x0] =	vst.idx.msk $0xffff, v12;
	v12 =	vld [tilespmem:s0+$0x170]  }
0x74d: {  	v20 =	vadd.s32 v47, v53;
	v14 =	vshrl.u32 v14, $0x3;
	v13 =	vadd.s32 v37, v51;
	v50 =	vld [tilespmem:$0x1FFF0]  }
0x74e: {  	v19 =	vshrl.u32 v62, $0x3;
	v9 =	vshll.u32 v9, v17;
	v14 =	vshll.u32 v14, v17;
	[tilespmem:v16+s24+$0x0] =	vst.idx.msk $0xffff, v59;
	v16 =	vld [tilespmem:s0+$0x1B0]  }
0x74f: {  	v22 =	vadd.s32 v29, v49;
	v14 =	vbroadcast v14, $0x0;
	v15 =	vadd.s32 v41, v52;
	s0 =	sadd.s32 $0x400, s0;
	v51 =	vld [tilespmem:$0x1FEB0]  }
0x750: {  	v49 =	vbroadcast v7, $0x0;
	v7 =	vshll.u32 v8, v17;
	v61 =	vbroadcast v9, $0x0;
	[tilespmem:v58+s24+$0x0] =	vst.idx.msk $0xffff, v60;
	v8 =	vld [tilespmem:s0+$0x1C0]  }
0x751: {  	v62 =	vbroadcast v7, $0x0;
	v7 =	vshll.u32 v56, v17;
	v9 =	vadd.s32 v23, v14;
	[tilespmem:v10+s24+$0x0] =	vst.idx.msk $0xffff, v0;
	v0 =	vld [tilespmem:s0+$0xFFFFFE00]  }
0x752: {  	v56 =	vbroadcast v7, $0x0;
	v10 =	vadd.s32 v50, v49;
	[tilespmem:v13+s24+$0x0] =	vst.idx.msk $0xffff, v11;
	v11 =	vld [tilespmem:s0+$0xFFFFFE40]  }
0x753: {  	v7 =	vshll.u32 v54, v17;
	v13 =	vadd.s32 v25, v61;
	[tilespmem:v20+s24+$0x0] =	vst.idx.msk $0xffff, v16;
	v20 =	vld [tilespmem:$0x1FFB0]  }
0x754: {  	v5 =	vshrl.u32 v5, $0x3;
	v54 =	vbroadcast v7, $0x0;
	v7 =	vld [tilespmem:s0+$0xFFFFFEC0];
	[tilespmem:v15+s24+$0x0] =	vst.idx.msk $0xffff, v12;
	v16 =	vadd.s32 v45, v56  }
0x755: {  	v6 =	vshrl.u32 v6, $0x3;
	v53 =	vshll.u32 v57, v17;
	v12 =	vld [tilespmem:s0+$0xFFFFFE80];
	v15 =	vadd.s32 v51, v62;
	[tilespmem:v22+s24+$0x0] =	vst.idx.msk $0xffff, v21  }
0x756: {  	v3 =	vshrl.u32 v3, $0x3;
	v55 =	vshll.u32 v55, v17;
	v57 =	vbroadcast v53, $0x0;
	v21 =	vld [tilespmem:s0+$0xFFFFFF00];
	[tilespmem:v9+s24+$0x0] =	vst.idx.msk $0xffff, v8  }
0x757: {  	v55 =	vbroadcast v55, $0x0;
	v3 =	vshll.u32 v3, v17;
	v22 =	vadd.s32 v34, v54;
	v9 =	vld [tilespmem:s0+$0xFFFFFF40];
	[tilespmem:v10+s24+$0x0] =	vst.idx.msk $0xffff, v0  }
0x758: {  	v4 =	vshrl.u32 v4, $0x3;
	v0 =	vshll.u32 v5, v17;
	v5 =	vld [tilespmem:s0+$0x1D0];
	v8 =	vadd.s32 v20, v14;
	[tilespmem:v13+s24+$0x0] =	vst.idx.msk $0xffff, v11  }
0x759: {  	v2 =	vshrl.u32 v2, $0x3;
	v10 =	vadd.s32 v30, v57;
	v11 =	vadd.s32 v42, v55;
	[tilespmem:v16+s24+$0x0] =	vst.idx.msk $0xffff, v7;
	v7 =	vld [tilespmem:s0+$0xFFFFFFC0]  }
0x75a: {  	[tilespmem:v15+s24+$0x0] =	vst.idx.msk $0xffff, v12;
	v15 =	vshll.u32 v19, v17;
	v58 =	vbroadcast v0, $0x0;
	v0 =	vshll.u32 v6, v17;
	v6 =	vld [tilespmem:s0+$0xFFFFFF80]  }
0x75b: {  	v63 =	vbroadcast v15, $0x0;
	v15 =	vld [tilespmem:$0x1FFC0];
	v59 =	vbroadcast v0, $0x0;
	v0 =	vshll.u32 v18, v17  }
0x75c: {  	v16 =	vld [tilespmem:s0+$0x40];
	v12 =	vadd.s32 v23, v58;
	v60 =	vbroadcast v0, $0x0;
	v0 =	vshrl.u32 v1, $0x3  }
0x75d: {  	v1 =	vld [tilespmem:s0+$0x0];
	v13 =	vadd.s32 v50, v59;
	v50 =	vbroadcast v3, $0x0;
	v0 =	vshll.u32 v0, v17;
	[tilespmem:v8+s24+$0x0] =	vst.idx.msk $0xffff, v5  }
0x75e: {  	v3 =	vshll.u32 v4, v17;
	v52 =	vbroadcast v0, $0x0;
	v0 =	vshll.u32 v2, v17;
	v4 =	vld [tilespmem:s0+$0x1E0]  }
0x75f: {  	v18 =	vadd.s32 v25, v60;
	[tilespmem:v11+s24+$0x0] =	vst.idx.msk $0xffff, v6;
	v6 =	vld [tilespmem:s0+$0x80];
	v53 =	vbroadcast v0, $0x0  }
0x760: {  	[tilespmem:v22+s24+$0x0] =	vst.idx.msk $0xffff, v21;
	v5 =	vadd.s32 v15, v14;
	v0 =	vld [tilespmem:s0+$0x140]  }
0x761: {  	[tilespmem:v10+s24+$0x0] =	vst.idx.msk $0xffff, v9;
	v8 =	vadd.s32 v51, v63;
	v11 =	vadd.s32 v42, v53;
	v42 =	vld [tilespmem:$0x1FFD0]  }
0x762: {  	v9 =	vadd.s32 v30, v52;
	[tilespmem:v12+s24+$0x0] =	vst.idx.msk $0xffff, v7;
	v12 =	vld [tilespmem:$0x1FEA0]  }
0x763: {  	v51 =	vbroadcast v3, $0x0;
	v3 =	vld [tilespmem:s0+$0xC0];
	v7 =	vadd.s32 v45, v50;
	[tilespmem:v13+s24+$0x0] =	vst.idx.msk $0xffff, v1  }
0x764: {  	v10 =	vld [tilespmem:s0+$0x180];
	[tilespmem:v18+s24+$0x0] =	vst.idx.msk $0xffff, v16  }
0x765: {  	v2 =	vadd.s32 v34, v51;
	v1 =	vld [tilespmem:s0+$0x100];
	[tilespmem:v5+s24+$0x0] =	vst.idx.msk $0xffff, v4  }
0x766: {  	[tilespmem:v8+s24+$0x0] =	vst.idx.msk $0xffff, v6;
	v4 =	vld [tilespmem:s0+$0x1F0];
	v5 =	vadd.s32 v42, v14  }
0x767: {  	v6 =	vld [tilespmem:s0+$0xFFFFFE50];
	[tilespmem:v9+s24+$0x0] =	vst.idx.msk $0xffff, v0;
	v8 =	vadd.s32 v12, v61  }
0x768: {  	[tilespmem:v7+s24+$0x0] =	vst.idx.msk $0xffff, v3;
	v3 =	vld [tilespmem:s0+$0xFFFFFE90];
	v7 =	vadd.s32 v26, v62  }
0x769: {  	v0 =	vld [tilespmem:s0+$0xFFFFFF10];
	v9 =	vadd.s32 v28, v54;
	[tilespmem:v11+s24+$0x0] =	vst.idx.msk $0xffff, v10  }
0x76a: {  	v10 =	vld [tilespmem:s0+$0xFFFFFF50];
	v11 =	vadd.s32 v39, v57;
	[tilespmem:v2+s24+$0x0] =	vst.idx.msk $0xffff, v1  }
0x76b: {  	v1 =	vld [tilespmem:s0+$0xFFFFFED0];
	v2 =	vadd.s32 v33, v56;
	[tilespmem:v5+s24+$0x0] =	vst.idx.msk $0xffff, v4  }
0x76c: {  	[tilespmem:v8+s24+$0x0] =	vst.idx.msk $0xffff, v6;
	v4 =	vld [tilespmem:s0+$0xFFFFFF90];
	v5 =	vadd.s32 v36, v55  }
0x76d: {  	[tilespmem:v7+s24+$0x0] =	vst.idx.msk $0xffff, v3;
	v3 =	vld [tilespmem:s0+$0xFFFFFFD0];
	v6 =	vadd.s32 v20, v58  }
0x76e: {  	[tilespmem:v9+s24+$0x0] =	vst.idx.msk $0xffff, v0;
	v0 =	vld [tilespmem:s0+$0x50];
	v7 =	vadd.s32 v12, v60  }
0x76f: {  	v9 =	vadd.s32 v26, v63;
	[tilespmem:v11+s24+$0x0] =	vst.idx.msk $0xffff, v10;
	v8 =	vld [tilespmem:s0+$0x90]  }
0x770: {  	v10 =	vld [tilespmem:s0+$0xFFFFFE10];
	v11 =	vadd.s32 v27, v49;
	[tilespmem:v2+s24+$0x0] =	vst.idx.msk $0xffff, v1  }
0x771: {  	v1 =	vld [tilespmem:s0+$0x10];
	v2 =	vadd.s32 v27, v59;
	[tilespmem:v5+s24+$0x0] =	vst.idx.msk $0xffff, v4  }
0x772: {  	v4 =	vld [tilespmem:s0+$0xD0];
	[tilespmem:v6+s24+$0x0] =	vst.idx.msk $0xffff, v3  }
0x773: {  	v5 =	vadd.s32 v33, v50;
	v3 =	vld [tilespmem:s0+$0x110];
	[tilespmem:v7+s24+$0x0] =	vst.idx.msk $0xffff, v0  }
0x774: {  	v6 =	vadd.s32 v28, v51;
	v0 =	vld [tilespmem:s0+$0x190];
	[tilespmem:v9+s24+$0x0] =	vst.idx.msk $0xffff, v8  }
0x775: {  	v7 =	vadd.s32 v36, v53;
	v8 =	vld [tilespmem:s0+$0xFFFFFE60];
	[tilespmem:v11+s24+$0x0] =	vst.idx.msk $0xffff, v10  }
0x776: {  	v9 =	vadd.s32 v48, v61;
	v10 =	vmov s1;
	[tilespmem:v2+s24+$0x0] =	vst.idx.msk $0xffff, v1;
	v1 =	vld [tilespmem:s0+$0x150]  }
0x777: {  	v2 =	vadd.s32 v39, v52;
	v11 =	vshrl.u32 v10, $0x3;
	v10 =	vld [tilespmem:s0+$0xFFFFFE20]  }
0x778: {  	[tilespmem:v5+s24+$0x0] =	vst.idx.msk $0xffff, v4;
	v4 =	vld [tilespmem:s0+$0xFFFFFEA0];
	v5 =	vadd.s32 v44, v62  }
0x779: {  	[tilespmem:v6+s24+$0x0] =	vst.idx.msk $0xffff, v3;
	v3 =	vld [tilespmem:s0+$0xFFFFFEE0];
	v6 =	vadd.s32 v31, v56  }
0x77a: {  	[tilespmem:v7+s24+$0x0] =	vst.idx.msk $0xffff, v0;
	v0 =	vld [tilespmem:s0+$0xFFFFFF60];
	v7 =	vadd.s32 v38, v57  }
0x77b: {  	[tilespmem:v9+s24+$0x0] =	vst.idx.msk $0xffff, v8;
	v8 =	vld [tilespmem:s0+$0xFFFFFFA0];
	v9 =	vadd.s32 v40, v55  }
0x77c: {  	[tilespmem:v2+s24+$0x0] =	vst.idx.msk $0xffff, v1;
	v1 =	vld [tilespmem:s0+$0xFFFFFF20];
	v2 =	vadd.s32 v32, v54  }
0x77d: {  	[tilespmem:v5+s24+$0x0] =	vst.idx.msk $0xffff, v4;
	v4 =	vld [tilespmem:s0+$0xFFFFFFE0]  }
0x77e: {  	v13 =	vadd.s32 v43, v49;
	[tilespmem:v6+s24+$0x0] =	vst.idx.msk $0xffff, v3;
	v3 =	vld [tilespmem:s0+$0x20]  }
0x77f: {  	v5 =	vadd.s32 v15, v58;
	[tilespmem:v7+s24+$0x0] =	vst.idx.msk $0xffff, v0;
	v0 =	vld [tilespmem:s0+$0xA0]  }
0x780: {  	v6 =	vadd.s32 v43, v59;
	[tilespmem:v9+s24+$0x0] =	vst.idx.msk $0xffff, v8;
	v8 =	vld [tilespmem:s0+$0xE0]  }
0x781: {  	v9 =	vadd.s32 v31, v50;
	[tilespmem:v2+s24+$0x0] =	vst.idx.msk $0xffff, v1;
	v1 =	vld [tilespmem:s0+$0x60]  }
0x782: {  	v7 =	vadd.s32 v44, v63;
	v15 =	vld [tilespmem:s0+$0xFFFFFEF0]  }
0x783: {  	[tilespmem:v13+s24+$0x0] =	vst.idx.msk $0xffff, v10;
	v2 =	vadd.s32 v48, v60;
	v10 =	vld [tilespmem:s0+$0xFFFFFFB0]  }
0x784: {  	v56 =	vadd.s32 v35, v56;
	v22 =	vld [tilespmem:s0+$0xFFFFFF30];
	[tilespmem:v5+s24+$0x0] =	vst.idx.msk $0xffff, v4  }
0x785: {  	v23 =	vadd.s32 v37, v54;
	v4 =	vld [tilespmem:s0+$0x120];
	[tilespmem:v6+s24+$0x0] =	vst.idx.msk $0xffff, v3  }
0x786: {  	s8 =	sadd.s32 $0x3, s1;
	s17 =	sadd.s32 $0x5, s1;
	v25 =	vadd.s32 v41, v57;
	[tilespmem:v9+s24+$0x0] =	vst.idx.msk $0xffff, v8;
	v9 =	vadd.s32 v24, v62;
	v24 =	vld [tilespmem:s0+$0xFFFFFF70]  }
0x787: {  	s10 =	sadd.s32 $0x2, s1;
	s11 =	sadd.s32 $0x4, s1;
	v19 =	vmov s17;
	v16 =	vmov s8;
	v5 =	vadd.s32 v32, v51;
	v3 =	vld [tilespmem:s0+$0x160];
	[tilespmem:v7+s24+$0x0] =	vst.idx.msk $0xffff, v0  }
0x788: {  	s9 =	sadd.s32 $0x1, s1;
	s30 =	sadd.s32 $0x6, s1;
	v18 =	vmov s11;
	v14 =	vmov s10;
	v6 =	vadd.s32 v38, v52;
	v0 =	vld [tilespmem:s0+$0xFFFFFE70];
	[tilespmem:v2+s24+$0x0] =	vst.idx.msk $0xffff, v1  }
0x789: {  	v12 =	vmov s9;
	v20 =	vmov s30;
	v7 =	vadd.s32 v46, v61;
	v8 =	vld [tilespmem:s0+$0xFFFFFEB0];
	[tilespmem:v56+s24+$0x0] =	vst.idx.msk $0xffff, v15  }
0x78a: {  	s10 =	sadd.s32 $0xA, s1;
	s9 =	sadd.s32 $0x9, s1;
	v57 =	vshrl.u32 v19, $0x3;
	v13 =	vadd.s32 v42, v58;
	v54 =	vshrl.u32 v18, $0x3;
	v1 =	vld [tilespmem:s0+$0x1A0];
	[tilespmem:v23+s24+$0x0] =	vst.idx.msk $0xffff, v22  }
0x78b: {  	p0 =	slt.u32 s1, $0x70;
	s31 =	sadd.s32 $0x7, s1;
	v61 =	vmov s9;
	v62 =	vmov s10;
	v2 =	vadd.s32 v40, v53;
	[tilespmem:v25+s24+$0x0] =	vst.idx.msk $0xffff, v24;
	v24 =	vld [tilespmem:$0x1FEE0]  }
.Ltmp11:
0x78c: {  	s8 =	sadd.s32 $0x8, s1;
	s11 =	sadd.s32 $0xB, s1;
	v15 =	vadd.s32 v29, v59;
	v56 =	vshrl.u32 v16, $0x3;
	v16 =	vadd.s32 v46, v60;
	v60 =	vld [tilespmem:s0+$0xB0];
	[tilespmem:v5+s24+$0x0] =	vst.idx.msk $0xffff, v4;
	(pc) =	sbr.rel @p0 .LBB2_24-.Ltmp11, $4  }
0x78d: {  	s17 =	sadd.s32 $0xC, s1;
	v5 =	vmov s31;
	[tilespmem:v6+s24+$0x0] =	vst.idx.msk $0xffff, v3;
	v6 =	vmov s8;
	v3 =	vmov s11  }
0x78e: {  	v59 =	vld [tilespmem:s0+$0x70];
	v4 =	vmov s17;
	[tilespmem:v7+s24+$0x0] =	vst.idx.msk $0xffff, v0;
	v0 =	vadd.s32 v47, v55;
	v7 =	vshll.u32 v11, v17  }
0x78f: {  	s30 =	sadd.s32 $0xD, s1;
	s31 =	sadd.s32 $0xE, s1;
	[tilespmem:v9+s24+$0x0] =	vst.idx.msk $0xffff, v8;
	v11 =	vld [tilespmem:s0+$0xFFFFFFF0];
	v9 =	vshrl.u32 v12, $0x3;
	v8 =	vshrl.u32 v14, $0x3;
	v55 =	vshrl.u32 v20, $0x3  }
0x790: {  	s5 =	sadd.s32 $0xF, s1;
	v12 =	vld [tilespmem:s0+$0x30];
	s1 =	sadd.s32 $0x10, s1;
	[tilespmem:v2+s24+$0x0] =	vst.idx.msk $0xffff, v1;
	v1 =	vmov s30;
	v2 =	vmov s31;
	v58 =	vadd.s32 v24, v63  }
0x791: {  	_ =	sdelay $0x3  }
0x792: {  	[tilespmem:v0+s24+$0x0] =	vst.idx.msk $0xffff, v10;
	v0 =	vld [tilespmem:s0+$0xF0];
	v10 =	vadd.s32 v35, v50  }
0x793: {  	[tilespmem:v58+s24+$0x0] =	vst.idx.msk $0xffff, v60  }
0x794: {  	v42 =	vld [tilespmem:s0+$0x130];
	s10 =	sadd.s32 $0x400, s0;
	[tilespmem:v16+s24+$0x0] =	vst.idx.msk $0xffff, v59  }
0x795: {  	v20 =	vadd.s32 v47, v53;
	v53 =	vshll.u32 v8, v17;
	v8 =	vld [tilespmem:s10+$0x1C0];
	[tilespmem:v13+s24+$0x0] =	vst.idx.msk $0xffff, v11  }
0x796: {  	v13 =	vadd.s32 v37, v51;
	[tilespmem:v15+s24+$0x0] =	vst.idx.msk $0xffff, v12;
	v12 =	vld [tilespmem:s0+$0x170]  }
0x797: {  	v14 =	vmov s5;
	v18 =	vshrl.u32 v61, $0x3;
	v15 =	vadd.s32 v41, v52;
	v61 =	vld [tilespmem:$0x1FFE0];
	[tilespmem:v10+s24+$0x0] =	vst.idx.msk $0xffff, v0  }
0x798: {  	v14 =	vshrl.u32 v14, $0x3;
	v25 =	vld [tilespmem:$0x1FFF0]  }
0x799: {  	v14 =	vshll.u32 v14, v17;
	v16 =	vld [tilespmem:s0+$0x1B0]  }
0x79a: {  	v14 =	vbroadcast v14, $0x0;
	v52 =	vshll.u32 v9, v17;
	v9 =	vld [tilespmem:s0+$0xFFFFFE30]  }
0x79b: {  	v50 =	vbroadcast v7, $0x0;
	v21 =	vadd.s32 v29, v49;
	v0 =	vld [tilespmem:s10+$0xFFFFFE00];
	[tilespmem:v13+s24+$0x0] =	vst.idx.msk $0xffff, v42  }
0x79c: {  	v19 =	vshrl.u32 v62, $0x3;
	v62 =	vld [tilespmem:$0x1FE90];
	[tilespmem:v15+s24+$0x0] =	vst.idx.msk $0xffff, v12;
	v22 =	vadd.s32 v61, v14  }
0x79d: {  	v63 =	vld [tilespmem:$0x1FEB0];
	v58 =	vadd.s32 v25, v50;
	_ =	sdelay $0x1  }
0x79e: {  	v49 =	vbroadcast v52, $0x0;
	[tilespmem:v20+s24+$0x0] =	vst.idx.msk $0xffff, v16  }
0x79f: {  	v51 =	vbroadcast v53, $0x0;
	[tilespmem:v21+s24+$0x0] =	vst.idx.msk $0xffff, v9  }
0x7a0: {  	v42 =	vld [tilespmem:s10+$0xFFFFFE40];
	v13 =	vadd.s32 v62, v49;
	[tilespmem:v22+s24+$0x0] =	vst.idx.msk $0xffff, v8  }
0x7a1: {  	v59 =	vshll.u32 v56, v17;
	v12 =	vld [tilespmem:s10+$0xFFFFFE80];
	v15 =	vadd.s32 v63, v51;
	[tilespmem:v58+s24+$0x0] =	vst.idx.msk $0xffff, v0  }
0x7a2: {  	v53 =	vshll.u32 v54, v17;
	v52 =	vbroadcast v59, $0x0;
	v60 =	vld [tilespmem:$0x1FFB0]  }
0x7a3: {  	v54 =	vshll.u32 v57, v17;
	v53 =	vbroadcast v53, $0x0;
	v10 =	vld [tilespmem:s10+$0xFFFFFF40]  }
0x7a4: {  	v7 =	vshrl.u32 v3, $0x3;
	v3 =	vbroadcast v54, $0x0;
	v16 =	vld [tilespmem:s10+$0xFFFFFEC0];
	v20 =	vadd.s32 v45, v52  }
0x7a5: {  	v5 =	vshrl.u32 v5, $0x3;
	v9 =	vld [tilespmem:s10+$0xFFFFFF00];
	v21 =	vadd.s32 v34, v53;
	[tilespmem:v13+s24+$0x0] =	vst.idx.msk $0xffff, v42  }
0x7a6: {  	v57 =	vshll.u32 v5, v17;
	v11 =	vadd.s32 v30, v3;
	v5 =	vld [tilespmem:s10+$0x1D0];
	[tilespmem:v15+s24+$0x0] =	vst.idx.msk $0xffff, v12  }
0x7a7: {  	v22 =	vld [tilespmem:$0x1FF80];
	v8 =	vadd.s32 v60, v14;
	_ =	sdelay $0x1  }
0x7a8: {  	v56 =	vshll.u32 v55, v17;
	[tilespmem:v20+s24+$0x0] =	vst.idx.msk $0xffff, v16  }
0x7a9: {  	v23 =	vshrl.u32 v4, $0x3;
	v4 =	vbroadcast v56, $0x0;
	[tilespmem:v21+s24+$0x0] =	vst.idx.msk $0xffff, v9  }
0x7aa: {  	v6 =	vshrl.u32 v6, $0x3;
	[tilespmem:v11+s24+$0x0] =	vst.idx.msk $0xffff, v10  }
0x7ab: {  	v54 =	vbroadcast v57, $0x0;
	v58 =	vshll.u32 v6, v17;
	v6 =	vld [tilespmem:s10+$0xFFFFFF80];
	v12 =	vadd.s32 v22, v4;
	[tilespmem:v8+s24+$0x0] =	vst.idx.msk $0xffff, v5  }
0x7ac: {  	v59 =	vshll.u32 v18, v17;
	v55 =	vbroadcast v58, $0x0;
	v21 =	vld [tilespmem:$0x1FFC0]  }
0x7ad: {  	v57 =	vshll.u32 v19, v17;
	v56 =	vbroadcast v59, $0x0;
	v13 =	vld [tilespmem:s10+$0xFFFFFFC0];
	v15 =	vadd.s32 v61, v54  }
0x7ae: {  	v42 =	vshrl.u32 v1, $0x3;
	v1 =	vbroadcast v57, $0x0;
	v9 =	vld [tilespmem:s10+$0x0];
	v16 =	vadd.s32 v25, v55  }
0x7af: {  	v19 =	vld [tilespmem:s10+$0x40];
	v20 =	vadd.s32 v62, v56  }
0x7b0: {  	v58 =	vshll.u32 v7, v17;
	v10 =	vadd.s32 v63, v1;
	[tilespmem:v12+s24+$0x0] =	vst.idx.msk $0xffff, v6;
	v6 =	vld [tilespmem:s10+$0x80]  }
0x7b1: {  	v18 =	vshrl.u32 v2, $0x3;
	v2 =	vbroadcast v58, $0x0;
	v7 =	vld [tilespmem:s10+$0x1E0];
	v8 =	vadd.s32 v21, v14  }
0x7b2: {  	v59 =	vshll.u32 v23, v17;
	[tilespmem:v15+s24+$0x0] =	vst.idx.msk $0xffff, v13  }
0x7b3: {  	v57 =	vbroadcast v59, $0x0;
	v0 =	vshll.u32 v42, v17;
	v11 =	vadd.s32 v45, v2;
	v45 =	vld [tilespmem:s10+$0x100];
	[tilespmem:v16+s24+$0x0] =	vst.idx.msk $0xffff, v9  }
0x7b4: {  	v58 =	vbroadcast v0, $0x0;
	v5 =	vld [tilespmem:s10+$0xC0];
	[tilespmem:v20+s24+$0x0] =	vst.idx.msk $0xffff, v19  }
0x7b5: {  	v42 =	vshll.u32 v18, v17;
	v0 =	vld [tilespmem:s10+$0x140];
	v12 =	vadd.s32 v34, v57;
	[tilespmem:v10+s24+$0x0] =	vst.idx.msk $0xffff, v6  }
0x7b6: {  	v59 =	vbroadcast v42, $0x0;
	v13 =	vadd.s32 v30, v58;
	v15 =	vld [tilespmem:s10+$0x180];
	[tilespmem:v8+s24+$0x0] =	vst.idx.msk $0xffff, v7  }
0x7b7: {  	v18 =	vld [tilespmem:$0x1FFD0]  }
0x7b8: {  	v16 =	vadd.s32 v22, v59;
	v19 =	vld [tilespmem:$0x1FEA0]  }
0x7b9: {  	v42 =	vadd.s32 v26, v51;
	[tilespmem:v11+s24+$0x0] =	vst.idx.msk $0xffff, v5;
	v5 =	vld [tilespmem:s10+$0xFFFFFE90]  }
0x7ba: {  	[tilespmem:v12+s24+$0x0] =	vst.idx.msk $0xffff, v45;
	v45 =	vld [tilespmem:s10+$0xFFFFFED0];
	v12 =	vadd.s32 v33, v52  }
0x7bb: {  	[tilespmem:v13+s24+$0x0] =	vst.idx.msk $0xffff, v0;
	v0 =	vld [tilespmem:s10+$0xFFFFFF10];
	v13 =	vadd.s32 v28, v53  }
0x7bc: {  	v6 =	vld [tilespmem:s10+$0x1F0];
	v7 =	vadd.s32 v18, v14  }
0x7bd: {  	v8 =	vld [tilespmem:s10+$0xFFFFFE50];
	[tilespmem:v16+s24+$0x0] =	vst.idx.msk $0xffff, v15;
	v34 =	vadd.s32 v19, v49  }
0x7be: {  	v15 =	vadd.s32 v39, v3;
	v14 =	vld [tilespmem:s10+$0xFFFFFF50];
	[tilespmem:v42+s24+$0x0] =	vst.idx.msk $0xffff, v5  }
0x7bf: {  	v5 =	vld [tilespmem:s10+$0xFFFFFFD0];
	v42 =	vadd.s32 v60, v54;
	[tilespmem:v12+s24+$0x0] =	vst.idx.msk $0xffff, v45  }
0x7c0: {  	v9 =	vld [tilespmem:s10+$0x10];
	v45 =	vadd.s32 v27, v55;
	[tilespmem:v13+s24+$0x0] =	vst.idx.msk $0xffff, v0  }
0x7c1: {  	v0 =	vld [tilespmem:s10+$0x50];
	v11 =	vadd.s32 v19, v56;
	[tilespmem:v7+s24+$0x0] =	vst.idx.msk $0xffff, v6  }
0x7c2: {  	v12 =	vld [tilespmem:s10+$0x90];
	v13 =	vadd.s32 v26, v1;
	[tilespmem:v34+s24+$0x0] =	vst.idx.msk $0xffff, v8  }
0x7c3: {  	v6 =	vld [tilespmem:s10+$0xFFFFFF90];
	v34 =	vadd.s32 v36, v4;
	[tilespmem:v15+s24+$0x0] =	vst.idx.msk $0xffff, v14  }
0x7c4: {  	[tilespmem:v42+s24+$0x0] =	vst.idx.msk $0xffff, v5;
	v5 =	vld [tilespmem:s10+$0x110];
	v42 =	vadd.s32 v28, v57  }
0x7c5: {  	[tilespmem:v45+s24+$0x0] =	vst.idx.msk $0xffff, v9;
	v9 =	vld [tilespmem:s10+$0x150];
	v45 =	vadd.s32 v39, v58  }
0x7c6: {  	[tilespmem:v11+s24+$0x0] =	vst.idx.msk $0xffff, v0;
	v0 =	vld [tilespmem:s10+$0x190];
	v11 =	vadd.s32 v36, v59  }
0x7c7: {  	v14 =	vld [tilespmem:s10+$0xFFFFFE10];
	v15 =	vadd.s32 v27, v50;
	[tilespmem:v13+s24+$0x0] =	vst.idx.msk $0xffff, v12  }
0x7c8: {  	v13 =	vadd.s32 v48, v49;
	v12 =	vld [tilespmem:s10+$0xFFFFFE60];
	[tilespmem:v34+s24+$0x0] =	vst.idx.msk $0xffff, v6  }
0x7c9: {  	v60 =	vld [tilespmem:s10+$0xD0];
	v34 =	vadd.s32 v33, v2;
	[tilespmem:v42+s24+$0x0] =	vst.idx.msk $0xffff, v5  }
0x7ca: {  	v36 =	vld [tilespmem:s10+$0xFFFFFEE0];
	v42 =	vadd.s32 v31, v52;
	[tilespmem:v45+s24+$0x0] =	vst.idx.msk $0xffff, v9  }
0x7cb: {  	v9 =	vld [tilespmem:s10+$0xFFFFFF20];
	v45 =	vadd.s32 v32, v53;
	[tilespmem:v11+s24+$0x0] =	vst.idx.msk $0xffff, v0  }
0x7cc: {  	[tilespmem:v15+s24+$0x0] =	vst.idx.msk $0xffff, v14;
	v0 =	vld [tilespmem:s10+$0xFFFFFF60];
	v11 =	vadd.s32 v38, v3  }
0x7cd: {  	[tilespmem:v13+s24+$0x0] =	vst.idx.msk $0xffff, v12;
	v12 =	vld [tilespmem:s10+$0xFFFFFFA0];
	v13 =	vadd.s32 v40, v4  }
0x7ce: {  	v15 =	vadd.s32 v43, v50;
	v14 =	vld [tilespmem:s10+$0xFFFFFE20];
	[tilespmem:v34+s24+$0x0] =	vst.idx.msk $0xffff, v60  }
0x7cf: {  	v60 =	vld [tilespmem:s10+$0xFFFFFEA0];
	v34 =	vadd.s32 v44, v51;
	[tilespmem:v42+s24+$0x0] =	vst.idx.msk $0xffff, v36  }
0x7d0: {  	v36 =	vld [tilespmem:s10+$0x20];
	v42 =	vadd.s32 v43, v55;
	[tilespmem:v45+s24+$0x0] =	vst.idx.msk $0xffff, v9  }
0x7d1: {  	v9 =	vld [tilespmem:s10+$0x60];
	v45 =	vadd.s32 v48, v56;
	[tilespmem:v11+s24+$0x0] =	vst.idx.msk $0xffff, v0  }
0x7d2: {  	v0 =	vld [tilespmem:s10+$0xA0];
	v48 =	vadd.s32 v44, v1;
	[tilespmem:v13+s24+$0x0] =	vst.idx.msk $0xffff, v12  }
0x7d3: {  	v12 =	vld [tilespmem:s10+$0xE0];
	v13 =	vadd.s32 v31, v2;
	[tilespmem:v15+s24+$0x0] =	vst.idx.msk $0xffff, v14  }
0x7d4: {  	[tilespmem:v34+s24+$0x0] =	vst.idx.msk $0xffff, v60;
	v60 =	vld [tilespmem:s10+$0xFFFFFFE0];
	v34 =	vadd.s32 v21, v54  }
0x7d5: {  	[tilespmem:v42+s24+$0x0] =	vst.idx.msk $0xffff, v36;
	v36 =	vld [tilespmem:s10+$0x160];
	v42 =	vadd.s32 v38, v58  }
0x7d6: {  	v44 =	vld [tilespmem:s10+$0x1A0];
	[tilespmem:v45+s24+$0x0] =	vst.idx.msk $0xffff, v9;
	v45 =	vadd.s32 v40, v59  }
0x7d7: {  	v49 =	vadd.s32 v46, v49;
	[tilespmem:v48+s24+$0x0] =	vst.idx.msk $0xffff, v0;
	v48 =	vld [tilespmem:s10+$0xFFFFFE70]  }
0x7d8: {  	v4 =	vadd.s32 v47, v4;
	v40 =	vld [tilespmem:s10+$0xFFFFFFB0];
	[tilespmem:v13+s24+$0x0] =	vst.idx.msk $0xffff, v12  }
0x7d9: {  	v12 =	vld [tilespmem:s10+$0xFFFFFEB0];
	v13 =	vadd.s32 v24, v51;
	[tilespmem:v34+s24+$0x0] =	vst.idx.msk $0xffff, v60  }
0x7da: {  	v52 =	vadd.s32 v35, v52;
	v51 =	vld [tilespmem:s10+$0xFFFFFEF0];
	[tilespmem:v42+s24+$0x0] =	vst.idx.msk $0xffff, v36  }
0x7db: {  	v60 =	vld [tilespmem:s10+$0x120];
	v34 =	vadd.s32 v32, v57;
	[tilespmem:v45+s24+$0x0] =	vst.idx.msk $0xffff, v44  }
0x7dc: {  	v3 =	vadd.s32 v41, v3;
	v36 =	vld [tilespmem:s10+$0xFFFFFF70];
	[tilespmem:v49+s24+$0x0] =	vst.idx.msk $0xffff, v48  }
0x7dd: {  	v44 =	vld [tilespmem:s10+$0x30];
	v45 =	vadd.s32 v29, v55;
	[tilespmem:v4+s24+$0x0] =	vst.idx.msk $0xffff, v40  }
0x7de: {  	v48 =	vld [tilespmem:s10+$0x70];
	v49 =	vadd.s32 v46, v56;
	[tilespmem:v13+s24+$0x0] =	vst.idx.msk $0xffff, v12  }
0x7df: {  	v43 =	vadd.s32 v18, v54;
	v42 =	vld [tilespmem:s10+$0xFFFFFFF0];
	[tilespmem:v52+s24+$0x0] =	vst.idx.msk $0xffff, v51  }
0x7e0: {  	v1 =	vadd.s32 v24, v1;
	v51 =	vld [tilespmem:s10+$0xB0];
	[tilespmem:v34+s24+$0x0] =	vst.idx.msk $0xffff, v60  }
0x7e1: {  	v60 =	vld [tilespmem:s10+$0xFFFFFF30];
	v34 =	vadd.s32 v37, v53;
	[tilespmem:v3+s24+$0x0] =	vst.idx.msk $0xffff, v36  }
0x7e2: {  	v2 =	vadd.s32 v35, v2;
	v52 =	vld [tilespmem:s10+$0xF0];
	[tilespmem:v45+s24+$0x0] =	vst.idx.msk $0xffff, v44  }
0x7e3: {  	v56 =	vadd.s32 v41, v58;
	v55 =	vld [tilespmem:s10+$0x170];
	[tilespmem:v49+s24+$0x0] =	vst.idx.msk $0xffff, v48  }
0x7e4: {  	v54 =	vadd.s32 v37, v57;
	v58 =	vadd.s32 v47, v59;
	v57 =	vld [tilespmem:s10+$0x1B0];
	[tilespmem:v43+s24+$0x0] =	vst.idx.msk $0xffff, v42  }
0x7e5: {  	v53 =	vld [tilespmem:s10+$0x130];
	[tilespmem:v1+s24+$0x0] =	vst.idx.msk $0xffff, v51  }
0x7e6: {  	v59 =	vld [tilespmem:s10+$0xFFFFFE30];
	[tilespmem:v34+s24+$0x0] =	vst.idx.msk $0xffff, v60;
	v60 =	vadd.s32 v29, v50  }
0x7e7: {  	[tilespmem:v2+s24+$0x0] =	vst.idx.msk $0xffff, v52  }
0x7e8: {  	[tilespmem:v56+s24+$0x0] =	vst.idx.msk $0xffff, v55  }
0x7e9: {  	[tilespmem:v58+s24+$0x0] =	vst.idx.msk $0xffff, v57  }
0x7ea: {  	[tilespmem:v54+s24+$0x0] =	vst.idx.msk $0xffff, v53  }
0x7eb: {  	[tilespmem:v60+s24+$0x0] =	vst.idx.msk $0xffff, v59  }
0x7ec: {  	s11 =	simm.s32 $0xBD00;
	s10 =	rddreg [dreg:$0x5]  }
0x7ed: {  	[hbm4b:s10+s3] =	stream.linear.scatter [tilespmem:s11], [sflag:$0x6], $0x80, $0x38;
	[tilespmem:$0xDF00] =	vst v63  }
0x7ee: {  	s17 =	simm.s32 $0xBD88;
	s1 =	sadd.s32 $0x10, s10  }
0x7ef: {  	[hbm4b:s1+s3] =	stream.linear.scatter [tilespmem:s17], [sflag:$0x6], $0x80, $0x38;
	[tilespmem:$0xDF00] =	vst v63  }
0x7f0: {  	s30 =	simm.s32 $0xBE10;
	s8 =	simm.s32 $0xBF20;
	s31 =	sadd.s32 $0x20, s10  }
0x7f1: {  	[hbm4b:s31+s3] =	stream.linear.scatter [tilespmem:s30], [sflag:$0x6], $0x80, $0x38;
	[tilespmem:$0xDF00] =	vst v63  }
0x7f2: {  	s0 =	simm.s32 $0x440;
	s5 =	sadd.s32 $0x30, s10;
	s1 =	simm.s32 $0xBE98  }
0x7f3: {  	[hbm4b:s5+s3] =	stream.linear.scatter [tilespmem:s1], [sflag:$0x6], $0x80, $0x38;
	[tilespmem:$0xDF00] =	vst v63  }
0x7f4: {  	s9 =	sadd.s32 $0x40, s10;
	s11 =	simm.s32 $0xBFA8;
	s17 =	sadd.s32 $0x50, s10  }
0x7f5: {  	[hbm4b:s9+s3] =	stream.linear.scatter [tilespmem:s8], [sflag:$0x6], $0x80, $0x38;
	[tilespmem:$0xDF00] =	vst v63  }
0x7f6: {  	s30 =	simm.s32 $0xC030;
	s31 =	sadd.s32 $0x60, s10;
	s5 =	simm.s32 $0x2200  }
0x7f7: {  	v23 =	vmov v63;
	[hbm4b:s17+s3] =	stream.linear.scatter [tilespmem:s11], [sflag:$0x6], $0x80, $0x38;
	[tilespmem:$0xDF00] =	vst v63  }
0x7f8: {  	v30 =	vmovc v26;
	v26 =	vmovc v25;
	v14 =	vmov v19;
	v35 =	vmov v28;
	v21 =	vmov v62;
	v42 =	vld [tilespmem:$0x1FF00];
	s1 =	sadd.s32 $0x1000, s10;
	s8 =	simm.s32 $0xC0B8;
	s9 =	sadd.s32 $0x70, s10  }
0x7f9: {  	v45 =	vmovc v39;
	v44 =	vmovc v61;
	v39 =	vmov v33;
	v48 =	vmov v38;
	v43 =	vmov v32;
	v46 =	vld [tilespmem:$0x1FF40];
	[hbm4b:s31+s3] =	stream.linear.scatter [tilespmem:s30], [sflag:$0x6], $0x80, $0x38  }
.LBB2_26:
0x7fa: {  	[hbm4b:s9+s3] =	stream.linear.scatter [tilespmem:s8], [sflag:$0x6], $0x80, $0x38;
	[tilespmem:$0xDF00] =	vst v63  }
0x7fb: {  	s8 =	smov.u32 s0;
	s0 =	smov.u32 s5  }
0x7fc: {  	s10 =	sadd.s32 $0x1100, s5;
	s0 =	sshra.s32 s0, $0x2;
	s9 =	sadd.s32 $0xBD00, s8  }
0x7fd: {  	[hbm4b:s1+s3] =	stream.linear.scatter [tilespmem:s9], [sflag:$0x6], $0x80, $0x38;
	[tilespmem:$0xDF00] =	vst v63  }
0x7fe: {  	p0 =	sne.s32 s5, $0x7700;
	s5 =	sadd.s32 $0xBD88, s8;
	s9 =	sadd.s32 $0x10, s1  }
0x7ff: {  	[hbm4b:s9+s3] =	stream.linear.scatter [tilespmem:s5], [sflag:$0x6], $0x80, $0x38;
	[tilespmem:$0xDF00] =	vst v63  }
0x800: {  	s5 =	sadd.s32 $0xBE10, s8;
	s9 =	sadd.s32 $0x20, s1  }
0x801: {  	[hbm4b:s9+s3] =	stream.linear.scatter [tilespmem:s5], [sflag:$0x6], $0x80, $0x38;
	[tilespmem:$0xDF00] =	vst v63  }
0x802: {  	s5 =	sadd.s32 $0xBE98, s8;
	s9 =	sadd.s32 $0x30, s1  }
0x803: {  	[hbm4b:s9+s3] =	stream.linear.scatter [tilespmem:s5], [sflag:$0x6], $0x80, $0x38;
	[tilespmem:$0xDF00] =	vst v63  }
0x804: {  	s5 =	sadd.s32 $0xBF20, s8;
	s9 =	sadd.s32 $0x40, s1  }
0x805: {  	[hbm4b:s9+s3] =	stream.linear.scatter [tilespmem:s5], [sflag:$0x6], $0x80, $0x38;
	[tilespmem:$0xDF00] =	vst v63  }
.Ltmp12:
0x806: {  	s5 =	sadd.s32 $0xBFA8, s8;
	s9 =	sadd.s32 $0x50, s1;
	(pc) =	sbr.rel @p0 .LBB2_26-.Ltmp12, $4  }
0x807: {  	[hbm4b:s9+s3] =	stream.linear.scatter [tilespmem:s5], [sflag:$0x6], $0x80, $0x38;
	[tilespmem:$0xDF00] =	vst v63  }
0x808: {  	s5 =	sadd.s32 $0xC030, s8;
	s9 =	sadd.s32 $0x60, s1;
	s8 =	sadd.s32 $0xC0B8, s8  }
0x809: {  	[hbm4b:s9+s3] =	stream.linear.scatter [tilespmem:s5], [sflag:$0x6], $0x80, $0x38;
	[tilespmem:$0xDF00] =	vst v63  }
0x80a: {  	s9 =	sadd.s32 $0x70, s1;
	s1 =	sadd.s32 $0x1000, s1;
	s5 =	smov.u32 s10  }
0x80b: {  	[hbm4b:s9+s3] =	stream.linear.scatter [tilespmem:s8], [sflag:$0x6], $0x80, $0x38;
	[tilespmem:$0xDF00] =	vst v63  }
0x80c: {  	s5 =	sadd.s32 $0xBD00, s0  }
0x80d: {  	[hbm4b:s1+s3] =	stream.linear.scatter [tilespmem:s5], [sflag:$0x6], $0x80, $0x38;
	[tilespmem:$0xDF00] =	vst v63  }
0x80e: {  	s11 =	sadd.s32 $0xBD88, s0;
	s17 =	sadd.s32 $0x10, s1  }
0x80f: {  	[hbm4b:s17+s3] =	stream.linear.scatter [tilespmem:s11], [sflag:$0x6], $0x80, $0x38;
	[tilespmem:$0xDF00] =	vst v63  }
0x810: {  	s30 =	sadd.s32 $0xBE10, s0;
	s31 =	sadd.s32 $0x20, s1  }
0x811: {  	[hbm4b:s31+s3] =	stream.linear.scatter [tilespmem:s30], [sflag:$0x6], $0x80, $0x38;
	[tilespmem:$0xDF00] =	vst v63  }
0x812: {  	s9 =	sadd.s32 $0xBE98, s0;
	s10 =	sadd.s32 $0x30, s1  }
0x813: {  	[hbm4b:s10+s3] =	stream.linear.scatter [tilespmem:s9], [sflag:$0x6], $0x80, $0x38;
	[tilespmem:$0xDF00] =	vst v63  }
0x814: {  	s11 =	sadd.s32 $0xBF20, s0;
	s17 =	sadd.s32 $0x40, s1  }
0x815: {  	[hbm4b:s17+s3] =	stream.linear.scatter [tilespmem:s11], [sflag:$0x6], $0x80, $0x38;
	[tilespmem:$0xDF00] =	vst v63  }
0x816: {  	s30 =	sadd.s32 $0xBFA8, s0;
	s31 =	sadd.s32 $0x50, s1  }
0x817: {  	[hbm4b:s31+s3] =	stream.linear.scatter [tilespmem:s30], [sflag:$0x6], $0x80, $0x38;
	[tilespmem:$0xDF00] =	vst v63  }
0x818: {  	s9 =	sadd.s32 $0xC030, s0;
	s10 =	sadd.s32 $0x60, s1  }
0x819: {  	[hbm4b:s10+s3] =	stream.linear.scatter [tilespmem:s9], [sflag:$0x6], $0x80, $0x38;
	[tilespmem:$0xDF00] =	vst v63  }
0x81a: {  	s11 =	sadd.s32 $0xC0B8, s0;
	s17 =	sadd.s32 $0x70, s1  }
0x81b: {  	[hbm4b:s17+s3] =	stream.linear.scatter [tilespmem:s11], [sflag:$0x6], $0x80, $0x38;
	[tilespmem:$0xDF00] =	vst v63  }
0x81c: {  	_ =	swait.ge [sflag:s26], $0x2000  }
0x81d: {  	[sflag:s26] =	ssyncset.done $0x0  }
0x81e: {  	[sflag:s26] =	ssyncadd.s32 $0xFFFFE000  }
0x81f: {  	_ =	swait.ge [sflag:s29], $0x2000  }
0x820: {  	s30 =	rddreg [dreg:$0x7]  }
0x821: {  	s31 =	rddreg [dreg:$0x6];
	s1 =	sadd.s32 $0x1, s30  }
0x822: {  	p0 =	sne.s32 s1, s31  }
.Ltmp13:
0x823: {  	_ = 	snop;
	(pc) =	sbr.rel @p0 .LBB2_1-.Ltmp13, $3  }
0x824: {  	_ =	sdelay $0x1  }
0x825: {  	[sflag:s29] =	ssyncset.done $0x0  }
0x826: {  	v20 =	vld [tilespmem:$0x1FED0];
	[sflag:s29] =	ssyncadd.s32 $0xFFFFE000  }
0x827: {  	_ =	sfence.sel $0x180000  }
0x828: {  	[bflag:$0x0] =	sbarrier.arrive $0xFFFF  }
0x829: {  	_ =	strace $0x90000047  }
0x82a: {  	s0 =	stileid.u32;
	[bflag:$0x2] =	sbarrier.arrive $0xFFFF  }
0x82b: {  	p0 =	sne.s32 s0, $0x0;
	s0 =	rddreg [dreg:$0x2]  }
0x82c: {  	s0 =	sadd.s32 @!p0 $0x100000, s0  }
0x82d: {  	[sflag:s0] =	ssyncadd.tile.s32 @!p0 $0x1;
	_ =	shalt  }
.Lfunc_end2:
_tile_overlayer_lowered:
.L_overlay_start_2:
0x82e: {  	(tag) =	ssettag $0x2  }
0x82f: {  	s0 =	rddreg [dreg:$0x0];
	s2 =	stileid.u32  }
0x830: {  	s1 =	rddreg [dreg:$0x1];
	p0 =	sne.s32 s2, $0x0  }
0x831: {  	s3 =	rddreg [dreg:$0x2];
	[bflag:$0x3] =	sbarrier.arrive $0xFFFF;
	s2 =	simm.s32 @!p0 $0x1C07  }
0x832: {  	[timem:s3], [sflag:s2] =	dma.local @!p0 [hbm:s0], s1  }
0x833: {  	s0 =	simm.s32 @!p0 $0x7  }
0x834: {  	_ =	swait.ge @!p0 [sflag:s0], s1  }
0x835: {  	s1 =	ssub.s32 @!p0 $0x0, s1;
	[sflag:s0] =	ssyncset.done @!p0 $0x0  }
0x836: {  	[sflag:s0] =	ssyncadd.s32 @!p0 s1  }
0x837: {  	[bflag:$0x3] =	sbarrier.arrive $0xFFFF  }
0x838: {  	_ =	shalt  }

</sc_bundles>
